<compile_context>
chip_gen: v7x
topology: tpu7x:2x2x1
jax: 0.10.2.dev20260603
libtpu: 0.0.44.dev20260713+nightly
codegen_flags: <defaults>
</compile_context>

<pallas_src>
import functools

import jax
import jax.numpy as jnp
from jax import lax
from jax.experimental import pallas as pl
from jax.experimental.pallas import tpu as pltpu
from jax.experimental.pallas import tpu_sc as plsc

SEQ = 50
D = 128
BATCH = 4096
NC, NS = 2, 16
NW = NC * NS
TOT = BATCH * SEQ
PER_W = TOT // NW
CHUNK = 200
NCHUNK = PER_W // CHUNK
SUBS = (104, 96)
NRING = 4
ROWS_PER_P = CHUNK // SEQ
BPC = CHUNK // SEQ

_mesh = plsc.VectorSubcoreMesh(
    core_axis_name="c", subcore_axis_name="s", num_cores=NC, num_subcores=NS
)


@functools.partial(
    pl.kernel,
    out_type=jax.ShapeDtypeStruct((BATCH, SEQ, D), jnp.float32),
    mesh=_mesh,
    scratch_types=[
        pltpu.VMEM((NCHUNK * CHUNK,), jnp.int32),
        pltpu.VMEM((NRING, CHUNK, D), jnp.float32),
        pltpu.VMEM((SEQ * D,), jnp.float32),
        [pltpu.SemaphoreType.DMA] * NRING,
        [pltpu.SemaphoreType.DMA] * NRING,
    ],
)
def _sc_embed(idx_hbm, table_hbm, pos_hbm, out_hbm, idx_v, rows_v, pos_v,
              gsems, osems):
    wid = lax.axis_index("s") * NC + lax.axis_index("c")
    base = wid * PER_W

    pltpu.sync_copy(pos_hbm, pos_v)
    pltpu.sync_copy(idx_hbm.at[pl.ds(base, NCHUNK * CHUNK)], idx_v)

    def fire_gather(c, slot):
        off = 0
        for sub in SUBS:
            pltpu.async_copy(
                table_hbm.at[idx_v.at[pl.ds(pl.multiple_of(c * CHUNK + off, 8), sub)]],
                rows_v.at[slot, pl.ds(off, sub)],
                gsems[slot],
            )
            off += sub

    def add_pos(slot):
        rows = rows_v.at[slot]
        nd = D // 16

        def body(r, carry):
            pv = [pos_v[pl.ds(r * D + d * 16, 16)] for d in range(nd)]
            for k in range(ROWS_PER_P):
                for d in range(nd):
                    plsc.addupdate(
                        rows.at[k * SEQ + r, pl.ds(d * 16, 16)], pv[d]
                    )
            return carry

        lax.fori_loop(0, SEQ, body, 0, unroll=1)

    def fire_out(c, slot):
        b0 = (base + c * CHUNK) // SEQ
        for k in range(BPC):
            pltpu.async_copy(
                rows_v.at[slot, pl.ds(k * SEQ, SEQ)],
                out_hbm.at[b0 + k],
                osems[slot],
            )

    def wait_gather(c, slot):
        off = 0
        for sub in SUBS:
            pltpu.make_async_copy(
                table_hbm.at[idx_v.at[pl.ds(pl.multiple_of(c * CHUNK + off, 8), sub)]],
                rows_v.at[slot, pl.ds(off, sub)],
                gsems[slot],
            ).wait()
            off += sub

    def wait_out(c, slot):
        b0 = (base + c * CHUNK) // SEQ
        for k in range(BPC):
            pltpu.make_async_copy(
                rows_v.at[slot, pl.ds(k * SEQ, SEQ)],
                out_hbm.at[b0 + k],
                osems[slot],
            ).wait()

    fire_gather(0, 0)
    fire_gather(1, 1)

    def group(p, carry):
        for i in range(NRING):
            c = p * NRING + i

            @pl.when(c + 2 < NCHUNK)
            def _():
                @pl.when(c >= 2)
                def _():
                    wait_out(c - 2, (i - 2) % NRING)
                fire_gather(c + 2, (i + 2) % NRING)

            wait_gather(c, i)
            add_pos(i)
            fire_out(c, i)
        return carry

    lax.fori_loop(0, NCHUNK // NRING, group, 0, unroll=1)
    for c in range(NCHUNK - 4, NCHUNK):
        wait_out(c, c % NRING)


def kernel(inputs, word_table, pos_table):
    idx = jnp.reshape(inputs.astype(jnp.int32), (TOT,))
    pos_flat = jnp.reshape(pos_table, (SEQ * D,))
    return _sc_embed(idx, word_table, pos_flat)

# --- scband reference (transcript-rebuilt; emitter-appended) ---
"""Pipeline reference for scband-fixed-weighted-position-encoding-29145648071259 (READ-ONLY COPY).

The authoritative reference and input builder live on the scoring server;
editing this copy changes nothing except your own understanding.
"""

import jax, jax.numpy as jnp
import numpy as np

SEQ_LENGTH = 50
VOCAB_SIZE = 100000
OUTPUT_DIM = 128
BATCH = 4096


def position_encoding(seq_length, dimension, n=10000):
    # Faithful vectorized version of:
    #   sin(pos / n^(2i/d)) if i % 2 == 0 else cos(pos / n^(2i/d))
    pos = np.arange(seq_length, dtype=np.float64)[:, None]
    i = np.arange(dimension, dtype=np.float64)[None, :]
    angle = pos / np.power(float(n), 2.0 * i / float(dimension))
    pe = np.where((np.arange(dimension)[None, :] % 2) == 0, np.sin(angle), np.cos(angle))
    return pe.astype(np.float32)


def setup_inputs(seed: int = 0) -> dict:
    key = jax.random.key(seed)
    inputs = jax.random.randint(key, (BATCH, SEQ_LENGTH), 0, VOCAB_SIZE, dtype=jnp.int64 if jax.config.jax_enable_x64 else jnp.int32)
    word_table = jnp.asarray(position_encoding(VOCAB_SIZE, OUTPUT_DIM))
    pos_table = jnp.asarray(position_encoding(SEQ_LENGTH, OUTPUT_DIM))
    return {"inputs": inputs, "word_table": word_table, "pos_table": pos_table}


def reference(inputs, word_table, pos_table):
    # word embedding lookup: table[inputs] -> [B, L, D]
    word_emb = jnp.take(word_table, inputs, axis=0)
    # position embedding for positions 0..L-1, broadcast over batch
    position_indices = jnp.arange(inputs.shape[-1])
    pos_emb = jnp.take(pos_table, position_indices, axis=0)
    return word_emb + pos_emb[None, :, :]

if __name__ == "__main__":
    import jax
    _d = setup_inputs()
    print(jax.jit(kernel)(*tuple(_d.values())))

</pallas_src>

<mosaic_0001>
#map = affine_map<(d0, d1) -> (0)>
#map1 = affine_map<(d0, d1) -> (0, 0)>
#map2 = affine_map<(d0, d1) -> (0, 0, 0)>
module attributes {stable_mosaic.version = 14 : i64} {
  func.func @_sc_embed(%arg0: i32, %arg1: i32, %arg2: memref<204800xi32, #tpu.memory_space<hbm>>, %arg3: memref<100000x128xf32, #tpu.memory_space<hbm>>, %arg4: memref<6400xf32, #tpu.memory_space<hbm>>, %arg5: memref<4096x50x128xf32, #tpu.memory_space<hbm>>, %arg6: memref<6400xi32, #tpu.memory_space<vmem>>, %arg7: memref<4x200x128xf32, #tpu.memory_space<vmem>>, %arg8: memref<6400xf32, #tpu.memory_space<vmem>>, %arg9: memref<!tpu.dma_semaphore, #tpu.memory_space<semaphore_mem>>, %arg10: memref<!tpu.dma_semaphore, #tpu.memory_space<semaphore_mem>>, %arg11: memref<!tpu.dma_semaphore, #tpu.memory_space<semaphore_mem>>, %arg12: memref<!tpu.dma_semaphore, #tpu.memory_space<semaphore_mem>>, %arg13: memref<!tpu.dma_semaphore, #tpu.memory_space<semaphore_mem>>, %arg14: memref<!tpu.dma_semaphore, #tpu.memory_space<semaphore_mem>>, %arg15: memref<!tpu.dma_semaphore, #tpu.memory_space<semaphore_mem>>, %arg16: memref<!tpu.dma_semaphore, #tpu.memory_space<semaphore_mem>>) attributes {dimension_semantics = [#tpu.dimension_semantics<core_parallel>, #tpu.dimension_semantics<subcore_parallel>], iteration_bounds = array<i64: 2, 16>, scalar_prefetch = 0 : i64, scratch_operands = 11 : i64, tpu.core_type = #tpu.core_type<sc_vector_subcore>, window_params = [{transform_indices = #map}, {transform_indices = #map1}, {transform_indices = #map}, {transform_indices = #map2}]} {
    %mul3A = arith.constant 2 : i32
    %mul3A_0 = arith.muli %arg1, %mul3A : i32
    %add3A = arith.addi %mul3A_0, %arg0 : i32
    %mul3A_1 = arith.constant 6400 : i32
    %mul3A_2 = arith.muli %add3A, %mul3A_1 : i32
    "tpu.region"() ({
      %run_scoped3A = tpu.sem_alloc : memref<!tpu.dma_semaphore, #tpu.memory_space<semaphore_mem>>
      tpu.enqueue_dma source(%arg4 : memref<6400xf32, #tpu.memory_space<hbm>>) target(%arg8 : memref<6400xf32, #tpu.memory_space<vmem>>) target_semaphore(%run_scoped3A : memref<!tpu.dma_semaphore, #tpu.memory_space<semaphore_mem>>)
      tpu.wait_dma2 semaphore(%run_scoped3A : memref<!tpu.dma_semaphore, #tpu.memory_space<semaphore_mem>>) src(%arg4 : memref<6400xf32, #tpu.memory_space<hbm>>) dst(%arg8 : memref<6400xf32, #tpu.memory_space<vmem>>)
      tpu.yield
    }) : () -> ()
    "tpu.region"() ({
      %run_scoped3A = tpu.sem_alloc : memref<!tpu.dma_semaphore, #tpu.memory_space<semaphore_mem>>
      %dma_start3A_449 = tpu.memref_slice %arg2[%mul3A_2] : memref<204800xi32, #tpu.memory_space<hbm>> -> memref<6400xi32, #tpu.memory_space<hbm>>
      %dma_start3A_450 = tpu.memref_slice %arg2[%mul3A_2] : memref<204800xi32, #tpu.memory_space<hbm>> -> memref<6400xi32, #tpu.memory_space<hbm>>
      tpu.enqueue_dma source(%dma_start3A_450 : memref<6400xi32, #tpu.memory_space<hbm>>) target(%arg6 : memref<6400xi32, #tpu.memory_space<vmem>>) target_semaphore(%run_scoped3A : memref<!tpu.dma_semaphore, #tpu.memory_space<semaphore_mem>>)
      %dma_wait3A_451 = tpu.memref_slice %arg2[%mul3A_2] : memref<204800xi32, #tpu.memory_space<hbm>> -> memref<6400xi32, #tpu.memory_space<hbm>>
      %dma_wait3A_452 = tpu.memref_slice %arg2[%mul3A_2] : memref<204800xi32, #tpu.memory_space<hbm>> -> memref<6400xi32, #tpu.memory_space<hbm>>
      tpu.wait_dma2 semaphore(%run_scoped3A : memref<!tpu.dma_semaphore, #tpu.memory_space<semaphore_mem>>) src(%dma_wait3A_452 : memref<6400xi32, #tpu.memory_space<hbm>>) dst(%arg6 : memref<6400xi32, #tpu.memory_space<vmem>>)
      tpu.yield
    }) : () -> ()
    %multiple_of3A = arith.constant 0 : i32
    %multiple_of3A_3 = tpu.assume_multiple %multiple_of3A, 8 : i32
    %dma_start3A = arith.constant 0 : i32
    %dma_start3A_4 = arith.constant 0 : i32
    %dma_start3A_5 = arith.constant 0 : i32
    %dma_start3A_6 = tpu.memref_slice %arg7[%dma_start3A, %dma_start3A_4, %dma_start3A_5] : memref<4x200x128xf32, #tpu.memory_space<vmem>> -> memref<1x104x128xf32, #tpu.memory_space<vmem>>
    %dma_start3A_7 = tpu.memref_squeeze %dma_start3A_6 : memref<1x104x128xf32, #tpu.memory_space<vmem>> -> memref<104x128xf32, #tpu.memory_space<vmem>>
    %dma_start3A_8 = tpu.memref_slice %arg6[%multiple_of3A_3] : memref<6400xi32, #tpu.memory_space<vmem>> -> memref<104xi32, #tpu.memory_space<vmem>>
    %dma_start3A_9 = arith.constant 0 : i32
    %dma_start3A_10 = arith.constant 0 : i32
    %dma_start3A_11 = tpu.memref_slice %arg3[%dma_start3A_9, %dma_start3A_10] : memref<100000x128xf32, #tpu.memory_space<hbm>> -> memref<100000x128xf32, #tpu.memory_space<hbm>>
    tpu.enqueue_indirect_dma source(%dma_start3A_11 : memref<100000x128xf32, #tpu.memory_space<hbm>>) target(%dma_start3A_7 : memref<104x128xf32, #tpu.memory_space<vmem>>) offsets(%dma_start3A_8 : memref<104xi32, #tpu.memory_space<vmem>>) semaphore(%arg9 : memref<!tpu.dma_semaphore, #tpu.memory_space<semaphore_mem>>)
    %multiple_of3A_12 = arith.constant 104 : i32
    %multiple_of3A_13 = tpu.assume_multiple %multiple_of3A_12, 8 : i32
    %dma_start3A_14 = arith.constant 0 : i32
    %dma_start3A_15 = arith.constant 104 : i32
    %dma_start3A_16 = arith.constant 0 : i32
    %dma_start3A_17 = tpu.memref_slice %arg7[%dma_start3A_14, %dma_start3A_15, %dma_start3A_16] : memref<4x200x128xf32, #tpu.memory_space<vmem>> -> memref<1x96x128xf32, #tpu.memory_space<vmem>>
    %dma_start3A_18 = tpu.memref_squeeze %dma_start3A_17 : memref<1x96x128xf32, #tpu.memory_space<vmem>> -> memref<96x128xf32, #tpu.memory_space<vmem>>
    %dma_start3A_19 = tpu.memref_slice %arg6[%multiple_of3A_13] : memref<6400xi32, #tpu.memory_space<vmem>> -> memref<96xi32, #tpu.memory_space<vmem>>
    %dma_start3A_20 = arith.constant 0 : i32
    %dma_start3A_21 = arith.constant 0 : i32
    %dma_start3A_22 = tpu.memref_slice %arg3[%dma_start3A_20, %dma_start3A_21] : memref<100000x128xf32, #tpu.memory_space<hbm>> -> memref<100000x128xf32, #tpu.memory_space<hbm>>
    tpu.enqueue_indirect_dma source(%dma_start3A_22 : memref<100000x128xf32, #tpu.memory_space<hbm>>) target(%dma_start3A_18 : memref<96x128xf32, #tpu.memory_space<vmem>>) offsets(%dma_start3A_19 : memref<96xi32, #tpu.memory_space<vmem>>) semaphore(%arg9 : memref<!tpu.dma_semaphore, #tpu.memory_space<semaphore_mem>>)
    %multiple_of3A_23 = arith.constant 200 : i32
    %multiple_of3A_24 = tpu.assume_multiple %multiple_of3A_23, 8 : i32
    %dma_start3A_25 = arith.constant 1 : i32
    %dma_start3A_26 = arith.constant 0 : i32
    %dma_start3A_27 = arith.constant 0 : i32
    %dma_start3A_28 = tpu.memref_slice %arg7[%dma_start3A_25, %dma_start3A_26, %dma_start3A_27] : memref<4x200x128xf32, #tpu.memory_space<vmem>> -> memref<1x104x128xf32, #tpu.memory_space<vmem>>
    %dma_start3A_29 = tpu.memref_squeeze %dma_start3A_28 : memref<1x104x128xf32, #tpu.memory_space<vmem>> -> memref<104x128xf32, #tpu.memory_space<vmem>>
    %dma_start3A_30 = tpu.memref_slice %arg6[%multiple_of3A_24] : memref<6400xi32, #tpu.memory_space<vmem>> -> memref<104xi32, #tpu.memory_space<vmem>>
    %dma_start3A_31 = arith.constant 0 : i32
    %dma_start3A_32 = arith.constant 0 : i32
    %dma_start3A_33 = tpu.memref_slice %arg3[%dma_start3A_31, %dma_start3A_32] : memref<100000x128xf32, #tpu.memory_space<hbm>> -> memref<100000x128xf32, #tpu.memory_space<hbm>>
    tpu.enqueue_indirect_dma source(%dma_start3A_33 : memref<100000x128xf32, #tpu.memory_space<hbm>>) target(%dma_start3A_29 : memref<104x128xf32, #tpu.memory_space<vmem>>) offsets(%dma_start3A_30 : memref<104xi32, #tpu.memory_space<vmem>>) semaphore(%arg10 : memref<!tpu.dma_semaphore, #tpu.memory_space<semaphore_mem>>)
    %multiple_of3A_34 = arith.constant 304 : i32
    %multiple_of3A_35 = tpu.assume_multiple %multiple_of3A_34, 8 : i32
    %dma_start3A_36 = arith.constant 1 : i32
    %dma_start3A_37 = arith.constant 104 : i32
    %dma_start3A_38 = arith.constant 0 : i32
    %dma_start3A_39 = tpu.memref_slice %arg7[%dma_start3A_36, %dma_start3A_37, %dma_start3A_38] : memref<4x200x128xf32, #tpu.memory_space<vmem>> -> memref<1x96x128xf32, #tpu.memory_space<vmem>>
    %dma_start3A_40 = tpu.memref_squeeze %dma_start3A_39 : memref<1x96x128xf32, #tpu.memory_space<vmem>> -> memref<96x128xf32, #tpu.memory_space<vmem>>
    %dma_start3A_41 = tpu.memref_slice %arg6[%multiple_of3A_35] : memref<6400xi32, #tpu.memory_space<vmem>> -> memref<96xi32, #tpu.memory_space<vmem>>
    %dma_start3A_42 = arith.constant 0 : i32
    %dma_start3A_43 = arith.constant 0 : i32
    %dma_start3A_44 = tpu.memref_slice %arg3[%dma_start3A_42, %dma_start3A_43] : memref<100000x128xf32, #tpu.memory_space<hbm>> -> memref<100000x128xf32, #tpu.memory_space<hbm>>
    tpu.enqueue_indirect_dma source(%dma_start3A_44 : memref<100000x128xf32, #tpu.memory_space<hbm>>) target(%dma_start3A_40 : memref<96x128xf32, #tpu.memory_space<vmem>>) offsets(%dma_start3A_41 : memref<96xi32, #tpu.memory_space<vmem>>) semaphore(%arg10 : memref<!tpu.dma_semaphore, #tpu.memory_space<semaphore_mem>>)
    %scan3A = arith.constant 0 : i32
    %scan3A_45 = arith.constant 0 : i32
    %scan3A_46 = arith.constant 8 : i32
    %scan3A_47 = arith.addi %scan3A_45, %scan3A_46 : i32
    %scan3A_48 = arith.constant 1 : i32
    scf.for %scan3A_449 = %scan3A_45 to %scan3A_47 step %scan3A_48  : i32 {
      %mul3A_450 = arith.constant 4 : i32
      %mul3A_451 = arith.muli %scan3A_449, %mul3A_450 : i32
      %add3A_452 = arith.constant 0 : i32
      %add3A_453 = arith.addi %mul3A_451, %add3A_452 : i32
      %add3A_454 = arith.constant 2 : i32
      %add3A_455 = arith.addi %add3A_453, %add3A_454 : i32
      %lt3A = arith.constant 32 : i32
      %lt3A_456 = arith.cmpi slt, %add3A_455, %lt3A : i32
      %convert_element_type3A = arith.extui %lt3A_456 : i1 to i32
      %cond3A = arith.constant 0 : i32
      %cond3A_457 = arith.cmpi ne, %convert_element_type3A, %cond3A : i32
      scf.if %cond3A_457 {
        %ge3A = arith.constant 2 : i32
        %ge3A_1043 = arith.cmpi sge, %add3A_453, %ge3A : i32
        %convert_element_type3A_1044 = arith.extui %ge3A_1043 : i1 to i32
        %cond3A_1045 = arith.constant 0 : i32
        %cond3A_1046 = arith.cmpi ne, %convert_element_type3A_1044, %cond3A_1045 : i32
        scf.if %cond3A_1046 {
          %sub3A_1077 = arith.constant 2 : i32
          %sub3A_1078 = arith.subi %add3A_453, %sub3A_1077 : i32
          %mul3A_1079 = arith.constant 200 : i32
          %mul3A_1080 = arith.muli %sub3A_1078, %mul3A_1079 : i32
          %add3A_1081 = arith.addi %mul3A_2, %mul3A_1080 : i32
          %jit3A_1082 = arith.constant 50 : i32
          %div3A_1083 = arith.divsi %add3A_1081, %jit3A_1082 : i32
          %sign3A_1084 = arith.constant 0 : i32
          %sign3A_1085 = arith.cmpi sgt, %add3A_1081, %sign3A_1084 : i32
          %sign3A_1086 = arith.extui %sign3A_1085 : i1 to i32
          %sign3A_1087 = arith.constant 0 : i32
          %sign3A_1088 = arith.cmpi slt, %add3A_1081, %sign3A_1087 : i32
          %sign3A_1089 = arith.extui %sign3A_1088 : i1 to i32
          %sign3A_1090 = arith.subi %sign3A_1086, %sign3A_1089 : i32
          %sign3A_1091 = arith.constant 0 : i32
          %sign3A_1092 = arith.cmpi sgt, %jit3A_1082, %sign3A_1091 : i32
          %sign3A_1093 = arith.extui %sign3A_1092 : i1 to i32
          %sign3A_1094 = arith.constant 0 : i32
          %sign3A_1095 = arith.cmpi slt, %jit3A_1082, %sign3A_1094 : i32
          %sign3A_1096 = arith.extui %sign3A_1095 : i1 to i32
          %sign3A_1097 = arith.subi %sign3A_1093, %sign3A_1096 : i32
          %ne3A_1098 = arith.cmpi ne, %sign3A_1090, %sign3A_1097 : i32
          %rem3A_1099 = arith.remsi %add3A_1081, %jit3A_1082 : i32
          %ne3A_1100 = arith.constant 0 : i32
          %ne3A_1101 = arith.cmpi ne, %rem3A_1099, %ne3A_1100 : i32
          %and3A_1102 = arith.andi %ne3A_1098, %ne3A_1101 : i1
          %sub3A_1103 = arith.constant 1 : i32
          %sub3A_1104 = arith.subi %div3A_1083, %sub3A_1103 : i32
          %select_n3A_1105 = arith.select %and3A_1102, %sub3A_1104, %div3A_1083 : i32
          %add3A_1106 = arith.constant 0 : i32
          %add3A_1107 = arith.addi %select_n3A_1105, %add3A_1106 : i32
          %dma_wait3A_1108 = arith.constant 2 : i32
          %dma_wait3A_1109 = arith.constant 0 : i32
          %dma_wait3A_1110 = arith.constant 0 : i32
          %dma_wait3A_1111 = tpu.memref_slice %arg7[%dma_wait3A_1108, %dma_wait3A_1109, %dma_wait3A_1110] : memref<4x200x128xf32, #tpu.memory_space<vmem>> -> memref<1x50x128xf32, #tpu.memory_space<vmem>>
          %dma_wait3A_1112 = tpu.memref_squeeze %dma_wait3A_1111 : memref<1x50x128xf32, #tpu.memory_space<vmem>> -> memref<50x128xf32, #tpu.memory_space<vmem>>
          %dma_wait3A_1113 = arith.constant 0 : i32
          %dma_wait3A_1114 = arith.constant 0 : i32
          %dma_wait3A_1115 = tpu.memref_slice %arg5[%add3A_1107, %dma_wait3A_1113, %dma_wait3A_1114] : memref<4096x50x128xf32, #tpu.memory_space<hbm>> -> memref<1x50x128xf32, #tpu.memory_space<hbm>>
          %dma_wait3A_1116 = tpu.memref_squeeze %dma_wait3A_1115 : memref<1x50x128xf32, #tpu.memory_space<hbm>> -> memref<50x128xf32, #tpu.memory_space<hbm>>
          %dma_wait3A_1117 = arith.constant 0 : i32
          %dma_wait3A_1118 = arith.constant 0 : i32
          %dma_wait3A_1119 = tpu.memref_slice %arg5[%add3A_1107, %dma_wait3A_1117, %dma_wait3A_1118] : memref<4096x50x128xf32, #tpu.memory_space<hbm>> -> memref<1x50x128xf32, #tpu.memory_space<hbm>>
          %dma_wait3A_1120 = tpu.memref_squeeze %dma_wait3A_1119 : memref<1x50x128xf32, #tpu.memory_space<hbm>> -> memref<50x128xf32, #tpu.memory_space<hbm>>
          %dma_wait3A_1121 = arith.constant 0 : i32
          %dma_wait3A_1122 = arith.constant 0 : i32
          %dma_wait3A_1123 = tpu.memref_slice %arg7[%dma_wait3A_1108, %dma_wait3A_1121, %dma_wait3A_1122] : memref<4x200x128xf32, #tpu.memory_space<vmem>> -> memref<1x50x128xf32, #tpu.memory_space<vmem>>
          %dma_wait3A_1124 = tpu.memref_squeeze %dma_wait3A_1123 : memref<1x50x128xf32, #tpu.memory_space<vmem>> -> memref<50x128xf32, #tpu.memory_space<vmem>>
          tpu.wait_dma2 semaphore(%arg15 : memref<!tpu.dma_semaphore, #tpu.memory_space<semaphore_mem>>) src(%dma_wait3A_1124 : memref<50x128xf32, #tpu.memory_space<vmem>>) dst(%dma_wait3A_1120 : memref<50x128xf32, #tpu.memory_space<hbm>>)
          %add3A_1125 = arith.constant 1 : i32
          %add3A_1126 = arith.addi %select_n3A_1105, %add3A_1125 : i32
          %dma_wait3A_1127 = arith.constant 2 : i32
          %dma_wait3A_1128 = arith.constant 50 : i32
          %dma_wait3A_1129 = arith.constant 0 : i32
          %dma_wait3A_1130 = tpu.memref_slice %arg7[%dma_wait3A_1127, %dma_wait3A_1128, %dma_wait3A_1129] : memref<4x200x128xf32, #tpu.memory_space<vmem>> -> memref<1x50x128xf32, #tpu.memory_space<vmem>>
          %dma_wait3A_1131 = tpu.memref_squeeze %dma_wait3A_1130 : memref<1x50x128xf32, #tpu.memory_space<vmem>> -> memref<50x128xf32, #tpu.memory_space<vmem>>
          %dma_wait3A_1132 = arith.constant 0 : i32
          %dma_wait3A_1133 = arith.constant 0 : i32
          %dma_wait3A_1134 = tpu.memref_slice %arg5[%add3A_1126, %dma_wait3A_1132, %dma_wait3A_1133] : memref<4096x50x128xf32, #tpu.memory_space<hbm>> -> memref<1x50x128xf32, #tpu.memory_space<hbm>>
          %dma_wait3A_1135 = tpu.memref_squeeze %dma_wait3A_1134 : memref<1x50x128xf32, #tpu.memory_space<hbm>> -> memref<50x128xf32, #tpu.memory_space<hbm>>
          %dma_wait3A_1136 = arith.constant 0 : i32
          %dma_wait3A_1137 = arith.constant 0 : i32
          %dma_wait3A_1138 = tpu.memref_slice %arg5[%add3A_1126, %dma_wait3A_1136, %dma_wait3A_1137] : memref<4096x50x128xf32, #tpu.memory_space<hbm>> -> memref<1x50x128xf32, #tpu.memory_space<hbm>>
          %dma_wait3A_1139 = tpu.memref_squeeze %dma_wait3A_1138 : memref<1x50x128xf32, #tpu.memory_space<hbm>> -> memref<50x128xf32, #tpu.memory_space<hbm>>
          %dma_wait3A_1140 = arith.constant 50 : i32
          %dma_wait3A_1141 = arith.constant 0 : i32
          %dma_wait3A_1142 = tpu.memref_slice %arg7[%dma_wait3A_1127, %dma_wait3A_1140, %dma_wait3A_1141] : memref<4x200x128xf32, #tpu.memory_space<vmem>> -> memref<1x50x128xf32, #tpu.memory_space<vmem>>
          %dma_wait3A_1143 = tpu.memref_squeeze %dma_wait3A_1142 : memref<1x50x128xf32, #tpu.memory_space<vmem>> -> memref<50x128xf32, #tpu.memory_space<vmem>>
          tpu.wait_dma2 semaphore(%arg15 : memref<!tpu.dma_semaphore, #tpu.memory_space<semaphore_mem>>) src(%dma_wait3A_1143 : memref<50x128xf32, #tpu.memory_space<vmem>>) dst(%dma_wait3A_1139 : memref<50x128xf32, #tpu.memory_space<hbm>>)
          %add3A_1144 = arith.constant 2 : i32
          %add3A_1145 = arith.addi %select_n3A_1105, %add3A_1144 : i32
          %dma_wait3A_1146 = arith.constant 2 : i32
          %dma_wait3A_1147 = arith.constant 100 : i32
          %dma_wait3A_1148 = arith.constant 0 : i32
          %dma_wait3A_1149 = tpu.memref_slice %arg7[%dma_wait3A_1146, %dma_wait3A_1147, %dma_wait3A_1148] : memref<4x200x128xf32, #tpu.memory_space<vmem>> -> memref<1x50x128xf32, #tpu.memory_space<vmem>>
          %dma_wait3A_1150 = tpu.memref_squeeze %dma_wait3A_1149 : memref<1x50x128xf32, #tpu.memory_space<vmem>> -> memref<50x128xf32, #tpu.memory_space<vmem>>
          %dma_wait3A_1151 = arith.constant 0 : i32
          %dma_wait3A_1152 = arith.constant 0 : i32
          %dma_wait3A_1153 = tpu.memref_slice %arg5[%add3A_1145, %dma_wait3A_1151, %dma_wait3A_1152] : memref<4096x50x128xf32, #tpu.memory_space<hbm>> -> memref<1x50x128xf32, #tpu.memory_space<hbm>>
          %dma_wait3A_1154 = tpu.memref_squeeze %dma_wait3A_1153 : memref<1x50x128xf32, #tpu.memory_space<hbm>> -> memref<50x128xf32, #tpu.memory_space<hbm>>
          %dma_wait3A_1155 = arith.constant 0 : i32
          %dma_wait3A_1156 = arith.constant 0 : i32
          %dma_wait3A_1157 = tpu.memref_slice %arg5[%add3A_1145, %dma_wait3A_1155, %dma_wait3A_1156] : memref<4096x50x128xf32, #tpu.memory_space<hbm>> -> memref<1x50x128xf32, #tpu.memory_space<hbm>>
          %dma_wait3A_1158 = tpu.memref_squeeze %dma_wait3A_1157 : memref<1x50x128xf32, #tpu.memory_space<hbm>> -> memref<50x128xf32, #tpu.memory_space<hbm>>
          %dma_wait3A_1159 = arith.constant 100 : i32
          %dma_wait3A_1160 = arith.constant 0 : i32
          %dma_wait3A_1161 = tpu.memref_slice %arg7[%dma_wait3A_1146, %dma_wait3A_1159, %dma_wait3A_1160] : memref<4x200x128xf32, #tpu.memory_space<vmem>> -> memref<1x50x128xf32, #tpu.memory_space<vmem>>
          %dma_wait3A_1162 = tpu.memref_squeeze %dma_wait3A_1161 : memref<1x50x128xf32, #tpu.memory_space<vmem>> -> memref<50x128xf32, #tpu.memory_space<vmem>>
          tpu.wait_dma2 semaphore(%arg15 : memref<!tpu.dma_semaphore, #tpu.memory_space<semaphore_mem>>) src(%dma_wait3A_1162 : memref<50x128xf32, #tpu.memory_space<vmem>>) dst(%dma_wait3A_1158 : memref<50x128xf32, #tpu.memory_space<hbm>>)
          %add3A_1163 = arith.constant 3 : i32
          %add3A_1164 = arith.addi %select_n3A_1105, %add3A_1163 : i32
          %dma_wait3A_1165 = arith.constant 2 : i32
          %dma_wait3A_1166 = arith.constant 150 : i32
          %dma_wait3A_1167 = arith.constant 0 : i32
          %dma_wait3A_1168 = tpu.memref_slice %arg7[%dma_wait3A_1165, %dma_wait3A_1166, %dma_wait3A_1167] : memref<4x200x128xf32, #tpu.memory_space<vmem>> -> memref<1x50x128xf32, #tpu.memory_space<vmem>>
          %dma_wait3A_1169 = tpu.memref_squeeze %dma_wait3A_1168 : memref<1x50x128xf32, #tpu.memory_space<vmem>> -> memref<50x128xf32, #tpu.memory_space<vmem>>
          %dma_wait3A_1170 = arith.constant 0 : i32
          %dma_wait3A_1171 = arith.constant 0 : i32
          %dma_wait3A_1172 = tpu.memref_slice %arg5[%add3A_1164, %dma_wait3A_1170, %dma_wait3A_1171] : memref<4096x50x128xf32, #tpu.memory_space<hbm>> -> memref<1x50x128xf32, #tpu.memory_space<hbm>>
          %dma_wait3A_1173 = tpu.memref_squeeze %dma_wait3A_1172 : memref<1x50x128xf32, #tpu.memory_space<hbm>> -> memref<50x128xf32, #tpu.memory_space<hbm>>
          %dma_wait3A_1174 = arith.constant 0 : i32
          %dma_wait3A_1175 = arith.constant 0 : i32
          %dma_wait3A_1176 = tpu.memref_slice %arg5[%add3A_1164, %dma_wait3A_1174, %dma_wait3A_1175] : memref<4096x50x128xf32, #tpu.memory_space<hbm>> -> memref<1x50x128xf32, #tpu.memory_space<hbm>>
          %dma_wait3A_1177 = tpu.memref_squeeze %dma_wait3A_1176 : memref<1x50x128xf32, #tpu.memory_space<hbm>> -> memref<50x128xf32, #tpu.memory_space<hbm>>
          %dma_wait3A_1178 = arith.constant 150 : i32
          %dma_wait3A_1179 = arith.constant 0 : i32
          %dma_wait3A_1180 = tpu.memref_slice %arg7[%dma_wait3A_1165, %dma_wait3A_1178, %dma_wait3A_1179] : memref<4x200x128xf32, #tpu.memory_space<vmem>> -> memref<1x50x128xf32, #tpu.memory_space<vmem>>
          %dma_wait3A_1181 = tpu.memref_squeeze %dma_wait3A_1180 : memref<1x50x128xf32, #tpu.memory_space<vmem>> -> memref<50x128xf32, #tpu.memory_space<vmem>>
          tpu.wait_dma2 semaphore(%arg15 : memref<!tpu.dma_semaphore, #tpu.memory_space<semaphore_mem>>) src(%dma_wait3A_1181 : memref<50x128xf32, #tpu.memory_space<vmem>>) dst(%dma_wait3A_1177 : memref<50x128xf32, #tpu.memory_space<hbm>>)
        } else {
        }
        %add3A_1047 = arith.constant 2 : i32
        %add3A_1048 = arith.addi %add3A_453, %add3A_1047 : i32
        %mul3A_1049 = arith.constant 200 : i32
        %mul3A_1050 = arith.muli %add3A_1048, %mul3A_1049 : i32
        %add3A_1051 = arith.constant 0 : i32
        %add3A_1052 = arith.addi %mul3A_1050, %add3A_1051 : i32
        %multiple_of3A_1053 = tpu.assume_multiple %add3A_1052, 8 : i32
        %dma_start3A_1054 = arith.constant 2 : i32
        %dma_start3A_1055 = arith.constant 0 : i32
        %dma_start3A_1056 = arith.constant 0 : i32
        %dma_start3A_1057 = tpu.memref_slice %arg7[%dma_start3A_1054, %dma_start3A_1055, %dma_start3A_1056] : memref<4x200x128xf32, #tpu.memory_space<vmem>> -> memref<1x104x128xf32, #tpu.memory_space<vmem>>
        %dma_start3A_1058 = tpu.memref_squeeze %dma_start3A_1057 : memref<1x104x128xf32, #tpu.memory_space<vmem>> -> memref<104x128xf32, #tpu.memory_space<vmem>>
        %dma_start3A_1059 = tpu.memref_slice %arg6[%multiple_of3A_1053] : memref<6400xi32, #tpu.memory_space<vmem>> -> memref<104xi32, #tpu.memory_space<vmem>>
        %dma_start3A_1060 = arith.constant 0 : i32
        %dma_start3A_1061 = arith.constant 0 : i32
        %dma_start3A_1062 = tpu.memref_slice %arg3[%dma_start3A_1060, %dma_start3A_1061] : memref<100000x128xf32, #tpu.memory_space<hbm>> -> memref<100000x128xf32, #tpu.memory_space<hbm>>
        tpu.enqueue_indirect_dma source(%dma_start3A_1062 : memref<100000x128xf32, #tpu.memory_space<hbm>>) target(%dma_start3A_1058 : memref<104x128xf32, #tpu.memory_space<vmem>>) offsets(%dma_start3A_1059 : memref<104xi32, #tpu.memory_space<vmem>>) semaphore(%arg11 : memref<!tpu.dma_semaphore, #tpu.memory_space<semaphore_mem>>)
        %mul3A_1063 = arith.constant 200 : i32
        %mul3A_1064 = arith.muli %add3A_1048, %mul3A_1063 : i32
        %add3A_1065 = arith.constant 104 : i32
        %add3A_1066 = arith.addi %mul3A_1064, %add3A_1065 : i32
        %multiple_of3A_1067 = tpu.assume_multiple %add3A_1066, 8 : i32
        %dma_start3A_1068 = arith.constant 2 : i32
        %dma_start3A_1069 = arith.constant 104 : i32
        %dma_start3A_1070 = arith.constant 0 : i32
        %dma_start3A_1071 = tpu.memref_slice %arg7[%dma_start3A_1068, %dma_start3A_1069, %dma_start3A_1070] : memref<4x200x128xf32, #tpu.memory_space<vmem>> -> memref<1x96x128xf32, #tpu.memory_space<vmem>>
        %dma_start3A_1072 = tpu.memref_squeeze %dma_start3A_1071 : memref<1x96x128xf32, #tpu.memory_space<vmem>> -> memref<96x128xf32, #tpu.memory_space<vmem>>
        %dma_start3A_1073 = tpu.memref_slice %arg6[%multiple_of3A_1067] : memref<6400xi32, #tpu.memory_space<vmem>> -> memref<96xi32, #tpu.memory_space<vmem>>
        %dma_start3A_1074 = arith.constant 0 : i32
        %dma_start3A_1075 = arith.constant 0 : i32
        %dma_start3A_1076 = tpu.memref_slice %arg3[%dma_start3A_1074, %dma_start3A_1075] : memref<100000x128xf32, #tpu.memory_space<hbm>> -> memref<100000x128xf32, #tpu.memory_space<hbm>>
        tpu.enqueue_indirect_dma source(%dma_start3A_1076 : memref<100000x128xf32, #tpu.memory_space<hbm>>) target(%dma_start3A_1072 : memref<96x128xf32, #tpu.memory_space<vmem>>) offsets(%dma_start3A_1073 : memref<96xi32, #tpu.memory_space<vmem>>) semaphore(%arg11 : memref<!tpu.dma_semaphore, #tpu.memory_space<semaphore_mem>>)
      } else {
      }
      %mul3A_458 = arith.constant 200 : i32
      %mul3A_459 = arith.muli %add3A_453, %mul3A_458 : i32
      %add3A_460 = arith.constant 0 : i32
      %add3A_461 = arith.addi %mul3A_459, %add3A_460 : i32
      %multiple_of3A_462 = tpu.assume_multiple %add3A_461, 8 : i32
      %dma_wait3A_463 = arith.constant 0 : i32
      %dma_wait3A_464 = arith.constant 0 : i32
      %dma_wait3A_465 = arith.constant 0 : i32
      %dma_wait3A_466 = tpu.memref_slice %arg7[%dma_wait3A_463, %dma_wait3A_464, %dma_wait3A_465] : memref<4x200x128xf32, #tpu.memory_space<vmem>> -> memref<1x104x128xf32, #tpu.memory_space<vmem>>
      %dma_wait3A_467 = tpu.memref_squeeze %dma_wait3A_466 : memref<1x104x128xf32, #tpu.memory_space<vmem>> -> memref<104x128xf32, #tpu.memory_space<vmem>>
      %dma_wait3A_468 = tpu.memref_slice %arg6[%multiple_of3A_462] : memref<6400xi32, #tpu.memory_space<vmem>> -> memref<104xi32, #tpu.memory_space<vmem>>
      %dma_wait3A_469 = arith.constant 0 : i32
      %dma_wait3A_470 = arith.constant 0 : i32
      %dma_wait3A_471 = tpu.memref_slice %arg3[%dma_wait3A_469, %dma_wait3A_470] : memref<100000x128xf32, #tpu.memory_space<hbm>> -> memref<100000x128xf32, #tpu.memory_space<hbm>>
      tpu.wait_indirect_dma semaphore(%arg9 : memref<!tpu.dma_semaphore, #tpu.memory_space<semaphore_mem>>) src(%dma_wait3A_471 : memref<100000x128xf32, #tpu.memory_space<hbm>>) dst(%dma_wait3A_467 : memref<104x128xf32, #tpu.memory_space<vmem>>)
      %mul3A_472 = arith.constant 200 : i32
      %mul3A_473 = arith.muli %add3A_453, %mul3A_472 : i32
      %add3A_474 = arith.constant 104 : i32
      %add3A_475 = arith.addi %mul3A_473, %add3A_474 : i32
      %multiple_of3A_476 = tpu.assume_multiple %add3A_475, 8 : i32
      %dma_wait3A_477 = arith.constant 0 : i32
      %dma_wait3A_478 = arith.constant 104 : i32
      %dma_wait3A_479 = arith.constant 0 : i32
      %dma_wait3A_480 = tpu.memref_slice %arg7[%dma_wait3A_477, %dma_wait3A_478, %dma_wait3A_479] : memref<4x200x128xf32, #tpu.memory_space<vmem>> -> memref<1x96x128xf32, #tpu.memory_space<vmem>>
      %dma_wait3A_481 = tpu.memref_squeeze %dma_wait3A_480 : memref<1x96x128xf32, #tpu.memory_space<vmem>> -> memref<96x128xf32, #tpu.memory_space<vmem>>
      %dma_wait3A_482 = tpu.memref_slice %arg6[%multiple_of3A_476] : memref<6400xi32, #tpu.memory_space<vmem>> -> memref<96xi32, #tpu.memory_space<vmem>>
      %dma_wait3A_483 = arith.constant 0 : i32
      %dma_wait3A_484 = arith.constant 0 : i32
      %dma_wait3A_485 = tpu.memref_slice %arg3[%dma_wait3A_483, %dma_wait3A_484] : memref<100000x128xf32, #tpu.memory_space<hbm>> -> memref<100000x128xf32, #tpu.memory_space<hbm>>
      tpu.wait_indirect_dma semaphore(%arg9 : memref<!tpu.dma_semaphore, #tpu.memory_space<semaphore_mem>>) src(%dma_wait3A_485 : memref<100000x128xf32, #tpu.memory_space<hbm>>) dst(%dma_wait3A_481 : memref<96x128xf32, #tpu.memory_space<vmem>>)
      %scan3A_486 = arith.constant 0 : i32
      %scan3A_487 = arith.constant 0 : i32
      %scan3A_488 = arith.constant 0 : i32
      %scan3A_489 = arith.constant 50 : i32
      %scan3A_490 = arith.addi %scan3A_488, %scan3A_489 : i32
      %scan3A_491 = arith.constant 1 : i32
      scf.for %scan3A_1043 = %scan3A_488 to %scan3A_490 step %scan3A_491  : i32 {
        %mul3A_1044 = arith.constant 128 : i32
        %mul3A_1045 = arith.muli %scan3A_1043, %mul3A_1044 : i32
        %add3A_1046 = arith.constant 0 : i32
        %add3A_1047 = arith.addi %mul3A_1045, %add3A_1046 : i32
        %get3A = arith.index_cast %add3A_1047 : i32 to index
        %get3A_1048 = tpu.vector_load %arg8[%get3A] {strides = array<i32>} : memref<6400xf32, #tpu.memory_space<vmem>>, vector<16xf32>,
        %get3A_1049 = vector.shape_cast %get3A_1048 : vector<16xf32> to vector<16xf32>
        %mul3A_1050 = arith.constant 128 : i32
        %mul3A_1051 = arith.muli %scan3A_1043, %mul3A_1050 : i32
        %add3A_1052 = arith.constant 16 : i32
        %add3A_1053 = arith.addi %mul3A_1051, %add3A_1052 : i32
        %get3A_1054 = arith.index_cast %add3A_1053 : i32 to index
        %get3A_1055 = tpu.vector_load %arg8[%get3A_1054] {strides = array<i32>} : memref<6400xf32, #tpu.memory_space<vmem>>, vector<16xf32>,
        %get3A_1056 = vector.shape_cast %get3A_1055 : vector<16xf32> to vector<16xf32>
        %mul3A_1057 = arith.constant 128 : i32
        %mul3A_1058 = arith.muli %scan3A_1043, %mul3A_1057 : i32
        %add3A_1059 = arith.constant 32 : i32
        %add3A_1060 = arith.addi %mul3A_1058, %add3A_1059 : i32
        %get3A_1061 = arith.index_cast %add3A_1060 : i32 to index
        %get3A_1062 = tpu.vector_load %arg8[%get3A_1061] {strides = array<i32>} : memref<6400xf32, #tpu.memory_space<vmem>>, vector<16xf32>,
        %get3A_1063 = vector.shape_cast %get3A_1062 : vector<16xf32> to vector<16xf32>
        %mul3A_1064 = arith.constant 128 : i32
        %mul3A_1065 = arith.muli %scan3A_1043, %mul3A_1064 : i32
        %add3A_1066 = arith.constant 48 : i32
        %add3A_1067 = arith.addi %mul3A_1065, %add3A_1066 : i32
        %get3A_1068 = arith.index_cast %add3A_1067 : i32 to index
        %get3A_1069 = tpu.vector_load %arg8[%get3A_1068] {strides = array<i32>} : memref<6400xf32, #tpu.memory_space<vmem>>, vector<16xf32>,
        %get3A_1070 = vector.shape_cast %get3A_1069 : vector<16xf32> to vector<16xf32>
        %mul3A_1071 = arith.constant 128 : i32
        %mul3A_1072 = arith.muli %scan3A_1043, %mul3A_1071 : i32
        %add3A_1073 = arith.constant 64 : i32
        %add3A_1074 = arith.addi %mul3A_1072, %add3A_1073 : i32
        %get3A_1075 = arith.index_cast %add3A_1074 : i32 to index
        %get3A_1076 = tpu.vector_load %arg8[%get3A_1075] {strides = array<i32>} : memref<6400xf32, #tpu.memory_space<vmem>>, vector<16xf32>,
        %get3A_1077 = vector.shape_cast %get3A_1076 : vector<16xf32> to vector<16xf32>
        %mul3A_1078 = arith.constant 128 : i32
        %mul3A_1079 = arith.muli %scan3A_1043, %mul3A_1078 : i32
        %add3A_1080 = arith.constant 80 : i32
        %add3A_1081 = arith.addi %mul3A_1079, %add3A_1080 : i32
        %get3A_1082 = arith.index_cast %add3A_1081 : i32 to index
        %get3A_1083 = tpu.vector_load %arg8[%get3A_1082] {strides = array<i32>} : memref<6400xf32, #tpu.memory_space<vmem>>, vector<16xf32>,
        %get3A_1084 = vector.shape_cast %get3A_1083 : vector<16xf32> to vector<16xf32>
        %mul3A_1085 = arith.constant 128 : i32
        %mul3A_1086 = arith.muli %scan3A_1043, %mul3A_1085 : i32
        %add3A_1087 = arith.constant 96 : i32
        %add3A_1088 = arith.addi %mul3A_1086, %add3A_1087 : i32
        %get3A_1089 = arith.index_cast %add3A_1088 : i32 to index
        %get3A_1090 = tpu.vector_load %arg8[%get3A_1089] {strides = array<i32>} : memref<6400xf32, #tpu.memory_space<vmem>>, vector<16xf32>,
        %get3A_1091 = vector.shape_cast %get3A_1090 : vector<16xf32> to vector<16xf32>
        %mul3A_1092 = arith.constant 128 : i32
        %mul3A_1093 = arith.muli %scan3A_1043, %mul3A_1092 : i32
        %add3A_1094 = arith.constant 112 : i32
        %add3A_1095 = arith.addi %mul3A_1093, %add3A_1094 : i32
        %get3A_1096 = arith.index_cast %add3A_1095 : i32 to index
        %get3A_1097 = tpu.vector_load %arg8[%get3A_1096] {strides = array<i32>} : memref<6400xf32, #tpu.memory_space<vmem>>, vector<16xf32>,
        %get3A_1098 = vector.shape_cast %get3A_1097 : vector<16xf32> to vector<16xf32>
        %add3A_1099 = arith.constant 0 : i32
        %add3A_1100 = arith.addi %add3A_1099, %scan3A_1043 : i32
        %swap3A = arith.constant 0 : i32
        %swap3A_1101 = arith.constant 0 : i32
        %swap3A_1102 = tpu.memref_slice %arg7[%scan3A_487, %swap3A, %swap3A_1101] : memref<4x200x128xf32, #tpu.memory_space<vmem>> -> memref<1x200x128xf32, #tpu.memory_space<vmem>>
        %swap3A_1103 = tpu.memref_squeeze %swap3A_1102 : memref<1x200x128xf32, #tpu.memory_space<vmem>> -> memref<200x128xf32, #tpu.memory_space<vmem>>
        %swap3A_1104 = arith.index_cast %add3A_1100 : i32 to index
        %swap3A_1105 = arith.constant 0 : index
        %swap3A_1106 = tpu.vector_load %swap3A_1103[%swap3A_1104, %swap3A_1105] {strides = array<i32>} : memref<200x128xf32, #tpu.memory_space<vmem>>, vector<1x16xf32>,
        %swap3A_1107 = vector.shape_cast %swap3A_1106 : vector<1x16xf32> to vector<16xf32>
        %swap3A_1108 = vector.shape_cast %get3A_1049 : vector<16xf32> to vector<1x16xf32>
        tpu.vector_store %swap3A_1103[%swap3A_1104, %swap3A_1105], %swap3A_1108 {add = true, strides = array<i32>} : memref<200x128xf32, #tpu.memory_space<vmem>>, vector<1x16xf32>,
        %add3A_1109 = arith.constant 0 : i32
        %add3A_1110 = arith.addi %add3A_1109, %scan3A_1043 : i32
        %swap3A_1111 = arith.constant 0 : i32
        %swap3A_1112 = arith.constant 0 : i32
        %swap3A_1113 = tpu.memref_slice %arg7[%scan3A_487, %swap3A_1111, %swap3A_1112] : memref<4x200x128xf32, #tpu.memory_space<vmem>> -> memref<1x200x128xf32, #tpu.memory_space<vmem>>
        %swap3A_1114 = tpu.memref_squeeze %swap3A_1113 : memref<1x200x128xf32, #tpu.memory_space<vmem>> -> memref<200x128xf32, #tpu.memory_space<vmem>>
        %swap3A_1115 = arith.index_cast %add3A_1110 : i32 to index
        %swap3A_1116 = arith.constant 16 : index
        %swap3A_1117 = tpu.vector_load %swap3A_1114[%swap3A_1115, %swap3A_1116] {strides = array<i32>} : memref<200x128xf32, #tpu.memory_space<vmem>>, vector<1x16xf32>,
        %swap3A_1118 = vector.shape_cast %swap3A_1117 : vector<1x16xf32> to vector<16xf32>
        %swap3A_1119 = vector.shape_cast %get3A_1056 : vector<16xf32> to vector<1x16xf32>
        tpu.vector_store %swap3A_1114[%swap3A_1115, %swap3A_1116], %swap3A_1119 {add = true, strides = array<i32>} : memref<200x128xf32, #tpu.memory_space<vmem>>, vector<1x16xf32>,
        %add3A_1120 = arith.constant 0 : i32
        %add3A_1121 = arith.addi %add3A_1120, %scan3A_1043 : i32
        %swap3A_1122 = arith.constant 0 : i32
        %swap3A_1123 = arith.constant 0 : i32
        %swap3A_1124 = tpu.memref_slice %arg7[%scan3A_487, %swap3A_1122, %swap3A_1123] : memref<4x200x128xf32, #tpu.memory_space<vmem>> -> memref<1x200x128xf32, #tpu.memory_space<vmem>>
        %swap3A_1125 = tpu.memref_squeeze %swap3A_1124 : memref<1x200x128xf32, #tpu.memory_space<vmem>> -> memref<200x128xf32, #tpu.memory_space<vmem>>
        %swap3A_1126 = arith.index_cast %add3A_1121 : i32 to index
        %swap3A_1127 = arith.constant 32 : index
        %swap3A_1128 = tpu.vector_load %swap3A_1125[%swap3A_1126, %swap3A_1127] {strides = array<i32>} : memref<200x128xf32, #tpu.memory_space<vmem>>, vector<1x16xf32>,
        %swap3A_1129 = vector.shape_cast %swap3A_1128 : vector<1x16xf32> to vector<16xf32>
        %swap3A_1130 = vector.shape_cast %get3A_1063 : vector<16xf32> to vector<1x16xf32>
        tpu.vector_store %swap3A_1125[%swap3A_1126, %swap3A_1127], %swap3A_1130 {add = true, strides = array<i32>} : memref<200x128xf32, #tpu.memory_space<vmem>>, vector<1x16xf32>,
        %add3A_1131 = arith.constant 0 : i32
        %add3A_1132 = arith.addi %add3A_1131, %scan3A_1043 : i32
        %swap3A_1133 = arith.constant 0 : i32
        %swap3A_1134 = arith.constant 0 : i32
        %swap3A_1135 = tpu.memref_slice %arg7[%scan3A_487, %swap3A_1133, %swap3A_1134] : memref<4x200x128xf32, #tpu.memory_space<vmem>> -> memref<1x200x128xf32, #tpu.memory_space<vmem>>
        %swap3A_1136 = tpu.memref_squeeze %swap3A_1135 : memref<1x200x128xf32, #tpu.memory_space<vmem>> -> memref<200x128xf32, #tpu.memory_space<vmem>>
        %swap3A_1137 = arith.index_cast %add3A_1132 : i32 to index
        %swap3A_1138 = arith.constant 48 : index
        %swap3A_1139 = tpu.vector_load %swap3A_1136[%swap3A_1137, %swap3A_1138] {strides = array<i32>} : memref<200x128xf32, #tpu.memory_space<vmem>>, vector<1x16xf32>,
        %swap3A_1140 = vector.shape_cast %swap3A_1139 : vector<1x16xf32> to vector<16xf32>
        %swap3A_1141 = vector.shape_cast %get3A_1070 : vector<16xf32> to vector<1x16xf32>
        tpu.vector_store %swap3A_1136[%swap3A_1137, %swap3A_1138], %swap3A_1141 {add = true, strides = array<i32>} : memref<200x128xf32, #tpu.memory_space<vmem>>, vector<1x16xf32>,
        %add3A_1142 = arith.constant 0 : i32
        %add3A_1143 = arith.addi %add3A_1142, %scan3A_1043 : i32
        %swap3A_1144 = arith.constant 0 : i32
        %swap3A_1145 = arith.constant 0 : i32
        %swap3A_1146 = tpu.memref_slice %arg7[%scan3A_487, %swap3A_1144, %swap3A_1145] : memref<4x200x128xf32, #tpu.memory_space<vmem>> -> memref<1x200x128xf32, #tpu.memory_space<vmem>>
        %swap3A_1147 = tpu.memref_squeeze %swap3A_1146 : memref<1x200x128xf32, #tpu.memory_space<vmem>> -> memref<200x128xf32, #tpu.memory_space<vmem>>
        %swap3A_1148 = arith.index_cast %add3A_1143 : i32 to index
        %swap3A_1149 = arith.constant 64 : index
        %swap3A_1150 = tpu.vector_load %swap3A_1147[%swap3A_1148, %swap3A_1149] {strides = array<i32>} : memref<200x128xf32, #tpu.memory_space<vmem>>, vector<1x16xf32>,
        %swap3A_1151 = vector.shape_cast %swap3A_1150 : vector<1x16xf32> to vector<16xf32>
        %swap3A_1152 = vector.shape_cast %get3A_1077 : vector<16xf32> to vector<1x16xf32>
        tpu.vector_store %swap3A_1147[%swap3A_1148, %swap3A_1149], %swap3A_1152 {add = true, strides = array<i32>} : memref<200x128xf32, #tpu.memory_space<vmem>>, vector<1x16xf32>,
        %add3A_1153 = arith.constant 0 : i32
        %add3A_1154 = arith.addi %add3A_1153, %scan3A_1043 : i32
        %swap3A_1155 = arith.constant 0 : i32
        %swap3A_1156 = arith.constant 0 : i32
        %swap3A_1157 = tpu.memref_slice %arg7[%scan3A_487, %swap3A_1155, %swap3A_1156] : memref<4x200x128xf32, #tpu.memory_space<vmem>> -> memref<1x200x128xf32, #tpu.memory_space<vmem>>
        %swap3A_1158 = tpu.memref_squeeze %swap3A_1157 : memref<1x200x128xf32, #tpu.memory_space<vmem>> -> memref<200x128xf32, #tpu.memory_space<vmem>>
        %swap3A_1159 = arith.index_cast %add3A_1154 : i32 to index
        %swap3A_1160 = arith.constant 80 : index
        %swap3A_1161 = tpu.vector_load %swap3A_1158[%swap3A_1159, %swap3A_1160] {strides = array<i32>} : memref<200x128xf32, #tpu.memory_space<vmem>>, vector<1x16xf32>,
        %swap3A_1162 = vector.shape_cast %swap3A_1161 : vector<1x16xf32> to vector<16xf32>
        %swap3A_1163 = vector.shape_cast %get3A_1084 : vector<16xf32> to vector<1x16xf32>
        tpu.vector_store %swap3A_1158[%swap3A_1159, %swap3A_1160], %swap3A_1163 {add = true, strides = array<i32>} : memref<200x128xf32, #tpu.memory_space<vmem>>, vector<1x16xf32>,
        %add3A_1164 = arith.constant 0 : i32
        %add3A_1165 = arith.addi %add3A_1164, %scan3A_1043 : i32
        %swap3A_1166 = arith.constant 0 : i32
        %swap3A_1167 = arith.constant 0 : i32
        %swap3A_1168 = tpu.memref_slice %arg7[%scan3A_487, %swap3A_1166, %swap3A_1167] : memref<4x200x128xf32, #tpu.memory_space<vmem>> -> memref<1x200x128xf32, #tpu.memory_space<vmem>>
        %swap3A_1169 = tpu.memref_squeeze %swap3A_1168 : memref<1x200x128xf32, #tpu.memory_space<vmem>> -> memref<200x128xf32, #tpu.memory_space<vmem>>
        %swap3A_1170 = arith.index_cast %add3A_1165 : i32 to index
        %swap3A_1171 = arith.constant 96 : index
        %swap3A_1172 = tpu.vector_load %swap3A_1169[%swap3A_1170, %swap3A_1171] {strides = array<i32>} : memref<200x128xf32, #tpu.memory_space<vmem>>, vector<1x16xf32>,
        %swap3A_1173 = vector.shape_cast %swap3A_1172 : vector<1x16xf32> to vector<16xf32>
        %swap3A_1174 = vector.shape_cast %get3A_1091 : vector<16xf32> to vector<1x16xf32>
        tpu.vector_store %swap3A_1169[%swap3A_1170, %swap3A_1171], %swap3A_1174 {add = true, strides = array<i32>} : memref<200x128xf32, #tpu.memory_space<vmem>>, vector<1x16xf32>,
        %add3A_1175 = arith.constant 0 : i32
        %add3A_1176 = arith.addi %add3A_1175, %scan3A_1043 : i32
        %swap3A_1177 = arith.constant 0 : i32
        %swap3A_1178 = arith.constant 0 : i32
        %swap3A_1179 = tpu.memref_slice %arg7[%scan3A_487, %swap3A_1177, %swap3A_1178] : memref<4x200x128xf32, #tpu.memory_space<vmem>> -> memref<1x200x128xf32, #tpu.memory_space<vmem>>
        %swap3A_1180 = tpu.memref_squeeze %swap3A_1179 : memref<1x200x128xf32, #tpu.memory_space<vmem>> -> memref<200x128xf32, #tpu.memory_space<vmem>>
        %swap3A_1181 = arith.index_cast %add3A_1176 : i32 to index
        %swap3A_1182 = arith.constant 112 : index
        %swap3A_1183 = tpu.vector_load %swap3A_1180[%swap3A_1181, %swap3A_1182] {strides = array<i32>} : memref<200x128xf32, #tpu.memory_space<vmem>>, vector<1x16xf32>,
        %swap3A_1184 = vector.shape_cast %swap3A_1183 : vector<1x16xf32> to vector<16xf32>
        %swap3A_1185 = vector.shape_cast %get3A_1098 : vector<16xf32> to vector<1x16xf32>
        tpu.vector_store %swap3A_1180[%swap3A_1181, %swap3A_1182], %swap3A_1185 {add = true, strides = array<i32>} : memref<200x128xf32, #tpu.memory_space<vmem>>, vector<1x16xf32>,
        %add3A_1186 = arith.constant 50 : i32
        %add3A_1187 = arith.addi %add3A_1186, %scan3A_1043 : i32
        %swap3A_1188 = arith.constant 0 : i32
        %swap3A_1189 = arith.constant 0 : i32
        %swap3A_1190 = tpu.memref_slice %arg7[%scan3A_487, %swap3A_1188, %swap3A_1189] : memref<4x200x128xf32, #tpu.memory_space<vmem>> -> memref<1x200x128xf32, #tpu.memory_space<vmem>>
        %swap3A_1191 = tpu.memref_squeeze %swap3A_1190 : memref<1x200x128xf32, #tpu.memory_space<vmem>> -> memref<200x128xf32, #tpu.memory_space<vmem>>
        %swap3A_1192 = arith.index_cast %add3A_1187 : i32 to index
        %swap3A_1193 = arith.constant 0 : index
        %swap3A_1194 = tpu.vector_load %swap3A_1191[%swap3A_1192, %swap3A_1193] {strides = array<i32>} : memref<200x128xf32, #tpu.memory_space<vmem>>, vector<1x16xf32>,
        %swap3A_1195 = vector.shape_cast %swap3A_1194 : vector<1x16xf32> to vector<16xf32>
        %swap3A_1196 = vector.shape_cast %get3A_1049 : vector<16xf32> to vector<1x16xf32>
        tpu.vector_store %swap3A_1191[%swap3A_1192, %swap3A_1193], %swap3A_1196 {add = true, strides = array<i32>} : memref<200x128xf32, #tpu.memory_space<vmem>>, vector<1x16xf32>,
        %add3A_1197 = arith.constant 50 : i32
        %add3A_1198 = arith.addi %add3A_1197, %scan3A_1043 : i32
        %swap3A_1199 = arith.constant 0 : i32
        %swap3A_1200 = arith.constant 0 : i32
        %swap3A_1201 = tpu.memref_slice %arg7[%scan3A_487, %swap3A_1199, %swap3A_1200] : memref<4x200x128xf32, #tpu.memory_space<vmem>> -> memref<1x200x128xf32, #tpu.memory_space<vmem>>
        %swap3A_1202 = tpu.memref_squeeze %swap3A_1201 : memref<1x200x128xf32, #tpu.memory_space<vmem>> -> memref<200x128xf32, #tpu.memory_space<vmem>>
        %swap3A_1203 = arith.index_cast %add3A_1198 : i32 to index
        %swap3A_1204 = arith.constant 16 : index
        %swap3A_1205 = tpu.vector_load %swap3A_1202[%swap3A_1203, %swap3A_1204] {strides = array<i32>} : memref<200x128xf32, #tpu.memory_space<vmem>>, vector<1x16xf32>,
        %swap3A_1206 = vector.shape_cast %swap3A_1205 : vector<1x16xf32> to vector<16xf32>
        %swap3A_1207 = vector.shape_cast %get3A_1056 : vector<16xf32> to vector<1x16xf32>
        tpu.vector_store %swap3A_1202[%swap3A_1203, %swap3A_1204], %swap3A_1207 {add = true, strides = array<i32>} : memref<200x128xf32, #tpu.memory_space<vmem>>, vector<1x16xf32>,
        %add3A_1208 = arith.constant 50 : i32
        %add3A_1209 = arith.addi %add3A_1208, %scan3A_1043 : i32
        %swap3A_1210 = arith.constant 0 : i32
        %swap3A_1211 = arith.constant 0 : i32
        %swap3A_1212 = tpu.memref_slice %arg7[%scan3A_487, %swap3A_1210, %swap3A_1211] : memref<4x200x128xf32, #tpu.memory_space<vmem>> -> memref<1x200x128xf32, #tpu.memory_space<vmem>>
        %swap3A_1213 = tpu.memref_squeeze %swap3A_1212 : memref<1x200x128xf32, #tpu.memory_space<vmem>> -> memref<200x128xf32, #tpu.memory_space<vmem>>
        %swap3A_1214 = arith.index_cast %add3A_1209 : i32 to index
        %swap3A_1215 = arith.constant 32 : index
        %swap3A_1216 = tpu.vector_load %swap3A_1213[%swap3A_1214, %swap3A_1215] {strides = array<i32>} : memref<200x128xf32, #tpu.memory_space<vmem>>, vector<1x16xf32>,
        %swap3A_1217 = vector.shape_cast %swap3A_1216 : vector<1x16xf32> to vector<16xf32>
        %swap3A_1218 = vector.shape_cast %get3A_1063 : vector<16xf32> to vector<1x16xf32>
        tpu.vector_store %swap3A_1213[%swap3A_1214, %swap3A_1215], %swap3A_1218 {add = true, strides = array<i32>} : memref<200x128xf32, #tpu.memory_space<vmem>>, vector<1x16xf32>,
        %add3A_1219 = arith.constant 50 : i32
        %add3A_1220 = arith.addi %add3A_1219, %scan3A_1043 : i32
        %swap3A_1221 = arith.constant 0 : i32
        %swap3A_1222 = arith.constant 0 : i32
        %swap3A_1223 = tpu.memref_slice %arg7[%scan3A_487, %swap3A_1221, %swap3A_1222] : memref<4x200x128xf32, #tpu.memory_space<vmem>> -> memref<1x200x128xf32, #tpu.memory_space<vmem>>
        %swap3A_1224 = tpu.memref_squeeze %swap3A_1223 : memref<1x200x128xf32, #tpu.memory_space<vmem>> -> memref<200x128xf32, #tpu.memory_space<vmem>>
        %swap3A_1225 = arith.index_cast %add3A_1220 : i32 to index
        %swap3A_1226 = arith.constant 48 : index
        %swap3A_1227 = tpu.vector_load %swap3A_1224[%swap3A_1225, %swap3A_1226] {strides = array<i32>} : memref<200x128xf32, #tpu.memory_space<vmem>>, vector<1x16xf32>,
        %swap3A_1228 = vector.shape_cast %swap3A_1227 : vector<1x16xf32> to vector<16xf32>
        %swap3A_1229 = vector.shape_cast %get3A_1070 : vector<16xf32> to vector<1x16xf32>
        tpu.vector_store %swap3A_1224[%swap3A_1225, %swap3A_1226], %swap3A_1229 {add = true, strides = array<i32>} : memref<200x128xf32, #tpu.memory_space<vmem>>, vector<1x16xf32>,
        %add3A_1230 = arith.constant 50 : i32
        %add3A_1231 = arith.addi %add3A_1230, %scan3A_1043 : i32
        %swap3A_1232 = arith.constant 0 : i32
        %swap3A_1233 = arith.constant 0 : i32
        %swap3A_1234 = tpu.memref_slice %arg7[%scan3A_487, %swap3A_1232, %swap3A_1233] : memref<4x200x128xf32, #tpu.memory_space<vmem>> -> memref<1x200x128xf32, #tpu.memory_space<vmem>>
        %swap3A_1235 = tpu.memref_squeeze %swap3A_1234 : memref<1x200x128xf32, #tpu.memory_space<vmem>> -> memref<200x128xf32, #tpu.memory_space<vmem>>
        %swap3A_1236 = arith.index_cast %add3A_1231 : i32 to index
        %swap3A_1237 = arith.constant 64 : index
        %swap3A_1238 = tpu.vector_load %swap3A_1235[%swap3A_1236, %swap3A_1237] {strides = array<i32>} : memref<200x128xf32, #tpu.memory_space<vmem>>, vector<1x16xf32>,
        %swap3A_1239 = vector.shape_cast %swap3A_1238 : vector<1x16xf32> to vector<16xf32>
        %swap3A_1240 = vector.shape_cast %get3A_1077 : vector<16xf32> to vector<1x16xf32>
        tpu.vector_store %swap3A_1235[%swap3A_1236, %swap3A_1237], %swap3A_1240 {add = true, strides = array<i32>} : memref<200x128xf32, #tpu.memory_space<vmem>>, vector<1x16xf32>,
        %add3A_1241 = arith.constant 50 : i32
        %add3A_1242 = arith.addi %add3A_1241, %scan3A_1043 : i32
        %swap3A_1243 = arith.constant 0 : i32
        %swap3A_1244 = arith.constant 0 : i32
        %swap3A_1245 = tpu.memref_slice %arg7[%scan3A_487, %swap3A_1243, %swap3A_1244] : memref<4x200x128xf32, #tpu.memory_space<vmem>> -> memref<1x200x128xf32, #tpu.memory_space<vmem>>
        %swap3A_1246 = tpu.memref_squeeze %swap3A_1245 : memref<1x200x128xf32, #tpu.memory_space<vmem>> -> memref<200x128xf32, #tpu.memory_space<vmem>>
        %swap3A_1247 = arith.index_cast %add3A_1242 : i32 to index
        %swap3A_1248 = arith.constant 80 : index
        %swap3A_1249 = tpu.vector_load %swap3A_1246[%swap3A_1247, %swap3A_1248] {strides = array<i32>} : memref<200x128xf32, #tpu.memory_space<vmem>>, vector<1x16xf32>,
        %swap3A_1250 = vector.shape_cast %swap3A_1249 : vector<1x16xf32> to vector<16xf32>
        %swap3A_1251 = vector.shape_cast %get3A_1084 : vector<16xf32> to vector<1x16xf32>
        tpu.vector_store %swap3A_1246[%swap3A_1247, %swap3A_1248], %swap3A_1251 {add = true, strides = array<i32>} : memref<200x128xf32, #tpu.memory_space<vmem>>, vector<1x16xf32>,
        %add3A_1252 = arith.constant 50 : i32
        %add3A_1253 = arith.addi %add3A_1252, %scan3A_1043 : i32
        %swap3A_1254 = arith.constant 0 : i32
        %swap3A_1255 = arith.constant 0 : i32
        %swap3A_1256 = tpu.memref_slice %arg7[%scan3A_487, %swap3A_1254, %swap3A_1255] : memref<4x200x128xf32, #tpu.memory_space<vmem>> -> memref<1x200x128xf32, #tpu.memory_space<vmem>>
        %swap3A_1257 = tpu.memref_squeeze %swap3A_1256 : memref<1x200x128xf32, #tpu.memory_space<vmem>> -> memref<200x128xf32, #tpu.memory_space<vmem>>
        %swap3A_1258 = arith.index_cast %add3A_1253 : i32 to index
        %swap3A_1259 = arith.constant 96 : index
        %swap3A_1260 = tpu.vector_load %swap3A_1257[%swap3A_1258, %swap3A_1259] {strides = array<i32>} : memref<200x128xf32, #tpu.memory_space<vmem>>, vector<1x16xf32>,
        %swap3A_1261 = vector.shape_cast %swap3A_1260 : vector<1x16xf32> to vector<16xf32>
        %swap3A_1262 = vector.shape_cast %get3A_1091 : vector<16xf32> to vector<1x16xf32>
        tpu.vector_store %swap3A_1257[%swap3A_1258, %swap3A_1259], %swap3A_1262 {add = true, strides = array<i32>} : memref<200x128xf32, #tpu.memory_space<vmem>>, vector<1x16xf32>,
        %add3A_1263 = arith.constant 50 : i32
        %add3A_1264 = arith.addi %add3A_1263, %scan3A_1043 : i32
        %swap3A_1265 = arith.constant 0 : i32
        %swap3A_1266 = arith.constant 0 : i32
        %swap3A_1267 = tpu.memref_slice %arg7[%scan3A_487, %swap3A_1265, %swap3A_1266] : memref<4x200x128xf32, #tpu.memory_space<vmem>> -> memref<1x200x128xf32, #tpu.memory_space<vmem>>
        %swap3A_1268 = tpu.memref_squeeze %swap3A_1267 : memref<1x200x128xf32, #tpu.memory_space<vmem>> -> memref<200x128xf32, #tpu.memory_space<vmem>>
        %swap3A_1269 = arith.index_cast %add3A_1264 : i32 to index
        %swap3A_1270 = arith.constant 112 : index
        %swap3A_1271 = tpu.vector_load %swap3A_1268[%swap3A_1269, %swap3A_1270] {strides = array<i32>} : memref<200x128xf32, #tpu.memory_space<vmem>>, vector<1x16xf32>,
        %swap3A_1272 = vector.shape_cast %swap3A_1271 : vector<1x16xf32> to vector<16xf32>
        %swap3A_1273 = vector.shape_cast %get3A_1098 : vector<16xf32> to vector<1x16xf32>
        tpu.vector_store %swap3A_1268[%swap3A_1269, %swap3A_1270], %swap3A_1273 {add = true, strides = array<i32>} : memref<200x128xf32, #tpu.memory_space<vmem>>, vector<1x16xf32>,
        %add3A_1274 = arith.constant 100 : i32
        %add3A_1275 = arith.addi %add3A_1274, %scan3A_1043 : i32
        %swap3A_1276 = arith.constant 0 : i32
        %swap3A_1277 = arith.constant 0 : i32
        %swap3A_1278 = tpu.memref_slice %arg7[%scan3A_487, %swap3A_1276, %swap3A_1277] : memref<4x200x128xf32, #tpu.memory_space<vmem>> -> memref<1x200x128xf32, #tpu.memory_space<vmem>>
        %swap3A_1279 = tpu.memref_squeeze %swap3A_1278 : memref<1x200x128xf32, #tpu.memory_space<vmem>> -> memref<200x128xf32, #tpu.memory_space<vmem>>
        %swap3A_1280 = arith.index_cast %add3A_1275 : i32 to index
        %swap3A_1281 = arith.constant 0 : index
        %swap3A_1282 = tpu.vector_load %swap3A_1279[%swap3A_1280, %swap3A_1281] {strides = array<i32>} : memref<200x128xf32, #tpu.memory_space<vmem>>, vector<1x16xf32>,
        %swap3A_1283 = vector.shape_cast %swap3A_1282 : vector<1x16xf32> to vector<16xf32>
        %swap3A_1284 = vector.shape_cast %get3A_1049 : vector<16xf32> to vector<1x16xf32>
        tpu.vector_store %swap3A_1279[%swap3A_1280, %swap3A_1281], %swap3A_1284 {add = true, strides = array<i32>} : memref<200x128xf32, #tpu.memory_space<vmem>>, vector<1x16xf32>,
        %add3A_1285 = arith.constant 100 : i32
        %add3A_1286 = arith.addi %add3A_1285, %scan3A_1043 : i32
        %swap3A_1287 = arith.constant 0 : i32
        %swap3A_1288 = arith.constant 0 : i32
        %swap3A_1289 = tpu.memref_slice %arg7[%scan3A_487, %swap3A_1287, %swap3A_1288] : memref<4x200x128xf32, #tpu.memory_space<vmem>> -> memref<1x200x128xf32, #tpu.memory_space<vmem>>
        %swap3A_1290 = tpu.memref_squeeze %swap3A_1289 : memref<1x200x128xf32, #tpu.memory_space<vmem>> -> memref<200x128xf32, #tpu.memory_space<vmem>>
        %swap3A_1291 = arith.index_cast %add3A_1286 : i32 to index
        %swap3A_1292 = arith.constant 16 : index
        %swap3A_1293 = tpu.vector_load %swap3A_1290[%swap3A_1291, %swap3A_1292] {strides = array<i32>} : memref<200x128xf32, #tpu.memory_space<vmem>>, vector<1x16xf32>,
        %swap3A_1294 = vector.shape_cast %swap3A_1293 : vector<1x16xf32> to vector<16xf32>
        %swap3A_1295 = vector.shape_cast %get3A_1056 : vector<16xf32> to vector<1x16xf32>
        tpu.vector_store %swap3A_1290[%swap3A_1291, %swap3A_1292], %swap3A_1295 {add = true, strides = array<i32>} : memref<200x128xf32, #tpu.memory_space<vmem>>, vector<1x16xf32>,
        %add3A_1296 = arith.constant 100 : i32
        %add3A_1297 = arith.addi %add3A_1296, %scan3A_1043 : i32
        %swap3A_1298 = arith.constant 0 : i32
        %swap3A_1299 = arith.constant 0 : i32
        %swap3A_1300 = tpu.memref_slice %arg7[%scan3A_487, %swap3A_1298, %swap3A_1299] : memref<4x200x128xf32, #tpu.memory_space<vmem>> -> memref<1x200x128xf32, #tpu.memory_space<vmem>>
        %swap3A_1301 = tpu.memref_squeeze %swap3A_1300 : memref<1x200x128xf32, #tpu.memory_space<vmem>> -> memref<200x128xf32, #tpu.memory_space<vmem>>
        %swap3A_1302 = arith.index_cast %add3A_1297 : i32 to index
        %swap3A_1303 = arith.constant 32 : index
        %swap3A_1304 = tpu.vector_load %swap3A_1301[%swap3A_1302, %swap3A_1303] {strides = array<i32>} : memref<200x128xf32, #tpu.memory_space<vmem>>, vector<1x16xf32>,
        %swap3A_1305 = vector.shape_cast %swap3A_1304 : vector<1x16xf32> to vector<16xf32>
        %swap3A_1306 = vector.shape_cast %get3A_1063 : vector<16xf32> to vector<1x16xf32>
        tpu.vector_store %swap3A_1301[%swap3A_1302, %swap3A_1303], %swap3A_1306 {add = true, strides = array<i32>} : memref<200x128xf32, #tpu.memory_space<vmem>>, vector<1x16xf32>,
        %add3A_1307 = arith.constant 100 : i32
        %add3A_1308 = arith.addi %add3A_1307, %scan3A_1043 : i32
        %swap3A_1309 = arith.constant 0 : i32
        %swap3A_1310 = arith.constant 0 : i32
        %swap3A_1311 = tpu.memref_slice %arg7[%scan3A_487, %swap3A_1309, %swap3A_1310] : memref<4x200x128xf32, #tpu.memory_space<vmem>> -> memref<1x200x128xf32, #tpu.memory_space<vmem>>
        %swap3A_1312 = tpu.memref_squeeze %swap3A_1311 : memref<1x200x128xf32, #tpu.memory_space<vmem>> -> memref<200x128xf32, #tpu.memory_space<vmem>>
        %swap3A_1313 = arith.index_cast %add3A_1308 : i32 to index
        %swap3A_1314 = arith.constant 48 : index
        %swap3A_1315 = tpu.vector_load %swap3A_1312[%swap3A_1313, %swap3A_1314] {strides = array<i32>} : memref<200x128xf32, #tpu.memory_space<vmem>>, vector<1x16xf32>,
        %swap3A_1316 = vector.shape_cast %swap3A_1315 : vector<1x16xf32> to vector<16xf32>
        %swap3A_1317 = vector.shape_cast %get3A_1070 : vector<16xf32> to vector<1x16xf32>
        tpu.vector_store %swap3A_1312[%swap3A_1313, %swap3A_1314], %swap3A_1317 {add = true, strides = array<i32>} : memref<200x128xf32, #tpu.memory_space<vmem>>, vector<1x16xf32>,
        %add3A_1318 = arith.constant 100 : i32
        %add3A_1319 = arith.addi %add3A_1318, %scan3A_1043 : i32
        %swap3A_1320 = arith.constant 0 : i32
        %swap3A_1321 = arith.constant 0 : i32
        %swap3A_1322 = tpu.memref_slice %arg7[%scan3A_487, %swap3A_1320, %swap3A_1321] : memref<4x200x128xf32, #tpu.memory_space<vmem>> -> memref<1x200x128xf32, #tpu.memory_space<vmem>>
        %swap3A_1323 = tpu.memref_squeeze %swap3A_1322 : memref<1x200x128xf32, #tpu.memory_space<vmem>> -> memref<200x128xf32, #tpu.memory_space<vmem>>
        %swap3A_1324 = arith.index_cast %add3A_1319 : i32 to index
        %swap3A_1325 = arith.constant 64 : index
        %swap3A_1326 = tpu.vector_load %swap3A_1323[%swap3A_1324, %swap3A_1325] {strides = array<i32>} : memref<200x128xf32, #tpu.memory_space<vmem>>, vector<1x16xf32>,
        %swap3A_1327 = vector.shape_cast %swap3A_1326 : vector<1x16xf32> to vector<16xf32>
        %swap3A_1328 = vector.shape_cast %get3A_1077 : vector<16xf32> to vector<1x16xf32>
        tpu.vector_store %swap3A_1323[%swap3A_1324, %swap3A_1325], %swap3A_1328 {add = true, strides = array<i32>} : memref<200x128xf32, #tpu.memory_space<vmem>>, vector<1x16xf32>,
        %add3A_1329 = arith.constant 100 : i32
        %add3A_1330 = arith.addi %add3A_1329, %scan3A_1043 : i32
        %swap3A_1331 = arith.constant 0 : i32
        %swap3A_1332 = arith.constant 0 : i32
        %swap3A_1333 = tpu.memref_slice %arg7[%scan3A_487, %swap3A_1331, %swap3A_1332] : memref<4x200x128xf32, #tpu.memory_space<vmem>> -> memref<1x200x128xf32, #tpu.memory_space<vmem>>
        %swap3A_1334 = tpu.memref_squeeze %swap3A_1333 : memref<1x200x128xf32, #tpu.memory_space<vmem>> -> memref<200x128xf32, #tpu.memory_space<vmem>>
        %swap3A_1335 = arith.index_cast %add3A_1330 : i32 to index
        %swap3A_1336 = arith.constant 80 : index
        %swap3A_1337 = tpu.vector_load %swap3A_1334[%swap3A_1335, %swap3A_1336] {strides = array<i32>} : memref<200x128xf32, #tpu.memory_space<vmem>>, vector<1x16xf32>,
        %swap3A_1338 = vector.shape_cast %swap3A_1337 : vector<1x16xf32> to vector<16xf32>
        %swap3A_1339 = vector.shape_cast %get3A_1084 : vector<16xf32> to vector<1x16xf32>
        tpu.vector_store %swap3A_1334[%swap3A_1335, %swap3A_1336], %swap3A_1339 {add = true, strides = array<i32>} : memref<200x128xf32, #tpu.memory_space<vmem>>, vector<1x16xf32>,
        %add3A_1340 = arith.constant 100 : i32
        %add3A_1341 = arith.addi %add3A_1340, %scan3A_1043 : i32
        %swap3A_1342 = arith.constant 0 : i32
        %swap3A_1343 = arith.constant 0 : i32
        %swap3A_1344 = tpu.memref_slice %arg7[%scan3A_487, %swap3A_1342, %swap3A_1343] : memref<4x200x128xf32, #tpu.memory_space<vmem>> -> memref<1x200x128xf32, #tpu.memory_space<vmem>>
        %swap3A_1345 = tpu.memref_squeeze %swap3A_1344 : memref<1x200x128xf32, #tpu.memory_space<vmem>> -> memref<200x128xf32, #tpu.memory_space<vmem>>
        %swap3A_1346 = arith.index_cast %add3A_1341 : i32 to index
        %swap3A_1347 = arith.constant 96 : index
        %swap3A_1348 = tpu.vector_load %swap3A_1345[%swap3A_1346, %swap3A_1347] {strides = array<i32>} : memref<200x128xf32, #tpu.memory_space<vmem>>, vector<1x16xf32>,
        %swap3A_1349 = vector.shape_cast %swap3A_1348 : vector<1x16xf32> to vector<16xf32>
        %swap3A_1350 = vector.shape_cast %get3A_1091 : vector<16xf32> to vector<1x16xf32>
        tpu.vector_store %swap3A_1345[%swap3A_1346, %swap3A_1347], %swap3A_1350 {add = true, strides = array<i32>} : memref<200x128xf32, #tpu.memory_space<vmem>>, vector<1x16xf32>,
        %add3A_1351 = arith.constant 100 : i32
        %add3A_1352 = arith.addi %add3A_1351, %scan3A_1043 : i32
        %swap3A_1353 = arith.constant 0 : i32
        %swap3A_1354 = arith.constant 0 : i32
        %swap3A_1355 = tpu.memref_slice %arg7[%scan3A_487, %swap3A_1353, %swap3A_1354] : memref<4x200x128xf32, #tpu.memory_space<vmem>> -> memref<1x200x128xf32, #tpu.memory_space<vmem>>
        %swap3A_1356 = tpu.memref_squeeze %swap3A_1355 : memref<1x200x128xf32, #tpu.memory_space<vmem>> -> memref<200x128xf32, #tpu.memory_space<vmem>>
        %swap3A_1357 = arith.index_cast %add3A_1352 : i32 to index
        %swap3A_1358 = arith.constant 112 : index
        %swap3A_1359 = tpu.vector_load %swap3A_1356[%swap3A_1357, %swap3A_1358] {strides = array<i32>} : memref<200x128xf32, #tpu.memory_space<vmem>>, vector<1x16xf32>,
        %swap3A_1360 = vector.shape_cast %swap3A_1359 : vector<1x16xf32> to vector<16xf32>
        %swap3A_1361 = vector.shape_cast %get3A_1098 : vector<16xf32> to vector<1x16xf32>
        tpu.vector_store %swap3A_1356[%swap3A_1357, %swap3A_1358], %swap3A_1361 {add = true, strides = array<i32>} : memref<200x128xf32, #tpu.memory_space<vmem>>, vector<1x16xf32>,
        %add3A_1362 = arith.constant 150 : i32
        %add3A_1363 = arith.addi %add3A_1362, %scan3A_1043 : i32
        %swap3A_1364 = arith.constant 0 : i32
        %swap3A_1365 = arith.constant 0 : i32
        %swap3A_1366 = tpu.memref_slice %arg7[%scan3A_487, %swap3A_1364, %swap3A_1365] : memref<4x200x128xf32, #tpu.memory_space<vmem>> -> memref<1x200x128xf32, #tpu.memory_space<vmem>>
        %swap3A_1367 = tpu.memref_squeeze %swap3A_1366 : memref<1x200x128xf32, #tpu.memory_space<vmem>> -> memref<200x128xf32, #tpu.memory_space<vmem>>
        %swap3A_1368 = arith.index_cast %add3A_1363 : i32 to index
        %swap3A_1369 = arith.constant 0 : index
        %swap3A_1370 = tpu.vector_load %swap3A_1367[%swap3A_1368, %swap3A_1369] {strides = array<i32>} : memref<200x128xf32, #tpu.memory_space<vmem>>, vector<1x16xf32>,
        %swap3A_1371 = vector.shape_cast %swap3A_1370 : vector<1x16xf32> to vector<16xf32>
        %swap3A_1372 = vector.shape_cast %get3A_1049 : vector<16xf32> to vector<1x16xf32>
        tpu.vector_store %swap3A_1367[%swap3A_1368, %swap3A_1369], %swap3A_1372 {add = true, strides = array<i32>} : memref<200x128xf32, #tpu.memory_space<vmem>>, vector<1x16xf32>,
        %add3A_1373 = arith.constant 150 : i32
        %add3A_1374 = arith.addi %add3A_1373, %scan3A_1043 : i32
        %swap3A_1375 = arith.constant 0 : i32
        %swap3A_1376 = arith.constant 0 : i32
        %swap3A_1377 = tpu.memref_slice %arg7[%scan3A_487, %swap3A_1375, %swap3A_1376] : memref<4x200x128xf32, #tpu.memory_space<vmem>> -> memref<1x200x128xf32, #tpu.memory_space<vmem>>
        %swap3A_1378 = tpu.memref_squeeze %swap3A_1377 : memref<1x200x128xf32, #tpu.memory_space<vmem>> -> memref<200x128xf32, #tpu.memory_space<vmem>>
        %swap3A_1379 = arith.index_cast %add3A_1374 : i32 to index
        %swap3A_1380 = arith.constant 16 : index
        %swap3A_1381 = tpu.vector_load %swap3A_1378[%swap3A_1379, %swap3A_1380] {strides = array<i32>} : memref<200x128xf32, #tpu.memory_space<vmem>>, vector<1x16xf32>,
        %swap3A_1382 = vector.shape_cast %swap3A_1381 : vector<1x16xf32> to vector<16xf32>
        %swap3A_1383 = vector.shape_cast %get3A_1056 : vector<16xf32> to vector<1x16xf32>
        tpu.vector_store %swap3A_1378[%swap3A_1379, %swap3A_1380], %swap3A_1383 {add = true, strides = array<i32>} : memref<200x128xf32, #tpu.memory_space<vmem>>, vector<1x16xf32>,
        %add3A_1384 = arith.constant 150 : i32
        %add3A_1385 = arith.addi %add3A_1384, %scan3A_1043 : i32
        %swap3A_1386 = arith.constant 0 : i32
        %swap3A_1387 = arith.constant 0 : i32
        %swap3A_1388 = tpu.memref_slice %arg7[%scan3A_487, %swap3A_1386, %swap3A_1387] : memref<4x200x128xf32, #tpu.memory_space<vmem>> -> memref<1x200x128xf32, #tpu.memory_space<vmem>>
        %swap3A_1389 = tpu.memref_squeeze %swap3A_1388 : memref<1x200x128xf32, #tpu.memory_space<vmem>> -> memref<200x128xf32, #tpu.memory_space<vmem>>
        %swap3A_1390 = arith.index_cast %add3A_1385 : i32 to index
        %swap3A_1391 = arith.constant 32 : index
        %swap3A_1392 = tpu.vector_load %swap3A_1389[%swap3A_1390, %swap3A_1391] {strides = array<i32>} : memref<200x128xf32, #tpu.memory_space<vmem>>, vector<1x16xf32>,
        %swap3A_1393 = vector.shape_cast %swap3A_1392 : vector<1x16xf32> to vector<16xf32>
        %swap3A_1394 = vector.shape_cast %get3A_1063 : vector<16xf32> to vector<1x16xf32>
        tpu.vector_store %swap3A_1389[%swap3A_1390, %swap3A_1391], %swap3A_1394 {add = true, strides = array<i32>} : memref<200x128xf32, #tpu.memory_space<vmem>>, vector<1x16xf32>,
        %add3A_1395 = arith.constant 150 : i32
        %add3A_1396 = arith.addi %add3A_1395, %scan3A_1043 : i32
        %swap3A_1397 = arith.constant 0 : i32
        %swap3A_1398 = arith.constant 0 : i32
        %swap3A_1399 = tpu.memref_slice %arg7[%scan3A_487, %swap3A_1397, %swap3A_1398] : memref<4x200x128xf32, #tpu.memory_space<vmem>> -> memref<1x200x128xf32, #tpu.memory_space<vmem>>
        %swap3A_1400 = tpu.memref_squeeze %swap3A_1399 : memref<1x200x128xf32, #tpu.memory_space<vmem>> -> memref<200x128xf32, #tpu.memory_space<vmem>>
        %swap3A_1401 = arith.index_cast %add3A_1396 : i32 to index
        %swap3A_1402 = arith.constant 48 : index
        %swap3A_1403 = tpu.vector_load %swap3A_1400[%swap3A_1401, %swap3A_1402] {strides = array<i32>} : memref<200x128xf32, #tpu.memory_space<vmem>>, vector<1x16xf32>,
        %swap3A_1404 = vector.shape_cast %swap3A_1403 : vector<1x16xf32> to vector<16xf32>
        %swap3A_1405 = vector.shape_cast %get3A_1070 : vector<16xf32> to vector<1x16xf32>
        tpu.vector_store %swap3A_1400[%swap3A_1401, %swap3A_1402], %swap3A_1405 {add = true, strides = array<i32>} : memref<200x128xf32, #tpu.memory_space<vmem>>, vector<1x16xf32>,
        %add3A_1406 = arith.constant 150 : i32
        %add3A_1407 = arith.addi %add3A_1406, %scan3A_1043 : i32
        %swap3A_1408 = arith.constant 0 : i32
        %swap3A_1409 = arith.constant 0 : i32
        %swap3A_1410 = tpu.memref_slice %arg7[%scan3A_487, %swap3A_1408, %swap3A_1409] : memref<4x200x128xf32, #tpu.memory_space<vmem>> -> memref<1x200x128xf32, #tpu.memory_space<vmem>>
        %swap3A_1411 = tpu.memref_squeeze %swap3A_1410 : memref<1x200x128xf32, #tpu.memory_space<vmem>> -> memref<200x128xf32, #tpu.memory_space<vmem>>
        %swap3A_1412 = arith.index_cast %add3A_1407 : i32 to index
        %swap3A_1413 = arith.constant 64 : index
        %swap3A_1414 = tpu.vector_load %swap3A_1411[%swap3A_1412, %swap3A_1413] {strides = array<i32>} : memref<200x128xf32, #tpu.memory_space<vmem>>, vector<1x16xf32>,
        %swap3A_1415 = vector.shape_cast %swap3A_1414 : vector<1x16xf32> to vector<16xf32>
        %swap3A_1416 = vector.shape_cast %get3A_1077 : vector<16xf32> to vector<1x16xf32>
        tpu.vector_store %swap3A_1411[%swap3A_1412, %swap3A_1413], %swap3A_1416 {add = true, strides = array<i32>} : memref<200x128xf32, #tpu.memory_space<vmem>>, vector<1x16xf32>,
        %add3A_1417 = arith.constant 150 : i32
        %add3A_1418 = arith.addi %add3A_1417, %scan3A_1043 : i32
        %swap3A_1419 = arith.constant 0 : i32
        %swap3A_1420 = arith.constant 0 : i32
        %swap3A_1421 = tpu.memref_slice %arg7[%scan3A_487, %swap3A_1419, %swap3A_1420] : memref<4x200x128xf32, #tpu.memory_space<vmem>> -> memref<1x200x128xf32, #tpu.memory_space<vmem>>
        %swap3A_1422 = tpu.memref_squeeze %swap3A_1421 : memref<1x200x128xf32, #tpu.memory_space<vmem>> -> memref<200x128xf32, #tpu.memory_space<vmem>>
        %swap3A_1423 = arith.index_cast %add3A_1418 : i32 to index
        %swap3A_1424 = arith.constant 80 : index
        %swap3A_1425 = tpu.vector_load %swap3A_1422[%swap3A_1423, %swap3A_1424] {strides = array<i32>} : memref<200x128xf32, #tpu.memory_space<vmem>>, vector<1x16xf32>,
        %swap3A_1426 = vector.shape_cast %swap3A_1425 : vector<1x16xf32> to vector<16xf32>
        %swap3A_1427 = vector.shape_cast %get3A_1084 : vector<16xf32> to vector<1x16xf32>
        tpu.vector_store %swap3A_1422[%swap3A_1423, %swap3A_1424], %swap3A_1427 {add = true, strides = array<i32>} : memref<200x128xf32, #tpu.memory_space<vmem>>, vector<1x16xf32>,
        %add3A_1428 = arith.constant 150 : i32
        %add3A_1429 = arith.addi %add3A_1428, %scan3A_1043 : i32
        %swap3A_1430 = arith.constant 0 : i32
        %swap3A_1431 = arith.constant 0 : i32
        %swap3A_1432 = tpu.memref_slice %arg7[%scan3A_487, %swap3A_1430, %swap3A_1431] : memref<4x200x128xf32, #tpu.memory_space<vmem>> -> memref<1x200x128xf32, #tpu.memory_space<vmem>>
        %swap3A_1433 = tpu.memref_squeeze %swap3A_1432 : memref<1x200x128xf32, #tpu.memory_space<vmem>> -> memref<200x128xf32, #tpu.memory_space<vmem>>
        %swap3A_1434 = arith.index_cast %add3A_1429 : i32 to index
        %swap3A_1435 = arith.constant 96 : index
        %swap3A_1436 = tpu.vector_load %swap3A_1433[%swap3A_1434, %swap3A_1435] {strides = array<i32>} : memref<200x128xf32, #tpu.memory_space<vmem>>, vector<1x16xf32>,
        %swap3A_1437 = vector.shape_cast %swap3A_1436 : vector<1x16xf32> to vector<16xf32>
        %swap3A_1438 = vector.shape_cast %get3A_1091 : vector<16xf32> to vector<1x16xf32>
        tpu.vector_store %swap3A_1433[%swap3A_1434, %swap3A_1435], %swap3A_1438 {add = true, strides = array<i32>} : memref<200x128xf32, #tpu.memory_space<vmem>>, vector<1x16xf32>,
        %add3A_1439 = arith.constant 150 : i32
        %add3A_1440 = arith.addi %add3A_1439, %scan3A_1043 : i32
        %swap3A_1441 = arith.constant 0 : i32
        %swap3A_1442 = arith.constant 0 : i32
        %swap3A_1443 = tpu.memref_slice %arg7[%scan3A_487, %swap3A_1441, %swap3A_1442] : memref<4x200x128xf32, #tpu.memory_space<vmem>> -> memref<1x200x128xf32, #tpu.memory_space<vmem>>
        %swap3A_1444 = tpu.memref_squeeze %swap3A_1443 : memref<1x200x128xf32, #tpu.memory_space<vmem>> -> memref<200x128xf32, #tpu.memory_space<vmem>>
        %swap3A_1445 = arith.index_cast %add3A_1440 : i32 to index
        %swap3A_1446 = arith.constant 112 : index
        %swap3A_1447 = tpu.vector_load %swap3A_1444[%swap3A_1445, %swap3A_1446] {strides = array<i32>} : memref<200x128xf32, #tpu.memory_space<vmem>>, vector<1x16xf32>,
        %swap3A_1448 = vector.shape_cast %swap3A_1447 : vector<1x16xf32> to vector<16xf32>
        %swap3A_1449 = vector.shape_cast %get3A_1098 : vector<16xf32> to vector<1x16xf32>
        tpu.vector_store %swap3A_1444[%swap3A_1445, %swap3A_1446], %swap3A_1449 {add = true, strides = array<i32>} : memref<200x128xf32, #tpu.memory_space<vmem>>, vector<1x16xf32>,
      }
      %scan3A_492 = arith.constant 50 : i32
      %mul3A_493 = arith.constant 200 : i32
      %mul3A_494 = arith.muli %add3A_453, %mul3A_493 : i32
      %add3A_495 = arith.addi %mul3A_2, %mul3A_494 : i32
      %jit3A_496 = arith.constant 50 : i32
      %div3A_497 = arith.divsi %add3A_495, %jit3A_496 : i32
      %sign3A_498 = arith.constant 0 : i32
      %sign3A_499 = arith.cmpi sgt, %add3A_495, %sign3A_498 : i32
      %sign3A_500 = arith.extui %sign3A_499 : i1 to i32
      %sign3A_501 = arith.constant 0 : i32
      %sign3A_502 = arith.cmpi slt, %add3A_495, %sign3A_501 : i32
      %sign3A_503 = arith.extui %sign3A_502 : i1 to i32
      %sign3A_504 = arith.subi %sign3A_500, %sign3A_503 : i32
      %sign3A_505 = arith.constant 0 : i32
      %sign3A_506 = arith.cmpi sgt, %jit3A_496, %sign3A_505 : i32
      %sign3A_507 = arith.extui %sign3A_506 : i1 to i32
      %sign3A_508 = arith.constant 0 : i32
      %sign3A_509 = arith.cmpi slt, %jit3A_496, %sign3A_508 : i32
      %sign3A_510 = arith.extui %sign3A_509 : i1 to i32
      %sign3A_511 = arith.subi %sign3A_507, %sign3A_510 : i32
      %ne3A_512 = arith.cmpi ne, %sign3A_504, %sign3A_511 : i32
      %rem3A_513 = arith.remsi %add3A_495, %jit3A_496 : i32
      %ne3A_514 = arith.constant 0 : i32
      %ne3A_515 = arith.cmpi ne, %rem3A_513, %ne3A_514 : i32
      %and3A_516 = arith.andi %ne3A_512, %ne3A_515 : i1
      %sub3A_517 = arith.constant 1 : i32
      %sub3A_518 = arith.subi %div3A_497, %sub3A_517 : i32
      %select_n3A_519 = arith.select %and3A_516, %sub3A_518, %div3A_497 : i32
      %add3A_520 = arith.constant 0 : i32
      %add3A_521 = arith.addi %select_n3A_519, %add3A_520 : i32
      %dma_start3A_522 = arith.constant 0 : i32
      %dma_start3A_523 = arith.constant 0 : i32
      %dma_start3A_524 = arith.constant 0 : i32
      %dma_start3A_525 = tpu.memref_slice %arg7[%dma_start3A_522, %dma_start3A_523, %dma_start3A_524] : memref<4x200x128xf32, #tpu.memory_space<vmem>> -> memref<1x50x128xf32, #tpu.memory_space<vmem>>
      %dma_start3A_526 = tpu.memref_squeeze %dma_start3A_525 : memref<1x50x128xf32, #tpu.memory_space<vmem>> -> memref<50x128xf32, #tpu.memory_space<vmem>>
      %dma_start3A_527 = arith.constant 0 : i32
      %dma_start3A_528 = arith.constant 0 : i32
      %dma_start3A_529 = tpu.memref_slice %arg5[%add3A_521, %dma_start3A_527, %dma_start3A_528] : memref<4096x50x128xf32, #tpu.memory_space<hbm>> -> memref<1x50x128xf32, #tpu.memory_space<hbm>>
      %dma_start3A_530 = tpu.memref_squeeze %dma_start3A_529 : memref<1x50x128xf32, #tpu.memory_space<hbm>> -> memref<50x128xf32, #tpu.memory_space<hbm>>
      %dma_start3A_531 = arith.constant 0 : i32
      %dma_start3A_532 = arith.constant 0 : i32
      %dma_start3A_533 = tpu.memref_slice %arg5[%add3A_521, %dma_start3A_531, %dma_start3A_532] : memref<4096x50x128xf32, #tpu.memory_space<hbm>> -> memref<1x50x128xf32, #tpu.memory_space<hbm>>
      %dma_start3A_534 = tpu.memref_squeeze %dma_start3A_533 : memref<1x50x128xf32, #tpu.memory_space<hbm>> -> memref<50x128xf32, #tpu.memory_space<hbm>>
      %dma_start3A_535 = arith.constant 0 : i32
      %dma_start3A_536 = arith.constant 0 : i32
      %dma_start3A_537 = tpu.memref_slice %arg7[%dma_start3A_522, %dma_start3A_535, %dma_start3A_536] : memref<4x200x128xf32, #tpu.memory_space<vmem>> -> memref<1x50x128xf32, #tpu.memory_space<vmem>>
      %dma_start3A_538 = tpu.memref_squeeze %dma_start3A_537 : memref<1x50x128xf32, #tpu.memory_space<vmem>> -> memref<50x128xf32, #tpu.memory_space<vmem>>
      tpu.enqueue_dma source(%dma_start3A_538 : memref<50x128xf32, #tpu.memory_space<vmem>>) target(%dma_start3A_534 : memref<50x128xf32, #tpu.memory_space<hbm>>) target_semaphore(%arg13 : memref<!tpu.dma_semaphore, #tpu.memory_space<semaphore_mem>>)
      %add3A_539 = arith.constant 1 : i32
      %add3A_540 = arith.addi %select_n3A_519, %add3A_539 : i32
      %dma_start3A_541 = arith.constant 0 : i32
      %dma_start3A_542 = arith.constant 50 : i32
      %dma_start3A_543 = arith.constant 0 : i32
      %dma_start3A_544 = tpu.memref_slice %arg7[%dma_start3A_541, %dma_start3A_542, %dma_start3A_543] : memref<4x200x128xf32, #tpu.memory_space<vmem>> -> memref<1x50x128xf32, #tpu.memory_space<vmem>>
      %dma_start3A_545 = tpu.memref_squeeze %dma_start3A_544 : memref<1x50x128xf32, #tpu.memory_space<vmem>> -> memref<50x128xf32, #tpu.memory_space<vmem>>
      %dma_start3A_546 = arith.constant 0 : i32
      %dma_start3A_547 = arith.constant 0 : i32
      %dma_start3A_548 = tpu.memref_slice %arg5[%add3A_540, %dma_start3A_546, %dma_start3A_547] : memref<4096x50x128xf32, #tpu.memory_space<hbm>> -> memref<1x50x128xf32, #tpu.memory_space<hbm>>
      %dma_start3A_549 = tpu.memref_squeeze %dma_start3A_548 : memref<1x50x128xf32, #tpu.memory_space<hbm>> -> memref<50x128xf32, #tpu.memory_space<hbm>>
      %dma_start3A_550 = arith.constant 0 : i32
      %dma_start3A_551 = arith.constant 0 : i32
      %dma_start3A_552 = tpu.memref_slice %arg5[%add3A_540, %dma_start3A_550, %dma_start3A_551] : memref<4096x50x128xf32, #tpu.memory_space<hbm>> -> memref<1x50x128xf32, #tpu.memory_space<hbm>>
      %dma_start3A_553 = tpu.memref_squeeze %dma_start3A_552 : memref<1x50x128xf32, #tpu.memory_space<hbm>> -> memref<50x128xf32, #tpu.memory_space<hbm>>
      %dma_start3A_554 = arith.constant 50 : i32
      %dma_start3A_555 = arith.constant 0 : i32
      %dma_start3A_556 = tpu.memref_slice %arg7[%dma_start3A_541, %dma_start3A_554, %dma_start3A_555] : memref<4x200x128xf32, #tpu.memory_space<vmem>> -> memref<1x50x128xf32, #tpu.memory_space<vmem>>
      %dma_start3A_557 = tpu.memref_squeeze %dma_start3A_556 : memref<1x50x128xf32, #tpu.memory_space<vmem>> -> memref<50x128xf32, #tpu.memory_space<vmem>>
      tpu.enqueue_dma source(%dma_start3A_557 : memref<50x128xf32, #tpu.memory_space<vmem>>) target(%dma_start3A_553 : memref<50x128xf32, #tpu.memory_space<hbm>>) target_semaphore(%arg13 : memref<!tpu.dma_semaphore, #tpu.memory_space<semaphore_mem>>)
      %add3A_558 = arith.constant 2 : i32
      %add3A_559 = arith.addi %select_n3A_519, %add3A_558 : i32
      %dma_start3A_560 = arith.constant 0 : i32
      %dma_start3A_561 = arith.constant 100 : i32
      %dma_start3A_562 = arith.constant 0 : i32
      %dma_start3A_563 = tpu.memref_slice %arg7[%dma_start3A_560, %dma_start3A_561, %dma_start3A_562] : memref<4x200x128xf32, #tpu.memory_space<vmem>> -> memref<1x50x128xf32, #tpu.memory_space<vmem>>
      %dma_start3A_564 = tpu.memref_squeeze %dma_start3A_563 : memref<1x50x128xf32, #tpu.memory_space<vmem>> -> memref<50x128xf32, #tpu.memory_space<vmem>>
      %dma_start3A_565 = arith.constant 0 : i32
      %dma_start3A_566 = arith.constant 0 : i32
      %dma_start3A_567 = tpu.memref_slice %arg5[%add3A_559, %dma_start3A_565, %dma_start3A_566] : memref<4096x50x128xf32, #tpu.memory_space<hbm>> -> memref<1x50x128xf32, #tpu.memory_space<hbm>>
      %dma_start3A_568 = tpu.memref_squeeze %dma_start3A_567 : memref<1x50x128xf32, #tpu.memory_space<hbm>> -> memref<50x128xf32, #tpu.memory_space<hbm>>
      %dma_start3A_569 = arith.constant 0 : i32
      %dma_start3A_570 = arith.constant 0 : i32
      %dma_start3A_571 = tpu.memref_slice %arg5[%add3A_559, %dma_start3A_569, %dma_start3A_570] : memref<4096x50x128xf32, #tpu.memory_space<hbm>> -> memref<1x50x128xf32, #tpu.memory_space<hbm>>
      %dma_start3A_572 = tpu.memref_squeeze %dma_start3A_571 : memref<1x50x128xf32, #tpu.memory_space<hbm>> -> memref<50x128xf32, #tpu.memory_space<hbm>>
      %dma_start3A_573 = arith.constant 100 : i32
      %dma_start3A_574 = arith.constant 0 : i32
      %dma_start3A_575 = tpu.memref_slice %arg7[%dma_start3A_560, %dma_start3A_573, %dma_start3A_574] : memref<4x200x128xf32, #tpu.memory_space<vmem>> -> memref<1x50x128xf32, #tpu.memory_space<vmem>>
      %dma_start3A_576 = tpu.memref_squeeze %dma_start3A_575 : memref<1x50x128xf32, #tpu.memory_space<vmem>> -> memref<50x128xf32, #tpu.memory_space<vmem>>
      tpu.enqueue_dma source(%dma_start3A_576 : memref<50x128xf32, #tpu.memory_space<vmem>>) target(%dma_start3A_572 : memref<50x128xf32, #tpu.memory_space<hbm>>) target_semaphore(%arg13 : memref<!tpu.dma_semaphore, #tpu.memory_space<semaphore_mem>>)
      %add3A_577 = arith.constant 3 : i32
      %add3A_578 = arith.addi %select_n3A_519, %add3A_577 : i32
      %dma_start3A_579 = arith.constant 0 : i32
      %dma_start3A_580 = arith.constant 150 : i32
      %dma_start3A_581 = arith.constant 0 : i32
      %dma_start3A_582 = tpu.memref_slice %arg7[%dma_start3A_579, %dma_start3A_580, %dma_start3A_581] : memref<4x200x128xf32, #tpu.memory_space<vmem>> -> memref<1x50x128xf32, #tpu.memory_space<vmem>>
      %dma_start3A_583 = tpu.memref_squeeze %dma_start3A_582 : memref<1x50x128xf32, #tpu.memory_space<vmem>> -> memref<50x128xf32, #tpu.memory_space<vmem>>
      %dma_start3A_584 = arith.constant 0 : i32
      %dma_start3A_585 = arith.constant 0 : i32
      %dma_start3A_586 = tpu.memref_slice %arg5[%add3A_578, %dma_start3A_584, %dma_start3A_585] : memref<4096x50x128xf32, #tpu.memory_space<hbm>> -> memref<1x50x128xf32, #tpu.memory_space<hbm>>
      %dma_start3A_587 = tpu.memref_squeeze %dma_start3A_586 : memref<1x50x128xf32, #tpu.memory_space<hbm>> -> memref<50x128xf32, #tpu.memory_space<hbm>>
      %dma_start3A_588 = arith.constant 0 : i32
      %dma_start3A_589 = arith.constant 0 : i32
      %dma_start3A_590 = tpu.memref_slice %arg5[%add3A_578, %dma_start3A_588, %dma_start3A_589] : memref<4096x50x128xf32, #tpu.memory_space<hbm>> -> memref<1x50x128xf32, #tpu.memory_space<hbm>>
      %dma_start3A_591 = tpu.memref_squeeze %dma_start3A_590 : memref<1x50x128xf32, #tpu.memory_space<hbm>> -> memref<50x128xf32, #tpu.memory_space<hbm>>
      %dma_start3A_592 = arith.constant 150 : i32
      %dma_start3A_593 = arith.constant 0 : i32
      %dma_start3A_594 = tpu.memref_slice %arg7[%dma_start3A_579, %dma_start3A_592, %dma_start3A_593] : memref<4x200x128xf32, #tpu.memory_space<vmem>> -> memref<1x50x128xf32, #tpu.memory_space<vmem>>
      %dma_start3A_595 = tpu.memref_squeeze %dma_start3A_594 : memref<1x50x128xf32, #tpu.memory_space<vmem>> -> memref<50x128xf32, #tpu.memory_space<vmem>>
      tpu.enqueue_dma source(%dma_start3A_595 : memref<50x128xf32, #tpu.memory_space<vmem>>) target(%dma_start3A_591 : memref<50x128xf32, #tpu.memory_space<hbm>>) target_semaphore(%arg13 : memref<!tpu.dma_semaphore, #tpu.memory_space<semaphore_mem>>)
      %mul3A_596 = arith.constant 4 : i32
      %mul3A_597 = arith.muli %scan3A_449, %mul3A_596 : i32
      %add3A_598 = arith.constant 1 : i32
      %add3A_599 = arith.addi %mul3A_597, %add3A_598 : i32
      %add3A_600 = arith.constant 2 : i32
      %add3A_601 = arith.addi %add3A_599, %add3A_600 : i32
      %lt3A_602 = arith.constant 32 : i32
      %lt3A_603 = arith.cmpi slt, %add3A_601, %lt3A_602 : i32
      %convert_element_type3A_604 = arith.extui %lt3A_603 : i1 to i32
      %cond3A_605 = arith.constant 0 : i32
      %cond3A_606 = arith.cmpi ne, %convert_element_type3A_604, %cond3A_605 : i32
      scf.if %cond3A_606 {
        %ge3A = arith.constant 2 : i32
        %ge3A_1043 = arith.cmpi sge, %add3A_599, %ge3A : i32
        %convert_element_type3A_1044 = arith.extui %ge3A_1043 : i1 to i32
        %cond3A_1045 = arith.constant 0 : i32
        %cond3A_1046 = arith.cmpi ne, %convert_element_type3A_1044, %cond3A_1045 : i32
        scf.if %cond3A_1046 {
          %sub3A_1077 = arith.constant 2 : i32
          %sub3A_1078 = arith.subi %add3A_599, %sub3A_1077 : i32
          %mul3A_1079 = arith.constant 200 : i32
          %mul3A_1080 = arith.muli %sub3A_1078, %mul3A_1079 : i32
          %add3A_1081 = arith.addi %mul3A_2, %mul3A_1080 : i32
          %jit3A_1082 = arith.constant 50 : i32
          %div3A_1083 = arith.divsi %add3A_1081, %jit3A_1082 : i32
          %sign3A_1084 = arith.constant 0 : i32
          %sign3A_1085 = arith.cmpi sgt, %add3A_1081, %sign3A_1084 : i32
          %sign3A_1086 = arith.extui %sign3A_1085 : i1 to i32
          %sign3A_1087 = arith.constant 0 : i32
          %sign3A_1088 = arith.cmpi slt, %add3A_1081, %sign3A_1087 : i32
          %sign3A_1089 = arith.extui %sign3A_1088 : i1 to i32
          %sign3A_1090 = arith.subi %sign3A_1086, %sign3A_1089 : i32
          %sign3A_1091 = arith.constant 0 : i32
          %sign3A_1092 = arith.cmpi sgt, %jit3A_1082, %sign3A_1091 : i32
          %sign3A_1093 = arith.extui %sign3A_1092 : i1 to i32
          %sign3A_1094 = arith.constant 0 : i32
          %sign3A_1095 = arith.cmpi slt, %jit3A_1082, %sign3A_1094 : i32
          %sign3A_1096 = arith.extui %sign3A_1095 : i1 to i32
          %sign3A_1097 = arith.subi %sign3A_1093, %sign3A_1096 : i32
          %ne3A_1098 = arith.cmpi ne, %sign3A_1090, %sign3A_1097 : i32
          %rem3A_1099 = arith.remsi %add3A_1081, %jit3A_1082 : i32
          %ne3A_1100 = arith.constant 0 : i32
          %ne3A_1101 = arith.cmpi ne, %rem3A_1099, %ne3A_1100 : i32
          %and3A_1102 = arith.andi %ne3A_1098, %ne3A_1101 : i1
          %sub3A_1103 = arith.constant 1 : i32
          %sub3A_1104 = arith.subi %div3A_1083, %sub3A_1103 : i32
          %select_n3A_1105 = arith.select %and3A_1102, %sub3A_1104, %div3A_1083 : i32
          %add3A_1106 = arith.constant 0 : i32
          %add3A_1107 = arith.addi %select_n3A_1105, %add3A_1106 : i32
          %dma_wait3A_1108 = arith.constant 3 : i32
          %dma_wait3A_1109 = arith.constant 0 : i32
          %dma_wait3A_1110 = arith.constant 0 : i32
          %dma_wait3A_1111 = tpu.memref_slice %arg7[%dma_wait3A_1108, %dma_wait3A_1109, %dma_wait3A_1110] : memref<4x200x128xf32, #tpu.memory_space<vmem>> -> memref<1x50x128xf32, #tpu.memory_space<vmem>>
          %dma_wait3A_1112 = tpu.memref_squeeze %dma_wait3A_1111 : memref<1x50x128xf32, #tpu.memory_space<vmem>> -> memref<50x128xf32, #tpu.memory_space<vmem>>
          %dma_wait3A_1113 = arith.constant 0 : i32
          %dma_wait3A_1114 = arith.constant 0 : i32
          %dma_wait3A_1115 = tpu.memref_slice %arg5[%add3A_1107, %dma_wait3A_1113, %dma_wait3A_1114] : memref<4096x50x128xf32, #tpu.memory_space<hbm>> -> memref<1x50x128xf32, #tpu.memory_space<hbm>>
          %dma_wait3A_1116 = tpu.memref_squeeze %dma_wait3A_1115 : memref<1x50x128xf32, #tpu.memory_space<hbm>> -> memref<50x128xf32, #tpu.memory_space<hbm>>
          %dma_wait3A_1117 = arith.constant 0 : i32
          %dma_wait3A_1118 = arith.constant 0 : i32
          %dma_wait3A_1119 = tpu.memref_slice %arg5[%add3A_1107, %dma_wait3A_1117, %dma_wait3A_1118] : memref<4096x50x128xf32, #tpu.memory_space<hbm>> -> memref<1x50x128xf32, #tpu.memory_space<hbm>>
          %dma_wait3A_1120 = tpu.memref_squeeze %dma_wait3A_1119 : memref<1x50x128xf32, #tpu.memory_space<hbm>> -> memref<50x128xf32, #tpu.memory_space<hbm>>
          %dma_wait3A_1121 = arith.constant 0 : i32
          %dma_wait3A_1122 = arith.constant 0 : i32
          %dma_wait3A_1123 = tpu.memref_slice %arg7[%dma_wait3A_1108, %dma_wait3A_1121, %dma_wait3A_1122] : memref<4x200x128xf32, #tpu.memory_space<vmem>> -> memref<1x50x128xf32, #tpu.memory_space<vmem>>
          %dma_wait3A_1124 = tpu.memref_squeeze %dma_wait3A_1123 : memref<1x50x128xf32, #tpu.memory_space<vmem>> -> memref<50x128xf32, #tpu.memory_space<vmem>>
          tpu.wait_dma2 semaphore(%arg16 : memref<!tpu.dma_semaphore, #tpu.memory_space<semaphore_mem>>) src(%dma_wait3A_1124 : memref<50x128xf32, #tpu.memory_space<vmem>>) dst(%dma_wait3A_1120 : memref<50x128xf32, #tpu.memory_space<hbm>>)
          %add3A_1125 = arith.constant 1 : i32
          %add3A_1126 = arith.addi %select_n3A_1105, %add3A_1125 : i32
          %dma_wait3A_1127 = arith.constant 3 : i32
          %dma_wait3A_1128 = arith.constant 50 : i32
          %dma_wait3A_1129 = arith.constant 0 : i32
          %dma_wait3A_1130 = tpu.memref_slice %arg7[%dma_wait3A_1127, %dma_wait3A_1128, %dma_wait3A_1129] : memref<4x200x128xf32, #tpu.memory_space<vmem>> -> memref<1x50x128xf32, #tpu.memory_space<vmem>>
          %dma_wait3A_1131 = tpu.memref_squeeze %dma_wait3A_1130 : memref<1x50x128xf32, #tpu.memory_space<vmem>> -> memref<50x128xf32, #tpu.memory_space<vmem>>
          %dma_wait3A_1132 = arith.constant 0 : i32
          %dma_wait3A_1133 = arith.constant 0 : i32
          %dma_wait3A_1134 = tpu.memref_slice %arg5[%add3A_1126, %dma_wait3A_1132, %dma_wait3A_1133] : memref<4096x50x128xf32, #tpu.memory_space<hbm>> -> memref<1x50x128xf32, #tpu.memory_space<hbm>>
          %dma_wait3A_1135 = tpu.memref_squeeze %dma_wait3A_1134 : memref<1x50x128xf32, #tpu.memory_space<hbm>> -> memref<50x128xf32, #tpu.memory_space<hbm>>
          %dma_wait3A_1136 = arith.constant 0 : i32
          %dma_wait3A_1137 = arith.constant 0 : i32
          %dma_wait3A_1138 = tpu.memref_slice %arg5[%add3A_1126, %dma_wait3A_1136, %dma_wait3A_1137] : memref<4096x50x128xf32, #tpu.memory_space<hbm>> -> memref<1x50x128xf32, #tpu.memory_space<hbm>>
          %dma_wait3A_1139 = tpu.memref_squeeze %dma_wait3A_1138 : memref<1x50x128xf32, #tpu.memory_space<hbm>> -> memref<50x128xf32, #tpu.memory_space<hbm>>
          %dma_wait3A_1140 = arith.constant 50 : i32
          %dma_wait3A_1141 = arith.constant 0 : i32
          %dma_wait3A_1142 = tpu.memref_slice %arg7[%dma_wait3A_1127, %dma_wait3A_1140, %dma_wait3A_1141] : memref<4x200x128xf32, #tpu.memory_space<vmem>> -> memref<1x50x128xf32, #tpu.memory_space<vmem>>
          %dma_wait3A_1143 = tpu.memref_squeeze %dma_wait3A_1142 : memref<1x50x128xf32, #tpu.memory_space<vmem>> -> memref<50x128xf32, #tpu.memory_space<vmem>>
          tpu.wait_dma2 semaphore(%arg16 : memref<!tpu.dma_semaphore, #tpu.memory_space<semaphore_mem>>) src(%dma_wait3A_1143 : memref<50x128xf32, #tpu.memory_space<vmem>>) dst(%dma_wait3A_1139 : memref<50x128xf32, #tpu.memory_space<hbm>>)
          %add3A_1144 = arith.constant 2 : i32
          %add3A_1145 = arith.addi %select_n3A_1105, %add3A_1144 : i32
          %dma_wait3A_1146 = arith.constant 3 : i32
          %dma_wait3A_1147 = arith.constant 100 : i32
          %dma_wait3A_1148 = arith.constant 0 : i32
          %dma_wait3A_1149 = tpu.memref_slice %arg7[%dma_wait3A_1146, %dma_wait3A_1147, %dma_wait3A_1148] : memref<4x200x128xf32, #tpu.memory_space<vmem>> -> memref<1x50x128xf32, #tpu.memory_space<vmem>>
          %dma_wait3A_1150 = tpu.memref_squeeze %dma_wait3A_1149 : memref<1x50x128xf32, #tpu.memory_space<vmem>> -> memref<50x128xf32, #tpu.memory_space<vmem>>
          %dma_wait3A_1151 = arith.constant 0 : i32
          %dma_wait3A_1152 = arith.constant 0 : i32
          %dma_wait3A_1153 = tpu.memref_slice %arg5[%add3A_1145, %dma_wait3A_1151, %dma_wait3A_1152] : memref<4096x50x128xf32, #tpu.memory_space<hbm>> -> memref<1x50x128xf32, #tpu.memory_space<hbm>>
          %dma_wait3A_1154 = tpu.memref_squeeze %dma_wait3A_1153 : memref<1x50x128xf32, #tpu.memory_space<hbm>> -> memref<50x128xf32, #tpu.memory_space<hbm>>
          %dma_wait3A_1155 = arith.constant 0 : i32
          %dma_wait3A_1156 = arith.constant 0 : i32
          %dma_wait3A_1157 = tpu.memref_slice %arg5[%add3A_1145, %dma_wait3A_1155, %dma_wait3A_1156] : memref<4096x50x128xf32, #tpu.memory_space<hbm>> -> memref<1x50x128xf32, #tpu.memory_space<hbm>>
          %dma_wait3A_1158 = tpu.memref_squeeze %dma_wait3A_1157 : memref<1x50x128xf32, #tpu.memory_space<hbm>> -> memref<50x128xf32, #tpu.memory_space<hbm>>
          %dma_wait3A_1159 = arith.constant 100 : i32
          %dma_wait3A_1160 = arith.constant 0 : i32
          %dma_wait3A_1161 = tpu.memref_slice %arg7[%dma_wait3A_1146, %dma_wait3A_1159, %dma_wait3A_1160] : memref<4x200x128xf32, #tpu.memory_space<vmem>> -> memref<1x50x128xf32, #tpu.memory_space<vmem>>
          %dma_wait3A_1162 = tpu.memref_squeeze %dma_wait3A_1161 : memref<1x50x128xf32, #tpu.memory_space<vmem>> -> memref<50x128xf32, #tpu.memory_space<vmem>>
          tpu.wait_dma2 semaphore(%arg16 : memref<!tpu.dma_semaphore, #tpu.memory_space<semaphore_mem>>) src(%dma_wait3A_1162 : memref<50x128xf32, #tpu.memory_space<vmem>>) dst(%dma_wait3A_1158 : memref<50x128xf32, #tpu.memory_space<hbm>>)
          %add3A_1163 = arith.constant 3 : i32
          %add3A_1164 = arith.addi %select_n3A_1105, %add3A_1163 : i32
          %dma_wait3A_1165 = arith.constant 3 : i32
          %dma_wait3A_1166 = arith.constant 150 : i32
          %dma_wait3A_1167 = arith.constant 0 : i32
          %dma_wait3A_1168 = tpu.memref_slice %arg7[%dma_wait3A_1165, %dma_wait3A_1166, %dma_wait3A_1167] : memref<4x200x128xf32, #tpu.memory_space<vmem>> -> memref<1x50x128xf32, #tpu.memory_space<vmem>>
          %dma_wait3A_1169 = tpu.memref_squeeze %dma_wait3A_1168 : memref<1x50x128xf32, #tpu.memory_space<vmem>> -> memref<50x128xf32, #tpu.memory_space<vmem>>
          %dma_wait3A_1170 = arith.constant 0 : i32
          %dma_wait3A_1171 = arith.constant 0 : i32
          %dma_wait3A_1172 = tpu.memref_slice %arg5[%add3A_1164, %dma_wait3A_1170, %dma_wait3A_1171] : memref<4096x50x128xf32, #tpu.memory_space<hbm>> -> memref<1x50x128xf32, #tpu.memory_space<hbm>>
          %dma_wait3A_1173 = tpu.memref_squeeze %dma_wait3A_1172 : memref<1x50x128xf32, #tpu.memory_space<hbm>> -> memref<50x128xf32, #tpu.memory_space<hbm>>
          %dma_wait3A_1174 = arith.constant 0 : i32
          %dma_wait3A_1175 = arith.constant 0 : i32
          %dma_wait3A_1176 = tpu.memref_slice %arg5[%add3A_1164, %dma_wait3A_1174, %dma_wait3A_1175] : memref<4096x50x128xf32, #tpu.memory_space<hbm>> -> memref<1x50x128xf32, #tpu.memory_space<hbm>>
          %dma_wait3A_1177 = tpu.memref_squeeze %dma_wait3A_1176 : memref<1x50x128xf32, #tpu.memory_space<hbm>> -> memref<50x128xf32, #tpu.memory_space<hbm>>
          %dma_wait3A_1178 = arith.constant 150 : i32
          %dma_wait3A_1179 = arith.constant 0 : i32
          %dma_wait3A_1180 = tpu.memref_slice %arg7[%dma_wait3A_1165, %dma_wait3A_1178, %dma_wait3A_1179] : memref<4x200x128xf32, #tpu.memory_space<vmem>> -> memref<1x50x128xf32, #tpu.memory_space<vmem>>
          %dma_wait3A_1181 = tpu.memref_squeeze %dma_wait3A_1180 : memref<1x50x128xf32, #tpu.memory_space<vmem>> -> memref<50x128xf32, #tpu.memory_space<vmem>>
          tpu.wait_dma2 semaphore(%arg16 : memref<!tpu.dma_semaphore, #tpu.memory_space<semaphore_mem>>) src(%dma_wait3A_1181 : memref<50x128xf32, #tpu.memory_space<vmem>>) dst(%dma_wait3A_1177 : memref<50x128xf32, #tpu.memory_space<hbm>>)
        } else {
        }
        %add3A_1047 = arith.constant 2 : i32
        %add3A_1048 = arith.addi %add3A_599, %add3A_1047 : i32
        %mul3A_1049 = arith.constant 200 : i32
        %mul3A_1050 = arith.muli %add3A_1048, %mul3A_1049 : i32
        %add3A_1051 = arith.constant 0 : i32
        %add3A_1052 = arith.addi %mul3A_1050, %add3A_1051 : i32
        %multiple_of3A_1053 = tpu.assume_multiple %add3A_1052, 8 : i32
        %dma_start3A_1054 = arith.constant 3 : i32
        %dma_start3A_1055 = arith.constant 0 : i32
        %dma_start3A_1056 = arith.constant 0 : i32
        %dma_start3A_1057 = tpu.memref_slice %arg7[%dma_start3A_1054, %dma_start3A_1055, %dma_start3A_1056] : memref<4x200x128xf32, #tpu.memory_space<vmem>> -> memref<1x104x128xf32, #tpu.memory_space<vmem>>
        %dma_start3A_1058 = tpu.memref_squeeze %dma_start3A_1057 : memref<1x104x128xf32, #tpu.memory_space<vmem>> -> memref<104x128xf32, #tpu.memory_space<vmem>>
        %dma_start3A_1059 = tpu.memref_slice %arg6[%multiple_of3A_1053] : memref<6400xi32, #tpu.memory_space<vmem>> -> memref<104xi32, #tpu.memory_space<vmem>>
        %dma_start3A_1060 = arith.constant 0 : i32
        %dma_start3A_1061 = arith.constant 0 : i32
        %dma_start3A_1062 = tpu.memref_slice %arg3[%dma_start3A_1060, %dma_start3A_1061] : memref<100000x128xf32, #tpu.memory_space<hbm>> -> memref<100000x128xf32, #tpu.memory_space<hbm>>
        tpu.enqueue_indirect_dma source(%dma_start3A_1062 : memref<100000x128xf32, #tpu.memory_space<hbm>>) target(%dma_start3A_1058 : memref<104x128xf32, #tpu.memory_space<vmem>>) offsets(%dma_start3A_1059 : memref<104xi32, #tpu.memory_space<vmem>>) semaphore(%arg12 : memref<!tpu.dma_semaphore, #tpu.memory_space<semaphore_mem>>)
        %mul3A_1063 = arith.constant 200 : i32
        %mul3A_1064 = arith.muli %add3A_1048, %mul3A_1063 : i32
        %add3A_1065 = arith.constant 104 : i32
        %add3A_1066 = arith.addi %mul3A_1064, %add3A_1065 : i32
        %multiple_of3A_1067 = tpu.assume_multiple %add3A_1066, 8 : i32
        %dma_start3A_1068 = arith.constant 3 : i32
        %dma_start3A_1069 = arith.constant 104 : i32
        %dma_start3A_1070 = arith.constant 0 : i32
        %dma_start3A_1071 = tpu.memref_slice %arg7[%dma_start3A_1068, %dma_start3A_1069, %dma_start3A_1070] : memref<4x200x128xf32, #tpu.memory_space<vmem>> -> memref<1x96x128xf32, #tpu.memory_space<vmem>>
        %dma_start3A_1072 = tpu.memref_squeeze %dma_start3A_1071 : memref<1x96x128xf32, #tpu.memory_space<vmem>> -> memref<96x128xf32, #tpu.memory_space<vmem>>
        %dma_start3A_1073 = tpu.memref_slice %arg6[%multiple_of3A_1067] : memref<6400xi32, #tpu.memory_space<vmem>> -> memref<96xi32, #tpu.memory_space<vmem>>
        %dma_start3A_1074 = arith.constant 0 : i32
        %dma_start3A_1075 = arith.constant 0 : i32
        %dma_start3A_1076 = tpu.memref_slice %arg3[%dma_start3A_1074, %dma_start3A_1075] : memref<100000x128xf32, #tpu.memory_space<hbm>> -> memref<100000x128xf32, #tpu.memory_space<hbm>>
        tpu.enqueue_indirect_dma source(%dma_start3A_1076 : memref<100000x128xf32, #tpu.memory_space<hbm>>) target(%dma_start3A_1072 : memref<96x128xf32, #tpu.memory_space<vmem>>) offsets(%dma_start3A_1073 : memref<96xi32, #tpu.memory_space<vmem>>) semaphore(%arg12 : memref<!tpu.dma_semaphore, #tpu.memory_space<semaphore_mem>>)
      } else {
      }
      %mul3A_607 = arith.constant 200 : i32
      %mul3A_608 = arith.muli %add3A_599, %mul3A_607 : i32
      %add3A_609 = arith.constant 0 : i32
      %add3A_610 = arith.addi %mul3A_608, %add3A_609 : i32
      %multiple_of3A_611 = tpu.assume_multiple %add3A_610, 8 : i32
      %dma_wait3A_612 = arith.constant 1 : i32
      %dma_wait3A_613 = arith.constant 0 : i32
      %dma_wait3A_614 = arith.constant 0 : i32
      %dma_wait3A_615 = tpu.memref_slice %arg7[%dma_wait3A_612, %dma_wait3A_613, %dma_wait3A_614] : memref<4x200x128xf32, #tpu.memory_space<vmem>> -> memref<1x104x128xf32, #tpu.memory_space<vmem>>
      %dma_wait3A_616 = tpu.memref_squeeze %dma_wait3A_615 : memref<1x104x128xf32, #tpu.memory_space<vmem>> -> memref<104x128xf32, #tpu.memory_space<vmem>>
      %dma_wait3A_617 = tpu.memref_slice %arg6[%multiple_of3A_611] : memref<6400xi32, #tpu.memory_space<vmem>> -> memref<104xi32, #tpu.memory_space<vmem>>
      %dma_wait3A_618 = arith.constant 0 : i32
      %dma_wait3A_619 = arith.constant 0 : i32
      %dma_wait3A_620 = tpu.memref_slice %arg3[%dma_wait3A_618, %dma_wait3A_619] : memref<100000x128xf32, #tpu.memory_space<hbm>> -> memref<100000x128xf32, #tpu.memory_space<hbm>>
      tpu.wait_indirect_dma semaphore(%arg10 : memref<!tpu.dma_semaphore, #tpu.memory_space<semaphore_mem>>) src(%dma_wait3A_620 : memref<100000x128xf32, #tpu.memory_space<hbm>>) dst(%dma_wait3A_616 : memref<104x128xf32, #tpu.memory_space<vmem>>)
      %mul3A_621 = arith.constant 200 : i32
      %mul3A_622 = arith.muli %add3A_599, %mul3A_621 : i32
      %add3A_623 = arith.constant 104 : i32
      %add3A_624 = arith.addi %mul3A_622, %add3A_623 : i32
      %multiple_of3A_625 = tpu.assume_multiple %add3A_624, 8 : i32
      %dma_wait3A_626 = arith.constant 1 : i32
      %dma_wait3A_627 = arith.constant 104 : i32
      %dma_wait3A_628 = arith.constant 0 : i32
      %dma_wait3A_629 = tpu.memref_slice %arg7[%dma_wait3A_626, %dma_wait3A_627, %dma_wait3A_628] : memref<4x200x128xf32, #tpu.memory_space<vmem>> -> memref<1x96x128xf32, #tpu.memory_space<vmem>>
      %dma_wait3A_630 = tpu.memref_squeeze %dma_wait3A_629 : memref<1x96x128xf32, #tpu.memory_space<vmem>> -> memref<96x128xf32, #tpu.memory_space<vmem>>
      %dma_wait3A_631 = tpu.memref_slice %arg6[%multiple_of3A_625] : memref<6400xi32, #tpu.memory_space<vmem>> -> memref<96xi32, #tpu.memory_space<vmem>>
      %dma_wait3A_632 = arith.constant 0 : i32
      %dma_wait3A_633 = arith.constant 0 : i32
      %dma_wait3A_634 = tpu.memref_slice %arg3[%dma_wait3A_632, %dma_wait3A_633] : memref<100000x128xf32, #tpu.memory_space<hbm>> -> memref<100000x128xf32, #tpu.memory_space<hbm>>
      tpu.wait_indirect_dma semaphore(%arg10 : memref<!tpu.dma_semaphore, #tpu.memory_space<semaphore_mem>>) src(%dma_wait3A_634 : memref<100000x128xf32, #tpu.memory_space<hbm>>) dst(%dma_wait3A_630 : memref<96x128xf32, #tpu.memory_space<vmem>>)
      %scan3A_635 = arith.constant 0 : i32
      %scan3A_636 = arith.constant 1 : i32
      %scan3A_637 = arith.constant 0 : i32
      %scan3A_638 = arith.constant 50 : i32
      %scan3A_639 = arith.addi %scan3A_637, %scan3A_638 : i32
      %scan3A_640 = arith.constant 1 : i32
      scf.for %scan3A_1043 = %scan3A_637 to %scan3A_639 step %scan3A_640  : i32 {
        %mul3A_1044 = arith.constant 128 : i32
        %mul3A_1045 = arith.muli %scan3A_1043, %mul3A_1044 : i32
        %add3A_1046 = arith.constant 0 : i32
        %add3A_1047 = arith.addi %mul3A_1045, %add3A_1046 : i32
        %get3A = arith.index_cast %add3A_1047 : i32 to index
        %get3A_1048 = tpu.vector_load %arg8[%get3A] {strides = array<i32>} : memref<6400xf32, #tpu.memory_space<vmem>>, vector<16xf32>,
        %get3A_1049 = vector.shape_cast %get3A_1048 : vector<16xf32> to vector<16xf32>
        %mul3A_1050 = arith.constant 128 : i32
        %mul3A_1051 = arith.muli %scan3A_1043, %mul3A_1050 : i32
        %add3A_1052 = arith.constant 16 : i32
        %add3A_1053 = arith.addi %mul3A_1051, %add3A_1052 : i32
        %get3A_1054 = arith.index_cast %add3A_1053 : i32 to index
        %get3A_1055 = tpu.vector_load %arg8[%get3A_1054] {strides = array<i32>} : memref<6400xf32, #tpu.memory_space<vmem>>, vector<16xf32>,
        %get3A_1056 = vector.shape_cast %get3A_1055 : vector<16xf32> to vector<16xf32>
        %mul3A_1057 = arith.constant 128 : i32
        %mul3A_1058 = arith.muli %scan3A_1043, %mul3A_1057 : i32
        %add3A_1059 = arith.constant 32 : i32
        %add3A_1060 = arith.addi %mul3A_1058, %add3A_1059 : i32
        %get3A_1061 = arith.index_cast %add3A_1060 : i32 to index
        %get3A_1062 = tpu.vector_load %arg8[%get3A_1061] {strides = array<i32>} : memref<6400xf32, #tpu.memory_space<vmem>>, vector<16xf32>,
        %get3A_1063 = vector.shape_cast %get3A_1062 : vector<16xf32> to vector<16xf32>
        %mul3A_1064 = arith.constant 128 : i32
        %mul3A_1065 = arith.muli %scan3A_1043, %mul3A_1064 : i32
        %add3A_1066 = arith.constant 48 : i32
        %add3A_1067 = arith.addi %mul3A_1065, %add3A_1066 : i32
        %get3A_1068 = arith.index_cast %add3A_1067 : i32 to index
        %get3A_1069 = tpu.vector_load %arg8[%get3A_1068] {strides = array<i32>} : memref<6400xf32, #tpu.memory_space<vmem>>, vector<16xf32>,
        %get3A_1070 = vector.shape_cast %get3A_1069 : vector<16xf32> to vector<16xf32>
        %mul3A_1071 = arith.constant 128 : i32
        %mul3A_1072 = arith.muli %scan3A_1043, %mul3A_1071 : i32
        %add3A_1073 = arith.constant 64 : i32
        %add3A_1074 = arith.addi %mul3A_1072, %add3A_1073 : i32
        %get3A_1075 = arith.index_cast %add3A_1074 : i32 to index
        %get3A_1076 = tpu.vector_load %arg8[%get3A_1075] {strides = array<i32>} : memref<6400xf32, #tpu.memory_space<vmem>>, vector<16xf32>,
        %get3A_1077 = vector.shape_cast %get3A_1076 : vector<16xf32> to vector<16xf32>
        %mul3A_1078 = arith.constant 128 : i32
        %mul3A_1079 = arith.muli %scan3A_1043, %mul3A_1078 : i32
        %add3A_1080 = arith.constant 80 : i32
        %add3A_1081 = arith.addi %mul3A_1079, %add3A_1080 : i32
        %get3A_1082 = arith.index_cast %add3A_1081 : i32 to index
        %get3A_1083 = tpu.vector_load %arg8[%get3A_1082] {strides = array<i32>} : memref<6400xf32, #tpu.memory_space<vmem>>, vector<16xf32>,
        %get3A_1084 = vector.shape_cast %get3A_1083 : vector<16xf32> to vector<16xf32>
        %mul3A_1085 = arith.constant 128 : i32
        %mul3A_1086 = arith.muli %scan3A_1043, %mul3A_1085 : i32
        %add3A_1087 = arith.constant 96 : i32
        %add3A_1088 = arith.addi %mul3A_1086, %add3A_1087 : i32
        %get3A_1089 = arith.index_cast %add3A_1088 : i32 to index
        %get3A_1090 = tpu.vector_load %arg8[%get3A_1089] {strides = array<i32>} : memref<6400xf32, #tpu.memory_space<vmem>>, vector<16xf32>,
        %get3A_1091 = vector.shape_cast %get3A_1090 : vector<16xf32> to vector<16xf32>
        %mul3A_1092 = arith.constant 128 : i32
        %mul3A_1093 = arith.muli %scan3A_1043, %mul3A_1092 : i32
        %add3A_1094 = arith.constant 112 : i32
        %add3A_1095 = arith.addi %mul3A_1093, %add3A_1094 : i32
        %get3A_1096 = arith.index_cast %add3A_1095 : i32 to index
        %get3A_1097 = tpu.vector_load %arg8[%get3A_1096] {strides = array<i32>} : memref<6400xf32, #tpu.memory_space<vmem>>, vector<16xf32>,
        %get3A_1098 = vector.shape_cast %get3A_1097 : vector<16xf32> to vector<16xf32>
        %add3A_1099 = arith.constant 0 : i32
        %add3A_1100 = arith.addi %add3A_1099, %scan3A_1043 : i32
        %swap3A = arith.constant 0 : i32
        %swap3A_1101 = arith.constant 0 : i32
        %swap3A_1102 = tpu.memref_slice %arg7[%scan3A_636, %swap3A, %swap3A_1101] : memref<4x200x128xf32, #tpu.memory_space<vmem>> -> memref<1x200x128xf32, #tpu.memory_space<vmem>>
        %swap3A_1103 = tpu.memref_squeeze %swap3A_1102 : memref<1x200x128xf32, #tpu.memory_space<vmem>> -> memref<200x128xf32, #tpu.memory_space<vmem>>
        %swap3A_1104 = arith.index_cast %add3A_1100 : i32 to index
        %swap3A_1105 = arith.constant 0 : index
        %swap3A_1106 = tpu.vector_load %swap3A_1103[%swap3A_1104, %swap3A_1105] {strides = array<i32>} : memref<200x128xf32, #tpu.memory_space<vmem>>, vector<1x16xf32>,
        %swap3A_1107 = vector.shape_cast %swap3A_1106 : vector<1x16xf32> to vector<16xf32>
        %swap3A_1108 = vector.shape_cast %get3A_1049 : vector<16xf32> to vector<1x16xf32>
        tpu.vector_store %swap3A_1103[%swap3A_1104, %swap3A_1105], %swap3A_1108 {add = true, strides = array<i32>} : memref<200x128xf32, #tpu.memory_space<vmem>>, vector<1x16xf32>,
        %add3A_1109 = arith.constant 0 : i32
        %add3A_1110 = arith.addi %add3A_1109, %scan3A_1043 : i32
        %swap3A_1111 = arith.constant 0 : i32
        %swap3A_1112 = arith.constant 0 : i32
        %swap3A_1113 = tpu.memref_slice %arg7[%scan3A_636, %swap3A_1111, %swap3A_1112] : memref<4x200x128xf32, #tpu.memory_space<vmem>> -> memref<1x200x128xf32, #tpu.memory_space<vmem>>
        %swap3A_1114 = tpu.memref_squeeze %swap3A_1113 : memref<1x200x128xf32, #tpu.memory_space<vmem>> -> memref<200x128xf32, #tpu.memory_space<vmem>>
        %swap3A_1115 = arith.index_cast %add3A_1110 : i32 to index
        %swap3A_1116 = arith.constant 16 : index
        %swap3A_1117 = tpu.vector_load %swap3A_1114[%swap3A_1115, %swap3A_1116] {strides = array<i32>} : memref<200x128xf32, #tpu.memory_space<vmem>>, vector<1x16xf32>,
        %swap3A_1118 = vector.shape_cast %swap3A_1117 : vector<1x16xf32> to vector<16xf32>
        %swap3A_1119 = vector.shape_cast %get3A_1056 : vector<16xf32> to vector<1x16xf32>
        tpu.vector_store %swap3A_1114[%swap3A_1115, %swap3A_1116], %swap3A_1119 {add = true, strides = array<i32>} : memref<200x128xf32, #tpu.memory_space<vmem>>, vector<1x16xf32>,
        %add3A_1120 = arith.constant 0 : i32
        %add3A_1121 = arith.addi %add3A_1120, %scan3A_1043 : i32
        %swap3A_1122 = arith.constant 0 : i32
        %swap3A_1123 = arith.constant 0 : i32
        %swap3A_1124 = tpu.memref_slice %arg7[%scan3A_636, %swap3A_1122, %swap3A_1123] : memref<4x200x128xf32, #tpu.memory_space<vmem>> -> memref<1x200x128xf32, #tpu.memory_space<vmem>>
        %swap3A_1125 = tpu.memref_squeeze %swap3A_1124 : memref<1x200x128xf32, #tpu.memory_space<vmem>> -> memref<200x128xf32, #tpu.memory_space<vmem>>
        %swap3A_1126 = arith.index_cast %add3A_1121 : i32 to index
        %swap3A_1127 = arith.constant 32 : index
        %swap3A_1128 = tpu.vector_load %swap3A_1125[%swap3A_1126, %swap3A_1127] {strides = array<i32>} : memref<200x128xf32, #tpu.memory_space<vmem>>, vector<1x16xf32>,
        %swap3A_1129 = vector.shape_cast %swap3A_1128 : vector<1x16xf32> to vector<16xf32>
        %swap3A_1130 = vector.shape_cast %get3A_1063 : vector<16xf32> to vector<1x16xf32>
        tpu.vector_store %swap3A_1125[%swap3A_1126, %swap3A_1127], %swap3A_1130 {add = true, strides = array<i32>} : memref<200x128xf32, #tpu.memory_space<vmem>>, vector<1x16xf32>,
        %add3A_1131 = arith.constant 0 : i32
        %add3A_1132 = arith.addi %add3A_1131, %scan3A_1043 : i32
        %swap3A_1133 = arith.constant 0 : i32
        %swap3A_1134 = arith.constant 0 : i32
        %swap3A_1135 = tpu.memref_slice %arg7[%scan3A_636, %swap3A_1133, %swap3A_1134] : memref<4x200x128xf32, #tpu.memory_space<vmem>> -> memref<1x200x128xf32, #tpu.memory_space<vmem>>
        %swap3A_1136 = tpu.memref_squeeze %swap3A_1135 : memref<1x200x128xf32, #tpu.memory_space<vmem>> -> memref<200x128xf32, #tpu.memory_space<vmem>>
        %swap3A_1137 = arith.index_cast %add3A_1132 : i32 to index
        %swap3A_1138 = arith.constant 48 : index
        %swap3A_1139 = tpu.vector_load %swap3A_1136[%swap3A_1137, %swap3A_1138] {strides = array<i32>} : memref<200x128xf32, #tpu.memory_space<vmem>>, vector<1x16xf32>,
        %swap3A_1140 = vector.shape_cast %swap3A_1139 : vector<1x16xf32> to vector<16xf32>
        %swap3A_1141 = vector.shape_cast %get3A_1070 : vector<16xf32> to vector<1x16xf32>
        tpu.vector_store %swap3A_1136[%swap3A_1137, %swap3A_1138], %swap3A_1141 {add = true, strides = array<i32>} : memref<200x128xf32, #tpu.memory_space<vmem>>, vector<1x16xf32>,
        %add3A_1142 = arith.constant 0 : i32
        %add3A_1143 = arith.addi %add3A_1142, %scan3A_1043 : i32
        %swap3A_1144 = arith.constant 0 : i32
        %swap3A_1145 = arith.constant 0 : i32
        %swap3A_1146 = tpu.memref_slice %arg7[%scan3A_636, %swap3A_1144, %swap3A_1145] : memref<4x200x128xf32, #tpu.memory_space<vmem>> -> memref<1x200x128xf32, #tpu.memory_space<vmem>>
        %swap3A_1147 = tpu.memref_squeeze %swap3A_1146 : memref<1x200x128xf32, #tpu.memory_space<vmem>> -> memref<200x128xf32, #tpu.memory_space<vmem>>
        %swap3A_1148 = arith.index_cast %add3A_1143 : i32 to index
        %swap3A_1149 = arith.constant 64 : index
        %swap3A_1150 = tpu.vector_load %swap3A_1147[%swap3A_1148, %swap3A_1149] {strides = array<i32>} : memref<200x128xf32, #tpu.memory_space<vmem>>, vector<1x16xf32>,
        %swap3A_1151 = vector.shape_cast %swap3A_1150 : vector<1x16xf32> to vector<16xf32>
        %swap3A_1152 = vector.shape_cast %get3A_1077 : vector<16xf32> to vector<1x16xf32>
        tpu.vector_store %swap3A_1147[%swap3A_1148, %swap3A_1149], %swap3A_1152 {add = true, strides = array<i32>} : memref<200x128xf32, #tpu.memory_space<vmem>>, vector<1x16xf32>,
        %add3A_1153 = arith.constant 0 : i32
        %add3A_1154 = arith.addi %add3A_1153, %scan3A_1043 : i32
        %swap3A_1155 = arith.constant 0 : i32
        %swap3A_1156 = arith.constant 0 : i32
        %swap3A_1157 = tpu.memref_slice %arg7[%scan3A_636, %swap3A_1155, %swap3A_1156] : memref<4x200x128xf32, #tpu.memory_space<vmem>> -> memref<1x200x128xf32, #tpu.memory_space<vmem>>
        %swap3A_1158 = tpu.memref_squeeze %swap3A_1157 : memref<1x200x128xf32, #tpu.memory_space<vmem>> -> memref<200x128xf32, #tpu.memory_space<vmem>>
        %swap3A_1159 = arith.index_cast %add3A_1154 : i32 to index
        %swap3A_1160 = arith.constant 80 : index
        %swap3A_1161 = tpu.vector_load %swap3A_1158[%swap3A_1159, %swap3A_1160] {strides = array<i32>} : memref<200x128xf32, #tpu.memory_space<vmem>>, vector<1x16xf32>,
        %swap3A_1162 = vector.shape_cast %swap3A_1161 : vector<1x16xf32> to vector<16xf32>
        %swap3A_1163 = vector.shape_cast %get3A_1084 : vector<16xf32> to vector<1x16xf32>
        tpu.vector_store %swap3A_1158[%swap3A_1159, %swap3A_1160], %swap3A_1163 {add = true, strides = array<i32>} : memref<200x128xf32, #tpu.memory_space<vmem>>, vector<1x16xf32>,
        %add3A_1164 = arith.constant 0 : i32
        %add3A_1165 = arith.addi %add3A_1164, %scan3A_1043 : i32
        %swap3A_1166 = arith.constant 0 : i32
        %swap3A_1167 = arith.constant 0 : i32
        %swap3A_1168 = tpu.memref_slice %arg7[%scan3A_636, %swap3A_1166, %swap3A_1167] : memref<4x200x128xf32, #tpu.memory_space<vmem>> -> memref<1x200x128xf32, #tpu.memory_space<vmem>>
        %swap3A_1169 = tpu.memref_squeeze %swap3A_1168 : memref<1x200x128xf32, #tpu.memory_space<vmem>> -> memref<200x128xf32, #tpu.memory_space<vmem>>
        %swap3A_1170 = arith.index_cast %add3A_1165 : i32 to index
        %swap3A_1171 = arith.constant 96 : index
        %swap3A_1172 = tpu.vector_load %swap3A_1169[%swap3A_1170, %swap3A_1171] {strides = array<i32>} : memref<200x128xf32, #tpu.memory_space<vmem>>, vector<1x16xf32>,
        %swap3A_1173 = vector.shape_cast %swap3A_1172 : vector<1x16xf32> to vector<16xf32>
        %swap3A_1174 = vector.shape_cast %get3A_1091 : vector<16xf32> to vector<1x16xf32>
        tpu.vector_store %swap3A_1169[%swap3A_1170, %swap3A_1171], %swap3A_1174 {add = true, strides = array<i32>} : memref<200x128xf32, #tpu.memory_space<vmem>>, vector<1x16xf32>,
        %add3A_1175 = arith.constant 0 : i32
        %add3A_1176 = arith.addi %add3A_1175, %scan3A_1043 : i32
        %swap3A_1177 = arith.constant 0 : i32
        %swap3A_1178 = arith.constant 0 : i32
        %swap3A_1179 = tpu.memref_slice %arg7[%scan3A_636, %swap3A_1177, %swap3A_1178] : memref<4x200x128xf32, #tpu.memory_space<vmem>> -> memref<1x200x128xf32, #tpu.memory_space<vmem>>
        %swap3A_1180 = tpu.memref_squeeze %swap3A_1179 : memref<1x200x128xf32, #tpu.memory_space<vmem>> -> memref<200x128xf32, #tpu.memory_space<vmem>>
        %swap3A_1181 = arith.index_cast %add3A_1176 : i32 to index
        %swap3A_1182 = arith.constant 112 : index
        %swap3A_1183 = tpu.vector_load %swap3A_1180[%swap3A_1181, %swap3A_1182] {strides = array<i32>} : memref<200x128xf32, #tpu.memory_space<vmem>>, vector<1x16xf32>,
        %swap3A_1184 = vector.shape_cast %swap3A_1183 : vector<1x16xf32> to vector<16xf32>
        %swap3A_1185 = vector.shape_cast %get3A_1098 : vector<16xf32> to vector<1x16xf32>
        tpu.vector_store %swap3A_1180[%swap3A_1181, %swap3A_1182], %swap3A_1185 {add = true, strides = array<i32>} : memref<200x128xf32, #tpu.memory_space<vmem>>, vector<1x16xf32>,
        %add3A_1186 = arith.constant 50 : i32
        %add3A_1187 = arith.addi %add3A_1186, %scan3A_1043 : i32
        %swap3A_1188 = arith.constant 0 : i32
        %swap3A_1189 = arith.constant 0 : i32
        %swap3A_1190 = tpu.memref_slice %arg7[%scan3A_636, %swap3A_1188, %swap3A_1189] : memref<4x200x128xf32, #tpu.memory_space<vmem>> -> memref<1x200x128xf32, #tpu.memory_space<vmem>>
        %swap3A_1191 = tpu.memref_squeeze %swap3A_1190 : memref<1x200x128xf32, #tpu.memory_space<vmem>> -> memref<200x128xf32, #tpu.memory_space<vmem>>
        %swap3A_1192 = arith.index_cast %add3A_1187 : i32 to index
        %swap3A_1193 = arith.constant 0 : index
        %swap3A_1194 = tpu.vector_load %swap3A_1191[%swap3A_1192, %swap3A_1193] {strides = array<i32>} : memref<200x128xf32, #tpu.memory_space<vmem>>, vector<1x16xf32>,
        %swap3A_1195 = vector.shape_cast %swap3A_1194 : vector<1x16xf32> to vector<16xf32>
        %swap3A_1196 = vector.shape_cast %get3A_1049 : vector<16xf32> to vector<1x16xf32>
        tpu.vector_store %swap3A_1191[%swap3A_1192, %swap3A_1193], %swap3A_1196 {add = true, strides = array<i32>} : memref<200x128xf32, #tpu.memory_space<vmem>>, vector<1x16xf32>,
        %add3A_1197 = arith.constant 50 : i32
        %add3A_1198 = arith.addi %add3A_1197, %scan3A_1043 : i32
        %swap3A_1199 = arith.constant 0 : i32
        %swap3A_1200 = arith.constant 0 : i32
        %swap3A_1201 = tpu.memref_slice %arg7[%scan3A_636, %swap3A_1199, %swap3A_1200] : memref<4x200x128xf32, #tpu.memory_space<vmem>> -> memref<1x200x128xf32, #tpu.memory_space<vmem>>
        %swap3A_1202 = tpu.memref_squeeze %swap3A_1201 : memref<1x200x128xf32, #tpu.memory_space<vmem>> -> memref<200x128xf32, #tpu.memory_space<vmem>>
        %swap3A_1203 = arith.index_cast %add3A_1198 : i32 to index
        %swap3A_1204 = arith.constant 16 : index
        %swap3A_1205 = tpu.vector_load %swap3A_1202[%swap3A_1203, %swap3A_1204] {strides = array<i32>} : memref<200x128xf32, #tpu.memory_space<vmem>>, vector<1x16xf32>,
        %swap3A_1206 = vector.shape_cast %swap3A_1205 : vector<1x16xf32> to vector<16xf32>
        %swap3A_1207 = vector.shape_cast %get3A_1056 : vector<16xf32> to vector<1x16xf32>
        tpu.vector_store %swap3A_1202[%swap3A_1203, %swap3A_1204], %swap3A_1207 {add = true, strides = array<i32>} : memref<200x128xf32, #tpu.memory_space<vmem>>, vector<1x16xf32>,
        %add3A_1208 = arith.constant 50 : i32
        %add3A_1209 = arith.addi %add3A_1208, %scan3A_1043 : i32
        %swap3A_1210 = arith.constant 0 : i32
        %swap3A_1211 = arith.constant 0 : i32
        %swap3A_1212 = tpu.memref_slice %arg7[%scan3A_636, %swap3A_1210, %swap3A_1211] : memref<4x200x128xf32, #tpu.memory_space<vmem>> -> memref<1x200x128xf32, #tpu.memory_space<vmem>>
        %swap3A_1213 = tpu.memref_squeeze %swap3A_1212 : memref<1x200x128xf32, #tpu.memory_space<vmem>> -> memref<200x128xf32, #tpu.memory_space<vmem>>
        %swap3A_1214 = arith.index_cast %add3A_1209 : i32 to index
        %swap3A_1215 = arith.constant 32 : index
        %swap3A_1216 = tpu.vector_load %swap3A_1213[%swap3A_1214, %swap3A_1215] {strides = array<i32>} : memref<200x128xf32, #tpu.memory_space<vmem>>, vector<1x16xf32>,
        %swap3A_1217 = vector.shape_cast %swap3A_1216 : vector<1x16xf32> to vector<16xf32>
        %swap3A_1218 = vector.shape_cast %get3A_1063 : vector<16xf32> to vector<1x16xf32>
        tpu.vector_store %swap3A_1213[%swap3A_1214, %swap3A_1215], %swap3A_1218 {add = true, strides = array<i32>} : memref<200x128xf32, #tpu.memory_space<vmem>>, vector<1x16xf32>,
        %add3A_1219 = arith.constant 50 : i32
        %add3A_1220 = arith.addi %add3A_1219, %scan3A_1043 : i32
        %swap3A_1221 = arith.constant 0 : i32
        %swap3A_1222 = arith.constant 0 : i32
        %swap3A_1223 = tpu.memref_slice %arg7[%scan3A_636, %swap3A_1221, %swap3A_1222] : memref<4x200x128xf32, #tpu.memory_space<vmem>> -> memref<1x200x128xf32, #tpu.memory_space<vmem>>
        %swap3A_1224 = tpu.memref_squeeze %swap3A_1223 : memref<1x200x128xf32, #tpu.memory_space<vmem>> -> memref<200x128xf32, #tpu.memory_space<vmem>>
        %swap3A_1225 = arith.index_cast %add3A_1220 : i32 to index
        %swap3A_1226 = arith.constant 48 : index
        %swap3A_1227 = tpu.vector_load %swap3A_1224[%swap3A_1225, %swap3A_1226] {strides = array<i32>} : memref<200x128xf32, #tpu.memory_space<vmem>>, vector<1x16xf32>,
        %swap3A_1228 = vector.shape_cast %swap3A_1227 : vector<1x16xf32> to vector<16xf32>
        %swap3A_1229 = vector.shape_cast %get3A_1070 : vector<16xf32> to vector<1x16xf32>
        tpu.vector_store %swap3A_1224[%swap3A_1225, %swap3A_1226], %swap3A_1229 {add = true, strides = array<i32>} : memref<200x128xf32, #tpu.memory_space<vmem>>, vector<1x16xf32>,
        %add3A_1230 = arith.constant 50 : i32
        %add3A_1231 = arith.addi %add3A_1230, %scan3A_1043 : i32
        %swap3A_1232 = arith.constant 0 : i32
        %swap3A_1233 = arith.constant 0 : i32
        %swap3A_1234 = tpu.memref_slice %arg7[%scan3A_636, %swap3A_1232, %swap3A_1233] : memref<4x200x128xf32, #tpu.memory_space<vmem>> -> memref<1x200x128xf32, #tpu.memory_space<vmem>>
        %swap3A_1235 = tpu.memref_squeeze %swap3A_1234 : memref<1x200x128xf32, #tpu.memory_space<vmem>> -> memref<200x128xf32, #tpu.memory_space<vmem>>
        %swap3A_1236 = arith.index_cast %add3A_1231 : i32 to index
        %swap3A_1237 = arith.constant 64 : index
        %swap3A_1238 = tpu.vector_load %swap3A_1235[%swap3A_1236, %swap3A_1237] {strides = array<i32>} : memref<200x128xf32, #tpu.memory_space<vmem>>, vector<1x16xf32>,
        %swap3A_1239 = vector.shape_cast %swap3A_1238 : vector<1x16xf32> to vector<16xf32>
        %swap3A_1240 = vector.shape_cast %get3A_1077 : vector<16xf32> to vector<1x16xf32>
        tpu.vector_store %swap3A_1235[%swap3A_1236, %swap3A_1237], %swap3A_1240 {add = true, strides = array<i32>} : memref<200x128xf32, #tpu.memory_space<vmem>>, vector<1x16xf32>,
        %add3A_1241 = arith.constant 50 : i32
        %add3A_1242 = arith.addi %add3A_1241, %scan3A_1043 : i32
        %swap3A_1243 = arith.constant 0 : i32
        %swap3A_1244 = arith.constant 0 : i32
        %swap3A_1245 = tpu.memref_slice %arg7[%scan3A_636, %swap3A_1243, %swap3A_1244] : memref<4x200x128xf32, #tpu.memory_space<vmem>> -> memref<1x200x128xf32, #tpu.memory_space<vmem>>
        %swap3A_1246 = tpu.memref_squeeze %swap3A_1245 : memref<1x200x128xf32, #tpu.memory_space<vmem>> -> memref<200x128xf32, #tpu.memory_space<vmem>>
        %swap3A_1247 = arith.index_cast %add3A_1242 : i32 to index
        %swap3A_1248 = arith.constant 80 : index
        %swap3A_1249 = tpu.vector_load %swap3A_1246[%swap3A_1247, %swap3A_1248] {strides = array<i32>} : memref<200x128xf32, #tpu.memory_space<vmem>>, vector<1x16xf32>,
        %swap3A_1250 = vector.shape_cast %swap3A_1249 : vector<1x16xf32> to vector<16xf32>
        %swap3A_1251 = vector.shape_cast %get3A_1084 : vector<16xf32> to vector<1x16xf32>
        tpu.vector_store %swap3A_1246[%swap3A_1247, %swap3A_1248], %swap3A_1251 {add = true, strides = array<i32>} : memref<200x128xf32, #tpu.memory_space<vmem>>, vector<1x16xf32>,
        %add3A_1252 = arith.constant 50 : i32
        %add3A_1253 = arith.addi %add3A_1252, %scan3A_1043 : i32
        %swap3A_1254 = arith.constant 0 : i32
        %swap3A_1255 = arith.constant 0 : i32
        %swap3A_1256 = tpu.memref_slice %arg7[%scan3A_636, %swap3A_1254, %swap3A_1255] : memref<4x200x128xf32, #tpu.memory_space<vmem>> -> memref<1x200x128xf32, #tpu.memory_space<vmem>>
        %swap3A_1257 = tpu.memref_squeeze %swap3A_1256 : memref<1x200x128xf32, #tpu.memory_space<vmem>> -> memref<200x128xf32, #tpu.memory_space<vmem>>
        %swap3A_1258 = arith.index_cast %add3A_1253 : i32 to index
        %swap3A_1259 = arith.constant 96 : index
        %swap3A_1260 = tpu.vector_load %swap3A_1257[%swap3A_1258, %swap3A_1259] {strides = array<i32>} : memref<200x128xf32, #tpu.memory_space<vmem>>, vector<1x16xf32>,
        %swap3A_1261 = vector.shape_cast %swap3A_1260 : vector<1x16xf32> to vector<16xf32>
        %swap3A_1262 = vector.shape_cast %get3A_1091 : vector<16xf32> to vector<1x16xf32>
        tpu.vector_store %swap3A_1257[%swap3A_1258, %swap3A_1259], %swap3A_1262 {add = true, strides = array<i32>} : memref<200x128xf32, #tpu.memory_space<vmem>>, vector<1x16xf32>,
        %add3A_1263 = arith.constant 50 : i32
        %add3A_1264 = arith.addi %add3A_1263, %scan3A_1043 : i32
        %swap3A_1265 = arith.constant 0 : i32
        %swap3A_1266 = arith.constant 0 : i32
        %swap3A_1267 = tpu.memref_slice %arg7[%scan3A_636, %swap3A_1265, %swap3A_1266] : memref<4x200x128xf32, #tpu.memory_space<vmem>> -> memref<1x200x128xf32, #tpu.memory_space<vmem>>
        %swap3A_1268 = tpu.memref_squeeze %swap3A_1267 : memref<1x200x128xf32, #tpu.memory_space<vmem>> -> memref<200x128xf32, #tpu.memory_space<vmem>>
        %swap3A_1269 = arith.index_cast %add3A_1264 : i32 to index
        %swap3A_1270 = arith.constant 112 : index
        %swap3A_1271 = tpu.vector_load %swap3A_1268[%swap3A_1269, %swap3A_1270] {strides = array<i32>} : memref<200x128xf32, #tpu.memory_space<vmem>>, vector<1x16xf32>,
        %swap3A_1272 = vector.shape_cast %swap3A_1271 : vector<1x16xf32> to vector<16xf32>
        %swap3A_1273 = vector.shape_cast %get3A_1098 : vector<16xf32> to vector<1x16xf32>
        tpu.vector_store %swap3A_1268[%swap3A_1269, %swap3A_1270], %swap3A_1273 {add = true, strides = array<i32>} : memref<200x128xf32, #tpu.memory_space<vmem>>, vector<1x16xf32>,
        %add3A_1274 = arith.constant 100 : i32
        %add3A_1275 = arith.addi %add3A_1274, %scan3A_1043 : i32
        %swap3A_1276 = arith.constant 0 : i32
        %swap3A_1277 = arith.constant 0 : i32
        %swap3A_1278 = tpu.memref_slice %arg7[%scan3A_636, %swap3A_1276, %swap3A_1277] : memref<4x200x128xf32, #tpu.memory_space<vmem>> -> memref<1x200x128xf32, #tpu.memory_space<vmem>>
        %swap3A_1279 = tpu.memref_squeeze %swap3A_1278 : memref<1x200x128xf32, #tpu.memory_space<vmem>> -> memref<200x128xf32, #tpu.memory_space<vmem>>
        %swap3A_1280 = arith.index_cast %add3A_1275 : i32 to index
        %swap3A_1281 = arith.constant 0 : index
        %swap3A_1282 = tpu.vector_load %swap3A_1279[%swap3A_1280, %swap3A_1281] {strides = array<i32>} : memref<200x128xf32, #tpu.memory_space<vmem>>, vector<1x16xf32>,
        %swap3A_1283 = vector.shape_cast %swap3A_1282 : vector<1x16xf32> to vector<16xf32>
        %swap3A_1284 = vector.shape_cast %get3A_1049 : vector<16xf32> to vector<1x16xf32>
        tpu.vector_store %swap3A_1279[%swap3A_1280, %swap3A_1281], %swap3A_1284 {add = true, strides = array<i32>} : memref<200x128xf32, #tpu.memory_space<vmem>>, vector<1x16xf32>,
        %add3A_1285 = arith.constant 100 : i32
        %add3A_1286 = arith.addi %add3A_1285, %scan3A_1043 : i32
        %swap3A_1287 = arith.constant 0 : i32
        %swap3A_1288 = arith.constant 0 : i32
        %swap3A_1289 = tpu.memref_slice %arg7[%scan3A_636, %swap3A_1287, %swap3A_1288] : memref<4x200x128xf32, #tpu.memory_space<vmem>> -> memref<1x200x128xf32, #tpu.memory_space<vmem>>
        %swap3A_1290 = tpu.memref_squeeze %swap3A_1289 : memref<1x200x128xf32, #tpu.memory_space<vmem>> -> memref<200x128xf32, #tpu.memory_space<vmem>>
        %swap3A_1291 = arith.index_cast %add3A_1286 : i32 to index
        %swap3A_1292 = arith.constant 16 : index
        %swap3A_1293 = tpu.vector_load %swap3A_1290[%swap3A_1291, %swap3A_1292] {strides = array<i32>} : memref<200x128xf32, #tpu.memory_space<vmem>>, vector<1x16xf32>,
        %swap3A_1294 = vector.shape_cast %swap3A_1293 : vector<1x16xf32> to vector<16xf32>
        %swap3A_1295 = vector.shape_cast %get3A_1056 : vector<16xf32> to vector<1x16xf32>
        tpu.vector_store %swap3A_1290[%swap3A_1291, %swap3A_1292], %swap3A_1295 {add = true, strides = array<i32>} : memref<200x128xf32, #tpu.memory_space<vmem>>, vector<1x16xf32>,
        %add3A_1296 = arith.constant 100 : i32
        %add3A_1297 = arith.addi %add3A_1296, %scan3A_1043 : i32
        %swap3A_1298 = arith.constant 0 : i32
        %swap3A_1299 = arith.constant 0 : i32
        %swap3A_1300 = tpu.memref_slice %arg7[%scan3A_636, %swap3A_1298, %swap3A_1299] : memref<4x200x128xf32, #tpu.memory_space<vmem>> -> memref<1x200x128xf32, #tpu.memory_space<vmem>>
        %swap3A_1301 = tpu.memref_squeeze %swap3A_1300 : memref<1x200x128xf32, #tpu.memory_space<vmem>> -> memref<200x128xf32, #tpu.memory_space<vmem>>
        %swap3A_1302 = arith.index_cast %add3A_1297 : i32 to index
        %swap3A_1303 = arith.constant 32 : index
        %swap3A_1304 = tpu.vector_load %swap3A_1301[%swap3A_1302, %swap3A_1303] {strides = array<i32>} : memref<200x128xf32, #tpu.memory_space<vmem>>, vector<1x16xf32>,
        %swap3A_1305 = vector.shape_cast %swap3A_1304 : vector<1x16xf32> to vector<16xf32>
        %swap3A_1306 = vector.shape_cast %get3A_1063 : vector<16xf32> to vector<1x16xf32>
        tpu.vector_store %swap3A_1301[%swap3A_1302, %swap3A_1303], %swap3A_1306 {add = true, strides = array<i32>} : memref<200x128xf32, #tpu.memory_space<vmem>>, vector<1x16xf32>,
        %add3A_1307 = arith.constant 100 : i32
        %add3A_1308 = arith.addi %add3A_1307, %scan3A_1043 : i32
        %swap3A_1309 = arith.constant 0 : i32
        %swap3A_1310 = arith.constant 0 : i32
        %swap3A_1311 = tpu.memref_slice %arg7[%scan3A_636, %swap3A_1309, %swap3A_1310] : memref<4x200x128xf32, #tpu.memory_space<vmem>> -> memref<1x200x128xf32, #tpu.memory_space<vmem>>
        %swap3A_1312 = tpu.memref_squeeze %swap3A_1311 : memref<1x200x128xf32, #tpu.memory_space<vmem>> -> memref<200x128xf32, #tpu.memory_space<vmem>>
        %swap3A_1313 = arith.index_cast %add3A_1308 : i32 to index
        %swap3A_1314 = arith.constant 48 : index
        %swap3A_1315 = tpu.vector_load %swap3A_1312[%swap3A_1313, %swap3A_1314] {strides = array<i32>} : memref<200x128xf32, #tpu.memory_space<vmem>>, vector<1x16xf32>,
        %swap3A_1316 = vector.shape_cast %swap3A_1315 : vector<1x16xf32> to vector<16xf32>
        %swap3A_1317 = vector.shape_cast %get3A_1070 : vector<16xf32> to vector<1x16xf32>
        tpu.vector_store %swap3A_1312[%swap3A_1313, %swap3A_1314], %swap3A_1317 {add = true, strides = array<i32>} : memref<200x128xf32, #tpu.memory_space<vmem>>, vector<1x16xf32>,
        %add3A_1318 = arith.constant 100 : i32
        %add3A_1319 = arith.addi %add3A_1318, %scan3A_1043 : i32
        %swap3A_1320 = arith.constant 0 : i32
        %swap3A_1321 = arith.constant 0 : i32
        %swap3A_1322 = tpu.memref_slice %arg7[%scan3A_636, %swap3A_1320, %swap3A_1321] : memref<4x200x128xf32, #tpu.memory_space<vmem>> -> memref<1x200x128xf32, #tpu.memory_space<vmem>>
        %swap3A_1323 = tpu.memref_squeeze %swap3A_1322 : memref<1x200x128xf32, #tpu.memory_space<vmem>> -> memref<200x128xf32, #tpu.memory_space<vmem>>
        %swap3A_1324 = arith.index_cast %add3A_1319 : i32 to index
        %swap3A_1325 = arith.constant 64 : index
        %swap3A_1326 = tpu.vector_load %swap3A_1323[%swap3A_1324, %swap3A_1325] {strides = array<i32>} : memref<200x128xf32, #tpu.memory_space<vmem>>, vector<1x16xf32>,
        %swap3A_1327 = vector.shape_cast %swap3A_1326 : vector<1x16xf32> to vector<16xf32>
        %swap3A_1328 = vector.shape_cast %get3A_1077 : vector<16xf32> to vector<1x16xf32>
        tpu.vector_store %swap3A_1323[%swap3A_1324, %swap3A_1325], %swap3A_1328 {add = true, strides = array<i32>} : memref<200x128xf32, #tpu.memory_space<vmem>>, vector<1x16xf32>,
        %add3A_1329 = arith.constant 100 : i32
        %add3A_1330 = arith.addi %add3A_1329, %scan3A_1043 : i32
        %swap3A_1331 = arith.constant 0 : i32
        %swap3A_1332 = arith.constant 0 : i32
        %swap3A_1333 = tpu.memref_slice %arg7[%scan3A_636, %swap3A_1331, %swap3A_1332] : memref<4x200x128xf32, #tpu.memory_space<vmem>> -> memref<1x200x128xf32, #tpu.memory_space<vmem>>
        %swap3A_1334 = tpu.memref_squeeze %swap3A_1333 : memref<1x200x128xf32, #tpu.memory_space<vmem>> -> memref<200x128xf32, #tpu.memory_space<vmem>>
        %swap3A_1335 = arith.index_cast %add3A_1330 : i32 to index
        %swap3A_1336 = arith.constant 80 : index
        %swap3A_1337 = tpu.vector_load %swap3A_1334[%swap3A_1335, %swap3A_1336] {strides = array<i32>} : memref<200x128xf32, #tpu.memory_space<vmem>>, vector<1x16xf32>,
        %swap3A_1338 = vector.shape_cast %swap3A_1337 : vector<1x16xf32> to vector<16xf32>
        %swap3A_1339 = vector.shape_cast %get3A_1084 : vector<16xf32> to vector<1x16xf32>
        tpu.vector_store %swap3A_1334[%swap3A_1335, %swap3A_1336], %swap3A_1339 {add = true, strides = array<i32>} : memref<200x128xf32, #tpu.memory_space<vmem>>, vector<1x16xf32>,
        %add3A_1340 = arith.constant 100 : i32
        %add3A_1341 = arith.addi %add3A_1340, %scan3A_1043 : i32
        %swap3A_1342 = arith.constant 0 : i32
        %swap3A_1343 = arith.constant 0 : i32
        %swap3A_1344 = tpu.memref_slice %arg7[%scan3A_636, %swap3A_1342, %swap3A_1343] : memref<4x200x128xf32, #tpu.memory_space<vmem>> -> memref<1x200x128xf32, #tpu.memory_space<vmem>>
        %swap3A_1345 = tpu.memref_squeeze %swap3A_1344 : memref<1x200x128xf32, #tpu.memory_space<vmem>> -> memref<200x128xf32, #tpu.memory_space<vmem>>
        %swap3A_1346 = arith.index_cast %add3A_1341 : i32 to index
        %swap3A_1347 = arith.constant 96 : index
        %swap3A_1348 = tpu.vector_load %swap3A_1345[%swap3A_1346, %swap3A_1347] {strides = array<i32>} : memref<200x128xf32, #tpu.memory_space<vmem>>, vector<1x16xf32>,
        %swap3A_1349 = vector.shape_cast %swap3A_1348 : vector<1x16xf32> to vector<16xf32>
        %swap3A_1350 = vector.shape_cast %get3A_1091 : vector<16xf32> to vector<1x16xf32>
        tpu.vector_store %swap3A_1345[%swap3A_1346, %swap3A_1347], %swap3A_1350 {add = true, strides = array<i32>} : memref<200x128xf32, #tpu.memory_space<vmem>>, vector<1x16xf32>,
        %add3A_1351 = arith.constant 100 : i32
        %add3A_1352 = arith.addi %add3A_1351, %scan3A_1043 : i32
        %swap3A_1353 = arith.constant 0 : i32
        %swap3A_1354 = arith.constant 0 : i32
        %swap3A_1355 = tpu.memref_slice %arg7[%scan3A_636, %swap3A_1353, %swap3A_1354] : memref<4x200x128xf32, #tpu.memory_space<vmem>> -> memref<1x200x128xf32, #tpu.memory_space<vmem>>
        %swap3A_1356 = tpu.memref_squeeze %swap3A_1355 : memref<1x200x128xf32, #tpu.memory_space<vmem>> -> memref<200x128xf32, #tpu.memory_space<vmem>>
        %swap3A_1357 = arith.index_cast %add3A_1352 : i32 to index
        %swap3A_1358 = arith.constant 112 : index
        %swap3A_1359 = tpu.vector_load %swap3A_1356[%swap3A_1357, %swap3A_1358] {strides = array<i32>} : memref<200x128xf32, #tpu.memory_space<vmem>>, vector<1x16xf32>,
        %swap3A_1360 = vector.shape_cast %swap3A_1359 : vector<1x16xf32> to vector<16xf32>
        %swap3A_1361 = vector.shape_cast %get3A_1098 : vector<16xf32> to vector<1x16xf32>
        tpu.vector_store %swap3A_1356[%swap3A_1357, %swap3A_1358], %swap3A_1361 {add = true, strides = array<i32>} : memref<200x128xf32, #tpu.memory_space<vmem>>, vector<1x16xf32>,
        %add3A_1362 = arith.constant 150 : i32
        %add3A_1363 = arith.addi %add3A_1362, %scan3A_1043 : i32
        %swap3A_1364 = arith.constant 0 : i32
        %swap3A_1365 = arith.constant 0 : i32
        %swap3A_1366 = tpu.memref_slice %arg7[%scan3A_636, %swap3A_1364, %swap3A_1365] : memref<4x200x128xf32, #tpu.memory_space<vmem>> -> memref<1x200x128xf32, #tpu.memory_space<vmem>>
        %swap3A_1367 = tpu.memref_squeeze %swap3A_1366 : memref<1x200x128xf32, #tpu.memory_space<vmem>> -> memref<200x128xf32, #tpu.memory_space<vmem>>
        %swap3A_1368 = arith.index_cast %add3A_1363 : i32 to index
        %swap3A_1369 = arith.constant 0 : index
        %swap3A_1370 = tpu.vector_load %swap3A_1367[%swap3A_1368, %swap3A_1369] {strides = array<i32>} : memref<200x128xf32, #tpu.memory_space<vmem>>, vector<1x16xf32>,
        %swap3A_1371 = vector.shape_cast %swap3A_1370 : vector<1x16xf32> to vector<16xf32>
        %swap3A_1372 = vector.shape_cast %get3A_1049 : vector<16xf32> to vector<1x16xf32>
        tpu.vector_store %swap3A_1367[%swap3A_1368, %swap3A_1369], %swap3A_1372 {add = true, strides = array<i32>} : memref<200x128xf32, #tpu.memory_space<vmem>>, vector<1x16xf32>,
        %add3A_1373 = arith.constant 150 : i32
        %add3A_1374 = arith.addi %add3A_1373, %scan3A_1043 : i32
        %swap3A_1375 = arith.constant 0 : i32
        %swap3A_1376 = arith.constant 0 : i32
        %swap3A_1377 = tpu.memref_slice %arg7[%scan3A_636, %swap3A_1375, %swap3A_1376] : memref<4x200x128xf32, #tpu.memory_space<vmem>> -> memref<1x200x128xf32, #tpu.memory_space<vmem>>
        %swap3A_1378 = tpu.memref_squeeze %swap3A_1377 : memref<1x200x128xf32, #tpu.memory_space<vmem>> -> memref<200x128xf32, #tpu.memory_space<vmem>>
        %swap3A_1379 = arith.index_cast %add3A_1374 : i32 to index
        %swap3A_1380 = arith.constant 16 : index
        %swap3A_1381 = tpu.vector_load %swap3A_1378[%swap3A_1379, %swap3A_1380] {strides = array<i32>} : memref<200x128xf32, #tpu.memory_space<vmem>>, vector<1x16xf32>,
        %swap3A_1382 = vector.shape_cast %swap3A_1381 : vector<1x16xf32> to vector<16xf32>
        %swap3A_1383 = vector.shape_cast %get3A_1056 : vector<16xf32> to vector<1x16xf32>
        tpu.vector_store %swap3A_1378[%swap3A_1379, %swap3A_1380], %swap3A_1383 {add = true, strides = array<i32>} : memref<200x128xf32, #tpu.memory_space<vmem>>, vector<1x16xf32>,
        %add3A_1384 = arith.constant 150 : i32
        %add3A_1385 = arith.addi %add3A_1384, %scan3A_1043 : i32
        %swap3A_1386 = arith.constant 0 : i32
        %swap3A_1387 = arith.constant 0 : i32
        %swap3A_1388 = tpu.memref_slice %arg7[%scan3A_636, %swap3A_1386, %swap3A_1387] : memref<4x200x128xf32, #tpu.memory_space<vmem>> -> memref<1x200x128xf32, #tpu.memory_space<vmem>>
        %swap3A_1389 = tpu.memref_squeeze %swap3A_1388 : memref<1x200x128xf32, #tpu.memory_space<vmem>> -> memref<200x128xf32, #tpu.memory_space<vmem>>
        %swap3A_1390 = arith.index_cast %add3A_1385 : i32 to index
        %swap3A_1391 = arith.constant 32 : index
        %swap3A_1392 = tpu.vector_load %swap3A_1389[%swap3A_1390, %swap3A_1391] {strides = array<i32>} : memref<200x128xf32, #tpu.memory_space<vmem>>, vector<1x16xf32>,
        %swap3A_1393 = vector.shape_cast %swap3A_1392 : vector<1x16xf32> to vector<16xf32>
        %swap3A_1394 = vector.shape_cast %get3A_1063 : vector<16xf32> to vector<1x16xf32>
        tpu.vector_store %swap3A_1389[%swap3A_1390, %swap3A_1391], %swap3A_1394 {add = true, strides = array<i32>} : memref<200x128xf32, #tpu.memory_space<vmem>>, vector<1x16xf32>,
        %add3A_1395 = arith.constant 150 : i32
        %add3A_1396 = arith.addi %add3A_1395, %scan3A_1043 : i32
        %swap3A_1397 = arith.constant 0 : i32
        %swap3A_1398 = arith.constant 0 : i32
        %swap3A_1399 = tpu.memref_slice %arg7[%scan3A_636, %swap3A_1397, %swap3A_1398] : memref<4x200x128xf32, #tpu.memory_space<vmem>> -> memref<1x200x128xf32, #tpu.memory_space<vmem>>
        %swap3A_1400 = tpu.memref_squeeze %swap3A_1399 : memref<1x200x128xf32, #tpu.memory_space<vmem>> -> memref<200x128xf32, #tpu.memory_space<vmem>>
        %swap3A_1401 = arith.index_cast %add3A_1396 : i32 to index
        %swap3A_1402 = arith.constant 48 : index
        %swap3A_1403 = tpu.vector_load %swap3A_1400[%swap3A_1401, %swap3A_1402] {strides = array<i32>} : memref<200x128xf32, #tpu.memory_space<vmem>>, vector<1x16xf32>,
        %swap3A_1404 = vector.shape_cast %swap3A_1403 : vector<1x16xf32> to vector<16xf32>
        %swap3A_1405 = vector.shape_cast %get3A_1070 : vector<16xf32> to vector<1x16xf32>
        tpu.vector_store %swap3A_1400[%swap3A_1401, %swap3A_1402], %swap3A_1405 {add = true, strides = array<i32>} : memref<200x128xf32, #tpu.memory_space<vmem>>, vector<1x16xf32>,
        %add3A_1406 = arith.constant 150 : i32
        %add3A_1407 = arith.addi %add3A_1406, %scan3A_1043 : i32
        %swap3A_1408 = arith.constant 0 : i32
        %swap3A_1409 = arith.constant 0 : i32
        %swap3A_1410 = tpu.memref_slice %arg7[%scan3A_636, %swap3A_1408, %swap3A_1409] : memref<4x200x128xf32, #tpu.memory_space<vmem>> -> memref<1x200x128xf32, #tpu.memory_space<vmem>>
        %swap3A_1411 = tpu.memref_squeeze %swap3A_1410 : memref<1x200x128xf32, #tpu.memory_space<vmem>> -> memref<200x128xf32, #tpu.memory_space<vmem>>
        %swap3A_1412 = arith.index_cast %add3A_1407 : i32 to index
        %swap3A_1413 = arith.constant 64 : index
        %swap3A_1414 = tpu.vector_load %swap3A_1411[%swap3A_1412, %swap3A_1413] {strides = array<i32>} : memref<200x128xf32, #tpu.memory_space<vmem>>, vector<1x16xf32>,
        %swap3A_1415 = vector.shape_cast %swap3A_1414 : vector<1x16xf32> to vector<16xf32>
        %swap3A_1416 = vector.shape_cast %get3A_1077 : vector<16xf32> to vector<1x16xf32>
        tpu.vector_store %swap3A_1411[%swap3A_1412, %swap3A_1413], %swap3A_1416 {add = true, strides = array<i32>} : memref<200x128xf32, #tpu.memory_space<vmem>>, vector<1x16xf32>,
        %add3A_1417 = arith.constant 150 : i32
        %add3A_1418 = arith.addi %add3A_1417, %scan3A_1043 : i32
        %swap3A_1419 = arith.constant 0 : i32
        %swap3A_1420 = arith.constant 0 : i32
        %swap3A_1421 = tpu.memref_slice %arg7[%scan3A_636, %swap3A_1419, %swap3A_1420] : memref<4x200x128xf32, #tpu.memory_space<vmem>> -> memref<1x200x128xf32, #tpu.memory_space<vmem>>
        %swap3A_1422 = tpu.memref_squeeze %swap3A_1421 : memref<1x200x128xf32, #tpu.memory_space<vmem>> -> memref<200x128xf32, #tpu.memory_space<vmem>>
        %swap3A_1423 = arith.index_cast %add3A_1418 : i32 to index
        %swap3A_1424 = arith.constant 80 : index
        %swap3A_1425 = tpu.vector_load %swap3A_1422[%swap3A_1423, %swap3A_1424] {strides = array<i32>} : memref<200x128xf32, #tpu.memory_space<vmem>>, vector<1x16xf32>,
        %swap3A_1426 = vector.shape_cast %swap3A_1425 : vector<1x16xf32> to vector<16xf32>
        %swap3A_1427 = vector.shape_cast %get3A_1084 : vector<16xf32> to vector<1x16xf32>
        tpu.vector_store %swap3A_1422[%swap3A_1423, %swap3A_1424], %swap3A_1427 {add = true, strides = array<i32>} : memref<200x128xf32, #tpu.memory_space<vmem>>, vector<1x16xf32>,
        %add3A_1428 = arith.constant 150 : i32
        %add3A_1429 = arith.addi %add3A_1428, %scan3A_1043 : i32
        %swap3A_1430 = arith.constant 0 : i32
        %swap3A_1431 = arith.constant 0 : i32
        %swap3A_1432 = tpu.memref_slice %arg7[%scan3A_636, %swap3A_1430, %swap3A_1431] : memref<4x200x128xf32, #tpu.memory_space<vmem>> -> memref<1x200x128xf32, #tpu.memory_space<vmem>>
        %swap3A_1433 = tpu.memref_squeeze %swap3A_1432 : memref<1x200x128xf32, #tpu.memory_space<vmem>> -> memref<200x128xf32, #tpu.memory_space<vmem>>
        %swap3A_1434 = arith.index_cast %add3A_1429 : i32 to index
        %swap3A_1435 = arith.constant 96 : index
        %swap3A_1436 = tpu.vector_load %swap3A_1433[%swap3A_1434, %swap3A_1435] {strides = array<i32>} : memref<200x128xf32, #tpu.memory_space<vmem>>, vector<1x16xf32>,
        %swap3A_1437 = vector.shape_cast %swap3A_1436 : vector<1x16xf32> to vector<16xf32>
        %swap3A_1438 = vector.shape_cast %get3A_1091 : vector<16xf32> to vector<1x16xf32>
        tpu.vector_store %swap3A_1433[%swap3A_1434, %swap3A_1435], %swap3A_1438 {add = true, strides = array<i32>} : memref<200x128xf32, #tpu.memory_space<vmem>>, vector<1x16xf32>,
        %add3A_1439 = arith.constant 150 : i32
        %add3A_1440 = arith.addi %add3A_1439, %scan3A_1043 : i32
        %swap3A_1441 = arith.constant 0 : i32
        %swap3A_1442 = arith.constant 0 : i32
        %swap3A_1443 = tpu.memref_slice %arg7[%scan3A_636, %swap3A_1441, %swap3A_1442] : memref<4x200x128xf32, #tpu.memory_space<vmem>> -> memref<1x200x128xf32, #tpu.memory_space<vmem>>
        %swap3A_1444 = tpu.memref_squeeze %swap3A_1443 : memref<1x200x128xf32, #tpu.memory_space<vmem>> -> memref<200x128xf32, #tpu.memory_space<vmem>>
        %swap3A_1445 = arith.index_cast %add3A_1440 : i32 to index
        %swap3A_1446 = arith.constant 112 : index
        %swap3A_1447 = tpu.vector_load %swap3A_1444[%swap3A_1445, %swap3A_1446] {strides = array<i32>} : memref<200x128xf32, #tpu.memory_space<vmem>>, vector<1x16xf32>,
        %swap3A_1448 = vector.shape_cast %swap3A_1447 : vector<1x16xf32> to vector<16xf32>
        %swap3A_1449 = vector.shape_cast %get3A_1098 : vector<16xf32> to vector<1x16xf32>
        tpu.vector_store %swap3A_1444[%swap3A_1445, %swap3A_1446], %swap3A_1449 {add = true, strides = array<i32>} : memref<200x128xf32, #tpu.memory_space<vmem>>, vector<1x16xf32>,
      }
      %scan3A_641 = arith.constant 50 : i32
      %mul3A_642 = arith.constant 200 : i32
      %mul3A_643 = arith.muli %add3A_599, %mul3A_642 : i32
      %add3A_644 = arith.addi %mul3A_2, %mul3A_643 : i32
      %jit3A_645 = arith.constant 50 : i32
      %div3A_646 = arith.divsi %add3A_644, %jit3A_645 : i32
      %sign3A_647 = arith.constant 0 : i32
      %sign3A_648 = arith.cmpi sgt, %add3A_644, %sign3A_647 : i32
      %sign3A_649 = arith.extui %sign3A_648 : i1 to i32
      %sign3A_650 = arith.constant 0 : i32
      %sign3A_651 = arith.cmpi slt, %add3A_644, %sign3A_650 : i32
      %sign3A_652 = arith.extui %sign3A_651 : i1 to i32
      %sign3A_653 = arith.subi %sign3A_649, %sign3A_652 : i32
      %sign3A_654 = arith.constant 0 : i32
      %sign3A_655 = arith.cmpi sgt, %jit3A_645, %sign3A_654 : i32
      %sign3A_656 = arith.extui %sign3A_655 : i1 to i32
      %sign3A_657 = arith.constant 0 : i32
      %sign3A_658 = arith.cmpi slt, %jit3A_645, %sign3A_657 : i32
      %sign3A_659 = arith.extui %sign3A_658 : i1 to i32
      %sign3A_660 = arith.subi %sign3A_656, %sign3A_659 : i32
      %ne3A_661 = arith.cmpi ne, %sign3A_653, %sign3A_660 : i32
      %rem3A_662 = arith.remsi %add3A_644, %jit3A_645 : i32
      %ne3A_663 = arith.constant 0 : i32
      %ne3A_664 = arith.cmpi ne, %rem3A_662, %ne3A_663 : i32
      %and3A_665 = arith.andi %ne3A_661, %ne3A_664 : i1
      %sub3A_666 = arith.constant 1 : i32
      %sub3A_667 = arith.subi %div3A_646, %sub3A_666 : i32
      %select_n3A_668 = arith.select %and3A_665, %sub3A_667, %div3A_646 : i32
      %add3A_669 = arith.constant 0 : i32
      %add3A_670 = arith.addi %select_n3A_668, %add3A_669 : i32
      %dma_start3A_671 = arith.constant 1 : i32
      %dma_start3A_672 = arith.constant 0 : i32
      %dma_start3A_673 = arith.constant 0 : i32
      %dma_start3A_674 = tpu.memref_slice %arg7[%dma_start3A_671, %dma_start3A_672, %dma_start3A_673] : memref<4x200x128xf32, #tpu.memory_space<vmem>> -> memref<1x50x128xf32, #tpu.memory_space<vmem>>
      %dma_start3A_675 = tpu.memref_squeeze %dma_start3A_674 : memref<1x50x128xf32, #tpu.memory_space<vmem>> -> memref<50x128xf32, #tpu.memory_space<vmem>>
      %dma_start3A_676 = arith.constant 0 : i32
      %dma_start3A_677 = arith.constant 0 : i32
      %dma_start3A_678 = tpu.memref_slice %arg5[%add3A_670, %dma_start3A_676, %dma_start3A_677] : memref<4096x50x128xf32, #tpu.memory_space<hbm>> -> memref<1x50x128xf32, #tpu.memory_space<hbm>>
      %dma_start3A_679 = tpu.memref_squeeze %dma_start3A_678 : memref<1x50x128xf32, #tpu.memory_space<hbm>> -> memref<50x128xf32, #tpu.memory_space<hbm>>
      %dma_start3A_680 = arith.constant 0 : i32
      %dma_start3A_681 = arith.constant 0 : i32
      %dma_start3A_682 = tpu.memref_slice %arg5[%add3A_670, %dma_start3A_680, %dma_start3A_681] : memref<4096x50x128xf32, #tpu.memory_space<hbm>> -> memref<1x50x128xf32, #tpu.memory_space<hbm>>
      %dma_start3A_683 = tpu.memref_squeeze %dma_start3A_682 : memref<1x50x128xf32, #tpu.memory_space<hbm>> -> memref<50x128xf32, #tpu.memory_space<hbm>>
      %dma_start3A_684 = arith.constant 0 : i32
      %dma_start3A_685 = arith.constant 0 : i32
      %dma_start3A_686 = tpu.memref_slice %arg7[%dma_start3A_671, %dma_start3A_684, %dma_start3A_685] : memref<4x200x128xf32, #tpu.memory_space<vmem>> -> memref<1x50x128xf32, #tpu.memory_space<vmem>>
      %dma_start3A_687 = tpu.memref_squeeze %dma_start3A_686 : memref<1x50x128xf32, #tpu.memory_space<vmem>> -> memref<50x128xf32, #tpu.memory_space<vmem>>
      tpu.enqueue_dma source(%dma_start3A_687 : memref<50x128xf32, #tpu.memory_space<vmem>>) target(%dma_start3A_683 : memref<50x128xf32, #tpu.memory_space<hbm>>) target_semaphore(%arg14 : memref<!tpu.dma_semaphore, #tpu.memory_space<semaphore_mem>>)
      %add3A_688 = arith.constant 1 : i32
      %add3A_689 = arith.addi %select_n3A_668, %add3A_688 : i32
      %dma_start3A_690 = arith.constant 1 : i32
      %dma_start3A_691 = arith.constant 50 : i32
      %dma_start3A_692 = arith.constant 0 : i32
      %dma_start3A_693 = tpu.memref_slice %arg7[%dma_start3A_690, %dma_start3A_691, %dma_start3A_692] : memref<4x200x128xf32, #tpu.memory_space<vmem>> -> memref<1x50x128xf32, #tpu.memory_space<vmem>>
      %dma_start3A_694 = tpu.memref_squeeze %dma_start3A_693 : memref<1x50x128xf32, #tpu.memory_space<vmem>> -> memref<50x128xf32, #tpu.memory_space<vmem>>
      %dma_start3A_695 = arith.constant 0 : i32
      %dma_start3A_696 = arith.constant 0 : i32
      %dma_start3A_697 = tpu.memref_slice %arg5[%add3A_689, %dma_start3A_695, %dma_start3A_696] : memref<4096x50x128xf32, #tpu.memory_space<hbm>> -> memref<1x50x128xf32, #tpu.memory_space<hbm>>
      %dma_start3A_698 = tpu.memref_squeeze %dma_start3A_697 : memref<1x50x128xf32, #tpu.memory_space<hbm>> -> memref<50x128xf32, #tpu.memory_space<hbm>>
      %dma_start3A_699 = arith.constant 0 : i32
      %dma_start3A_700 = arith.constant 0 : i32
      %dma_start3A_701 = tpu.memref_slice %arg5[%add3A_689, %dma_start3A_699, %dma_start3A_700] : memref<4096x50x128xf32, #tpu.memory_space<hbm>> -> memref<1x50x128xf32, #tpu.memory_space<hbm>>
      %dma_start3A_702 = tpu.memref_squeeze %dma_start3A_701 : memref<1x50x128xf32, #tpu.memory_space<hbm>> -> memref<50x128xf32, #tpu.memory_space<hbm>>
      %dma_start3A_703 = arith.constant 50 : i32
      %dma_start3A_704 = arith.constant 0 : i32
      %dma_start3A_705 = tpu.memref_slice %arg7[%dma_start3A_690, %dma_start3A_703, %dma_start3A_704] : memref<4x200x128xf32, #tpu.memory_space<vmem>> -> memref<1x50x128xf32, #tpu.memory_space<vmem>>
      %dma_start3A_706 = tpu.memref_squeeze %dma_start3A_705 : memref<1x50x128xf32, #tpu.memory_space<vmem>> -> memref<50x128xf32, #tpu.memory_space<vmem>>
      tpu.enqueue_dma source(%dma_start3A_706 : memref<50x128xf32, #tpu.memory_space<vmem>>) target(%dma_start3A_702 : memref<50x128xf32, #tpu.memory_space<hbm>>) target_semaphore(%arg14 : memref<!tpu.dma_semaphore, #tpu.memory_space<semaphore_mem>>)
      %add3A_707 = arith.constant 2 : i32
      %add3A_708 = arith.addi %select_n3A_668, %add3A_707 : i32
      %dma_start3A_709 = arith.constant 1 : i32
      %dma_start3A_710 = arith.constant 100 : i32
      %dma_start3A_711 = arith.constant 0 : i32
      %dma_start3A_712 = tpu.memref_slice %arg7[%dma_start3A_709, %dma_start3A_710, %dma_start3A_711] : memref<4x200x128xf32, #tpu.memory_space<vmem>> -> memref<1x50x128xf32, #tpu.memory_space<vmem>>
      %dma_start3A_713 = tpu.memref_squeeze %dma_start3A_712 : memref<1x50x128xf32, #tpu.memory_space<vmem>> -> memref<50x128xf32, #tpu.memory_space<vmem>>
      %dma_start3A_714 = arith.constant 0 : i32
      %dma_start3A_715 = arith.constant 0 : i32
      %dma_start3A_716 = tpu.memref_slice %arg5[%add3A_708, %dma_start3A_714, %dma_start3A_715] : memref<4096x50x128xf32, #tpu.memory_space<hbm>> -> memref<1x50x128xf32, #tpu.memory_space<hbm>>
      %dma_start3A_717 = tpu.memref_squeeze %dma_start3A_716 : memref<1x50x128xf32, #tpu.memory_space<hbm>> -> memref<50x128xf32, #tpu.memory_space<hbm>>
      %dma_start3A_718 = arith.constant 0 : i32
      %dma_start3A_719 = arith.constant 0 : i32
      %dma_start3A_720 = tpu.memref_slice %arg5[%add3A_708, %dma_start3A_718, %dma_start3A_719] : memref<4096x50x128xf32, #tpu.memory_space<hbm>> -> memref<1x50x128xf32, #tpu.memory_space<hbm>>
      %dma_start3A_721 = tpu.memref_squeeze %dma_start3A_720 : memref<1x50x128xf32, #tpu.memory_space<hbm>> -> memref<50x128xf32, #tpu.memory_space<hbm>>
      %dma_start3A_722 = arith.constant 100 : i32
      %dma_start3A_723 = arith.constant 0 : i32
      %dma_start3A_724 = tpu.memref_slice %arg7[%dma_start3A_709, %dma_start3A_722, %dma_start3A_723] : memref<4x200x128xf32, #tpu.memory_space<vmem>> -> memref<1x50x128xf32, #tpu.memory_space<vmem>>
      %dma_start3A_725 = tpu.memref_squeeze %dma_start3A_724 : memref<1x50x128xf32, #tpu.memory_space<vmem>> -> memref<50x128xf32, #tpu.memory_space<vmem>>
      tpu.enqueue_dma source(%dma_start3A_725 : memref<50x128xf32, #tpu.memory_space<vmem>>) target(%dma_start3A_721 : memref<50x128xf32, #tpu.memory_space<hbm>>) target_semaphore(%arg14 : memref<!tpu.dma_semaphore, #tpu.memory_space<semaphore_mem>>)
      %add3A_726 = arith.constant 3 : i32
      %add3A_727 = arith.addi %select_n3A_668, %add3A_726 : i32
      %dma_start3A_728 = arith.constant 1 : i32
      %dma_start3A_729 = arith.constant 150 : i32
      %dma_start3A_730 = arith.constant 0 : i32
      %dma_start3A_731 = tpu.memref_slice %arg7[%dma_start3A_728, %dma_start3A_729, %dma_start3A_730] : memref<4x200x128xf32, #tpu.memory_space<vmem>> -> memref<1x50x128xf32, #tpu.memory_space<vmem>>
      %dma_start3A_732 = tpu.memref_squeeze %dma_start3A_731 : memref<1x50x128xf32, #tpu.memory_space<vmem>> -> memref<50x128xf32, #tpu.memory_space<vmem>>
      %dma_start3A_733 = arith.constant 0 : i32
      %dma_start3A_734 = arith.constant 0 : i32
      %dma_start3A_735 = tpu.memref_slice %arg5[%add3A_727, %dma_start3A_733, %dma_start3A_734] : memref<4096x50x128xf32, #tpu.memory_space<hbm>> -> memref<1x50x128xf32, #tpu.memory_space<hbm>>
      %dma_start3A_736 = tpu.memref_squeeze %dma_start3A_735 : memref<1x50x128xf32, #tpu.memory_space<hbm>> -> memref<50x128xf32, #tpu.memory_space<hbm>>
      %dma_start3A_737 = arith.constant 0 : i32
      %dma_start3A_738 = arith.constant 0 : i32
      %dma_start3A_739 = tpu.memref_slice %arg5[%add3A_727, %dma_start3A_737, %dma_start3A_738] : memref<4096x50x128xf32, #tpu.memory_space<hbm>> -> memref<1x50x128xf32, #tpu.memory_space<hbm>>
      %dma_start3A_740 = tpu.memref_squeeze %dma_start3A_739 : memref<1x50x128xf32, #tpu.memory_space<hbm>> -> memref<50x128xf32, #tpu.memory_space<hbm>>
      %dma_start3A_741 = arith.constant 150 : i32
      %dma_start3A_742 = arith.constant 0 : i32
      %dma_start3A_743 = tpu.memref_slice %arg7[%dma_start3A_728, %dma_start3A_741, %dma_start3A_742] : memref<4x200x128xf32, #tpu.memory_space<vmem>> -> memref<1x50x128xf32, #tpu.memory_space<vmem>>
      %dma_start3A_744 = tpu.memref_squeeze %dma_start3A_743 : memref<1x50x128xf32, #tpu.memory_space<vmem>> -> memref<50x128xf32, #tpu.memory_space<vmem>>
      tpu.enqueue_dma source(%dma_start3A_744 : memref<50x128xf32, #tpu.memory_space<vmem>>) target(%dma_start3A_740 : memref<50x128xf32, #tpu.memory_space<hbm>>) target_semaphore(%arg14 : memref<!tpu.dma_semaphore, #tpu.memory_space<semaphore_mem>>)
      %mul3A_745 = arith.constant 4 : i32
      %mul3A_746 = arith.muli %scan3A_449, %mul3A_745 : i32
      %add3A_747 = arith.constant 2 : i32
      %add3A_748 = arith.addi %mul3A_746, %add3A_747 : i32
      %add3A_749 = arith.constant 2 : i32
      %add3A_750 = arith.addi %add3A_748, %add3A_749 : i32
      %lt3A_751 = arith.constant 32 : i32
      %lt3A_752 = arith.cmpi slt, %add3A_750, %lt3A_751 : i32
      %convert_element_type3A_753 = arith.extui %lt3A_752 : i1 to i32
      %cond3A_754 = arith.constant 0 : i32
      %cond3A_755 = arith.cmpi ne, %convert_element_type3A_753, %cond3A_754 : i32
      scf.if %cond3A_755 {
        %ge3A = arith.constant 2 : i32
        %ge3A_1043 = arith.cmpi sge, %add3A_748, %ge3A : i32
        %convert_element_type3A_1044 = arith.extui %ge3A_1043 : i1 to i32
        %cond3A_1045 = arith.constant 0 : i32
        %cond3A_1046 = arith.cmpi ne, %convert_element_type3A_1044, %cond3A_1045 : i32
        scf.if %cond3A_1046 {
          %sub3A_1077 = arith.constant 2 : i32
          %sub3A_1078 = arith.subi %add3A_748, %sub3A_1077 : i32
          %mul3A_1079 = arith.constant 200 : i32
          %mul3A_1080 = arith.muli %sub3A_1078, %mul3A_1079 : i32
          %add3A_1081 = arith.addi %mul3A_2, %mul3A_1080 : i32
          %jit3A_1082 = arith.constant 50 : i32
          %div3A_1083 = arith.divsi %add3A_1081, %jit3A_1082 : i32
          %sign3A_1084 = arith.constant 0 : i32
          %sign3A_1085 = arith.cmpi sgt, %add3A_1081, %sign3A_1084 : i32
          %sign3A_1086 = arith.extui %sign3A_1085 : i1 to i32
          %sign3A_1087 = arith.constant 0 : i32
          %sign3A_1088 = arith.cmpi slt, %add3A_1081, %sign3A_1087 : i32
          %sign3A_1089 = arith.extui %sign3A_1088 : i1 to i32
          %sign3A_1090 = arith.subi %sign3A_1086, %sign3A_1089 : i32
          %sign3A_1091 = arith.constant 0 : i32
          %sign3A_1092 = arith.cmpi sgt, %jit3A_1082, %sign3A_1091 : i32
          %sign3A_1093 = arith.extui %sign3A_1092 : i1 to i32
          %sign3A_1094 = arith.constant 0 : i32
          %sign3A_1095 = arith.cmpi slt, %jit3A_1082, %sign3A_1094 : i32
          %sign3A_1096 = arith.extui %sign3A_1095 : i1 to i32
          %sign3A_1097 = arith.subi %sign3A_1093, %sign3A_1096 : i32
          %ne3A_1098 = arith.cmpi ne, %sign3A_1090, %sign3A_1097 : i32
          %rem3A_1099 = arith.remsi %add3A_1081, %jit3A_1082 : i32
          %ne3A_1100 = arith.constant 0 : i32
          %ne3A_1101 = arith.cmpi ne, %rem3A_1099, %ne3A_1100 : i32
          %and3A_1102 = arith.andi %ne3A_1098, %ne3A_1101 : i1
          %sub3A_1103 = arith.constant 1 : i32
          %sub3A_1104 = arith.subi %div3A_1083, %sub3A_1103 : i32
          %select_n3A_1105 = arith.select %and3A_1102, %sub3A_1104, %div3A_1083 : i32
          %add3A_1106 = arith.constant 0 : i32
          %add3A_1107 = arith.addi %select_n3A_1105, %add3A_1106 : i32
          %dma_wait3A_1108 = arith.constant 0 : i32
          %dma_wait3A_1109 = arith.constant 0 : i32
          %dma_wait3A_1110 = arith.constant 0 : i32
          %dma_wait3A_1111 = tpu.memref_slice %arg7[%dma_wait3A_1108, %dma_wait3A_1109, %dma_wait3A_1110] : memref<4x200x128xf32, #tpu.memory_space<vmem>> -> memref<1x50x128xf32, #tpu.memory_space<vmem>>
          %dma_wait3A_1112 = tpu.memref_squeeze %dma_wait3A_1111 : memref<1x50x128xf32, #tpu.memory_space<vmem>> -> memref<50x128xf32, #tpu.memory_space<vmem>>
          %dma_wait3A_1113 = arith.constant 0 : i32
          %dma_wait3A_1114 = arith.constant 0 : i32
          %dma_wait3A_1115 = tpu.memref_slice %arg5[%add3A_1107, %dma_wait3A_1113, %dma_wait3A_1114] : memref<4096x50x128xf32, #tpu.memory_space<hbm>> -> memref<1x50x128xf32, #tpu.memory_space<hbm>>
          %dma_wait3A_1116 = tpu.memref_squeeze %dma_wait3A_1115 : memref<1x50x128xf32, #tpu.memory_space<hbm>> -> memref<50x128xf32, #tpu.memory_space<hbm>>
          %dma_wait3A_1117 = arith.constant 0 : i32
          %dma_wait3A_1118 = arith.constant 0 : i32
          %dma_wait3A_1119 = tpu.memref_slice %arg5[%add3A_1107, %dma_wait3A_1117, %dma_wait3A_1118] : memref<4096x50x128xf32, #tpu.memory_space<hbm>> -> memref<1x50x128xf32, #tpu.memory_space<hbm>>
          %dma_wait3A_1120 = tpu.memref_squeeze %dma_wait3A_1119 : memref<1x50x128xf32, #tpu.memory_space<hbm>> -> memref<50x128xf32, #tpu.memory_space<hbm>>
          %dma_wait3A_1121 = arith.constant 0 : i32
          %dma_wait3A_1122 = arith.constant 0 : i32
          %dma_wait3A_1123 = tpu.memref_slice %arg7[%dma_wait3A_1108, %dma_wait3A_1121, %dma_wait3A_1122] : memref<4x200x128xf32, #tpu.memory_space<vmem>> -> memref<1x50x128xf32, #tpu.memory_space<vmem>>
          %dma_wait3A_1124 = tpu.memref_squeeze %dma_wait3A_1123 : memref<1x50x128xf32, #tpu.memory_space<vmem>> -> memref<50x128xf32, #tpu.memory_space<vmem>>
          tpu.wait_dma2 semaphore(%arg13 : memref<!tpu.dma_semaphore, #tpu.memory_space<semaphore_mem>>) src(%dma_wait3A_1124 : memref<50x128xf32, #tpu.memory_space<vmem>>) dst(%dma_wait3A_1120 : memref<50x128xf32, #tpu.memory_space<hbm>>)
          %add3A_1125 = arith.constant 1 : i32
          %add3A_1126 = arith.addi %select_n3A_1105, %add3A_1125 : i32
          %dma_wait3A_1127 = arith.constant 0 : i32
          %dma_wait3A_1128 = arith.constant 50 : i32
          %dma_wait3A_1129 = arith.constant 0 : i32
          %dma_wait3A_1130 = tpu.memref_slice %arg7[%dma_wait3A_1127, %dma_wait3A_1128, %dma_wait3A_1129] : memref<4x200x128xf32, #tpu.memory_space<vmem>> -> memref<1x50x128xf32, #tpu.memory_space<vmem>>
          %dma_wait3A_1131 = tpu.memref_squeeze %dma_wait3A_1130 : memref<1x50x128xf32, #tpu.memory_space<vmem>> -> memref<50x128xf32, #tpu.memory_space<vmem>>
          %dma_wait3A_1132 = arith.constant 0 : i32
          %dma_wait3A_1133 = arith.constant 0 : i32
          %dma_wait3A_1134 = tpu.memref_slice %arg5[%add3A_1126, %dma_wait3A_1132, %dma_wait3A_1133] : memref<4096x50x128xf32, #tpu.memory_space<hbm>> -> memref<1x50x128xf32, #tpu.memory_space<hbm>>
          %dma_wait3A_1135 = tpu.memref_squeeze %dma_wait3A_1134 : memref<1x50x128xf32, #tpu.memory_space<hbm>> -> memref<50x128xf32, #tpu.memory_space<hbm>>
          %dma_wait3A_1136 = arith.constant 0 : i32
          %dma_wait3A_1137 = arith.constant 0 : i32
          %dma_wait3A_1138 = tpu.memref_slice %arg5[%add3A_1126, %dma_wait3A_1136, %dma_wait3A_1137] : memref<4096x50x128xf32, #tpu.memory_space<hbm>> -> memref<1x50x128xf32, #tpu.memory_space<hbm>>
          %dma_wait3A_1139 = tpu.memref_squeeze %dma_wait3A_1138 : memref<1x50x128xf32, #tpu.memory_space<hbm>> -> memref<50x128xf32, #tpu.memory_space<hbm>>
          %dma_wait3A_1140 = arith.constant 50 : i32
          %dma_wait3A_1141 = arith.constant 0 : i32
          %dma_wait3A_1142 = tpu.memref_slice %arg7[%dma_wait3A_1127, %dma_wait3A_1140, %dma_wait3A_1141] : memref<4x200x128xf32, #tpu.memory_space<vmem>> -> memref<1x50x128xf32, #tpu.memory_space<vmem>>
          %dma_wait3A_1143 = tpu.memref_squeeze %dma_wait3A_1142 : memref<1x50x128xf32, #tpu.memory_space<vmem>> -> memref<50x128xf32, #tpu.memory_space<vmem>>
          tpu.wait_dma2 semaphore(%arg13 : memref<!tpu.dma_semaphore, #tpu.memory_space<semaphore_mem>>) src(%dma_wait3A_1143 : memref<50x128xf32, #tpu.memory_space<vmem>>) dst(%dma_wait3A_1139 : memref<50x128xf32, #tpu.memory_space<hbm>>)
          %add3A_1144 = arith.constant 2 : i32
          %add3A_1145 = arith.addi %select_n3A_1105, %add3A_1144 : i32
          %dma_wait3A_1146 = arith.constant 0 : i32
          %dma_wait3A_1147 = arith.constant 100 : i32
          %dma_wait3A_1148 = arith.constant 0 : i32
          %dma_wait3A_1149 = tpu.memref_slice %arg7[%dma_wait3A_1146, %dma_wait3A_1147, %dma_wait3A_1148] : memref<4x200x128xf32, #tpu.memory_space<vmem>> -> memref<1x50x128xf32, #tpu.memory_space<vmem>>
          %dma_wait3A_1150 = tpu.memref_squeeze %dma_wait3A_1149 : memref<1x50x128xf32, #tpu.memory_space<vmem>> -> memref<50x128xf32, #tpu.memory_space<vmem>>
          %dma_wait3A_1151 = arith.constant 0 : i32
          %dma_wait3A_1152 = arith.constant 0 : i32
          %dma_wait3A_1153 = tpu.memref_slice %arg5[%add3A_1145, %dma_wait3A_1151, %dma_wait3A_1152] : memref<4096x50x128xf32, #tpu.memory_space<hbm>> -> memref<1x50x128xf32, #tpu.memory_space<hbm>>
          %dma_wait3A_1154 = tpu.memref_squeeze %dma_wait3A_1153 : memref<1x50x128xf32, #tpu.memory_space<hbm>> -> memref<50x128xf32, #tpu.memory_space<hbm>>
          %dma_wait3A_1155 = arith.constant 0 : i32
          %dma_wait3A_1156 = arith.constant 0 : i32
          %dma_wait3A_1157 = tpu.memref_slice %arg5[%add3A_1145, %dma_wait3A_1155, %dma_wait3A_1156] : memref<4096x50x128xf32, #tpu.memory_space<hbm>> -> memref<1x50x128xf32, #tpu.memory_space<hbm>>
          %dma_wait3A_1158 = tpu.memref_squeeze %dma_wait3A_1157 : memref<1x50x128xf32, #tpu.memory_space<hbm>> -> memref<50x128xf32, #tpu.memory_space<hbm>>
          %dma_wait3A_1159 = arith.constant 100 : i32
          %dma_wait3A_1160 = arith.constant 0 : i32
          %dma_wait3A_1161 = tpu.memref_slice %arg7[%dma_wait3A_1146, %dma_wait3A_1159, %dma_wait3A_1160] : memref<4x200x128xf32, #tpu.memory_space<vmem>> -> memref<1x50x128xf32, #tpu.memory_space<vmem>>
          %dma_wait3A_1162 = tpu.memref_squeeze %dma_wait3A_1161 : memref<1x50x128xf32, #tpu.memory_space<vmem>> -> memref<50x128xf32, #tpu.memory_space<vmem>>
          tpu.wait_dma2 semaphore(%arg13 : memref<!tpu.dma_semaphore, #tpu.memory_space<semaphore_mem>>) src(%dma_wait3A_1162 : memref<50x128xf32, #tpu.memory_space<vmem>>) dst(%dma_wait3A_1158 : memref<50x128xf32, #tpu.memory_space<hbm>>)
          %add3A_1163 = arith.constant 3 : i32
          %add3A_1164 = arith.addi %select_n3A_1105, %add3A_1163 : i32
          %dma_wait3A_1165 = arith.constant 0 : i32
          %dma_wait3A_1166 = arith.constant 150 : i32
          %dma_wait3A_1167 = arith.constant 0 : i32
          %dma_wait3A_1168 = tpu.memref_slice %arg7[%dma_wait3A_1165, %dma_wait3A_1166, %dma_wait3A_1167] : memref<4x200x128xf32, #tpu.memory_space<vmem>> -> memref<1x50x128xf32, #tpu.memory_space<vmem>>
          %dma_wait3A_1169 = tpu.memref_squeeze %dma_wait3A_1168 : memref<1x50x128xf32, #tpu.memory_space<vmem>> -> memref<50x128xf32, #tpu.memory_space<vmem>>
          %dma_wait3A_1170 = arith.constant 0 : i32
          %dma_wait3A_1171 = arith.constant 0 : i32
          %dma_wait3A_1172 = tpu.memref_slice %arg5[%add3A_1164, %dma_wait3A_1170, %dma_wait3A_1171] : memref<4096x50x128xf32, #tpu.memory_space<hbm>> -> memref<1x50x128xf32, #tpu.memory_space<hbm>>
          %dma_wait3A_1173 = tpu.memref_squeeze %dma_wait3A_1172 : memref<1x50x128xf32, #tpu.memory_space<hbm>> -> memref<50x128xf32, #tpu.memory_space<hbm>>
          %dma_wait3A_1174 = arith.constant 0 : i32
          %dma_wait3A_1175 = arith.constant 0 : i32
          %dma_wait3A_1176 = tpu.memref_slice %arg5[%add3A_1164, %dma_wait3A_1174, %dma_wait3A_1175] : memref<4096x50x128xf32, #tpu.memory_space<hbm>> -> memref<1x50x128xf32, #tpu.memory_space<hbm>>
          %dma_wait3A_1177 = tpu.memref_squeeze %dma_wait3A_1176 : memref<1x50x128xf32, #tpu.memory_space<hbm>> -> memref<50x128xf32, #tpu.memory_space<hbm>>
          %dma_wait3A_1178 = arith.constant 150 : i32
          %dma_wait3A_1179 = arith.constant 0 : i32
          %dma_wait3A_1180 = tpu.memref_slice %arg7[%dma_wait3A_1165, %dma_wait3A_1178, %dma_wait3A_1179] : memref<4x200x128xf32, #tpu.memory_space<vmem>> -> memref<1x50x128xf32, #tpu.memory_space<vmem>>
          %dma_wait3A_1181 = tpu.memref_squeeze %dma_wait3A_1180 : memref<1x50x128xf32, #tpu.memory_space<vmem>> -> memref<50x128xf32, #tpu.memory_space<vmem>>
          tpu.wait_dma2 semaphore(%arg13 : memref<!tpu.dma_semaphore, #tpu.memory_space<semaphore_mem>>) src(%dma_wait3A_1181 : memref<50x128xf32, #tpu.memory_space<vmem>>) dst(%dma_wait3A_1177 : memref<50x128xf32, #tpu.memory_space<hbm>>)
        } else {
        }
        %add3A_1047 = arith.constant 2 : i32
        %add3A_1048 = arith.addi %add3A_748, %add3A_1047 : i32
        %mul3A_1049 = arith.constant 200 : i32
        %mul3A_1050 = arith.muli %add3A_1048, %mul3A_1049 : i32
        %add3A_1051 = arith.constant 0 : i32
        %add3A_1052 = arith.addi %mul3A_1050, %add3A_1051 : i32
        %multiple_of3A_1053 = tpu.assume_multiple %add3A_1052, 8 : i32
        %dma_start3A_1054 = arith.constant 0 : i32
        %dma_start3A_1055 = arith.constant 0 : i32
        %dma_start3A_1056 = arith.constant 0 : i32
        %dma_start3A_1057 = tpu.memref_slice %arg7[%dma_start3A_1054, %dma_start3A_1055, %dma_start3A_1056] : memref<4x200x128xf32, #tpu.memory_space<vmem>> -> memref<1x104x128xf32, #tpu.memory_space<vmem>>
        %dma_start3A_1058 = tpu.memref_squeeze %dma_start3A_1057 : memref<1x104x128xf32, #tpu.memory_space<vmem>> -> memref<104x128xf32, #tpu.memory_space<vmem>>
        %dma_start3A_1059 = tpu.memref_slice %arg6[%multiple_of3A_1053] : memref<6400xi32, #tpu.memory_space<vmem>> -> memref<104xi32, #tpu.memory_space<vmem>>
        %dma_start3A_1060 = arith.constant 0 : i32
        %dma_start3A_1061 = arith.constant 0 : i32
        %dma_start3A_1062 = tpu.memref_slice %arg3[%dma_start3A_1060, %dma_start3A_1061] : memref<100000x128xf32, #tpu.memory_space<hbm>> -> memref<100000x128xf32, #tpu.memory_space<hbm>>
        tpu.enqueue_indirect_dma source(%dma_start3A_1062 : memref<100000x128xf32, #tpu.memory_space<hbm>>) target(%dma_start3A_1058 : memref<104x128xf32, #tpu.memory_space<vmem>>) offsets(%dma_start3A_1059 : memref<104xi32, #tpu.memory_space<vmem>>) semaphore(%arg9 : memref<!tpu.dma_semaphore, #tpu.memory_space<semaphore_mem>>)
        %mul3A_1063 = arith.constant 200 : i32
        %mul3A_1064 = arith.muli %add3A_1048, %mul3A_1063 : i32
        %add3A_1065 = arith.constant 104 : i32
        %add3A_1066 = arith.addi %mul3A_1064, %add3A_1065 : i32
        %multiple_of3A_1067 = tpu.assume_multiple %add3A_1066, 8 : i32
        %dma_start3A_1068 = arith.constant 0 : i32
        %dma_start3A_1069 = arith.constant 104 : i32
        %dma_start3A_1070 = arith.constant 0 : i32
        %dma_start3A_1071 = tpu.memref_slice %arg7[%dma_start3A_1068, %dma_start3A_1069, %dma_start3A_1070] : memref<4x200x128xf32, #tpu.memory_space<vmem>> -> memref<1x96x128xf32, #tpu.memory_space<vmem>>
        %dma_start3A_1072 = tpu.memref_squeeze %dma_start3A_1071 : memref<1x96x128xf32, #tpu.memory_space<vmem>> -> memref<96x128xf32, #tpu.memory_space<vmem>>
        %dma_start3A_1073 = tpu.memref_slice %arg6[%multiple_of3A_1067] : memref<6400xi32, #tpu.memory_space<vmem>> -> memref<96xi32, #tpu.memory_space<vmem>>
        %dma_start3A_1074 = arith.constant 0 : i32
        %dma_start3A_1075 = arith.constant 0 : i32
        %dma_start3A_1076 = tpu.memref_slice %arg3[%dma_start3A_1074, %dma_start3A_1075] : memref<100000x128xf32, #tpu.memory_space<hbm>> -> memref<100000x128xf32, #tpu.memory_space<hbm>>
        tpu.enqueue_indirect_dma source(%dma_start3A_1076 : memref<100000x128xf32, #tpu.memory_space<hbm>>) target(%dma_start3A_1072 : memref<96x128xf32, #tpu.memory_space<vmem>>) offsets(%dma_start3A_1073 : memref<96xi32, #tpu.memory_space<vmem>>) semaphore(%arg9 : memref<!tpu.dma_semaphore, #tpu.memory_space<semaphore_mem>>)
      } else {
      }
      %mul3A_756 = arith.constant 200 : i32
      %mul3A_757 = arith.muli %add3A_748, %mul3A_756 : i32
      %add3A_758 = arith.constant 0 : i32
      %add3A_759 = arith.addi %mul3A_757, %add3A_758 : i32
      %multiple_of3A_760 = tpu.assume_multiple %add3A_759, 8 : i32
      %dma_wait3A_761 = arith.constant 2 : i32
      %dma_wait3A_762 = arith.constant 0 : i32
      %dma_wait3A_763 = arith.constant 0 : i32
      %dma_wait3A_764 = tpu.memref_slice %arg7[%dma_wait3A_761, %dma_wait3A_762, %dma_wait3A_763] : memref<4x200x128xf32, #tpu.memory_space<vmem>> -> memref<1x104x128xf32, #tpu.memory_space<vmem>>
      %dma_wait3A_765 = tpu.memref_squeeze %dma_wait3A_764 : memref<1x104x128xf32, #tpu.memory_space<vmem>> -> memref<104x128xf32, #tpu.memory_space<vmem>>
      %dma_wait3A_766 = tpu.memref_slice %arg6[%multiple_of3A_760] : memref<6400xi32, #tpu.memory_space<vmem>> -> memref<104xi32, #tpu.memory_space<vmem>>
      %dma_wait3A_767 = arith.constant 0 : i32
      %dma_wait3A_768 = arith.constant 0 : i32
      %dma_wait3A_769 = tpu.memref_slice %arg3[%dma_wait3A_767, %dma_wait3A_768] : memref<100000x128xf32, #tpu.memory_space<hbm>> -> memref<100000x128xf32, #tpu.memory_space<hbm>>
      tpu.wait_indirect_dma semaphore(%arg11 : memref<!tpu.dma_semaphore, #tpu.memory_space<semaphore_mem>>) src(%dma_wait3A_769 : memref<100000x128xf32, #tpu.memory_space<hbm>>) dst(%dma_wait3A_765 : memref<104x128xf32, #tpu.memory_space<vmem>>)
      %mul3A_770 = arith.constant 200 : i32
      %mul3A_771 = arith.muli %add3A_748, %mul3A_770 : i32
      %add3A_772 = arith.constant 104 : i32
      %add3A_773 = arith.addi %mul3A_771, %add3A_772 : i32
      %multiple_of3A_774 = tpu.assume_multiple %add3A_773, 8 : i32
      %dma_wait3A_775 = arith.constant 2 : i32
      %dma_wait3A_776 = arith.constant 104 : i32
      %dma_wait3A_777 = arith.constant 0 : i32
      %dma_wait3A_778 = tpu.memref_slice %arg7[%dma_wait3A_775, %dma_wait3A_776, %dma_wait3A_777] : memref<4x200x128xf32, #tpu.memory_space<vmem>> -> memref<1x96x128xf32, #tpu.memory_space<vmem>>
      %dma_wait3A_779 = tpu.memref_squeeze %dma_wait3A_778 : memref<1x96x128xf32, #tpu.memory_space<vmem>> -> memref<96x128xf32, #tpu.memory_space<vmem>>
      %dma_wait3A_780 = tpu.memref_slice %arg6[%multiple_of3A_774] : memref<6400xi32, #tpu.memory_space<vmem>> -> memref<96xi32, #tpu.memory_space<vmem>>
      %dma_wait3A_781 = arith.constant 0 : i32
      %dma_wait3A_782 = arith.constant 0 : i32
      %dma_wait3A_783 = tpu.memref_slice %arg3[%dma_wait3A_781, %dma_wait3A_782] : memref<100000x128xf32, #tpu.memory_space<hbm>> -> memref<100000x128xf32, #tpu.memory_space<hbm>>
      tpu.wait_indirect_dma semaphore(%arg11 : memref<!tpu.dma_semaphore, #tpu.memory_space<semaphore_mem>>) src(%dma_wait3A_783 : memref<100000x128xf32, #tpu.memory_space<hbm>>) dst(%dma_wait3A_779 : memref<96x128xf32, #tpu.memory_space<vmem>>)
      %scan3A_784 = arith.constant 0 : i32
      %scan3A_785 = arith.constant 2 : i32
      %scan3A_786 = arith.constant 0 : i32
      %scan3A_787 = arith.constant 50 : i32
      %scan3A_788 = arith.addi %scan3A_786, %scan3A_787 : i32
      %scan3A_789 = arith.constant 1 : i32
      scf.for %scan3A_1043 = %scan3A_786 to %scan3A_788 step %scan3A_789  : i32 {
        %mul3A_1044 = arith.constant 128 : i32
        %mul3A_1045 = arith.muli %scan3A_1043, %mul3A_1044 : i32
        %add3A_1046 = arith.constant 0 : i32
        %add3A_1047 = arith.addi %mul3A_1045, %add3A_1046 : i32
        %get3A = arith.index_cast %add3A_1047 : i32 to index
        %get3A_1048 = tpu.vector_load %arg8[%get3A] {strides = array<i32>} : memref<6400xf32, #tpu.memory_space<vmem>>, vector<16xf32>,
        %get3A_1049 = vector.shape_cast %get3A_1048 : vector<16xf32> to vector<16xf32>
        %mul3A_1050 = arith.constant 128 : i32
        %mul3A_1051 = arith.muli %scan3A_1043, %mul3A_1050 : i32
        %add3A_1052 = arith.constant 16 : i32
        %add3A_1053 = arith.addi %mul3A_1051, %add3A_1052 : i32
        %get3A_1054 = arith.index_cast %add3A_1053 : i32 to index
        %get3A_1055 = tpu.vector_load %arg8[%get3A_1054] {strides = array<i32>} : memref<6400xf32, #tpu.memory_space<vmem>>, vector<16xf32>,
        %get3A_1056 = vector.shape_cast %get3A_1055 : vector<16xf32> to vector<16xf32>
        %mul3A_1057 = arith.constant 128 : i32
        %mul3A_1058 = arith.muli %scan3A_1043, %mul3A_1057 : i32
        %add3A_1059 = arith.constant 32 : i32
        %add3A_1060 = arith.addi %mul3A_1058, %add3A_1059 : i32
        %get3A_1061 = arith.index_cast %add3A_1060 : i32 to index
        %get3A_1062 = tpu.vector_load %arg8[%get3A_1061] {strides = array<i32>} : memref<6400xf32, #tpu.memory_space<vmem>>, vector<16xf32>,
        %get3A_1063 = vector.shape_cast %get3A_1062 : vector<16xf32> to vector<16xf32>
        %mul3A_1064 = arith.constant 128 : i32
        %mul3A_1065 = arith.muli %scan3A_1043, %mul3A_1064 : i32
        %add3A_1066 = arith.constant 48 : i32
        %add3A_1067 = arith.addi %mul3A_1065, %add3A_1066 : i32
        %get3A_1068 = arith.index_cast %add3A_1067 : i32 to index
        %get3A_1069 = tpu.vector_load %arg8[%get3A_1068] {strides = array<i32>} : memref<6400xf32, #tpu.memory_space<vmem>>, vector<16xf32>,
        %get3A_1070 = vector.shape_cast %get3A_1069 : vector<16xf32> to vector<16xf32>
        %mul3A_1071 = arith.constant 128 : i32
        %mul3A_1072 = arith.muli %scan3A_1043, %mul3A_1071 : i32
        %add3A_1073 = arith.constant 64 : i32
        %add3A_1074 = arith.addi %mul3A_1072, %add3A_1073 : i32
        %get3A_1075 = arith.index_cast %add3A_1074 : i32 to index
        %get3A_1076 = tpu.vector_load %arg8[%get3A_1075] {strides = array<i32>} : memref<6400xf32, #tpu.memory_space<vmem>>, vector<16xf32>,
        %get3A_1077 = vector.shape_cast %get3A_1076 : vector<16xf32> to vector<16xf32>
        %mul3A_1078 = arith.constant 128 : i32
        %mul3A_1079 = arith.muli %scan3A_1043, %mul3A_1078 : i32
        %add3A_1080 = arith.constant 80 : i32
        %add3A_1081 = arith.addi %mul3A_1079, %add3A_1080 : i32
        %get3A_1082 = arith.index_cast %add3A_1081 : i32 to index
        %get3A_1083 = tpu.vector_load %arg8[%get3A_1082] {strides = array<i32>} : memref<6400xf32, #tpu.memory_space<vmem>>, vector<16xf32>,
        %get3A_1084 = vector.shape_cast %get3A_1083 : vector<16xf32> to vector<16xf32>
        %mul3A_1085 = arith.constant 128 : i32
        %mul3A_1086 = arith.muli %scan3A_1043, %mul3A_1085 : i32
        %add3A_1087 = arith.constant 96 : i32
        %add3A_1088 = arith.addi %mul3A_1086, %add3A_1087 : i32
        %get3A_1089 = arith.index_cast %add3A_1088 : i32 to index
        %get3A_1090 = tpu.vector_load %arg8[%get3A_1089] {strides = array<i32>} : memref<6400xf32, #tpu.memory_space<vmem>>, vector<16xf32>,
        %get3A_1091 = vector.shape_cast %get3A_1090 : vector<16xf32> to vector<16xf32>
        %mul3A_1092 = arith.constant 128 : i32
        %mul3A_1093 = arith.muli %scan3A_1043, %mul3A_1092 : i32
        %add3A_1094 = arith.constant 112 : i32
        %add3A_1095 = arith.addi %mul3A_1093, %add3A_1094 : i32
        %get3A_1096 = arith.index_cast %add3A_1095 : i32 to index
        %get3A_1097 = tpu.vector_load %arg8[%get3A_1096] {strides = array<i32>} : memref<6400xf32, #tpu.memory_space<vmem>>, vector<16xf32>,
        %get3A_1098 = vector.shape_cast %get3A_1097 : vector<16xf32> to vector<16xf32>
        %add3A_1099 = arith.constant 0 : i32
        %add3A_1100 = arith.addi %add3A_1099, %scan3A_1043 : i32
        %swap3A = arith.constant 0 : i32
        %swap3A_1101 = arith.constant 0 : i32
        %swap3A_1102 = tpu.memref_slice %arg7[%scan3A_785, %swap3A, %swap3A_1101] : memref<4x200x128xf32, #tpu.memory_space<vmem>> -> memref<1x200x128xf32, #tpu.memory_space<vmem>>
        %swap3A_1103 = tpu.memref_squeeze %swap3A_1102 : memref<1x200x128xf32, #tpu.memory_space<vmem>> -> memref<200x128xf32, #tpu.memory_space<vmem>>
        %swap3A_1104 = arith.index_cast %add3A_1100 : i32 to index
        %swap3A_1105 = arith.constant 0 : index
        %swap3A_1106 = tpu.vector_load %swap3A_1103[%swap3A_1104, %swap3A_1105] {strides = array<i32>} : memref<200x128xf32, #tpu.memory_space<vmem>>, vector<1x16xf32>,
        %swap3A_1107 = vector.shape_cast %swap3A_1106 : vector<1x16xf32> to vector<16xf32>
        %swap3A_1108 = vector.shape_cast %get3A_1049 : vector<16xf32> to vector<1x16xf32>
        tpu.vector_store %swap3A_1103[%swap3A_1104, %swap3A_1105], %swap3A_1108 {add = true, strides = array<i32>} : memref<200x128xf32, #tpu.memory_space<vmem>>, vector<1x16xf32>,
        %add3A_1109 = arith.constant 0 : i32
        %add3A_1110 = arith.addi %add3A_1109, %scan3A_1043 : i32
        %swap3A_1111 = arith.constant 0 : i32
        %swap3A_1112 = arith.constant 0 : i32
        %swap3A_1113 = tpu.memref_slice %arg7[%scan3A_785, %swap3A_1111, %swap3A_1112] : memref<4x200x128xf32, #tpu.memory_space<vmem>> -> memref<1x200x128xf32, #tpu.memory_space<vmem>>
        %swap3A_1114 = tpu.memref_squeeze %swap3A_1113 : memref<1x200x128xf32, #tpu.memory_space<vmem>> -> memref<200x128xf32, #tpu.memory_space<vmem>>
        %swap3A_1115 = arith.index_cast %add3A_1110 : i32 to index
        %swap3A_1116 = arith.constant 16 : index
        %swap3A_1117 = tpu.vector_load %swap3A_1114[%swap3A_1115, %swap3A_1116] {strides = array<i32>} : memref<200x128xf32, #tpu.memory_space<vmem>>, vector<1x16xf32>,
        %swap3A_1118 = vector.shape_cast %swap3A_1117 : vector<1x16xf32> to vector<16xf32>
        %swap3A_1119 = vector.shape_cast %get3A_1056 : vector<16xf32> to vector<1x16xf32>
        tpu.vector_store %swap3A_1114[%swap3A_1115, %swap3A_1116], %swap3A_1119 {add = true, strides = array<i32>} : memref<200x128xf32, #tpu.memory_space<vmem>>, vector<1x16xf32>,
        %add3A_1120 = arith.constant 0 : i32
        %add3A_1121 = arith.addi %add3A_1120, %scan3A_1043 : i32
        %swap3A_1122 = arith.constant 0 : i32
        %swap3A_1123 = arith.constant 0 : i32
        %swap3A_1124 = tpu.memref_slice %arg7[%scan3A_785, %swap3A_1122, %swap3A_1123] : memref<4x200x128xf32, #tpu.memory_space<vmem>> -> memref<1x200x128xf32, #tpu.memory_space<vmem>>
        %swap3A_1125 = tpu.memref_squeeze %swap3A_1124 : memref<1x200x128xf32, #tpu.memory_space<vmem>> -> memref<200x128xf32, #tpu.memory_space<vmem>>
        %swap3A_1126 = arith.index_cast %add3A_1121 : i32 to index
        %swap3A_1127 = arith.constant 32 : index
        %swap3A_1128 = tpu.vector_load %swap3A_1125[%swap3A_1126, %swap3A_1127] {strides = array<i32>} : memref<200x128xf32, #tpu.memory_space<vmem>>, vector<1x16xf32>,
        %swap3A_1129 = vector.shape_cast %swap3A_1128 : vector<1x16xf32> to vector<16xf32>
        %swap3A_1130 = vector.shape_cast %get3A_1063 : vector<16xf32> to vector<1x16xf32>
        tpu.vector_store %swap3A_1125[%swap3A_1126, %swap3A_1127], %swap3A_1130 {add = true, strides = array<i32>} : memref<200x128xf32, #tpu.memory_space<vmem>>, vector<1x16xf32>,
        %add3A_1131 = arith.constant 0 : i32
        %add3A_1132 = arith.addi %add3A_1131, %scan3A_1043 : i32
        %swap3A_1133 = arith.constant 0 : i32
        %swap3A_1134 = arith.constant 0 : i32
        %swap3A_1135 = tpu.memref_slice %arg7[%scan3A_785, %swap3A_1133, %swap3A_1134] : memref<4x200x128xf32, #tpu.memory_space<vmem>> -> memref<1x200x128xf32, #tpu.memory_space<vmem>>
        %swap3A_1136 = tpu.memref_squeeze %swap3A_1135 : memref<1x200x128xf32, #tpu.memory_space<vmem>> -> memref<200x128xf32, #tpu.memory_space<vmem>>
        %swap3A_1137 = arith.index_cast %add3A_1132 : i32 to index
        %swap3A_1138 = arith.constant 48 : index
        %swap3A_1139 = tpu.vector_load %swap3A_1136[%swap3A_1137, %swap3A_1138] {strides = array<i32>} : memref<200x128xf32, #tpu.memory_space<vmem>>, vector<1x16xf32>,
        %swap3A_1140 = vector.shape_cast %swap3A_1139 : vector<1x16xf32> to vector<16xf32>
        %swap3A_1141 = vector.shape_cast %get3A_1070 : vector<16xf32> to vector<1x16xf32>
        tpu.vector_store %swap3A_1136[%swap3A_1137, %swap3A_1138], %swap3A_1141 {add = true, strides = array<i32>} : memref<200x128xf32, #tpu.memory_space<vmem>>, vector<1x16xf32>,
        %add3A_1142 = arith.constant 0 : i32
        %add3A_1143 = arith.addi %add3A_1142, %scan3A_1043 : i32
        %swap3A_1144 = arith.constant 0 : i32
        %swap3A_1145 = arith.constant 0 : i32
        %swap3A_1146 = tpu.memref_slice %arg7[%scan3A_785, %swap3A_1144, %swap3A_1145] : memref<4x200x128xf32, #tpu.memory_space<vmem>> -> memref<1x200x128xf32, #tpu.memory_space<vmem>>
        %swap3A_1147 = tpu.memref_squeeze %swap3A_1146 : memref<1x200x128xf32, #tpu.memory_space<vmem>> -> memref<200x128xf32, #tpu.memory_space<vmem>>
        %swap3A_1148 = arith.index_cast %add3A_1143 : i32 to index
        %swap3A_1149 = arith.constant 64 : index
        %swap3A_1150 = tpu.vector_load %swap3A_1147[%swap3A_1148, %swap3A_1149] {strides = array<i32>} : memref<200x128xf32, #tpu.memory_space<vmem>>, vector<1x16xf32>,
        %swap3A_1151 = vector.shape_cast %swap3A_1150 : vector<1x16xf32> to vector<16xf32>
        %swap3A_1152 = vector.shape_cast %get3A_1077 : vector<16xf32> to vector<1x16xf32>
        tpu.vector_store %swap3A_1147[%swap3A_1148, %swap3A_1149], %swap3A_1152 {add = true, strides = array<i32>} : memref<200x128xf32, #tpu.memory_space<vmem>>, vector<1x16xf32>,
        %add3A_1153 = arith.constant 0 : i32
        %add3A_1154 = arith.addi %add3A_1153, %scan3A_1043 : i32
        %swap3A_1155 = arith.constant 0 : i32
        %swap3A_1156 = arith.constant 0 : i32
        %swap3A_1157 = tpu.memref_slice %arg7[%scan3A_785, %swap3A_1155, %swap3A_1156] : memref<4x200x128xf32, #tpu.memory_space<vmem>> -> memref<1x200x128xf32, #tpu.memory_space<vmem>>
        %swap3A_1158 = tpu.memref_squeeze %swap3A_1157 : memref<1x200x128xf32, #tpu.memory_space<vmem>> -> memref<200x128xf32, #tpu.memory_space<vmem>>
        %swap3A_1159 = arith.index_cast %add3A_1154 : i32 to index
        %swap3A_1160 = arith.constant 80 : index
        %swap3A_1161 = tpu.vector_load %swap3A_1158[%swap3A_1159, %swap3A_1160] {strides = array<i32>} : memref<200x128xf32, #tpu.memory_space<vmem>>, vector<1x16xf32>,
        %swap3A_1162 = vector.shape_cast %swap3A_1161 : vector<1x16xf32> to vector<16xf32>
        %swap3A_1163 = vector.shape_cast %get3A_1084 : vector<16xf32> to vector<1x16xf32>
        tpu.vector_store %swap3A_1158[%swap3A_1159, %swap3A_1160], %swap3A_1163 {add = true, strides = array<i32>} : memref<200x128xf32, #tpu.memory_space<vmem>>, vector<1x16xf32>,
        %add3A_1164 = arith.constant 0 : i32
        %add3A_1165 = arith.addi %add3A_1164, %scan3A_1043 : i32
        %swap3A_1166 = arith.constant 0 : i32
        %swap3A_1167 = arith.constant 0 : i32
        %swap3A_1168 = tpu.memref_slice %arg7[%scan3A_785, %swap3A_1166, %swap3A_1167] : memref<4x200x128xf32, #tpu.memory_space<vmem>> -> memref<1x200x128xf32, #tpu.memory_space<vmem>>
        %swap3A_1169 = tpu.memref_squeeze %swap3A_1168 : memref<1x200x128xf32, #tpu.memory_space<vmem>> -> memref<200x128xf32, #tpu.memory_space<vmem>>
        %swap3A_1170 = arith.index_cast %add3A_1165 : i32 to index
        %swap3A_1171 = arith.constant 96 : index
        %swap3A_1172 = tpu.vector_load %swap3A_1169[%swap3A_1170, %swap3A_1171] {strides = array<i32>} : memref<200x128xf32, #tpu.memory_space<vmem>>, vector<1x16xf32>,
        %swap3A_1173 = vector.shape_cast %swap3A_1172 : vector<1x16xf32> to vector<16xf32>
        %swap3A_1174 = vector.shape_cast %get3A_1091 : vector<16xf32> to vector<1x16xf32>
        tpu.vector_store %swap3A_1169[%swap3A_1170, %swap3A_1171], %swap3A_1174 {add = true, strides = array<i32>} : memref<200x128xf32, #tpu.memory_space<vmem>>, vector<1x16xf32>,
        %add3A_1175 = arith.constant 0 : i32
        %add3A_1176 = arith.addi %add3A_1175, %scan3A_1043 : i32
        %swap3A_1177 = arith.constant 0 : i32
        %swap3A_1178 = arith.constant 0 : i32
        %swap3A_1179 = tpu.memref_slice %arg7[%scan3A_785, %swap3A_1177, %swap3A_1178] : memref<4x200x128xf32, #tpu.memory_space<vmem>> -> memref<1x200x128xf32, #tpu.memory_space<vmem>>
        %swap3A_1180 = tpu.memref_squeeze %swap3A_1179 : memref<1x200x128xf32, #tpu.memory_space<vmem>> -> memref<200x128xf32, #tpu.memory_space<vmem>>
        %swap3A_1181 = arith.index_cast %add3A_1176 : i32 to index
        %swap3A_1182 = arith.constant 112 : index
        %swap3A_1183 = tpu.vector_load %swap3A_1180[%swap3A_1181, %swap3A_1182] {strides = array<i32>} : memref<200x128xf32, #tpu.memory_space<vmem>>, vector<1x16xf32>,
        %swap3A_1184 = vector.shape_cast %swap3A_1183 : vector<1x16xf32> to vector<16xf32>
        %swap3A_1185 = vector.shape_cast %get3A_1098 : vector<16xf32> to vector<1x16xf32>
        tpu.vector_store %swap3A_1180[%swap3A_1181, %swap3A_1182], %swap3A_1185 {add = true, strides = array<i32>} : memref<200x128xf32, #tpu.memory_space<vmem>>, vector<1x16xf32>,
        %add3A_1186 = arith.constant 50 : i32
        %add3A_1187 = arith.addi %add3A_1186, %scan3A_1043 : i32
        %swap3A_1188 = arith.constant 0 : i32
        %swap3A_1189 = arith.constant 0 : i32
        %swap3A_1190 = tpu.memref_slice %arg7[%scan3A_785, %swap3A_1188, %swap3A_1189] : memref<4x200x128xf32, #tpu.memory_space<vmem>> -> memref<1x200x128xf32, #tpu.memory_space<vmem>>
        %swap3A_1191 = tpu.memref_squeeze %swap3A_1190 : memref<1x200x128xf32, #tpu.memory_space<vmem>> -> memref<200x128xf32, #tpu.memory_space<vmem>>
        %swap3A_1192 = arith.index_cast %add3A_1187 : i32 to index
        %swap3A_1193 = arith.constant 0 : index
        %swap3A_1194 = tpu.vector_load %swap3A_1191[%swap3A_1192, %swap3A_1193] {strides = array<i32>} : memref<200x128xf32, #tpu.memory_space<vmem>>, vector<1x16xf32>,
        %swap3A_1195 = vector.shape_cast %swap3A_1194 : vector<1x16xf32> to vector<16xf32>
        %swap3A_1196 = vector.shape_cast %get3A_1049 : vector<16xf32> to vector<1x16xf32>
        tpu.vector_store %swap3A_1191[%swap3A_1192, %swap3A_1193], %swap3A_1196 {add = true, strides = array<i32>} : memref<200x128xf32, #tpu.memory_space<vmem>>, vector<1x16xf32>,
        %add3A_1197 = arith.constant 50 : i32
        %add3A_1198 = arith.addi %add3A_1197, %scan3A_1043 : i32
        %swap3A_1199 = arith.constant 0 : i32
        %swap3A_1200 = arith.constant 0 : i32
        %swap3A_1201 = tpu.memref_slice %arg7[%scan3A_785, %swap3A_1199, %swap3A_1200] : memref<4x200x128xf32, #tpu.memory_space<vmem>> -> memref<1x200x128xf32, #tpu.memory_space<vmem>>
        %swap3A_1202 = tpu.memref_squeeze %swap3A_1201 : memref<1x200x128xf32, #tpu.memory_space<vmem>> -> memref<200x128xf32, #tpu.memory_space<vmem>>
        %swap3A_1203 = arith.index_cast %add3A_1198 : i32 to index
        %swap3A_1204 = arith.constant 16 : index
        %swap3A_1205 = tpu.vector_load %swap3A_1202[%swap3A_1203, %swap3A_1204] {strides = array<i32>} : memref<200x128xf32, #tpu.memory_space<vmem>>, vector<1x16xf32>,
        %swap3A_1206 = vector.shape_cast %swap3A_1205 : vector<1x16xf32> to vector<16xf32>
        %swap3A_1207 = vector.shape_cast %get3A_1056 : vector<16xf32> to vector<1x16xf32>
        tpu.vector_store %swap3A_1202[%swap3A_1203, %swap3A_1204], %swap3A_1207 {add = true, strides = array<i32>} : memref<200x128xf32, #tpu.memory_space<vmem>>, vector<1x16xf32>,
        %add3A_1208 = arith.constant 50 : i32
        %add3A_1209 = arith.addi %add3A_1208, %scan3A_1043 : i32
        %swap3A_1210 = arith.constant 0 : i32
        %swap3A_1211 = arith.constant 0 : i32
        %swap3A_1212 = tpu.memref_slice %arg7[%scan3A_785, %swap3A_1210, %swap3A_1211] : memref<4x200x128xf32, #tpu.memory_space<vmem>> -> memref<1x200x128xf32, #tpu.memory_space<vmem>>
        %swap3A_1213 = tpu.memref_squeeze %swap3A_1212 : memref<1x200x128xf32, #tpu.memory_space<vmem>> -> memref<200x128xf32, #tpu.memory_space<vmem>>
        %swap3A_1214 = arith.index_cast %add3A_1209 : i32 to index
        %swap3A_1215 = arith.constant 32 : index
        %swap3A_1216 = tpu.vector_load %swap3A_1213[%swap3A_1214, %swap3A_1215] {strides = array<i32>} : memref<200x128xf32, #tpu.memory_space<vmem>>, vector<1x16xf32>,
        %swap3A_1217 = vector.shape_cast %swap3A_1216 : vector<1x16xf32> to vector<16xf32>
        %swap3A_1218 = vector.shape_cast %get3A_1063 : vector<16xf32> to vector<1x16xf32>
        tpu.vector_store %swap3A_1213[%swap3A_1214, %swap3A_1215], %swap3A_1218 {add = true, strides = array<i32>} : memref<200x128xf32, #tpu.memory_space<vmem>>, vector<1x16xf32>,
        %add3A_1219 = arith.constant 50 : i32
        %add3A_1220 = arith.addi %add3A_1219, %scan3A_1043 : i32
        %swap3A_1221 = arith.constant 0 : i32
        %swap3A_1222 = arith.constant 0 : i32
        %swap3A_1223 = tpu.memref_slice %arg7[%scan3A_785, %swap3A_1221, %swap3A_1222] : memref<4x200x128xf32, #tpu.memory_space<vmem>> -> memref<1x200x128xf32, #tpu.memory_space<vmem>>
        %swap3A_1224 = tpu.memref_squeeze %swap3A_1223 : memref<1x200x128xf32, #tpu.memory_space<vmem>> -> memref<200x128xf32, #tpu.memory_space<vmem>>
        %swap3A_1225 = arith.index_cast %add3A_1220 : i32 to index
        %swap3A_1226 = arith.constant 48 : index
        %swap3A_1227 = tpu.vector_load %swap3A_1224[%swap3A_1225, %swap3A_1226] {strides = array<i32>} : memref<200x128xf32, #tpu.memory_space<vmem>>, vector<1x16xf32>,
        %swap3A_1228 = vector.shape_cast %swap3A_1227 : vector<1x16xf32> to vector<16xf32>
        %swap3A_1229 = vector.shape_cast %get3A_1070 : vector<16xf32> to vector<1x16xf32>
        tpu.vector_store %swap3A_1224[%swap3A_1225, %swap3A_1226], %swap3A_1229 {add = true, strides = array<i32>} : memref<200x128xf32, #tpu.memory_space<vmem>>, vector<1x16xf32>,
        %add3A_1230 = arith.constant 50 : i32
        %add3A_1231 = arith.addi %add3A_1230, %scan3A_1043 : i32
        %swap3A_1232 = arith.constant 0 : i32
        %swap3A_1233 = arith.constant 0 : i32
        %swap3A_1234 = tpu.memref_slice %arg7[%scan3A_785, %swap3A_1232, %swap3A_1233] : memref<4x200x128xf32, #tpu.memory_space<vmem>> -> memref<1x200x128xf32, #tpu.memory_space<vmem>>
        %swap3A_1235 = tpu.memref_squeeze %swap3A_1234 : memref<1x200x128xf32, #tpu.memory_space<vmem>> -> memref<200x128xf32, #tpu.memory_space<vmem>>
        %swap3A_1236 = arith.index_cast %add3A_1231 : i32 to index
        %swap3A_1237 = arith.constant 64 : index
        %swap3A_1238 = tpu.vector_load %swap3A_1235[%swap3A_1236, %swap3A_1237] {strides = array<i32>} : memref<200x128xf32, #tpu.memory_space<vmem>>, vector<1x16xf32>,
        %swap3A_1239 = vector.shape_cast %swap3A_1238 : vector<1x16xf32> to vector<16xf32>
        %swap3A_1240 = vector.shape_cast %get3A_1077 : vector<16xf32> to vector<1x16xf32>
        tpu.vector_store %swap3A_1235[%swap3A_1236, %swap3A_1237], %swap3A_1240 {add = true, strides = array<i32>} : memref<200x128xf32, #tpu.memory_space<vmem>>, vector<1x16xf32>,
        %add3A_1241 = arith.constant 50 : i32
        %add3A_1242 = arith.addi %add3A_1241, %scan3A_1043 : i32
        %swap3A_1243 = arith.constant 0 : i32
        %swap3A_1244 = arith.constant 0 : i32
        %swap3A_1245 = tpu.memref_slice %arg7[%scan3A_785, %swap3A_1243, %swap3A_1244] : memref<4x200x128xf32, #tpu.memory_space<vmem>> -> memref<1x200x128xf32, #tpu.memory_space<vmem>>
        %swap3A_1246 = tpu.memref_squeeze %swap3A_1245 : memref<1x200x128xf32, #tpu.memory_space<vmem>> -> memref<200x128xf32, #tpu.memory_space<vmem>>
        %swap3A_1247 = arith.index_cast %add3A_1242 : i32 to index
        %swap3A_1248 = arith.constant 80 : index
        %swap3A_1249 = tpu.vector_load %swap3A_1246[%swap3A_1247, %swap3A_1248] {strides = array<i32>} : memref<200x128xf32, #tpu.memory_space<vmem>>, vector<1x16xf32>,
        %swap3A_1250 = vector.shape_cast %swap3A_1249 : vector<1x16xf32> to vector<16xf32>
        %swap3A_1251 = vector.shape_cast %get3A_1084 : vector<16xf32> to vector<1x16xf32>
        tpu.vector_store %swap3A_1246[%swap3A_1247, %swap3A_1248], %swap3A_1251 {add = true, strides = array<i32>} : memref<200x128xf32, #tpu.memory_space<vmem>>, vector<1x16xf32>,
        %add3A_1252 = arith.constant 50 : i32
        %add3A_1253 = arith.addi %add3A_1252, %scan3A_1043 : i32
        %swap3A_1254 = arith.constant 0 : i32
        %swap3A_1255 = arith.constant 0 : i32
        %swap3A_1256 = tpu.memref_slice %arg7[%scan3A_785, %swap3A_1254, %swap3A_1255] : memref<4x200x128xf32, #tpu.memory_space<vmem>> -> memref<1x200x128xf32, #tpu.memory_space<vmem>>
        %swap3A_1257 = tpu.memref_squeeze %swap3A_1256 : memref<1x200x128xf32, #tpu.memory_space<vmem>> -> memref<200x128xf32, #tpu.memory_space<vmem>>
        %swap3A_1258 = arith.index_cast %add3A_1253 : i32 to index
        %swap3A_1259 = arith.constant 96 : index
        %swap3A_1260 = tpu.vector_load %swap3A_1257[%swap3A_1258, %swap3A_1259] {strides = array<i32>} : memref<200x128xf32, #tpu.memory_space<vmem>>, vector<1x16xf32>,
        %swap3A_1261 = vector.shape_cast %swap3A_1260 : vector<1x16xf32> to vector<16xf32>
        %swap3A_1262 = vector.shape_cast %get3A_1091 : vector<16xf32> to vector<1x16xf32>
        tpu.vector_store %swap3A_1257[%swap3A_1258, %swap3A_1259], %swap3A_1262 {add = true, strides = array<i32>} : memref<200x128xf32, #tpu.memory_space<vmem>>, vector<1x16xf32>,
        %add3A_1263 = arith.constant 50 : i32
        %add3A_1264 = arith.addi %add3A_1263, %scan3A_1043 : i32
        %swap3A_1265 = arith.constant 0 : i32
        %swap3A_1266 = arith.constant 0 : i32
        %swap3A_1267 = tpu.memref_slice %arg7[%scan3A_785, %swap3A_1265, %swap3A_1266] : memref<4x200x128xf32, #tpu.memory_space<vmem>> -> memref<1x200x128xf32, #tpu.memory_space<vmem>>
        %swap3A_1268 = tpu.memref_squeeze %swap3A_1267 : memref<1x200x128xf32, #tpu.memory_space<vmem>> -> memref<200x128xf32, #tpu.memory_space<vmem>>
        %swap3A_1269 = arith.index_cast %add3A_1264 : i32 to index
        %swap3A_1270 = arith.constant 112 : index
        %swap3A_1271 = tpu.vector_load %swap3A_1268[%swap3A_1269, %swap3A_1270] {strides = array<i32>} : memref<200x128xf32, #tpu.memory_space<vmem>>, vector<1x16xf32>,
        %swap3A_1272 = vector.shape_cast %swap3A_1271 : vector<1x16xf32> to vector<16xf32>
        %swap3A_1273 = vector.shape_cast %get3A_1098 : vector<16xf32> to vector<1x16xf32>
        tpu.vector_store %swap3A_1268[%swap3A_1269, %swap3A_1270], %swap3A_1273 {add = true, strides = array<i32>} : memref<200x128xf32, #tpu.memory_space<vmem>>, vector<1x16xf32>,
        %add3A_1274 = arith.constant 100 : i32
        %add3A_1275 = arith.addi %add3A_1274, %scan3A_1043 : i32
        %swap3A_1276 = arith.constant 0 : i32
        %swap3A_1277 = arith.constant 0 : i32
        %swap3A_1278 = tpu.memref_slice %arg7[%scan3A_785, %swap3A_1276, %swap3A_1277] : memref<4x200x128xf32, #tpu.memory_space<vmem>> -> memref<1x200x128xf32, #tpu.memory_space<vmem>>
        %swap3A_1279 = tpu.memref_squeeze %swap3A_1278 : memref<1x200x128xf32, #tpu.memory_space<vmem>> -> memref<200x128xf32, #tpu.memory_space<vmem>>
        %swap3A_1280 = arith.index_cast %add3A_1275 : i32 to index
        %swap3A_1281 = arith.constant 0 : index
        %swap3A_1282 = tpu.vector_load %swap3A_1279[%swap3A_1280, %swap3A_1281] {strides = array<i32>} : memref<200x128xf32, #tpu.memory_space<vmem>>, vector<1x16xf32>,
        %swap3A_1283 = vector.shape_cast %swap3A_1282 : vector<1x16xf32> to vector<16xf32>
        %swap3A_1284 = vector.shape_cast %get3A_1049 : vector<16xf32> to vector<1x16xf32>
        tpu.vector_store %swap3A_1279[%swap3A_1280, %swap3A_1281], %swap3A_1284 {add = true, strides = array<i32>} : memref<200x128xf32, #tpu.memory_space<vmem>>, vector<1x16xf32>,
        %add3A_1285 = arith.constant 100 : i32
        %add3A_1286 = arith.addi %add3A_1285, %scan3A_1043 : i32
        %swap3A_1287 = arith.constant 0 : i32
        %swap3A_1288 = arith.constant 0 : i32
        %swap3A_1289 = tpu.memref_slice %arg7[%scan3A_785, %swap3A_1287, %swap3A_1288] : memref<4x200x128xf32, #tpu.memory_space<vmem>> -> memref<1x200x128xf32, #tpu.memory_space<vmem>>
        %swap3A_1290 = tpu.memref_squeeze %swap3A_1289 : memref<1x200x128xf32, #tpu.memory_space<vmem>> -> memref<200x128xf32, #tpu.memory_space<vmem>>
        %swap3A_1291 = arith.index_cast %add3A_1286 : i32 to index
        %swap3A_1292 = arith.constant 16 : index
        %swap3A_1293 = tpu.vector_load %swap3A_1290[%swap3A_1291, %swap3A_1292] {strides = array<i32>} : memref<200x128xf32, #tpu.memory_space<vmem>>, vector<1x16xf32>,
        %swap3A_1294 = vector.shape_cast %swap3A_1293 : vector<1x16xf32> to vector<16xf32>
        %swap3A_1295 = vector.shape_cast %get3A_1056 : vector<16xf32> to vector<1x16xf32>
        tpu.vector_store %swap3A_1290[%swap3A_1291, %swap3A_1292], %swap3A_1295 {add = true, strides = array<i32>} : memref<200x128xf32, #tpu.memory_space<vmem>>, vector<1x16xf32>,
        %add3A_1296 = arith.constant 100 : i32
        %add3A_1297 = arith.addi %add3A_1296, %scan3A_1043 : i32
        %swap3A_1298 = arith.constant 0 : i32
        %swap3A_1299 = arith.constant 0 : i32
        %swap3A_1300 = tpu.memref_slice %arg7[%scan3A_785, %swap3A_1298, %swap3A_1299] : memref<4x200x128xf32, #tpu.memory_space<vmem>> -> memref<1x200x128xf32, #tpu.memory_space<vmem>>
        %swap3A_1301 = tpu.memref_squeeze %swap3A_1300 : memref<1x200x128xf32, #tpu.memory_space<vmem>> -> memref<200x128xf32, #tpu.memory_space<vmem>>
        %swap3A_1302 = arith.index_cast %add3A_1297 : i32 to index
        %swap3A_1303 = arith.constant 32 : index
        %swap3A_1304 = tpu.vector_load %swap3A_1301[%swap3A_1302, %swap3A_1303] {strides = array<i32>} : memref<200x128xf32, #tpu.memory_space<vmem>>, vector<1x16xf32>,
        %swap3A_1305 = vector.shape_cast %swap3A_1304 : vector<1x16xf32> to vector<16xf32>
        %swap3A_1306 = vector.shape_cast %get3A_1063 : vector<16xf32> to vector<1x16xf32>
        tpu.vector_store %swap3A_1301[%swap3A_1302, %swap3A_1303], %swap3A_1306 {add = true, strides = array<i32>} : memref<200x128xf32, #tpu.memory_space<vmem>>, vector<1x16xf32>,
        %add3A_1307 = arith.constant 100 : i32
        %add3A_1308 = arith.addi %add3A_1307, %scan3A_1043 : i32
        %swap3A_1309 = arith.constant 0 : i32
        %swap3A_1310 = arith.constant 0 : i32
        %swap3A_1311 = tpu.memref_slice %arg7[%scan3A_785, %swap3A_1309, %swap3A_1310] : memref<4x200x128xf32, #tpu.memory_space<vmem>> -> memref<1x200x128xf32, #tpu.memory_space<vmem>>
        %swap3A_1312 = tpu.memref_squeeze %swap3A_1311 : memref<1x200x128xf32, #tpu.memory_space<vmem>> -> memref<200x128xf32, #tpu.memory_space<vmem>>
        %swap3A_1313 = arith.index_cast %add3A_1308 : i32 to index
        %swap3A_1314 = arith.constant 48 : index
        %swap3A_1315 = tpu.vector_load %swap3A_1312[%swap3A_1313, %swap3A_1314] {strides = array<i32>} : memref<200x128xf32, #tpu.memory_space<vmem>>, vector<1x16xf32>,
        %swap3A_1316 = vector.shape_cast %swap3A_1315 : vector<1x16xf32> to vector<16xf32>
        %swap3A_1317 = vector.shape_cast %get3A_1070 : vector<16xf32> to vector<1x16xf32>
        tpu.vector_store %swap3A_1312[%swap3A_1313, %swap3A_1314], %swap3A_1317 {add = true, strides = array<i32>} : memref<200x128xf32, #tpu.memory_space<vmem>>, vector<1x16xf32>,
        %add3A_1318 = arith.constant 100 : i32
        %add3A_1319 = arith.addi %add3A_1318, %scan3A_1043 : i32
        %swap3A_1320 = arith.constant 0 : i32
        %swap3A_1321 = arith.constant 0 : i32
        %swap3A_1322 = tpu.memref_slice %arg7[%scan3A_785, %swap3A_1320, %swap3A_1321] : memref<4x200x128xf32, #tpu.memory_space<vmem>> -> memref<1x200x128xf32, #tpu.memory_space<vmem>>
        %swap3A_1323 = tpu.memref_squeeze %swap3A_1322 : memref<1x200x128xf32, #tpu.memory_space<vmem>> -> memref<200x128xf32, #tpu.memory_space<vmem>>
        %swap3A_1324 = arith.index_cast %add3A_1319 : i32 to index
        %swap3A_1325 = arith.constant 64 : index
        %swap3A_1326 = tpu.vector_load %swap3A_1323[%swap3A_1324, %swap3A_1325] {strides = array<i32>} : memref<200x128xf32, #tpu.memory_space<vmem>>, vector<1x16xf32>,
        %swap3A_1327 = vector.shape_cast %swap3A_1326 : vector<1x16xf32> to vector<16xf32>
        %swap3A_1328 = vector.shape_cast %get3A_1077 : vector<16xf32> to vector<1x16xf32>
        tpu.vector_store %swap3A_1323[%swap3A_1324, %swap3A_1325], %swap3A_1328 {add = true, strides = array<i32>} : memref<200x128xf32, #tpu.memory_space<vmem>>, vector<1x16xf32>,
        %add3A_1329 = arith.constant 100 : i32
        %add3A_1330 = arith.addi %add3A_1329, %scan3A_1043 : i32
        %swap3A_1331 = arith.constant 0 : i32
        %swap3A_1332 = arith.constant 0 : i32
        %swap3A_1333 = tpu.memref_slice %arg7[%scan3A_785, %swap3A_1331, %swap3A_1332] : memref<4x200x128xf32, #tpu.memory_space<vmem>> -> memref<1x200x128xf32, #tpu.memory_space<vmem>>
        %swap3A_1334 = tpu.memref_squeeze %swap3A_1333 : memref<1x200x128xf32, #tpu.memory_space<vmem>> -> memref<200x128xf32, #tpu.memory_space<vmem>>
        %swap3A_1335 = arith.index_cast %add3A_1330 : i32 to index
        %swap3A_1336 = arith.constant 80 : index
        %swap3A_1337 = tpu.vector_load %swap3A_1334[%swap3A_1335, %swap3A_1336] {strides = array<i32>} : memref<200x128xf32, #tpu.memory_space<vmem>>, vector<1x16xf32>,
        %swap3A_1338 = vector.shape_cast %swap3A_1337 : vector<1x16xf32> to vector<16xf32>
        %swap3A_1339 = vector.shape_cast %get3A_1084 : vector<16xf32> to vector<1x16xf32>
        tpu.vector_store %swap3A_1334[%swap3A_1335, %swap3A_1336], %swap3A_1339 {add = true, strides = array<i32>} : memref<200x128xf32, #tpu.memory_space<vmem>>, vector<1x16xf32>,
        %add3A_1340 = arith.constant 100 : i32
        %add3A_1341 = arith.addi %add3A_1340, %scan3A_1043 : i32
        %swap3A_1342 = arith.constant 0 : i32
        %swap3A_1343 = arith.constant 0 : i32
        %swap3A_1344 = tpu.memref_slice %arg7[%scan3A_785, %swap3A_1342, %swap3A_1343] : memref<4x200x128xf32, #tpu.memory_space<vmem>> -> memref<1x200x128xf32, #tpu.memory_space<vmem>>
        %swap3A_1345 = tpu.memref_squeeze %swap3A_1344 : memref<1x200x128xf32, #tpu.memory_space<vmem>> -> memref<200x128xf32, #tpu.memory_space<vmem>>
        %swap3A_1346 = arith.index_cast %add3A_1341 : i32 to index
        %swap3A_1347 = arith.constant 96 : index
        %swap3A_1348 = tpu.vector_load %swap3A_1345[%swap3A_1346, %swap3A_1347] {strides = array<i32>} : memref<200x128xf32, #tpu.memory_space<vmem>>, vector<1x16xf32>,
        %swap3A_1349 = vector.shape_cast %swap3A_1348 : vector<1x16xf32> to vector<16xf32>
        %swap3A_1350 = vector.shape_cast %get3A_1091 : vector<16xf32> to vector<1x16xf32>
        tpu.vector_store %swap3A_1345[%swap3A_1346, %swap3A_1347], %swap3A_1350 {add = true, strides = array<i32>} : memref<200x128xf32, #tpu.memory_space<vmem>>, vector<1x16xf32>,
        %add3A_1351 = arith.constant 100 : i32
        %add3A_1352 = arith.addi %add3A_1351, %scan3A_1043 : i32
        %swap3A_1353 = arith.constant 0 : i32
        %swap3A_1354 = arith.constant 0 : i32
        %swap3A_1355 = tpu.memref_slice %arg7[%scan3A_785, %swap3A_1353, %swap3A_1354] : memref<4x200x128xf32, #tpu.memory_space<vmem>> -> memref<1x200x128xf32, #tpu.memory_space<vmem>>
        %swap3A_1356 = tpu.memref_squeeze %swap3A_1355 : memref<1x200x128xf32, #tpu.memory_space<vmem>> -> memref<200x128xf32, #tpu.memory_space<vmem>>
        %swap3A_1357 = arith.index_cast %add3A_1352 : i32 to index
        %swap3A_1358 = arith.constant 112 : index
        %swap3A_1359 = tpu.vector_load %swap3A_1356[%swap3A_1357, %swap3A_1358] {strides = array<i32>} : memref<200x128xf32, #tpu.memory_space<vmem>>, vector<1x16xf32>,
        %swap3A_1360 = vector.shape_cast %swap3A_1359 : vector<1x16xf32> to vector<16xf32>
        %swap3A_1361 = vector.shape_cast %get3A_1098 : vector<16xf32> to vector<1x16xf32>
        tpu.vector_store %swap3A_1356[%swap3A_1357, %swap3A_1358], %swap3A_1361 {add = true, strides = array<i32>} : memref<200x128xf32, #tpu.memory_space<vmem>>, vector<1x16xf32>,
        %add3A_1362 = arith.constant 150 : i32
        %add3A_1363 = arith.addi %add3A_1362, %scan3A_1043 : i32
        %swap3A_1364 = arith.constant 0 : i32
        %swap3A_1365 = arith.constant 0 : i32
        %swap3A_1366 = tpu.memref_slice %arg7[%scan3A_785, %swap3A_1364, %swap3A_1365] : memref<4x200x128xf32, #tpu.memory_space<vmem>> -> memref<1x200x128xf32, #tpu.memory_space<vmem>>
        %swap3A_1367 = tpu.memref_squeeze %swap3A_1366 : memref<1x200x128xf32, #tpu.memory_space<vmem>> -> memref<200x128xf32, #tpu.memory_space<vmem>>
        %swap3A_1368 = arith.index_cast %add3A_1363 : i32 to index
        %swap3A_1369 = arith.constant 0 : index
        %swap3A_1370 = tpu.vector_load %swap3A_1367[%swap3A_1368, %swap3A_1369] {strides = array<i32>} : memref<200x128xf32, #tpu.memory_space<vmem>>, vector<1x16xf32>,
        %swap3A_1371 = vector.shape_cast %swap3A_1370 : vector<1x16xf32> to vector<16xf32>
        %swap3A_1372 = vector.shape_cast %get3A_1049 : vector<16xf32> to vector<1x16xf32>
        tpu.vector_store %swap3A_1367[%swap3A_1368, %swap3A_1369], %swap3A_1372 {add = true, strides = array<i32>} : memref<200x128xf32, #tpu.memory_space<vmem>>, vector<1x16xf32>,
        %add3A_1373 = arith.constant 150 : i32
        %add3A_1374 = arith.addi %add3A_1373, %scan3A_1043 : i32
        %swap3A_1375 = arith.constant 0 : i32
        %swap3A_1376 = arith.constant 0 : i32
        %swap3A_1377 = tpu.memref_slice %arg7[%scan3A_785, %swap3A_1375, %swap3A_1376] : memref<4x200x128xf32, #tpu.memory_space<vmem>> -> memref<1x200x128xf32, #tpu.memory_space<vmem>>
        %swap3A_1378 = tpu.memref_squeeze %swap3A_1377 : memref<1x200x128xf32, #tpu.memory_space<vmem>> -> memref<200x128xf32, #tpu.memory_space<vmem>>
        %swap3A_1379 = arith.index_cast %add3A_1374 : i32 to index
        %swap3A_1380 = arith.constant 16 : index
        %swap3A_1381 = tpu.vector_load %swap3A_1378[%swap3A_1379, %swap3A_1380] {strides = array<i32>} : memref<200x128xf32, #tpu.memory_space<vmem>>, vector<1x16xf32>,
        %swap3A_1382 = vector.shape_cast %swap3A_1381 : vector<1x16xf32> to vector<16xf32>
        %swap3A_1383 = vector.shape_cast %get3A_1056 : vector<16xf32> to vector<1x16xf32>
        tpu.vector_store %swap3A_1378[%swap3A_1379, %swap3A_1380], %swap3A_1383 {add = true, strides = array<i32>} : memref<200x128xf32, #tpu.memory_space<vmem>>, vector<1x16xf32>,
        %add3A_1384 = arith.constant 150 : i32
        %add3A_1385 = arith.addi %add3A_1384, %scan3A_1043 : i32
        %swap3A_1386 = arith.constant 0 : i32
        %swap3A_1387 = arith.constant 0 : i32
        %swap3A_1388 = tpu.memref_slice %arg7[%scan3A_785, %swap3A_1386, %swap3A_1387] : memref<4x200x128xf32, #tpu.memory_space<vmem>> -> memref<1x200x128xf32, #tpu.memory_space<vmem>>
        %swap3A_1389 = tpu.memref_squeeze %swap3A_1388 : memref<1x200x128xf32, #tpu.memory_space<vmem>> -> memref<200x128xf32, #tpu.memory_space<vmem>>
        %swap3A_1390 = arith.index_cast %add3A_1385 : i32 to index
        %swap3A_1391 = arith.constant 32 : index
        %swap3A_1392 = tpu.vector_load %swap3A_1389[%swap3A_1390, %swap3A_1391] {strides = array<i32>} : memref<200x128xf32, #tpu.memory_space<vmem>>, vector<1x16xf32>,
        %swap3A_1393 = vector.shape_cast %swap3A_1392 : vector<1x16xf32> to vector<16xf32>
        %swap3A_1394 = vector.shape_cast %get3A_1063 : vector<16xf32> to vector<1x16xf32>
        tpu.vector_store %swap3A_1389[%swap3A_1390, %swap3A_1391], %swap3A_1394 {add = true, strides = array<i32>} : memref<200x128xf32, #tpu.memory_space<vmem>>, vector<1x16xf32>,
        %add3A_1395 = arith.constant 150 : i32
        %add3A_1396 = arith.addi %add3A_1395, %scan3A_1043 : i32
        %swap3A_1397 = arith.constant 0 : i32
        %swap3A_1398 = arith.constant 0 : i32
        %swap3A_1399 = tpu.memref_slice %arg7[%scan3A_785, %swap3A_1397, %swap3A_1398] : memref<4x200x128xf32, #tpu.memory_space<vmem>> -> memref<1x200x128xf32, #tpu.memory_space<vmem>>
        %swap3A_1400 = tpu.memref_squeeze %swap3A_1399 : memref<1x200x128xf32, #tpu.memory_space<vmem>> -> memref<200x128xf32, #tpu.memory_space<vmem>>
        %swap3A_1401 = arith.index_cast %add3A_1396 : i32 to index
        %swap3A_1402 = arith.constant 48 : index
        %swap3A_1403 = tpu.vector_load %swap3A_1400[%swap3A_1401, %swap3A_1402] {strides = array<i32>} : memref<200x128xf32, #tpu.memory_space<vmem>>, vector<1x16xf32>,
        %swap3A_1404 = vector.shape_cast %swap3A_1403 : vector<1x16xf32> to vector<16xf32>
        %swap3A_1405 = vector.shape_cast %get3A_1070 : vector<16xf32> to vector<1x16xf32>
        tpu.vector_store %swap3A_1400[%swap3A_1401, %swap3A_1402], %swap3A_1405 {add = true, strides = array<i32>} : memref<200x128xf32, #tpu.memory_space<vmem>>, vector<1x16xf32>,
        %add3A_1406 = arith.constant 150 : i32
        %add3A_1407 = arith.addi %add3A_1406, %scan3A_1043 : i32
        %swap3A_1408 = arith.constant 0 : i32
        %swap3A_1409 = arith.constant 0 : i32
        %swap3A_1410 = tpu.memref_slice %arg7[%scan3A_785, %swap3A_1408, %swap3A_1409] : memref<4x200x128xf32, #tpu.memory_space<vmem>> -> memref<1x200x128xf32, #tpu.memory_space<vmem>>
        %swap3A_1411 = tpu.memref_squeeze %swap3A_1410 : memref<1x200x128xf32, #tpu.memory_space<vmem>> -> memref<200x128xf32, #tpu.memory_space<vmem>>
        %swap3A_1412 = arith.index_cast %add3A_1407 : i32 to index
        %swap3A_1413 = arith.constant 64 : index
        %swap3A_1414 = tpu.vector_load %swap3A_1411[%swap3A_1412, %swap3A_1413] {strides = array<i32>} : memref<200x128xf32, #tpu.memory_space<vmem>>, vector<1x16xf32>,
        %swap3A_1415 = vector.shape_cast %swap3A_1414 : vector<1x16xf32> to vector<16xf32>
        %swap3A_1416 = vector.shape_cast %get3A_1077 : vector<16xf32> to vector<1x16xf32>
        tpu.vector_store %swap3A_1411[%swap3A_1412, %swap3A_1413], %swap3A_1416 {add = true, strides = array<i32>} : memref<200x128xf32, #tpu.memory_space<vmem>>, vector<1x16xf32>,
        %add3A_1417 = arith.constant 150 : i32
        %add3A_1418 = arith.addi %add3A_1417, %scan3A_1043 : i32
        %swap3A_1419 = arith.constant 0 : i32
        %swap3A_1420 = arith.constant 0 : i32
        %swap3A_1421 = tpu.memref_slice %arg7[%scan3A_785, %swap3A_1419, %swap3A_1420] : memref<4x200x128xf32, #tpu.memory_space<vmem>> -> memref<1x200x128xf32, #tpu.memory_space<vmem>>
        %swap3A_1422 = tpu.memref_squeeze %swap3A_1421 : memref<1x200x128xf32, #tpu.memory_space<vmem>> -> memref<200x128xf32, #tpu.memory_space<vmem>>
        %swap3A_1423 = arith.index_cast %add3A_1418 : i32 to index
        %swap3A_1424 = arith.constant 80 : index
        %swap3A_1425 = tpu.vector_load %swap3A_1422[%swap3A_1423, %swap3A_1424] {strides = array<i32>} : memref<200x128xf32, #tpu.memory_space<vmem>>, vector<1x16xf32>,
        %swap3A_1426 = vector.shape_cast %swap3A_1425 : vector<1x16xf32> to vector<16xf32>
        %swap3A_1427 = vector.shape_cast %get3A_1084 : vector<16xf32> to vector<1x16xf32>
        tpu.vector_store %swap3A_1422[%swap3A_1423, %swap3A_1424], %swap3A_1427 {add = true, strides = array<i32>} : memref<200x128xf32, #tpu.memory_space<vmem>>, vector<1x16xf32>,
        %add3A_1428 = arith.constant 150 : i32
        %add3A_1429 = arith.addi %add3A_1428, %scan3A_1043 : i32
        %swap3A_1430 = arith.constant 0 : i32
        %swap3A_1431 = arith.constant 0 : i32
        %swap3A_1432 = tpu.memref_slice %arg7[%scan3A_785, %swap3A_1430, %swap3A_1431] : memref<4x200x128xf32, #tpu.memory_space<vmem>> -> memref<1x200x128xf32, #tpu.memory_space<vmem>>
        %swap3A_1433 = tpu.memref_squeeze %swap3A_1432 : memref<1x200x128xf32, #tpu.memory_space<vmem>> -> memref<200x128xf32, #tpu.memory_space<vmem>>
        %swap3A_1434 = arith.index_cast %add3A_1429 : i32 to index
        %swap3A_1435 = arith.constant 96 : index
        %swap3A_1436 = tpu.vector_load %swap3A_1433[%swap3A_1434, %swap3A_1435] {strides = array<i32>} : memref<200x128xf32, #tpu.memory_space<vmem>>, vector<1x16xf32>,
        %swap3A_1437 = vector.shape_cast %swap3A_1436 : vector<1x16xf32> to vector<16xf32>
        %swap3A_1438 = vector.shape_cast %get3A_1091 : vector<16xf32> to vector<1x16xf32>
        tpu.vector_store %swap3A_1433[%swap3A_1434, %swap3A_1435], %swap3A_1438 {add = true, strides = array<i32>} : memref<200x128xf32, #tpu.memory_space<vmem>>, vector<1x16xf32>,
        %add3A_1439 = arith.constant 150 : i32
        %add3A_1440 = arith.addi %add3A_1439, %scan3A_1043 : i32
        %swap3A_1441 = arith.constant 0 : i32
        %swap3A_1442 = arith.constant 0 : i32
        %swap3A_1443 = tpu.memref_slice %arg7[%scan3A_785, %swap3A_1441, %swap3A_1442] : memref<4x200x128xf32, #tpu.memory_space<vmem>> -> memref<1x200x128xf32, #tpu.memory_space<vmem>>
        %swap3A_1444 = tpu.memref_squeeze %swap3A_1443 : memref<1x200x128xf32, #tpu.memory_space<vmem>> -> memref<200x128xf32, #tpu.memory_space<vmem>>
        %swap3A_1445 = arith.index_cast %add3A_1440 : i32 to index
        %swap3A_1446 = arith.constant 112 : index
        %swap3A_1447 = tpu.vector_load %swap3A_1444[%swap3A_1445, %swap3A_1446] {strides = array<i32>} : memref<200x128xf32, #tpu.memory_space<vmem>>, vector<1x16xf32>,
        %swap3A_1448 = vector.shape_cast %swap3A_1447 : vector<1x16xf32> to vector<16xf32>
        %swap3A_1449 = vector.shape_cast %get3A_1098 : vector<16xf32> to vector<1x16xf32>
        tpu.vector_store %swap3A_1444[%swap3A_1445, %swap3A_1446], %swap3A_1449 {add = true, strides = array<i32>} : memref<200x128xf32, #tpu.memory_space<vmem>>, vector<1x16xf32>,
      }
      %scan3A_790 = arith.constant 50 : i32
      %mul3A_791 = arith.constant 200 : i32
      %mul3A_792 = arith.muli %add3A_748, %mul3A_791 : i32
      %add3A_793 = arith.addi %mul3A_2, %mul3A_792 : i32
      %jit3A_794 = arith.constant 50 : i32
      %div3A_795 = arith.divsi %add3A_793, %jit3A_794 : i32
      %sign3A_796 = arith.constant 0 : i32
      %sign3A_797 = arith.cmpi sgt, %add3A_793, %sign3A_796 : i32
      %sign3A_798 = arith.extui %sign3A_797 : i1 to i32
      %sign3A_799 = arith.constant 0 : i32
      %sign3A_800 = arith.cmpi slt, %add3A_793, %sign3A_799 : i32
      %sign3A_801 = arith.extui %sign3A_800 : i1 to i32
      %sign3A_802 = arith.subi %sign3A_798, %sign3A_801 : i32
      %sign3A_803 = arith.constant 0 : i32
      %sign3A_804 = arith.cmpi sgt, %jit3A_794, %sign3A_803 : i32
      %sign3A_805 = arith.extui %sign3A_804 : i1 to i32
      %sign3A_806 = arith.constant 0 : i32
      %sign3A_807 = arith.cmpi slt, %jit3A_794, %sign3A_806 : i32
      %sign3A_808 = arith.extui %sign3A_807 : i1 to i32
      %sign3A_809 = arith.subi %sign3A_805, %sign3A_808 : i32
      %ne3A_810 = arith.cmpi ne, %sign3A_802, %sign3A_809 : i32
      %rem3A_811 = arith.remsi %add3A_793, %jit3A_794 : i32
      %ne3A_812 = arith.constant 0 : i32
      %ne3A_813 = arith.cmpi ne, %rem3A_811, %ne3A_812 : i32
      %and3A_814 = arith.andi %ne3A_810, %ne3A_813 : i1
      %sub3A_815 = arith.constant 1 : i32
      %sub3A_816 = arith.subi %div3A_795, %sub3A_815 : i32
      %select_n3A_817 = arith.select %and3A_814, %sub3A_816, %div3A_795 : i32
      %add3A_818 = arith.constant 0 : i32
      %add3A_819 = arith.addi %select_n3A_817, %add3A_818 : i32
      %dma_start3A_820 = arith.constant 2 : i32
      %dma_start3A_821 = arith.constant 0 : i32
      %dma_start3A_822 = arith.constant 0 : i32
      %dma_start3A_823 = tpu.memref_slice %arg7[%dma_start3A_820, %dma_start3A_821, %dma_start3A_822] : memref<4x200x128xf32, #tpu.memory_space<vmem>> -> memref<1x50x128xf32, #tpu.memory_space<vmem>>
      %dma_start3A_824 = tpu.memref_squeeze %dma_start3A_823 : memref<1x50x128xf32, #tpu.memory_space<vmem>> -> memref<50x128xf32, #tpu.memory_space<vmem>>
      %dma_start3A_825 = arith.constant 0 : i32
      %dma_start3A_826 = arith.constant 0 : i32
      %dma_start3A_827 = tpu.memref_slice %arg5[%add3A_819, %dma_start3A_825, %dma_start3A_826] : memref<4096x50x128xf32, #tpu.memory_space<hbm>> -> memref<1x50x128xf32, #tpu.memory_space<hbm>>
      %dma_start3A_828 = tpu.memref_squeeze %dma_start3A_827 : memref<1x50x128xf32, #tpu.memory_space<hbm>> -> memref<50x128xf32, #tpu.memory_space<hbm>>
      %dma_start3A_829 = arith.constant 0 : i32
      %dma_start3A_830 = arith.constant 0 : i32
      %dma_start3A_831 = tpu.memref_slice %arg5[%add3A_819, %dma_start3A_829, %dma_start3A_830] : memref<4096x50x128xf32, #tpu.memory_space<hbm>> -> memref<1x50x128xf32, #tpu.memory_space<hbm>>
      %dma_start3A_832 = tpu.memref_squeeze %dma_start3A_831 : memref<1x50x128xf32, #tpu.memory_space<hbm>> -> memref<50x128xf32, #tpu.memory_space<hbm>>
      %dma_start3A_833 = arith.constant 0 : i32
      %dma_start3A_834 = arith.constant 0 : i32
      %dma_start3A_835 = tpu.memref_slice %arg7[%dma_start3A_820, %dma_start3A_833, %dma_start3A_834] : memref<4x200x128xf32, #tpu.memory_space<vmem>> -> memref<1x50x128xf32, #tpu.memory_space<vmem>>
      %dma_start3A_836 = tpu.memref_squeeze %dma_start3A_835 : memref<1x50x128xf32, #tpu.memory_space<vmem>> -> memref<50x128xf32, #tpu.memory_space<vmem>>
      tpu.enqueue_dma source(%dma_start3A_836 : memref<50x128xf32, #tpu.memory_space<vmem>>) target(%dma_start3A_832 : memref<50x128xf32, #tpu.memory_space<hbm>>) target_semaphore(%arg15 : memref<!tpu.dma_semaphore, #tpu.memory_space<semaphore_mem>>)
      %add3A_837 = arith.constant 1 : i32
      %add3A_838 = arith.addi %select_n3A_817, %add3A_837 : i32
      %dma_start3A_839 = arith.constant 2 : i32
      %dma_start3A_840 = arith.constant 50 : i32
      %dma_start3A_841 = arith.constant 0 : i32
      %dma_start3A_842 = tpu.memref_slice %arg7[%dma_start3A_839, %dma_start3A_840, %dma_start3A_841] : memref<4x200x128xf32, #tpu.memory_space<vmem>> -> memref<1x50x128xf32, #tpu.memory_space<vmem>>
      %dma_start3A_843 = tpu.memref_squeeze %dma_start3A_842 : memref<1x50x128xf32, #tpu.memory_space<vmem>> -> memref<50x128xf32, #tpu.memory_space<vmem>>
      %dma_start3A_844 = arith.constant 0 : i32
      %dma_start3A_845 = arith.constant 0 : i32
      %dma_start3A_846 = tpu.memref_slice %arg5[%add3A_838, %dma_start3A_844, %dma_start3A_845] : memref<4096x50x128xf32, #tpu.memory_space<hbm>> -> memref<1x50x128xf32, #tpu.memory_space<hbm>>
      %dma_start3A_847 = tpu.memref_squeeze %dma_start3A_846 : memref<1x50x128xf32, #tpu.memory_space<hbm>> -> memref<50x128xf32, #tpu.memory_space<hbm>>
      %dma_start3A_848 = arith.constant 0 : i32
      %dma_start3A_849 = arith.constant 0 : i32
      %dma_start3A_850 = tpu.memref_slice %arg5[%add3A_838, %dma_start3A_848, %dma_start3A_849] : memref<4096x50x128xf32, #tpu.memory_space<hbm>> -> memref<1x50x128xf32, #tpu.memory_space<hbm>>
      %dma_start3A_851 = tpu.memref_squeeze %dma_start3A_850 : memref<1x50x128xf32, #tpu.memory_space<hbm>> -> memref<50x128xf32, #tpu.memory_space<hbm>>
      %dma_start3A_852 = arith.constant 50 : i32
      %dma_start3A_853 = arith.constant 0 : i32
      %dma_start3A_854 = tpu.memref_slice %arg7[%dma_start3A_839, %dma_start3A_852, %dma_start3A_853] : memref<4x200x128xf32, #tpu.memory_space<vmem>> -> memref<1x50x128xf32, #tpu.memory_space<vmem>>
      %dma_start3A_855 = tpu.memref_squeeze %dma_start3A_854 : memref<1x50x128xf32, #tpu.memory_space<vmem>> -> memref<50x128xf32, #tpu.memory_space<vmem>>
      tpu.enqueue_dma source(%dma_start3A_855 : memref<50x128xf32, #tpu.memory_space<vmem>>) target(%dma_start3A_851 : memref<50x128xf32, #tpu.memory_space<hbm>>) target_semaphore(%arg15 : memref<!tpu.dma_semaphore, #tpu.memory_space<semaphore_mem>>)
      %add3A_856 = arith.constant 2 : i32
      %add3A_857 = arith.addi %select_n3A_817, %add3A_856 : i32
      %dma_start3A_858 = arith.constant 2 : i32
      %dma_start3A_859 = arith.constant 100 : i32
      %dma_start3A_860 = arith.constant 0 : i32
      %dma_start3A_861 = tpu.memref_slice %arg7[%dma_start3A_858, %dma_start3A_859, %dma_start3A_860] : memref<4x200x128xf32, #tpu.memory_space<vmem>> -> memref<1x50x128xf32, #tpu.memory_space<vmem>>
      %dma_start3A_862 = tpu.memref_squeeze %dma_start3A_861 : memref<1x50x128xf32, #tpu.memory_space<vmem>> -> memref<50x128xf32, #tpu.memory_space<vmem>>
      %dma_start3A_863 = arith.constant 0 : i32
      %dma_start3A_864 = arith.constant 0 : i32
      %dma_start3A_865 = tpu.memref_slice %arg5[%add3A_857, %dma_start3A_863, %dma_start3A_864] : memref<4096x50x128xf32, #tpu.memory_space<hbm>> -> memref<1x50x128xf32, #tpu.memory_space<hbm>>
      %dma_start3A_866 = tpu.memref_squeeze %dma_start3A_865 : memref<1x50x128xf32, #tpu.memory_space<hbm>> -> memref<50x128xf32, #tpu.memory_space<hbm>>
      %dma_start3A_867 = arith.constant 0 : i32
      %dma_start3A_868 = arith.constant 0 : i32
      %dma_start3A_869 = tpu.memref_slice %arg5[%add3A_857, %dma_start3A_867, %dma_start3A_868] : memref<4096x50x128xf32, #tpu.memory_space<hbm>> -> memref<1x50x128xf32, #tpu.memory_space<hbm>>
      %dma_start3A_870 = tpu.memref_squeeze %dma_start3A_869 : memref<1x50x128xf32, #tpu.memory_space<hbm>> -> memref<50x128xf32, #tpu.memory_space<hbm>>
      %dma_start3A_871 = arith.constant 100 : i32
      %dma_start3A_872 = arith.constant 0 : i32
      %dma_start3A_873 = tpu.memref_slice %arg7[%dma_start3A_858, %dma_start3A_871, %dma_start3A_872] : memref<4x200x128xf32, #tpu.memory_space<vmem>> -> memref<1x50x128xf32, #tpu.memory_space<vmem>>
      %dma_start3A_874 = tpu.memref_squeeze %dma_start3A_873 : memref<1x50x128xf32, #tpu.memory_space<vmem>> -> memref<50x128xf32, #tpu.memory_space<vmem>>
      tpu.enqueue_dma source(%dma_start3A_874 : memref<50x128xf32, #tpu.memory_space<vmem>>) target(%dma_start3A_870 : memref<50x128xf32, #tpu.memory_space<hbm>>) target_semaphore(%arg15 : memref<!tpu.dma_semaphore, #tpu.memory_space<semaphore_mem>>)
      %add3A_875 = arith.constant 3 : i32
      %add3A_876 = arith.addi %select_n3A_817, %add3A_875 : i32
      %dma_start3A_877 = arith.constant 2 : i32
      %dma_start3A_878 = arith.constant 150 : i32
      %dma_start3A_879 = arith.constant 0 : i32
      %dma_start3A_880 = tpu.memref_slice %arg7[%dma_start3A_877, %dma_start3A_878, %dma_start3A_879] : memref<4x200x128xf32, #tpu.memory_space<vmem>> -> memref<1x50x128xf32, #tpu.memory_space<vmem>>
      %dma_start3A_881 = tpu.memref_squeeze %dma_start3A_880 : memref<1x50x128xf32, #tpu.memory_space<vmem>> -> memref<50x128xf32, #tpu.memory_space<vmem>>
      %dma_start3A_882 = arith.constant 0 : i32
      %dma_start3A_883 = arith.constant 0 : i32
      %dma_start3A_884 = tpu.memref_slice %arg5[%add3A_876, %dma_start3A_882, %dma_start3A_883] : memref<4096x50x128xf32, #tpu.memory_space<hbm>> -> memref<1x50x128xf32, #tpu.memory_space<hbm>>
      %dma_start3A_885 = tpu.memref_squeeze %dma_start3A_884 : memref<1x50x128xf32, #tpu.memory_space<hbm>> -> memref<50x128xf32, #tpu.memory_space<hbm>>
      %dma_start3A_886 = arith.constant 0 : i32
      %dma_start3A_887 = arith.constant 0 : i32
      %dma_start3A_888 = tpu.memref_slice %arg5[%add3A_876, %dma_start3A_886, %dma_start3A_887] : memref<4096x50x128xf32, #tpu.memory_space<hbm>> -> memref<1x50x128xf32, #tpu.memory_space<hbm>>
      %dma_start3A_889 = tpu.memref_squeeze %dma_start3A_888 : memref<1x50x128xf32, #tpu.memory_space<hbm>> -> memref<50x128xf32, #tpu.memory_space<hbm>>
      %dma_start3A_890 = arith.constant 150 : i32
      %dma_start3A_891 = arith.constant 0 : i32
      %dma_start3A_892 = tpu.memref_slice %arg7[%dma_start3A_877, %dma_start3A_890, %dma_start3A_891] : memref<4x200x128xf32, #tpu.memory_space<vmem>> -> memref<1x50x128xf32, #tpu.memory_space<vmem>>
      %dma_start3A_893 = tpu.memref_squeeze %dma_start3A_892 : memref<1x50x128xf32, #tpu.memory_space<vmem>> -> memref<50x128xf32, #tpu.memory_space<vmem>>
      tpu.enqueue_dma source(%dma_start3A_893 : memref<50x128xf32, #tpu.memory_space<vmem>>) target(%dma_start3A_889 : memref<50x128xf32, #tpu.memory_space<hbm>>) target_semaphore(%arg15 : memref<!tpu.dma_semaphore, #tpu.memory_space<semaphore_mem>>)
      %mul3A_894 = arith.constant 4 : i32
      %mul3A_895 = arith.muli %scan3A_449, %mul3A_894 : i32
      %add3A_896 = arith.constant 3 : i32
      %add3A_897 = arith.addi %mul3A_895, %add3A_896 : i32
      %add3A_898 = arith.constant 2 : i32
      %add3A_899 = arith.addi %add3A_897, %add3A_898 : i32
      %lt3A_900 = arith.constant 32 : i32
      %lt3A_901 = arith.cmpi slt, %add3A_899, %lt3A_900 : i32
      %convert_element_type3A_902 = arith.extui %lt3A_901 : i1 to i32
      %cond3A_903 = arith.constant 0 : i32
      %cond3A_904 = arith.cmpi ne, %convert_element_type3A_902, %cond3A_903 : i32
      scf.if %cond3A_904 {
        %ge3A = arith.constant 2 : i32
        %ge3A_1043 = arith.cmpi sge, %add3A_897, %ge3A : i32
        %convert_element_type3A_1044 = arith.extui %ge3A_1043 : i1 to i32
        %cond3A_1045 = arith.constant 0 : i32
        %cond3A_1046 = arith.cmpi ne, %convert_element_type3A_1044, %cond3A_1045 : i32
        scf.if %cond3A_1046 {
          %sub3A_1077 = arith.constant 2 : i32
          %sub3A_1078 = arith.subi %add3A_897, %sub3A_1077 : i32
          %mul3A_1079 = arith.constant 200 : i32
          %mul3A_1080 = arith.muli %sub3A_1078, %mul3A_1079 : i32
          %add3A_1081 = arith.addi %mul3A_2, %mul3A_1080 : i32
          %jit3A_1082 = arith.constant 50 : i32
          %div3A_1083 = arith.divsi %add3A_1081, %jit3A_1082 : i32
          %sign3A_1084 = arith.constant 0 : i32
          %sign3A_1085 = arith.cmpi sgt, %add3A_1081, %sign3A_1084 : i32
          %sign3A_1086 = arith.extui %sign3A_1085 : i1 to i32
          %sign3A_1087 = arith.constant 0 : i32
          %sign3A_1088 = arith.cmpi slt, %add3A_1081, %sign3A_1087 : i32
          %sign3A_1089 = arith.extui %sign3A_1088 : i1 to i32
          %sign3A_1090 = arith.subi %sign3A_1086, %sign3A_1089 : i32
          %sign3A_1091 = arith.constant 0 : i32
          %sign3A_1092 = arith.cmpi sgt, %jit3A_1082, %sign3A_1091 : i32
          %sign3A_1093 = arith.extui %sign3A_1092 : i1 to i32
          %sign3A_1094 = arith.constant 0 : i32
          %sign3A_1095 = arith.cmpi slt, %jit3A_1082, %sign3A_1094 : i32
          %sign3A_1096 = arith.extui %sign3A_1095 : i1 to i32
          %sign3A_1097 = arith.subi %sign3A_1093, %sign3A_1096 : i32
          %ne3A_1098 = arith.cmpi ne, %sign3A_1090, %sign3A_1097 : i32
          %rem3A_1099 = arith.remsi %add3A_1081, %jit3A_1082 : i32
          %ne3A_1100 = arith.constant 0 : i32
          %ne3A_1101 = arith.cmpi ne, %rem3A_1099, %ne3A_1100 : i32
          %and3A_1102 = arith.andi %ne3A_1098, %ne3A_1101 : i1
          %sub3A_1103 = arith.constant 1 : i32
          %sub3A_1104 = arith.subi %div3A_1083, %sub3A_1103 : i32
          %select_n3A_1105 = arith.select %and3A_1102, %sub3A_1104, %div3A_1083 : i32
          %add3A_1106 = arith.constant 0 : i32
          %add3A_1107 = arith.addi %select_n3A_1105, %add3A_1106 : i32
          %dma_wait3A_1108 = arith.constant 1 : i32
          %dma_wait3A_1109 = arith.constant 0 : i32
          %dma_wait3A_1110 = arith.constant 0 : i32
          %dma_wait3A_1111 = tpu.memref_slice %arg7[%dma_wait3A_1108, %dma_wait3A_1109, %dma_wait3A_1110] : memref<4x200x128xf32, #tpu.memory_space<vmem>> -> memref<1x50x128xf32, #tpu.memory_space<vmem>>
          %dma_wait3A_1112 = tpu.memref_squeeze %dma_wait3A_1111 : memref<1x50x128xf32, #tpu.memory_space<vmem>> -> memref<50x128xf32, #tpu.memory_space<vmem>>
          %dma_wait3A_1113 = arith.constant 0 : i32
          %dma_wait3A_1114 = arith.constant 0 : i32
          %dma_wait3A_1115 = tpu.memref_slice %arg5[%add3A_1107, %dma_wait3A_1113, %dma_wait3A_1114] : memref<4096x50x128xf32, #tpu.memory_space<hbm>> -> memref<1x50x128xf32, #tpu.memory_space<hbm>>
          %dma_wait3A_1116 = tpu.memref_squeeze %dma_wait3A_1115 : memref<1x50x128xf32, #tpu.memory_space<hbm>> -> memref<50x128xf32, #tpu.memory_space<hbm>>
          %dma_wait3A_1117 = arith.constant 0 : i32
          %dma_wait3A_1118 = arith.constant 0 : i32
          %dma_wait3A_1119 = tpu.memref_slice %arg5[%add3A_1107, %dma_wait3A_1117, %dma_wait3A_1118] : memref<4096x50x128xf32, #tpu.memory_space<hbm>> -> memref<1x50x128xf32, #tpu.memory_space<hbm>>
          %dma_wait3A_1120 = tpu.memref_squeeze %dma_wait3A_1119 : memref<1x50x128xf32, #tpu.memory_space<hbm>> -> memref<50x128xf32, #tpu.memory_space<hbm>>
          %dma_wait3A_1121 = arith.constant 0 : i32
          %dma_wait3A_1122 = arith.constant 0 : i32
          %dma_wait3A_1123 = tpu.memref_slice %arg7[%dma_wait3A_1108, %dma_wait3A_1121, %dma_wait3A_1122] : memref<4x200x128xf32, #tpu.memory_space<vmem>> -> memref<1x50x128xf32, #tpu.memory_space<vmem>>
          %dma_wait3A_1124 = tpu.memref_squeeze %dma_wait3A_1123 : memref<1x50x128xf32, #tpu.memory_space<vmem>> -> memref<50x128xf32, #tpu.memory_space<vmem>>
          tpu.wait_dma2 semaphore(%arg14 : memref<!tpu.dma_semaphore, #tpu.memory_space<semaphore_mem>>) src(%dma_wait3A_1124 : memref<50x128xf32, #tpu.memory_space<vmem>>) dst(%dma_wait3A_1120 : memref<50x128xf32, #tpu.memory_space<hbm>>)
          %add3A_1125 = arith.constant 1 : i32
          %add3A_1126 = arith.addi %select_n3A_1105, %add3A_1125 : i32
          %dma_wait3A_1127 = arith.constant 1 : i32
          %dma_wait3A_1128 = arith.constant 50 : i32
          %dma_wait3A_1129 = arith.constant 0 : i32
          %dma_wait3A_1130 = tpu.memref_slice %arg7[%dma_wait3A_1127, %dma_wait3A_1128, %dma_wait3A_1129] : memref<4x200x128xf32, #tpu.memory_space<vmem>> -> memref<1x50x128xf32, #tpu.memory_space<vmem>>
          %dma_wait3A_1131 = tpu.memref_squeeze %dma_wait3A_1130 : memref<1x50x128xf32, #tpu.memory_space<vmem>> -> memref<50x128xf32, #tpu.memory_space<vmem>>
          %dma_wait3A_1132 = arith.constant 0 : i32
          %dma_wait3A_1133 = arith.constant 0 : i32
          %dma_wait3A_1134 = tpu.memref_slice %arg5[%add3A_1126, %dma_wait3A_1132, %dma_wait3A_1133] : memref<4096x50x128xf32, #tpu.memory_space<hbm>> -> memref<1x50x128xf32, #tpu.memory_space<hbm>>
          %dma_wait3A_1135 = tpu.memref_squeeze %dma_wait3A_1134 : memref<1x50x128xf32, #tpu.memory_space<hbm>> -> memref<50x128xf32, #tpu.memory_space<hbm>>
          %dma_wait3A_1136 = arith.constant 0 : i32
          %dma_wait3A_1137 = arith.constant 0 : i32
          %dma_wait3A_1138 = tpu.memref_slice %arg5[%add3A_1126, %dma_wait3A_1136, %dma_wait3A_1137] : memref<4096x50x128xf32, #tpu.memory_space<hbm>> -> memref<1x50x128xf32, #tpu.memory_space<hbm>>
          %dma_wait3A_1139 = tpu.memref_squeeze %dma_wait3A_1138 : memref<1x50x128xf32, #tpu.memory_space<hbm>> -> memref<50x128xf32, #tpu.memory_space<hbm>>
          %dma_wait3A_1140 = arith.constant 50 : i32
          %dma_wait3A_1141 = arith.constant 0 : i32
          %dma_wait3A_1142 = tpu.memref_slice %arg7[%dma_wait3A_1127, %dma_wait3A_1140, %dma_wait3A_1141] : memref<4x200x128xf32, #tpu.memory_space<vmem>> -> memref<1x50x128xf32, #tpu.memory_space<vmem>>
          %dma_wait3A_1143 = tpu.memref_squeeze %dma_wait3A_1142 : memref<1x50x128xf32, #tpu.memory_space<vmem>> -> memref<50x128xf32, #tpu.memory_space<vmem>>
          tpu.wait_dma2 semaphore(%arg14 : memref<!tpu.dma_semaphore, #tpu.memory_space<semaphore_mem>>) src(%dma_wait3A_1143 : memref<50x128xf32, #tpu.memory_space<vmem>>) dst(%dma_wait3A_1139 : memref<50x128xf32, #tpu.memory_space<hbm>>)
          %add3A_1144 = arith.constant 2 : i32
          %add3A_1145 = arith.addi %select_n3A_1105, %add3A_1144 : i32
          %dma_wait3A_1146 = arith.constant 1 : i32
          %dma_wait3A_1147 = arith.constant 100 : i32
          %dma_wait3A_1148 = arith.constant 0 : i32
          %dma_wait3A_1149 = tpu.memref_slice %arg7[%dma_wait3A_1146, %dma_wait3A_1147, %dma_wait3A_1148] : memref<4x200x128xf32, #tpu.memory_space<vmem>> -> memref<1x50x128xf32, #tpu.memory_space<vmem>>
          %dma_wait3A_1150 = tpu.memref_squeeze %dma_wait3A_1149 : memref<1x50x128xf32, #tpu.memory_space<vmem>> -> memref<50x128xf32, #tpu.memory_space<vmem>>
          %dma_wait3A_1151 = arith.constant 0 : i32
          %dma_wait3A_1152 = arith.constant 0 : i32
          %dma_wait3A_1153 = tpu.memref_slice %arg5[%add3A_1145, %dma_wait3A_1151, %dma_wait3A_1152] : memref<4096x50x128xf32, #tpu.memory_space<hbm>> -> memref<1x50x128xf32, #tpu.memory_space<hbm>>
          %dma_wait3A_1154 = tpu.memref_squeeze %dma_wait3A_1153 : memref<1x50x128xf32, #tpu.memory_space<hbm>> -> memref<50x128xf32, #tpu.memory_space<hbm>>
          %dma_wait3A_1155 = arith.constant 0 : i32
          %dma_wait3A_1156 = arith.constant 0 : i32
          %dma_wait3A_1157 = tpu.memref_slice %arg5[%add3A_1145, %dma_wait3A_1155, %dma_wait3A_1156] : memref<4096x50x128xf32, #tpu.memory_space<hbm>> -> memref<1x50x128xf32, #tpu.memory_space<hbm>>
          %dma_wait3A_1158 = tpu.memref_squeeze %dma_wait3A_1157 : memref<1x50x128xf32, #tpu.memory_space<hbm>> -> memref<50x128xf32, #tpu.memory_space<hbm>>
          %dma_wait3A_1159 = arith.constant 100 : i32
          %dma_wait3A_1160 = arith.constant 0 : i32
          %dma_wait3A_1161 = tpu.memref_slice %arg7[%dma_wait3A_1146, %dma_wait3A_1159, %dma_wait3A_1160] : memref<4x200x128xf32, #tpu.memory_space<vmem>> -> memref<1x50x128xf32, #tpu.memory_space<vmem>>
          %dma_wait3A_1162 = tpu.memref_squeeze %dma_wait3A_1161 : memref<1x50x128xf32, #tpu.memory_space<vmem>> -> memref<50x128xf32, #tpu.memory_space<vmem>>
          tpu.wait_dma2 semaphore(%arg14 : memref<!tpu.dma_semaphore, #tpu.memory_space<semaphore_mem>>) src(%dma_wait3A_1162 : memref<50x128xf32, #tpu.memory_space<vmem>>) dst(%dma_wait3A_1158 : memref<50x128xf32, #tpu.memory_space<hbm>>)
          %add3A_1163 = arith.constant 3 : i32
          %add3A_1164 = arith.addi %select_n3A_1105, %add3A_1163 : i32
          %dma_wait3A_1165 = arith.constant 1 : i32
          %dma_wait3A_1166 = arith.constant 150 : i32
          %dma_wait3A_1167 = arith.constant 0 : i32
          %dma_wait3A_1168 = tpu.memref_slice %arg7[%dma_wait3A_1165, %dma_wait3A_1166, %dma_wait3A_1167] : memref<4x200x128xf32, #tpu.memory_space<vmem>> -> memref<1x50x128xf32, #tpu.memory_space<vmem>>
          %dma_wait3A_1169 = tpu.memref_squeeze %dma_wait3A_1168 : memref<1x50x128xf32, #tpu.memory_space<vmem>> -> memref<50x128xf32, #tpu.memory_space<vmem>>
          %dma_wait3A_1170 = arith.constant 0 : i32
          %dma_wait3A_1171 = arith.constant 0 : i32
          %dma_wait3A_1172 = tpu.memref_slice %arg5[%add3A_1164, %dma_wait3A_1170, %dma_wait3A_1171] : memref<4096x50x128xf32, #tpu.memory_space<hbm>> -> memref<1x50x128xf32, #tpu.memory_space<hbm>>
          %dma_wait3A_1173 = tpu.memref_squeeze %dma_wait3A_1172 : memref<1x50x128xf32, #tpu.memory_space<hbm>> -> memref<50x128xf32, #tpu.memory_space<hbm>>
          %dma_wait3A_1174 = arith.constant 0 : i32
          %dma_wait3A_1175 = arith.constant 0 : i32
          %dma_wait3A_1176 = tpu.memref_slice %arg5[%add3A_1164, %dma_wait3A_1174, %dma_wait3A_1175] : memref<4096x50x128xf32, #tpu.memory_space<hbm>> -> memref<1x50x128xf32, #tpu.memory_space<hbm>>
          %dma_wait3A_1177 = tpu.memref_squeeze %dma_wait3A_1176 : memref<1x50x128xf32, #tpu.memory_space<hbm>> -> memref<50x128xf32, #tpu.memory_space<hbm>>
          %dma_wait3A_1178 = arith.constant 150 : i32
          %dma_wait3A_1179 = arith.constant 0 : i32
          %dma_wait3A_1180 = tpu.memref_slice %arg7[%dma_wait3A_1165, %dma_wait3A_1178, %dma_wait3A_1179] : memref<4x200x128xf32, #tpu.memory_space<vmem>> -> memref<1x50x128xf32, #tpu.memory_space<vmem>>
          %dma_wait3A_1181 = tpu.memref_squeeze %dma_wait3A_1180 : memref<1x50x128xf32, #tpu.memory_space<vmem>> -> memref<50x128xf32, #tpu.memory_space<vmem>>
          tpu.wait_dma2 semaphore(%arg14 : memref<!tpu.dma_semaphore, #tpu.memory_space<semaphore_mem>>) src(%dma_wait3A_1181 : memref<50x128xf32, #tpu.memory_space<vmem>>) dst(%dma_wait3A_1177 : memref<50x128xf32, #tpu.memory_space<hbm>>)
        } else {
        }
        %add3A_1047 = arith.constant 2 : i32
        %add3A_1048 = arith.addi %add3A_897, %add3A_1047 : i32
        %mul3A_1049 = arith.constant 200 : i32
        %mul3A_1050 = arith.muli %add3A_1048, %mul3A_1049 : i32
        %add3A_1051 = arith.constant 0 : i32
        %add3A_1052 = arith.addi %mul3A_1050, %add3A_1051 : i32
        %multiple_of3A_1053 = tpu.assume_multiple %add3A_1052, 8 : i32
        %dma_start3A_1054 = arith.constant 1 : i32
        %dma_start3A_1055 = arith.constant 0 : i32
        %dma_start3A_1056 = arith.constant 0 : i32
        %dma_start3A_1057 = tpu.memref_slice %arg7[%dma_start3A_1054, %dma_start3A_1055, %dma_start3A_1056] : memref<4x200x128xf32, #tpu.memory_space<vmem>> -> memref<1x104x128xf32, #tpu.memory_space<vmem>>
        %dma_start3A_1058 = tpu.memref_squeeze %dma_start3A_1057 : memref<1x104x128xf32, #tpu.memory_space<vmem>> -> memref<104x128xf32, #tpu.memory_space<vmem>>
        %dma_start3A_1059 = tpu.memref_slice %arg6[%multiple_of3A_1053] : memref<6400xi32, #tpu.memory_space<vmem>> -> memref<104xi32, #tpu.memory_space<vmem>>
        %dma_start3A_1060 = arith.constant 0 : i32
        %dma_start3A_1061 = arith.constant 0 : i32
        %dma_start3A_1062 = tpu.memref_slice %arg3[%dma_start3A_1060, %dma_start3A_1061] : memref<100000x128xf32, #tpu.memory_space<hbm>> -> memref<100000x128xf32, #tpu.memory_space<hbm>>
        tpu.enqueue_indirect_dma source(%dma_start3A_1062 : memref<100000x128xf32, #tpu.memory_space<hbm>>) target(%dma_start3A_1058 : memref<104x128xf32, #tpu.memory_space<vmem>>) offsets(%dma_start3A_1059 : memref<104xi32, #tpu.memory_space<vmem>>) semaphore(%arg10 : memref<!tpu.dma_semaphore, #tpu.memory_space<semaphore_mem>>)
        %mul3A_1063 = arith.constant 200 : i32
        %mul3A_1064 = arith.muli %add3A_1048, %mul3A_1063 : i32
        %add3A_1065 = arith.constant 104 : i32
        %add3A_1066 = arith.addi %mul3A_1064, %add3A_1065 : i32
        %multiple_of3A_1067 = tpu.assume_multiple %add3A_1066, 8 : i32
        %dma_start3A_1068 = arith.constant 1 : i32
        %dma_start3A_1069 = arith.constant 104 : i32
        %dma_start3A_1070 = arith.constant 0 : i32
        %dma_start3A_1071 = tpu.memref_slice %arg7[%dma_start3A_1068, %dma_start3A_1069, %dma_start3A_1070] : memref<4x200x128xf32, #tpu.memory_space<vmem>> -> memref<1x96x128xf32, #tpu.memory_space<vmem>>
        %dma_start3A_1072 = tpu.memref_squeeze %dma_start3A_1071 : memref<1x96x128xf32, #tpu.memory_space<vmem>> -> memref<96x128xf32, #tpu.memory_space<vmem>>
        %dma_start3A_1073 = tpu.memref_slice %arg6[%multiple_of3A_1067] : memref<6400xi32, #tpu.memory_space<vmem>> -> memref<96xi32, #tpu.memory_space<vmem>>
        %dma_start3A_1074 = arith.constant 0 : i32
        %dma_start3A_1075 = arith.constant 0 : i32
        %dma_start3A_1076 = tpu.memref_slice %arg3[%dma_start3A_1074, %dma_start3A_1075] : memref<100000x128xf32, #tpu.memory_space<hbm>> -> memref<100000x128xf32, #tpu.memory_space<hbm>>
        tpu.enqueue_indirect_dma source(%dma_start3A_1076 : memref<100000x128xf32, #tpu.memory_space<hbm>>) target(%dma_start3A_1072 : memref<96x128xf32, #tpu.memory_space<vmem>>) offsets(%dma_start3A_1073 : memref<96xi32, #tpu.memory_space<vmem>>) semaphore(%arg10 : memref<!tpu.dma_semaphore, #tpu.memory_space<semaphore_mem>>)
      } else {
      }
      %mul3A_905 = arith.constant 200 : i32
      %mul3A_906 = arith.muli %add3A_897, %mul3A_905 : i32
      %add3A_907 = arith.constant 0 : i32
      %add3A_908 = arith.addi %mul3A_906, %add3A_907 : i32
      %multiple_of3A_909 = tpu.assume_multiple %add3A_908, 8 : i32
      %dma_wait3A_910 = arith.constant 3 : i32
      %dma_wait3A_911 = arith.constant 0 : i32
      %dma_wait3A_912 = arith.constant 0 : i32
      %dma_wait3A_913 = tpu.memref_slice %arg7[%dma_wait3A_910, %dma_wait3A_911, %dma_wait3A_912] : memref<4x200x128xf32, #tpu.memory_space<vmem>> -> memref<1x104x128xf32, #tpu.memory_space<vmem>>
      %dma_wait3A_914 = tpu.memref_squeeze %dma_wait3A_913 : memref<1x104x128xf32, #tpu.memory_space<vmem>> -> memref<104x128xf32, #tpu.memory_space<vmem>>
      %dma_wait3A_915 = tpu.memref_slice %arg6[%multiple_of3A_909] : memref<6400xi32, #tpu.memory_space<vmem>> -> memref<104xi32, #tpu.memory_space<vmem>>
      %dma_wait3A_916 = arith.constant 0 : i32
      %dma_wait3A_917 = arith.constant 0 : i32
      %dma_wait3A_918 = tpu.memref_slice %arg3[%dma_wait3A_916, %dma_wait3A_917] : memref<100000x128xf32, #tpu.memory_space<hbm>> -> memref<100000x128xf32, #tpu.memory_space<hbm>>
      tpu.wait_indirect_dma semaphore(%arg12 : memref<!tpu.dma_semaphore, #tpu.memory_space<semaphore_mem>>) src(%dma_wait3A_918 : memref<100000x128xf32, #tpu.memory_space<hbm>>) dst(%dma_wait3A_914 : memref<104x128xf32, #tpu.memory_space<vmem>>)
      %mul3A_919 = arith.constant 200 : i32
      %mul3A_920 = arith.muli %add3A_897, %mul3A_919 : i32
      %add3A_921 = arith.constant 104 : i32
      %add3A_922 = arith.addi %mul3A_920, %add3A_921 : i32
      %multiple_of3A_923 = tpu.assume_multiple %add3A_922, 8 : i32
      %dma_wait3A_924 = arith.constant 3 : i32
      %dma_wait3A_925 = arith.constant 104 : i32
      %dma_wait3A_926 = arith.constant 0 : i32
      %dma_wait3A_927 = tpu.memref_slice %arg7[%dma_wait3A_924, %dma_wait3A_925, %dma_wait3A_926] : memref<4x200x128xf32, #tpu.memory_space<vmem>> -> memref<1x96x128xf32, #tpu.memory_space<vmem>>
      %dma_wait3A_928 = tpu.memref_squeeze %dma_wait3A_927 : memref<1x96x128xf32, #tpu.memory_space<vmem>> -> memref<96x128xf32, #tpu.memory_space<vmem>>
      %dma_wait3A_929 = tpu.memref_slice %arg6[%multiple_of3A_923] : memref<6400xi32, #tpu.memory_space<vmem>> -> memref<96xi32, #tpu.memory_space<vmem>>
      %dma_wait3A_930 = arith.constant 0 : i32
      %dma_wait3A_931 = arith.constant 0 : i32
      %dma_wait3A_932 = tpu.memref_slice %arg3[%dma_wait3A_930, %dma_wait3A_931] : memref<100000x128xf32, #tpu.memory_space<hbm>> -> memref<100000x128xf32, #tpu.memory_space<hbm>>
      tpu.wait_indirect_dma semaphore(%arg12 : memref<!tpu.dma_semaphore, #tpu.memory_space<semaphore_mem>>) src(%dma_wait3A_932 : memref<100000x128xf32, #tpu.memory_space<hbm>>) dst(%dma_wait3A_928 : memref<96x128xf32, #tpu.memory_space<vmem>>)
      %scan3A_933 = arith.constant 0 : i32
      %scan3A_934 = arith.constant 3 : i32
      %scan3A_935 = arith.constant 0 : i32
      %scan3A_936 = arith.constant 50 : i32
      %scan3A_937 = arith.addi %scan3A_935, %scan3A_936 : i32
      %scan3A_938 = arith.constant 1 : i32
      scf.for %scan3A_1043 = %scan3A_935 to %scan3A_937 step %scan3A_938  : i32 {
        %mul3A_1044 = arith.constant 128 : i32
        %mul3A_1045 = arith.muli %scan3A_1043, %mul3A_1044 : i32
        %add3A_1046 = arith.constant 0 : i32
        %add3A_1047 = arith.addi %mul3A_1045, %add3A_1046 : i32
        %get3A = arith.index_cast %add3A_1047 : i32 to index
        %get3A_1048 = tpu.vector_load %arg8[%get3A] {strides = array<i32>} : memref<6400xf32, #tpu.memory_space<vmem>>, vector<16xf32>,
        %get3A_1049 = vector.shape_cast %get3A_1048 : vector<16xf32> to vector<16xf32>
        %mul3A_1050 = arith.constant 128 : i32
        %mul3A_1051 = arith.muli %scan3A_1043, %mul3A_1050 : i32
        %add3A_1052 = arith.constant 16 : i32
        %add3A_1053 = arith.addi %mul3A_1051, %add3A_1052 : i32
        %get3A_1054 = arith.index_cast %add3A_1053 : i32 to index
        %get3A_1055 = tpu.vector_load %arg8[%get3A_1054] {strides = array<i32>} : memref<6400xf32, #tpu.memory_space<vmem>>, vector<16xf32>,
        %get3A_1056 = vector.shape_cast %get3A_1055 : vector<16xf32> to vector<16xf32>
        %mul3A_1057 = arith.constant 128 : i32
        %mul3A_1058 = arith.muli %scan3A_1043, %mul3A_1057 : i32
        %add3A_1059 = arith.constant 32 : i32
        %add3A_1060 = arith.addi %mul3A_1058, %add3A_1059 : i32
        %get3A_1061 = arith.index_cast %add3A_1060 : i32 to index
        %get3A_1062 = tpu.vector_load %arg8[%get3A_1061] {strides = array<i32>} : memref<6400xf32, #tpu.memory_space<vmem>>, vector<16xf32>,
        %get3A_1063 = vector.shape_cast %get3A_1062 : vector<16xf32> to vector<16xf32>
        %mul3A_1064 = arith.constant 128 : i32
        %mul3A_1065 = arith.muli %scan3A_1043, %mul3A_1064 : i32
        %add3A_1066 = arith.constant 48 : i32
        %add3A_1067 = arith.addi %mul3A_1065, %add3A_1066 : i32
        %get3A_1068 = arith.index_cast %add3A_1067 : i32 to index
        %get3A_1069 = tpu.vector_load %arg8[%get3A_1068] {strides = array<i32>} : memref<6400xf32, #tpu.memory_space<vmem>>, vector<16xf32>,
        %get3A_1070 = vector.shape_cast %get3A_1069 : vector<16xf32> to vector<16xf32>
        %mul3A_1071 = arith.constant 128 : i32
        %mul3A_1072 = arith.muli %scan3A_1043, %mul3A_1071 : i32
        %add3A_1073 = arith.constant 64 : i32
        %add3A_1074 = arith.addi %mul3A_1072, %add3A_1073 : i32
        %get3A_1075 = arith.index_cast %add3A_1074 : i32 to index
        %get3A_1076 = tpu.vector_load %arg8[%get3A_1075] {strides = array<i32>} : memref<6400xf32, #tpu.memory_space<vmem>>, vector<16xf32>,
        %get3A_1077 = vector.shape_cast %get3A_1076 : vector<16xf32> to vector<16xf32>
        %mul3A_1078 = arith.constant 128 : i32
        %mul3A_1079 = arith.muli %scan3A_1043, %mul3A_1078 : i32
        %add3A_1080 = arith.constant 80 : i32
        %add3A_1081 = arith.addi %mul3A_1079, %add3A_1080 : i32
        %get3A_1082 = arith.index_cast %add3A_1081 : i32 to index
        %get3A_1083 = tpu.vector_load %arg8[%get3A_1082] {strides = array<i32>} : memref<6400xf32, #tpu.memory_space<vmem>>, vector<16xf32>,
        %get3A_1084 = vector.shape_cast %get3A_1083 : vector<16xf32> to vector<16xf32>
        %mul3A_1085 = arith.constant 128 : i32
        %mul3A_1086 = arith.muli %scan3A_1043, %mul3A_1085 : i32
        %add3A_1087 = arith.constant 96 : i32
        %add3A_1088 = arith.addi %mul3A_1086, %add3A_1087 : i32
        %get3A_1089 = arith.index_cast %add3A_1088 : i32 to index
        %get3A_1090 = tpu.vector_load %arg8[%get3A_1089] {strides = array<i32>} : memref<6400xf32, #tpu.memory_space<vmem>>, vector<16xf32>,
        %get3A_1091 = vector.shape_cast %get3A_1090 : vector<16xf32> to vector<16xf32>
        %mul3A_1092 = arith.constant 128 : i32
        %mul3A_1093 = arith.muli %scan3A_1043, %mul3A_1092 : i32
        %add3A_1094 = arith.constant 112 : i32
        %add3A_1095 = arith.addi %mul3A_1093, %add3A_1094 : i32
        %get3A_1096 = arith.index_cast %add3A_1095 : i32 to index
        %get3A_1097 = tpu.vector_load %arg8[%get3A_1096] {strides = array<i32>} : memref<6400xf32, #tpu.memory_space<vmem>>, vector<16xf32>,
        %get3A_1098 = vector.shape_cast %get3A_1097 : vector<16xf32> to vector<16xf32>
        %add3A_1099 = arith.constant 0 : i32
        %add3A_1100 = arith.addi %add3A_1099, %scan3A_1043 : i32
        %swap3A = arith.constant 0 : i32
        %swap3A_1101 = arith.constant 0 : i32
        %swap3A_1102 = tpu.memref_slice %arg7[%scan3A_934, %swap3A, %swap3A_1101] : memref<4x200x128xf32, #tpu.memory_space<vmem>> -> memref<1x200x128xf32, #tpu.memory_space<vmem>>
        %swap3A_1103 = tpu.memref_squeeze %swap3A_1102 : memref<1x200x128xf32, #tpu.memory_space<vmem>> -> memref<200x128xf32, #tpu.memory_space<vmem>>
        %swap3A_1104 = arith.index_cast %add3A_1100 : i32 to index
        %swap3A_1105 = arith.constant 0 : index
        %swap3A_1106 = tpu.vector_load %swap3A_1103[%swap3A_1104, %swap3A_1105] {strides = array<i32>} : memref<200x128xf32, #tpu.memory_space<vmem>>, vector<1x16xf32>,
        %swap3A_1107 = vector.shape_cast %swap3A_1106 : vector<1x16xf32> to vector<16xf32>
        %swap3A_1108 = vector.shape_cast %get3A_1049 : vector<16xf32> to vector<1x16xf32>
        tpu.vector_store %swap3A_1103[%swap3A_1104, %swap3A_1105], %swap3A_1108 {add = true, strides = array<i32>} : memref<200x128xf32, #tpu.memory_space<vmem>>, vector<1x16xf32>,
        %add3A_1109 = arith.constant 0 : i32
        %add3A_1110 = arith.addi %add3A_1109, %scan3A_1043 : i32
        %swap3A_1111 = arith.constant 0 : i32
        %swap3A_1112 = arith.constant 0 : i32
        %swap3A_1113 = tpu.memref_slice %arg7[%scan3A_934, %swap3A_1111, %swap3A_1112] : memref<4x200x128xf32, #tpu.memory_space<vmem>> -> memref<1x200x128xf32, #tpu.memory_space<vmem>>
        %swap3A_1114 = tpu.memref_squeeze %swap3A_1113 : memref<1x200x128xf32, #tpu.memory_space<vmem>> -> memref<200x128xf32, #tpu.memory_space<vmem>>
        %swap3A_1115 = arith.index_cast %add3A_1110 : i32 to index
        %swap3A_1116 = arith.constant 16 : index
        %swap3A_1117 = tpu.vector_load %swap3A_1114[%swap3A_1115, %swap3A_1116] {strides = array<i32>} : memref<200x128xf32, #tpu.memory_space<vmem>>, vector<1x16xf32>,
        %swap3A_1118 = vector.shape_cast %swap3A_1117 : vector<1x16xf32> to vector<16xf32>
        %swap3A_1119 = vector.shape_cast %get3A_1056 : vector<16xf32> to vector<1x16xf32>
        tpu.vector_store %swap3A_1114[%swap3A_1115, %swap3A_1116], %swap3A_1119 {add = true, strides = array<i32>} : memref<200x128xf32, #tpu.memory_space<vmem>>, vector<1x16xf32>,
        %add3A_1120 = arith.constant 0 : i32
        %add3A_1121 = arith.addi %add3A_1120, %scan3A_1043 : i32
        %swap3A_1122 = arith.constant 0 : i32
        %swap3A_1123 = arith.constant 0 : i32
        %swap3A_1124 = tpu.memref_slice %arg7[%scan3A_934, %swap3A_1122, %swap3A_1123] : memref<4x200x128xf32, #tpu.memory_space<vmem>> -> memref<1x200x128xf32, #tpu.memory_space<vmem>>
        %swap3A_1125 = tpu.memref_squeeze %swap3A_1124 : memref<1x200x128xf32, #tpu.memory_space<vmem>> -> memref<200x128xf32, #tpu.memory_space<vmem>>
        %swap3A_1126 = arith.index_cast %add3A_1121 : i32 to index
        %swap3A_1127 = arith.constant 32 : index
        %swap3A_1128 = tpu.vector_load %swap3A_1125[%swap3A_1126, %swap3A_1127] {strides = array<i32>} : memref<200x128xf32, #tpu.memory_space<vmem>>, vector<1x16xf32>,
        %swap3A_1129 = vector.shape_cast %swap3A_1128 : vector<1x16xf32> to vector<16xf32>
        %swap3A_1130 = vector.shape_cast %get3A_1063 : vector<16xf32> to vector<1x16xf32>
        tpu.vector_store %swap3A_1125[%swap3A_1126, %swap3A_1127], %swap3A_1130 {add = true, strides = array<i32>} : memref<200x128xf32, #tpu.memory_space<vmem>>, vector<1x16xf32>,
        %add3A_1131 = arith.constant 0 : i32
        %add3A_1132 = arith.addi %add3A_1131, %scan3A_1043 : i32
        %swap3A_1133 = arith.constant 0 : i32
        %swap3A_1134 = arith.constant 0 : i32
        %swap3A_1135 = tpu.memref_slice %arg7[%scan3A_934, %swap3A_1133, %swap3A_1134] : memref<4x200x128xf32, #tpu.memory_space<vmem>> -> memref<1x200x128xf32, #tpu.memory_space<vmem>>
        %swap3A_1136 = tpu.memref_squeeze %swap3A_1135 : memref<1x200x128xf32, #tpu.memory_space<vmem>> -> memref<200x128xf32, #tpu.memory_space<vmem>>
        %swap3A_1137 = arith.index_cast %add3A_1132 : i32 to index
        %swap3A_1138 = arith.constant 48 : index
        %swap3A_1139 = tpu.vector_load %swap3A_1136[%swap3A_1137, %swap3A_1138] {strides = array<i32>} : memref<200x128xf32, #tpu.memory_space<vmem>>, vector<1x16xf32>,
        %swap3A_1140 = vector.shape_cast %swap3A_1139 : vector<1x16xf32> to vector<16xf32>
        %swap3A_1141 = vector.shape_cast %get3A_1070 : vector<16xf32> to vector<1x16xf32>
        tpu.vector_store %swap3A_1136[%swap3A_1137, %swap3A_1138], %swap3A_1141 {add = true, strides = array<i32>} : memref<200x128xf32, #tpu.memory_space<vmem>>, vector<1x16xf32>,
        %add3A_1142 = arith.constant 0 : i32
        %add3A_1143 = arith.addi %add3A_1142, %scan3A_1043 : i32
        %swap3A_1144 = arith.constant 0 : i32
        %swap3A_1145 = arith.constant 0 : i32
        %swap3A_1146 = tpu.memref_slice %arg7[%scan3A_934, %swap3A_1144, %swap3A_1145] : memref<4x200x128xf32, #tpu.memory_space<vmem>> -> memref<1x200x128xf32, #tpu.memory_space<vmem>>
        %swap3A_1147 = tpu.memref_squeeze %swap3A_1146 : memref<1x200x128xf32, #tpu.memory_space<vmem>> -> memref<200x128xf32, #tpu.memory_space<vmem>>
        %swap3A_1148 = arith.index_cast %add3A_1143 : i32 to index
        %swap3A_1149 = arith.constant 64 : index
        %swap3A_1150 = tpu.vector_load %swap3A_1147[%swap3A_1148, %swap3A_1149] {strides = array<i32>} : memref<200x128xf32, #tpu.memory_space<vmem>>, vector<1x16xf32>,
        %swap3A_1151 = vector.shape_cast %swap3A_1150 : vector<1x16xf32> to vector<16xf32>
        %swap3A_1152 = vector.shape_cast %get3A_1077 : vector<16xf32> to vector<1x16xf32>
        tpu.vector_store %swap3A_1147[%swap3A_1148, %swap3A_1149], %swap3A_1152 {add = true, strides = array<i32>} : memref<200x128xf32, #tpu.memory_space<vmem>>, vector<1x16xf32>,
        %add3A_1153 = arith.constant 0 : i32
        %add3A_1154 = arith.addi %add3A_1153, %scan3A_1043 : i32
        %swap3A_1155 = arith.constant 0 : i32
        %swap3A_1156 = arith.constant 0 : i32
        %swap3A_1157 = tpu.memref_slice %arg7[%scan3A_934, %swap3A_1155, %swap3A_1156] : memref<4x200x128xf32, #tpu.memory_space<vmem>> -> memref<1x200x128xf32, #tpu.memory_space<vmem>>
        %swap3A_1158 = tpu.memref_squeeze %swap3A_1157 : memref<1x200x128xf32, #tpu.memory_space<vmem>> -> memref<200x128xf32, #tpu.memory_space<vmem>>
        %swap3A_1159 = arith.index_cast %add3A_1154 : i32 to index
        %swap3A_1160 = arith.constant 80 : index
        %swap3A_1161 = tpu.vector_load %swap3A_1158[%swap3A_1159, %swap3A_1160] {strides = array<i32>} : memref<200x128xf32, #tpu.memory_space<vmem>>, vector<1x16xf32>,
        %swap3A_1162 = vector.shape_cast %swap3A_1161 : vector<1x16xf32> to vector<16xf32>
        %swap3A_1163 = vector.shape_cast %get3A_1084 : vector<16xf32> to vector<1x16xf32>
        tpu.vector_store %swap3A_1158[%swap3A_1159, %swap3A_1160], %swap3A_1163 {add = true, strides = array<i32>} : memref<200x128xf32, #tpu.memory_space<vmem>>, vector<1x16xf32>,
        %add3A_1164 = arith.constant 0 : i32
        %add3A_1165 = arith.addi %add3A_1164, %scan3A_1043 : i32
        %swap3A_1166 = arith.constant 0 : i32
        %swap3A_1167 = arith.constant 0 : i32
        %swap3A_1168 = tpu.memref_slice %arg7[%scan3A_934, %swap3A_1166, %swap3A_1167] : memref<4x200x128xf32, #tpu.memory_space<vmem>> -> memref<1x200x128xf32, #tpu.memory_space<vmem>>
        %swap3A_1169 = tpu.memref_squeeze %swap3A_1168 : memref<1x200x128xf32, #tpu.memory_space<vmem>> -> memref<200x128xf32, #tpu.memory_space<vmem>>
        %swap3A_1170 = arith.index_cast %add3A_1165 : i32 to index
        %swap3A_1171 = arith.constant 96 : index
        %swap3A_1172 = tpu.vector_load %swap3A_1169[%swap3A_1170, %swap3A_1171] {strides = array<i32>} : memref<200x128xf32, #tpu.memory_space<vmem>>, vector<1x16xf32>,
        %swap3A_1173 = vector.shape_cast %swap3A_1172 : vector<1x16xf32> to vector<16xf32>
        %swap3A_1174 = vector.shape_cast %get3A_1091 : vector<16xf32> to vector<1x16xf32>
        tpu.vector_store %swap3A_1169[%swap3A_1170, %swap3A_1171], %swap3A_1174 {add = true, strides = array<i32>} : memref<200x128xf32, #tpu.memory_space<vmem>>, vector<1x16xf32>,
        %add3A_1175 = arith.constant 0 : i32
        %add3A_1176 = arith.addi %add3A_1175, %scan3A_1043 : i32
        %swap3A_1177 = arith.constant 0 : i32
        %swap3A_1178 = arith.constant 0 : i32
        %swap3A_1179 = tpu.memref_slice %arg7[%scan3A_934, %swap3A_1177, %swap3A_1178] : memref<4x200x128xf32, #tpu.memory_space<vmem>> -> memref<1x200x128xf32, #tpu.memory_space<vmem>>
        %swap3A_1180 = tpu.memref_squeeze %swap3A_1179 : memref<1x200x128xf32, #tpu.memory_space<vmem>> -> memref<200x128xf32, #tpu.memory_space<vmem>>
        %swap3A_1181 = arith.index_cast %add3A_1176 : i32 to index
        %swap3A_1182 = arith.constant 112 : index
        %swap3A_1183 = tpu.vector_load %swap3A_1180[%swap3A_1181, %swap3A_1182] {strides = array<i32>} : memref<200x128xf32, #tpu.memory_space<vmem>>, vector<1x16xf32>,
        %swap3A_1184 = vector.shape_cast %swap3A_1183 : vector<1x16xf32> to vector<16xf32>
        %swap3A_1185 = vector.shape_cast %get3A_1098 : vector<16xf32> to vector<1x16xf32>
        tpu.vector_store %swap3A_1180[%swap3A_1181, %swap3A_1182], %swap3A_1185 {add = true, strides = array<i32>} : memref<200x128xf32, #tpu.memory_space<vmem>>, vector<1x16xf32>,
        %add3A_1186 = arith.constant 50 : i32
        %add3A_1187 = arith.addi %add3A_1186, %scan3A_1043 : i32
        %swap3A_1188 = arith.constant 0 : i32
        %swap3A_1189 = arith.constant 0 : i32
        %swap3A_1190 = tpu.memref_slice %arg7[%scan3A_934, %swap3A_1188, %swap3A_1189] : memref<4x200x128xf32, #tpu.memory_space<vmem>> -> memref<1x200x128xf32, #tpu.memory_space<vmem>>
        %swap3A_1191 = tpu.memref_squeeze %swap3A_1190 : memref<1x200x128xf32, #tpu.memory_space<vmem>> -> memref<200x128xf32, #tpu.memory_space<vmem>>
        %swap3A_1192 = arith.index_cast %add3A_1187 : i32 to index
        %swap3A_1193 = arith.constant 0 : index
        %swap3A_1194 = tpu.vector_load %swap3A_1191[%swap3A_1192, %swap3A_1193] {strides = array<i32>} : memref<200x128xf32, #tpu.memory_space<vmem>>, vector<1x16xf32>,
        %swap3A_1195 = vector.shape_cast %swap3A_1194 : vector<1x16xf32> to vector<16xf32>
        %swap3A_1196 = vector.shape_cast %get3A_1049 : vector<16xf32> to vector<1x16xf32>
        tpu.vector_store %swap3A_1191[%swap3A_1192, %swap3A_1193], %swap3A_1196 {add = true, strides = array<i32>} : memref<200x128xf32, #tpu.memory_space<vmem>>, vector<1x16xf32>,
        %add3A_1197 = arith.constant 50 : i32
        %add3A_1198 = arith.addi %add3A_1197, %scan3A_1043 : i32
        %swap3A_1199 = arith.constant 0 : i32
        %swap3A_1200 = arith.constant 0 : i32
        %swap3A_1201 = tpu.memref_slice %arg7[%scan3A_934, %swap3A_1199, %swap3A_1200] : memref<4x200x128xf32, #tpu.memory_space<vmem>> -> memref<1x200x128xf32, #tpu.memory_space<vmem>>
        %swap3A_1202 = tpu.memref_squeeze %swap3A_1201 : memref<1x200x128xf32, #tpu.memory_space<vmem>> -> memref<200x128xf32, #tpu.memory_space<vmem>>
        %swap3A_1203 = arith.index_cast %add3A_1198 : i32 to index
        %swap3A_1204 = arith.constant 16 : index
        %swap3A_1205 = tpu.vector_load %swap3A_1202[%swap3A_1203, %swap3A_1204] {strides = array<i32>} : memref<200x128xf32, #tpu.memory_space<vmem>>, vector<1x16xf32>,
        %swap3A_1206 = vector.shape_cast %swap3A_1205 : vector<1x16xf32> to vector<16xf32>
        %swap3A_1207 = vector.shape_cast %get3A_1056 : vector<16xf32> to vector<1x16xf32>
        tpu.vector_store %swap3A_1202[%swap3A_1203, %swap3A_1204], %swap3A_1207 {add = true, strides = array<i32>} : memref<200x128xf32, #tpu.memory_space<vmem>>, vector<1x16xf32>,
        %add3A_1208 = arith.constant 50 : i32
        %add3A_1209 = arith.addi %add3A_1208, %scan3A_1043 : i32
        %swap3A_1210 = arith.constant 0 : i32
        %swap3A_1211 = arith.constant 0 : i32
        %swap3A_1212 = tpu.memref_slice %arg7[%scan3A_934, %swap3A_1210, %swap3A_1211] : memref<4x200x128xf32, #tpu.memory_space<vmem>> -> memref<1x200x128xf32, #tpu.memory_space<vmem>>
        %swap3A_1213 = tpu.memref_squeeze %swap3A_1212 : memref<1x200x128xf32, #tpu.memory_space<vmem>> -> memref<200x128xf32, #tpu.memory_space<vmem>>
        %swap3A_1214 = arith.index_cast %add3A_1209 : i32 to index
        %swap3A_1215 = arith.constant 32 : index
        %swap3A_1216 = tpu.vector_load %swap3A_1213[%swap3A_1214, %swap3A_1215] {strides = array<i32>} : memref<200x128xf32, #tpu.memory_space<vmem>>, vector<1x16xf32>,
        %swap3A_1217 = vector.shape_cast %swap3A_1216 : vector<1x16xf32> to vector<16xf32>
        %swap3A_1218 = vector.shape_cast %get3A_1063 : vector<16xf32> to vector<1x16xf32>
        tpu.vector_store %swap3A_1213[%swap3A_1214, %swap3A_1215], %swap3A_1218 {add = true, strides = array<i32>} : memref<200x128xf32, #tpu.memory_space<vmem>>, vector<1x16xf32>,
        %add3A_1219 = arith.constant 50 : i32
        %add3A_1220 = arith.addi %add3A_1219, %scan3A_1043 : i32
        %swap3A_1221 = arith.constant 0 : i32
        %swap3A_1222 = arith.constant 0 : i32
        %swap3A_1223 = tpu.memref_slice %arg7[%scan3A_934, %swap3A_1221, %swap3A_1222] : memref<4x200x128xf32, #tpu.memory_space<vmem>> -> memref<1x200x128xf32, #tpu.memory_space<vmem>>
        %swap3A_1224 = tpu.memref_squeeze %swap3A_1223 : memref<1x200x128xf32, #tpu.memory_space<vmem>> -> memref<200x128xf32, #tpu.memory_space<vmem>>
        %swap3A_1225 = arith.index_cast %add3A_1220 : i32 to index
        %swap3A_1226 = arith.constant 48 : index
        %swap3A_1227 = tpu.vector_load %swap3A_1224[%swap3A_1225, %swap3A_1226] {strides = array<i32>} : memref<200x128xf32, #tpu.memory_space<vmem>>, vector<1x16xf32>,
        %swap3A_1228 = vector.shape_cast %swap3A_1227 : vector<1x16xf32> to vector<16xf32>
        %swap3A_1229 = vector.shape_cast %get3A_1070 : vector<16xf32> to vector<1x16xf32>
        tpu.vector_store %swap3A_1224[%swap3A_1225, %swap3A_1226], %swap3A_1229 {add = true, strides = array<i32>} : memref<200x128xf32, #tpu.memory_space<vmem>>, vector<1x16xf32>,
        %add3A_1230 = arith.constant 50 : i32
        %add3A_1231 = arith.addi %add3A_1230, %scan3A_1043 : i32
        %swap3A_1232 = arith.constant 0 : i32
        %swap3A_1233 = arith.constant 0 : i32
        %swap3A_1234 = tpu.memref_slice %arg7[%scan3A_934, %swap3A_1232, %swap3A_1233] : memref<4x200x128xf32, #tpu.memory_space<vmem>> -> memref<1x200x128xf32, #tpu.memory_space<vmem>>
        %swap3A_1235 = tpu.memref_squeeze %swap3A_1234 : memref<1x200x128xf32, #tpu.memory_space<vmem>> -> memref<200x128xf32, #tpu.memory_space<vmem>>
        %swap3A_1236 = arith.index_cast %add3A_1231 : i32 to index
        %swap3A_1237 = arith.constant 64 : index
        %swap3A_1238 = tpu.vector_load %swap3A_1235[%swap3A_1236, %swap3A_1237] {strides = array<i32>} : memref<200x128xf32, #tpu.memory_space<vmem>>, vector<1x16xf32>,
        %swap3A_1239 = vector.shape_cast %swap3A_1238 : vector<1x16xf32> to vector<16xf32>
        %swap3A_1240 = vector.shape_cast %get3A_1077 : vector<16xf32> to vector<1x16xf32>
        tpu.vector_store %swap3A_1235[%swap3A_1236, %swap3A_1237], %swap3A_1240 {add = true, strides = array<i32>} : memref<200x128xf32, #tpu.memory_space<vmem>>, vector<1x16xf32>,
        %add3A_1241 = arith.constant 50 : i32
        %add3A_1242 = arith.addi %add3A_1241, %scan3A_1043 : i32
        %swap3A_1243 = arith.constant 0 : i32
        %swap3A_1244 = arith.constant 0 : i32
        %swap3A_1245 = tpu.memref_slice %arg7[%scan3A_934, %swap3A_1243, %swap3A_1244] : memref<4x200x128xf32, #tpu.memory_space<vmem>> -> memref<1x200x128xf32, #tpu.memory_space<vmem>>
        %swap3A_1246 = tpu.memref_squeeze %swap3A_1245 : memref<1x200x128xf32, #tpu.memory_space<vmem>> -> memref<200x128xf32, #tpu.memory_space<vmem>>
        %swap3A_1247 = arith.index_cast %add3A_1242 : i32 to index
        %swap3A_1248 = arith.constant 80 : index
        %swap3A_1249 = tpu.vector_load %swap3A_1246[%swap3A_1247, %swap3A_1248] {strides = array<i32>} : memref<200x128xf32, #tpu.memory_space<vmem>>, vector<1x16xf32>,
        %swap3A_1250 = vector.shape_cast %swap3A_1249 : vector<1x16xf32> to vector<16xf32>
        %swap3A_1251 = vector.shape_cast %get3A_1084 : vector<16xf32> to vector<1x16xf32>
        tpu.vector_store %swap3A_1246[%swap3A_1247, %swap3A_1248], %swap3A_1251 {add = true, strides = array<i32>} : memref<200x128xf32, #tpu.memory_space<vmem>>, vector<1x16xf32>,
        %add3A_1252 = arith.constant 50 : i32
        %add3A_1253 = arith.addi %add3A_1252, %scan3A_1043 : i32
        %swap3A_1254 = arith.constant 0 : i32
        %swap3A_1255 = arith.constant 0 : i32
        %swap3A_1256 = tpu.memref_slice %arg7[%scan3A_934, %swap3A_1254, %swap3A_1255] : memref<4x200x128xf32, #tpu.memory_space<vmem>> -> memref<1x200x128xf32, #tpu.memory_space<vmem>>
        %swap3A_1257 = tpu.memref_squeeze %swap3A_1256 : memref<1x200x128xf32, #tpu.memory_space<vmem>> -> memref<200x128xf32, #tpu.memory_space<vmem>>
        %swap3A_1258 = arith.index_cast %add3A_1253 : i32 to index
        %swap3A_1259 = arith.constant 96 : index
        %swap3A_1260 = tpu.vector_load %swap3A_1257[%swap3A_1258, %swap3A_1259] {strides = array<i32>} : memref<200x128xf32, #tpu.memory_space<vmem>>, vector<1x16xf32>,
        %swap3A_1261 = vector.shape_cast %swap3A_1260 : vector<1x16xf32> to vector<16xf32>
        %swap3A_1262 = vector.shape_cast %get3A_1091 : vector<16xf32> to vector<1x16xf32>
        tpu.vector_store %swap3A_1257[%swap3A_1258, %swap3A_1259], %swap3A_1262 {add = true, strides = array<i32>} : memref<200x128xf32, #tpu.memory_space<vmem>>, vector<1x16xf32>,
        %add3A_1263 = arith.constant 50 : i32
        %add3A_1264 = arith.addi %add3A_1263, %scan3A_1043 : i32
        %swap3A_1265 = arith.constant 0 : i32
        %swap3A_1266 = arith.constant 0 : i32
        %swap3A_1267 = tpu.memref_slice %arg7[%scan3A_934, %swap3A_1265, %swap3A_1266] : memref<4x200x128xf32, #tpu.memory_space<vmem>> -> memref<1x200x128xf32, #tpu.memory_space<vmem>>
        %swap3A_1268 = tpu.memref_squeeze %swap3A_1267 : memref<1x200x128xf32, #tpu.memory_space<vmem>> -> memref<200x128xf32, #tpu.memory_space<vmem>>
        %swap3A_1269 = arith.index_cast %add3A_1264 : i32 to index
        %swap3A_1270 = arith.constant 112 : index
        %swap3A_1271 = tpu.vector_load %swap3A_1268[%swap3A_1269, %swap3A_1270] {strides = array<i32>} : memref<200x128xf32, #tpu.memory_space<vmem>>, vector<1x16xf32>,
        %swap3A_1272 = vector.shape_cast %swap3A_1271 : vector<1x16xf32> to vector<16xf32>
        %swap3A_1273 = vector.shape_cast %get3A_1098 : vector<16xf32> to vector<1x16xf32>
        tpu.vector_store %swap3A_1268[%swap3A_1269, %swap3A_1270], %swap3A_1273 {add = true, strides = array<i32>} : memref<200x128xf32, #tpu.memory_space<vmem>>, vector<1x16xf32>,
        %add3A_1274 = arith.constant 100 : i32
        %add3A_1275 = arith.addi %add3A_1274, %scan3A_1043 : i32
        %swap3A_1276 = arith.constant 0 : i32
        %swap3A_1277 = arith.constant 0 : i32
        %swap3A_1278 = tpu.memref_slice %arg7[%scan3A_934, %swap3A_1276, %swap3A_1277] : memref<4x200x128xf32, #tpu.memory_space<vmem>> -> memref<1x200x128xf32, #tpu.memory_space<vmem>>
        %swap3A_1279 = tpu.memref_squeeze %swap3A_1278 : memref<1x200x128xf32, #tpu.memory_space<vmem>> -> memref<200x128xf32, #tpu.memory_space<vmem>>
        %swap3A_1280 = arith.index_cast %add3A_1275 : i32 to index
        %swap3A_1281 = arith.constant 0 : index
        %swap3A_1282 = tpu.vector_load %swap3A_1279[%swap3A_1280, %swap3A_1281] {strides = array<i32>} : memref<200x128xf32, #tpu.memory_space<vmem>>, vector<1x16xf32>,
        %swap3A_1283 = vector.shape_cast %swap3A_1282 : vector<1x16xf32> to vector<16xf32>
        %swap3A_1284 = vector.shape_cast %get3A_1049 : vector<16xf32> to vector<1x16xf32>
        tpu.vector_store %swap3A_1279[%swap3A_1280, %swap3A_1281], %swap3A_1284 {add = true, strides = array<i32>} : memref<200x128xf32, #tpu.memory_space<vmem>>, vector<1x16xf32>,
        %add3A_1285 = arith.constant 100 : i32
        %add3A_1286 = arith.addi %add3A_1285, %scan3A_1043 : i32
        %swap3A_1287 = arith.constant 0 : i32
        %swap3A_1288 = arith.constant 0 : i32
        %swap3A_1289 = tpu.memref_slice %arg7[%scan3A_934, %swap3A_1287, %swap3A_1288] : memref<4x200x128xf32, #tpu.memory_space<vmem>> -> memref<1x200x128xf32, #tpu.memory_space<vmem>>
        %swap3A_1290 = tpu.memref_squeeze %swap3A_1289 : memref<1x200x128xf32, #tpu.memory_space<vmem>> -> memref<200x128xf32, #tpu.memory_space<vmem>>
        %swap3A_1291 = arith.index_cast %add3A_1286 : i32 to index
        %swap3A_1292 = arith.constant 16 : index
        %swap3A_1293 = tpu.vector_load %swap3A_1290[%swap3A_1291, %swap3A_1292] {strides = array<i32>} : memref<200x128xf32, #tpu.memory_space<vmem>>, vector<1x16xf32>,
        %swap3A_1294 = vector.shape_cast %swap3A_1293 : vector<1x16xf32> to vector<16xf32>
        %swap3A_1295 = vector.shape_cast %get3A_1056 : vector<16xf32> to vector<1x16xf32>
        tpu.vector_store %swap3A_1290[%swap3A_1291, %swap3A_1292], %swap3A_1295 {add = true, strides = array<i32>} : memref<200x128xf32, #tpu.memory_space<vmem>>, vector<1x16xf32>,
        %add3A_1296 = arith.constant 100 : i32
        %add3A_1297 = arith.addi %add3A_1296, %scan3A_1043 : i32
        %swap3A_1298 = arith.constant 0 : i32
        %swap3A_1299 = arith.constant 0 : i32
        %swap3A_1300 = tpu.memref_slice %arg7[%scan3A_934, %swap3A_1298, %swap3A_1299] : memref<4x200x128xf32, #tpu.memory_space<vmem>> -> memref<1x200x128xf32, #tpu.memory_space<vmem>>
        %swap3A_1301 = tpu.memref_squeeze %swap3A_1300 : memref<1x200x128xf32, #tpu.memory_space<vmem>> -> memref<200x128xf32, #tpu.memory_space<vmem>>
        %swap3A_1302 = arith.index_cast %add3A_1297 : i32 to index
        %swap3A_1303 = arith.constant 32 : index
        %swap3A_1304 = tpu.vector_load %swap3A_1301[%swap3A_1302, %swap3A_1303] {strides = array<i32>} : memref<200x128xf32, #tpu.memory_space<vmem>>, vector<1x16xf32>,
        %swap3A_1305 = vector.shape_cast %swap3A_1304 : vector<1x16xf32> to vector<16xf32>
        %swap3A_1306 = vector.shape_cast %get3A_1063 : vector<16xf32> to vector<1x16xf32>
        tpu.vector_store %swap3A_1301[%swap3A_1302, %swap3A_1303], %swap3A_1306 {add = true, strides = array<i32>} : memref<200x128xf32, #tpu.memory_space<vmem>>, vector<1x16xf32>,
        %add3A_1307 = arith.constant 100 : i32
        %add3A_1308 = arith.addi %add3A_1307, %scan3A_1043 : i32
        %swap3A_1309 = arith.constant 0 : i32
        %swap3A_1310 = arith.constant 0 : i32
        %swap3A_1311 = tpu.memref_slice %arg7[%scan3A_934, %swap3A_1309, %swap3A_1310] : memref<4x200x128xf32, #tpu.memory_space<vmem>> -> memref<1x200x128xf32, #tpu.memory_space<vmem>>
        %swap3A_1312 = tpu.memref_squeeze %swap3A_1311 : memref<1x200x128xf32, #tpu.memory_space<vmem>> -> memref<200x128xf32, #tpu.memory_space<vmem>>
        %swap3A_1313 = arith.index_cast %add3A_1308 : i32 to index
        %swap3A_1314 = arith.constant 48 : index
        %swap3A_1315 = tpu.vector_load %swap3A_1312[%swap3A_1313, %swap3A_1314] {strides = array<i32>} : memref<200x128xf32, #tpu.memory_space<vmem>>, vector<1x16xf32>,
        %swap3A_1316 = vector.shape_cast %swap3A_1315 : vector<1x16xf32> to vector<16xf32>
        %swap3A_1317 = vector.shape_cast %get3A_1070 : vector<16xf32> to vector<1x16xf32>
        tpu.vector_store %swap3A_1312[%swap3A_1313, %swap3A_1314], %swap3A_1317 {add = true, strides = array<i32>} : memref<200x128xf32, #tpu.memory_space<vmem>>, vector<1x16xf32>,
        %add3A_1318 = arith.constant 100 : i32
        %add3A_1319 = arith.addi %add3A_1318, %scan3A_1043 : i32
        %swap3A_1320 = arith.constant 0 : i32
        %swap3A_1321 = arith.constant 0 : i32
        %swap3A_1322 = tpu.memref_slice %arg7[%scan3A_934, %swap3A_1320, %swap3A_1321] : memref<4x200x128xf32, #tpu.memory_space<vmem>> -> memref<1x200x128xf32, #tpu.memory_space<vmem>>
        %swap3A_1323 = tpu.memref_squeeze %swap3A_1322 : memref<1x200x128xf32, #tpu.memory_space<vmem>> -> memref<200x128xf32, #tpu.memory_space<vmem>>
        %swap3A_1324 = arith.index_cast %add3A_1319 : i32 to index
        %swap3A_1325 = arith.constant 64 : index
        %swap3A_1326 = tpu.vector_load %swap3A_1323[%swap3A_1324, %swap3A_1325] {strides = array<i32>} : memref<200x128xf32, #tpu.memory_space<vmem>>, vector<1x16xf32>,
        %swap3A_1327 = vector.shape_cast %swap3A_1326 : vector<1x16xf32> to vector<16xf32>
        %swap3A_1328 = vector.shape_cast %get3A_1077 : vector<16xf32> to vector<1x16xf32>
        tpu.vector_store %swap3A_1323[%swap3A_1324, %swap3A_1325], %swap3A_1328 {add = true, strides = array<i32>} : memref<200x128xf32, #tpu.memory_space<vmem>>, vector<1x16xf32>,
        %add3A_1329 = arith.constant 100 : i32
        %add3A_1330 = arith.addi %add3A_1329, %scan3A_1043 : i32
        %swap3A_1331 = arith.constant 0 : i32
        %swap3A_1332 = arith.constant 0 : i32
        %swap3A_1333 = tpu.memref_slice %arg7[%scan3A_934, %swap3A_1331, %swap3A_1332] : memref<4x200x128xf32, #tpu.memory_space<vmem>> -> memref<1x200x128xf32, #tpu.memory_space<vmem>>
        %swap3A_1334 = tpu.memref_squeeze %swap3A_1333 : memref<1x200x128xf32, #tpu.memory_space<vmem>> -> memref<200x128xf32, #tpu.memory_space<vmem>>
        %swap3A_1335 = arith.index_cast %add3A_1330 : i32 to index
        %swap3A_1336 = arith.constant 80 : index
        %swap3A_1337 = tpu.vector_load %swap3A_1334[%swap3A_1335, %swap3A_1336] {strides = array<i32>} : memref<200x128xf32, #tpu.memory_space<vmem>>, vector<1x16xf32>,
        %swap3A_1338 = vector.shape_cast %swap3A_1337 : vector<1x16xf32> to vector<16xf32>
        %swap3A_1339 = vector.shape_cast %get3A_1084 : vector<16xf32> to vector<1x16xf32>
        tpu.vector_store %swap3A_1334[%swap3A_1335, %swap3A_1336], %swap3A_1339 {add = true, strides = array<i32>} : memref<200x128xf32, #tpu.memory_space<vmem>>, vector<1x16xf32>,
        %add3A_1340 = arith.constant 100 : i32
        %add3A_1341 = arith.addi %add3A_1340, %scan3A_1043 : i32
        %swap3A_1342 = arith.constant 0 : i32
        %swap3A_1343 = arith.constant 0 : i32
        %swap3A_1344 = tpu.memref_slice %arg7[%scan3A_934, %swap3A_1342, %swap3A_1343] : memref<4x200x128xf32, #tpu.memory_space<vmem>> -> memref<1x200x128xf32, #tpu.memory_space<vmem>>
        %swap3A_1345 = tpu.memref_squeeze %swap3A_1344 : memref<1x200x128xf32, #tpu.memory_space<vmem>> -> memref<200x128xf32, #tpu.memory_space<vmem>>
        %swap3A_1346 = arith.index_cast %add3A_1341 : i32 to index
        %swap3A_1347 = arith.constant 96 : index
        %swap3A_1348 = tpu.vector_load %swap3A_1345[%swap3A_1346, %swap3A_1347] {strides = array<i32>} : memref<200x128xf32, #tpu.memory_space<vmem>>, vector<1x16xf32>,
        %swap3A_1349 = vector.shape_cast %swap3A_1348 : vector<1x16xf32> to vector<16xf32>
        %swap3A_1350 = vector.shape_cast %get3A_1091 : vector<16xf32> to vector<1x16xf32>
        tpu.vector_store %swap3A_1345[%swap3A_1346, %swap3A_1347], %swap3A_1350 {add = true, strides = array<i32>} : memref<200x128xf32, #tpu.memory_space<vmem>>, vector<1x16xf32>,
        %add3A_1351 = arith.constant 100 : i32
        %add3A_1352 = arith.addi %add3A_1351, %scan3A_1043 : i32
        %swap3A_1353 = arith.constant 0 : i32
        %swap3A_1354 = arith.constant 0 : i32
        %swap3A_1355 = tpu.memref_slice %arg7[%scan3A_934, %swap3A_1353, %swap3A_1354] : memref<4x200x128xf32, #tpu.memory_space<vmem>> -> memref<1x200x128xf32, #tpu.memory_space<vmem>>
        %swap3A_1356 = tpu.memref_squeeze %swap3A_1355 : memref<1x200x128xf32, #tpu.memory_space<vmem>> -> memref<200x128xf32, #tpu.memory_space<vmem>>
        %swap3A_1357 = arith.index_cast %add3A_1352 : i32 to index
        %swap3A_1358 = arith.constant 112 : index
        %swap3A_1359 = tpu.vector_load %swap3A_1356[%swap3A_1357, %swap3A_1358] {strides = array<i32>} : memref<200x128xf32, #tpu.memory_space<vmem>>, vector<1x16xf32>,
        %swap3A_1360 = vector.shape_cast %swap3A_1359 : vector<1x16xf32> to vector<16xf32>
        %swap3A_1361 = vector.shape_cast %get3A_1098 : vector<16xf32> to vector<1x16xf32>
        tpu.vector_store %swap3A_1356[%swap3A_1357, %swap3A_1358], %swap3A_1361 {add = true, strides = array<i32>} : memref<200x128xf32, #tpu.memory_space<vmem>>, vector<1x16xf32>,
        %add3A_1362 = arith.constant 150 : i32
        %add3A_1363 = arith.addi %add3A_1362, %scan3A_1043 : i32
        %swap3A_1364 = arith.constant 0 : i32
        %swap3A_1365 = arith.constant 0 : i32
        %swap3A_1366 = tpu.memref_slice %arg7[%scan3A_934, %swap3A_1364, %swap3A_1365] : memref<4x200x128xf32, #tpu.memory_space<vmem>> -> memref<1x200x128xf32, #tpu.memory_space<vmem>>
        %swap3A_1367 = tpu.memref_squeeze %swap3A_1366 : memref<1x200x128xf32, #tpu.memory_space<vmem>> -> memref<200x128xf32, #tpu.memory_space<vmem>>
        %swap3A_1368 = arith.index_cast %add3A_1363 : i32 to index
        %swap3A_1369 = arith.constant 0 : index
        %swap3A_1370 = tpu.vector_load %swap3A_1367[%swap3A_1368, %swap3A_1369] {strides = array<i32>} : memref<200x128xf32, #tpu.memory_space<vmem>>, vector<1x16xf32>,
        %swap3A_1371 = vector.shape_cast %swap3A_1370 : vector<1x16xf32> to vector<16xf32>
        %swap3A_1372 = vector.shape_cast %get3A_1049 : vector<16xf32> to vector<1x16xf32>
        tpu.vector_store %swap3A_1367[%swap3A_1368, %swap3A_1369], %swap3A_1372 {add = true, strides = array<i32>} : memref<200x128xf32, #tpu.memory_space<vmem>>, vector<1x16xf32>,
        %add3A_1373 = arith.constant 150 : i32
        %add3A_1374 = arith.addi %add3A_1373, %scan3A_1043 : i32
        %swap3A_1375 = arith.constant 0 : i32
        %swap3A_1376 = arith.constant 0 : i32
        %swap3A_1377 = tpu.memref_slice %arg7[%scan3A_934, %swap3A_1375, %swap3A_1376] : memref<4x200x128xf32, #tpu.memory_space<vmem>> -> memref<1x200x128xf32, #tpu.memory_space<vmem>>
        %swap3A_1378 = tpu.memref_squeeze %swap3A_1377 : memref<1x200x128xf32, #tpu.memory_space<vmem>> -> memref<200x128xf32, #tpu.memory_space<vmem>>
        %swap3A_1379 = arith.index_cast %add3A_1374 : i32 to index
        %swap3A_1380 = arith.constant 16 : index
        %swap3A_1381 = tpu.vector_load %swap3A_1378[%swap3A_1379, %swap3A_1380] {strides = array<i32>} : memref<200x128xf32, #tpu.memory_space<vmem>>, vector<1x16xf32>,
        %swap3A_1382 = vector.shape_cast %swap3A_1381 : vector<1x16xf32> to vector<16xf32>
        %swap3A_1383 = vector.shape_cast %get3A_1056 : vector<16xf32> to vector<1x16xf32>
        tpu.vector_store %swap3A_1378[%swap3A_1379, %swap3A_1380], %swap3A_1383 {add = true, strides = array<i32>} : memref<200x128xf32, #tpu.memory_space<vmem>>, vector<1x16xf32>,
        %add3A_1384 = arith.constant 150 : i32
        %add3A_1385 = arith.addi %add3A_1384, %scan3A_1043 : i32
        %swap3A_1386 = arith.constant 0 : i32
        %swap3A_1387 = arith.constant 0 : i32
        %swap3A_1388 = tpu.memref_slice %arg7[%scan3A_934, %swap3A_1386, %swap3A_1387] : memref<4x200x128xf32, #tpu.memory_space<vmem>> -> memref<1x200x128xf32, #tpu.memory_space<vmem>>
        %swap3A_1389 = tpu.memref_squeeze %swap3A_1388 : memref<1x200x128xf32, #tpu.memory_space<vmem>> -> memref<200x128xf32, #tpu.memory_space<vmem>>
        %swap3A_1390 = arith.index_cast %add3A_1385 : i32 to index
        %swap3A_1391 = arith.constant 32 : index
        %swap3A_1392 = tpu.vector_load %swap3A_1389[%swap3A_1390, %swap3A_1391] {strides = array<i32>} : memref<200x128xf32, #tpu.memory_space<vmem>>, vector<1x16xf32>,
        %swap3A_1393 = vector.shape_cast %swap3A_1392 : vector<1x16xf32> to vector<16xf32>
        %swap3A_1394 = vector.shape_cast %get3A_1063 : vector<16xf32> to vector<1x16xf32>
        tpu.vector_store %swap3A_1389[%swap3A_1390, %swap3A_1391], %swap3A_1394 {add = true, strides = array<i32>} : memref<200x128xf32, #tpu.memory_space<vmem>>, vector<1x16xf32>,
        %add3A_1395 = arith.constant 150 : i32
        %add3A_1396 = arith.addi %add3A_1395, %scan3A_1043 : i32
        %swap3A_1397 = arith.constant 0 : i32
        %swap3A_1398 = arith.constant 0 : i32
        %swap3A_1399 = tpu.memref_slice %arg7[%scan3A_934, %swap3A_1397, %swap3A_1398] : memref<4x200x128xf32, #tpu.memory_space<vmem>> -> memref<1x200x128xf32, #tpu.memory_space<vmem>>
        %swap3A_1400 = tpu.memref_squeeze %swap3A_1399 : memref<1x200x128xf32, #tpu.memory_space<vmem>> -> memref<200x128xf32, #tpu.memory_space<vmem>>
        %swap3A_1401 = arith.index_cast %add3A_1396 : i32 to index
        %swap3A_1402 = arith.constant 48 : index
        %swap3A_1403 = tpu.vector_load %swap3A_1400[%swap3A_1401, %swap3A_1402] {strides = array<i32>} : memref<200x128xf32, #tpu.memory_space<vmem>>, vector<1x16xf32>,
        %swap3A_1404 = vector.shape_cast %swap3A_1403 : vector<1x16xf32> to vector<16xf32>
        %swap3A_1405 = vector.shape_cast %get3A_1070 : vector<16xf32> to vector<1x16xf32>
        tpu.vector_store %swap3A_1400[%swap3A_1401, %swap3A_1402], %swap3A_1405 {add = true, strides = array<i32>} : memref<200x128xf32, #tpu.memory_space<vmem>>, vector<1x16xf32>,
        %add3A_1406 = arith.constant 150 : i32
        %add3A_1407 = arith.addi %add3A_1406, %scan3A_1043 : i32
        %swap3A_1408 = arith.constant 0 : i32
        %swap3A_1409 = arith.constant 0 : i32
        %swap3A_1410 = tpu.memref_slice %arg7[%scan3A_934, %swap3A_1408, %swap3A_1409] : memref<4x200x128xf32, #tpu.memory_space<vmem>> -> memref<1x200x128xf32, #tpu.memory_space<vmem>>
        %swap3A_1411 = tpu.memref_squeeze %swap3A_1410 : memref<1x200x128xf32, #tpu.memory_space<vmem>> -> memref<200x128xf32, #tpu.memory_space<vmem>>
        %swap3A_1412 = arith.index_cast %add3A_1407 : i32 to index
        %swap3A_1413 = arith.constant 64 : index
        %swap3A_1414 = tpu.vector_load %swap3A_1411[%swap3A_1412, %swap3A_1413] {strides = array<i32>} : memref<200x128xf32, #tpu.memory_space<vmem>>, vector<1x16xf32>,
        %swap3A_1415 = vector.shape_cast %swap3A_1414 : vector<1x16xf32> to vector<16xf32>
        %swap3A_1416 = vector.shape_cast %get3A_1077 : vector<16xf32> to vector<1x16xf32>
        tpu.vector_store %swap3A_1411[%swap3A_1412, %swap3A_1413], %swap3A_1416 {add = true, strides = array<i32>} : memref<200x128xf32, #tpu.memory_space<vmem>>, vector<1x16xf32>,
        %add3A_1417 = arith.constant 150 : i32
        %add3A_1418 = arith.addi %add3A_1417, %scan3A_1043 : i32
        %swap3A_1419 = arith.constant 0 : i32
        %swap3A_1420 = arith.constant 0 : i32
        %swap3A_1421 = tpu.memref_slice %arg7[%scan3A_934, %swap3A_1419, %swap3A_1420] : memref<4x200x128xf32, #tpu.memory_space<vmem>> -> memref<1x200x128xf32, #tpu.memory_space<vmem>>
        %swap3A_1422 = tpu.memref_squeeze %swap3A_1421 : memref<1x200x128xf32, #tpu.memory_space<vmem>> -> memref<200x128xf32, #tpu.memory_space<vmem>>
        %swap3A_1423 = arith.index_cast %add3A_1418 : i32 to index
        %swap3A_1424 = arith.constant 80 : index
        %swap3A_1425 = tpu.vector_load %swap3A_1422[%swap3A_1423, %swap3A_1424] {strides = array<i32>} : memref<200x128xf32, #tpu.memory_space<vmem>>, vector<1x16xf32>,
        %swap3A_1426 = vector.shape_cast %swap3A_1425 : vector<1x16xf32> to vector<16xf32>
        %swap3A_1427 = vector.shape_cast %get3A_1084 : vector<16xf32> to vector<1x16xf32>
        tpu.vector_store %swap3A_1422[%swap3A_1423, %swap3A_1424], %swap3A_1427 {add = true, strides = array<i32>} : memref<200x128xf32, #tpu.memory_space<vmem>>, vector<1x16xf32>,
        %add3A_1428 = arith.constant 150 : i32
        %add3A_1429 = arith.addi %add3A_1428, %scan3A_1043 : i32
        %swap3A_1430 = arith.constant 0 : i32
        %swap3A_1431 = arith.constant 0 : i32
        %swap3A_1432 = tpu.memref_slice %arg7[%scan3A_934, %swap3A_1430, %swap3A_1431] : memref<4x200x128xf32, #tpu.memory_space<vmem>> -> memref<1x200x128xf32, #tpu.memory_space<vmem>>
        %swap3A_1433 = tpu.memref_squeeze %swap3A_1432 : memref<1x200x128xf32, #tpu.memory_space<vmem>> -> memref<200x128xf32, #tpu.memory_space<vmem>>
        %swap3A_1434 = arith.index_cast %add3A_1429 : i32 to index
        %swap3A_1435 = arith.constant 96 : index
        %swap3A_1436 = tpu.vector_load %swap3A_1433[%swap3A_1434, %swap3A_1435] {strides = array<i32>} : memref<200x128xf32, #tpu.memory_space<vmem>>, vector<1x16xf32>,
        %swap3A_1437 = vector.shape_cast %swap3A_1436 : vector<1x16xf32> to vector<16xf32>
        %swap3A_1438 = vector.shape_cast %get3A_1091 : vector<16xf32> to vector<1x16xf32>
        tpu.vector_store %swap3A_1433[%swap3A_1434, %swap3A_1435], %swap3A_1438 {add = true, strides = array<i32>} : memref<200x128xf32, #tpu.memory_space<vmem>>, vector<1x16xf32>,
        %add3A_1439 = arith.constant 150 : i32
        %add3A_1440 = arith.addi %add3A_1439, %scan3A_1043 : i32
        %swap3A_1441 = arith.constant 0 : i32
        %swap3A_1442 = arith.constant 0 : i32
        %swap3A_1443 = tpu.memref_slice %arg7[%scan3A_934, %swap3A_1441, %swap3A_1442] : memref<4x200x128xf32, #tpu.memory_space<vmem>> -> memref<1x200x128xf32, #tpu.memory_space<vmem>>
        %swap3A_1444 = tpu.memref_squeeze %swap3A_1443 : memref<1x200x128xf32, #tpu.memory_space<vmem>> -> memref<200x128xf32, #tpu.memory_space<vmem>>
        %swap3A_1445 = arith.index_cast %add3A_1440 : i32 to index
        %swap3A_1446 = arith.constant 112 : index
        %swap3A_1447 = tpu.vector_load %swap3A_1444[%swap3A_1445, %swap3A_1446] {strides = array<i32>} : memref<200x128xf32, #tpu.memory_space<vmem>>, vector<1x16xf32>,
        %swap3A_1448 = vector.shape_cast %swap3A_1447 : vector<1x16xf32> to vector<16xf32>
        %swap3A_1449 = vector.shape_cast %get3A_1098 : vector<16xf32> to vector<1x16xf32>
        tpu.vector_store %swap3A_1444[%swap3A_1445, %swap3A_1446], %swap3A_1449 {add = true, strides = array<i32>} : memref<200x128xf32, #tpu.memory_space<vmem>>, vector<1x16xf32>,
      }
      %scan3A_939 = arith.constant 50 : i32
      %mul3A_940 = arith.constant 200 : i32
      %mul3A_941 = arith.muli %add3A_897, %mul3A_940 : i32
      %add3A_942 = arith.addi %mul3A_2, %mul3A_941 : i32
      %jit3A_943 = arith.constant 50 : i32
      %div3A_944 = arith.divsi %add3A_942, %jit3A_943 : i32
      %sign3A_945 = arith.constant 0 : i32
      %sign3A_946 = arith.cmpi sgt, %add3A_942, %sign3A_945 : i32
      %sign3A_947 = arith.extui %sign3A_946 : i1 to i32
      %sign3A_948 = arith.constant 0 : i32
      %sign3A_949 = arith.cmpi slt, %add3A_942, %sign3A_948 : i32
      %sign3A_950 = arith.extui %sign3A_949 : i1 to i32
      %sign3A_951 = arith.subi %sign3A_947, %sign3A_950 : i32
      %sign3A_952 = arith.constant 0 : i32
      %sign3A_953 = arith.cmpi sgt, %jit3A_943, %sign3A_952 : i32
      %sign3A_954 = arith.extui %sign3A_953 : i1 to i32
      %sign3A_955 = arith.constant 0 : i32
      %sign3A_956 = arith.cmpi slt, %jit3A_943, %sign3A_955 : i32
      %sign3A_957 = arith.extui %sign3A_956 : i1 to i32
      %sign3A_958 = arith.subi %sign3A_954, %sign3A_957 : i32
      %ne3A_959 = arith.cmpi ne, %sign3A_951, %sign3A_958 : i32
      %rem3A_960 = arith.remsi %add3A_942, %jit3A_943 : i32
      %ne3A_961 = arith.constant 0 : i32
      %ne3A_962 = arith.cmpi ne, %rem3A_960, %ne3A_961 : i32
      %and3A_963 = arith.andi %ne3A_959, %ne3A_962 : i1
      %sub3A_964 = arith.constant 1 : i32
      %sub3A_965 = arith.subi %div3A_944, %sub3A_964 : i32
      %select_n3A_966 = arith.select %and3A_963, %sub3A_965, %div3A_944 : i32
      %add3A_967 = arith.constant 0 : i32
      %add3A_968 = arith.addi %select_n3A_966, %add3A_967 : i32
      %dma_start3A_969 = arith.constant 3 : i32
      %dma_start3A_970 = arith.constant 0 : i32
      %dma_start3A_971 = arith.constant 0 : i32
      %dma_start3A_972 = tpu.memref_slice %arg7[%dma_start3A_969, %dma_start3A_970, %dma_start3A_971] : memref<4x200x128xf32, #tpu.memory_space<vmem>> -> memref<1x50x128xf32, #tpu.memory_space<vmem>>
      %dma_start3A_973 = tpu.memref_squeeze %dma_start3A_972 : memref<1x50x128xf32, #tpu.memory_space<vmem>> -> memref<50x128xf32, #tpu.memory_space<vmem>>
      %dma_start3A_974 = arith.constant 0 : i32
      %dma_start3A_975 = arith.constant 0 : i32
      %dma_start3A_976 = tpu.memref_slice %arg5[%add3A_968, %dma_start3A_974, %dma_start3A_975] : memref<4096x50x128xf32, #tpu.memory_space<hbm>> -> memref<1x50x128xf32, #tpu.memory_space<hbm>>
      %dma_start3A_977 = tpu.memref_squeeze %dma_start3A_976 : memref<1x50x128xf32, #tpu.memory_space<hbm>> -> memref<50x128xf32, #tpu.memory_space<hbm>>
      %dma_start3A_978 = arith.constant 0 : i32
      %dma_start3A_979 = arith.constant 0 : i32
      %dma_start3A_980 = tpu.memref_slice %arg5[%add3A_968, %dma_start3A_978, %dma_start3A_979] : memref<4096x50x128xf32, #tpu.memory_space<hbm>> -> memref<1x50x128xf32, #tpu.memory_space<hbm>>
      %dma_start3A_981 = tpu.memref_squeeze %dma_start3A_980 : memref<1x50x128xf32, #tpu.memory_space<hbm>> -> memref<50x128xf32, #tpu.memory_space<hbm>>
      %dma_start3A_982 = arith.constant 0 : i32
      %dma_start3A_983 = arith.constant 0 : i32
      %dma_start3A_984 = tpu.memref_slice %arg7[%dma_start3A_969, %dma_start3A_982, %dma_start3A_983] : memref<4x200x128xf32, #tpu.memory_space<vmem>> -> memref<1x50x128xf32, #tpu.memory_space<vmem>>
      %dma_start3A_985 = tpu.memref_squeeze %dma_start3A_984 : memref<1x50x128xf32, #tpu.memory_space<vmem>> -> memref<50x128xf32, #tpu.memory_space<vmem>>
      tpu.enqueue_dma source(%dma_start3A_985 : memref<50x128xf32, #tpu.memory_space<vmem>>) target(%dma_start3A_981 : memref<50x128xf32, #tpu.memory_space<hbm>>) target_semaphore(%arg16 : memref<!tpu.dma_semaphore, #tpu.memory_space<semaphore_mem>>)
      %add3A_986 = arith.constant 1 : i32
      %add3A_987 = arith.addi %select_n3A_966, %add3A_986 : i32
      %dma_start3A_988 = arith.constant 3 : i32
      %dma_start3A_989 = arith.constant 50 : i32
      %dma_start3A_990 = arith.constant 0 : i32
      %dma_start3A_991 = tpu.memref_slice %arg7[%dma_start3A_988, %dma_start3A_989, %dma_start3A_990] : memref<4x200x128xf32, #tpu.memory_space<vmem>> -> memref<1x50x128xf32, #tpu.memory_space<vmem>>
      %dma_start3A_992 = tpu.memref_squeeze %dma_start3A_991 : memref<1x50x128xf32, #tpu.memory_space<vmem>> -> memref<50x128xf32, #tpu.memory_space<vmem>>
      %dma_start3A_993 = arith.constant 0 : i32
      %dma_start3A_994 = arith.constant 0 : i32
      %dma_start3A_995 = tpu.memref_slice %arg5[%add3A_987, %dma_start3A_993, %dma_start3A_994] : memref<4096x50x128xf32, #tpu.memory_space<hbm>> -> memref<1x50x128xf32, #tpu.memory_space<hbm>>
      %dma_start3A_996 = tpu.memref_squeeze %dma_start3A_995 : memref<1x50x128xf32, #tpu.memory_space<hbm>> -> memref<50x128xf32, #tpu.memory_space<hbm>>
      %dma_start3A_997 = arith.constant 0 : i32
      %dma_start3A_998 = arith.constant 0 : i32
      %dma_start3A_999 = tpu.memref_slice %arg5[%add3A_987, %dma_start3A_997, %dma_start3A_998] : memref<4096x50x128xf32, #tpu.memory_space<hbm>> -> memref<1x50x128xf32, #tpu.memory_space<hbm>>
      %dma_start3A_1000 = tpu.memref_squeeze %dma_start3A_999 : memref<1x50x128xf32, #tpu.memory_space<hbm>> -> memref<50x128xf32, #tpu.memory_space<hbm>>
      %dma_start3A_1001 = arith.constant 50 : i32
      %dma_start3A_1002 = arith.constant 0 : i32
      %dma_start3A_1003 = tpu.memref_slice %arg7[%dma_start3A_988, %dma_start3A_1001, %dma_start3A_1002] : memref<4x200x128xf32, #tpu.memory_space<vmem>> -> memref<1x50x128xf32, #tpu.memory_space<vmem>>
      %dma_start3A_1004 = tpu.memref_squeeze %dma_start3A_1003 : memref<1x50x128xf32, #tpu.memory_space<vmem>> -> memref<50x128xf32, #tpu.memory_space<vmem>>
      tpu.enqueue_dma source(%dma_start3A_1004 : memref<50x128xf32, #tpu.memory_space<vmem>>) target(%dma_start3A_1000 : memref<50x128xf32, #tpu.memory_space<hbm>>) target_semaphore(%arg16 : memref<!tpu.dma_semaphore, #tpu.memory_space<semaphore_mem>>)
      %add3A_1005 = arith.constant 2 : i32
      %add3A_1006 = arith.addi %select_n3A_966, %add3A_1005 : i32
      %dma_start3A_1007 = arith.constant 3 : i32
      %dma_start3A_1008 = arith.constant 100 : i32
      %dma_start3A_1009 = arith.constant 0 : i32
      %dma_start3A_1010 = tpu.memref_slice %arg7[%dma_start3A_1007, %dma_start3A_1008, %dma_start3A_1009] : memref<4x200x128xf32, #tpu.memory_space<vmem>> -> memref<1x50x128xf32, #tpu.memory_space<vmem>>
      %dma_start3A_1011 = tpu.memref_squeeze %dma_start3A_1010 : memref<1x50x128xf32, #tpu.memory_space<vmem>> -> memref<50x128xf32, #tpu.memory_space<vmem>>
      %dma_start3A_1012 = arith.constant 0 : i32
      %dma_start3A_1013 = arith.constant 0 : i32
      %dma_start3A_1014 = tpu.memref_slice %arg5[%add3A_1006, %dma_start3A_1012, %dma_start3A_1013] : memref<4096x50x128xf32, #tpu.memory_space<hbm>> -> memref<1x50x128xf32, #tpu.memory_space<hbm>>
      %dma_start3A_1015 = tpu.memref_squeeze %dma_start3A_1014 : memref<1x50x128xf32, #tpu.memory_space<hbm>> -> memref<50x128xf32, #tpu.memory_space<hbm>>
      %dma_start3A_1016 = arith.constant 0 : i32
      %dma_start3A_1017 = arith.constant 0 : i32
      %dma_start3A_1018 = tpu.memref_slice %arg5[%add3A_1006, %dma_start3A_1016, %dma_start3A_1017] : memref<4096x50x128xf32, #tpu.memory_space<hbm>> -> memref<1x50x128xf32, #tpu.memory_space<hbm>>
      %dma_start3A_1019 = tpu.memref_squeeze %dma_start3A_1018 : memref<1x50x128xf32, #tpu.memory_space<hbm>> -> memref<50x128xf32, #tpu.memory_space<hbm>>
      %dma_start3A_1020 = arith.constant 100 : i32
      %dma_start3A_1021 = arith.constant 0 : i32
      %dma_start3A_1022 = tpu.memref_slice %arg7[%dma_start3A_1007, %dma_start3A_1020, %dma_start3A_1021] : memref<4x200x128xf32, #tpu.memory_space<vmem>> -> memref<1x50x128xf32, #tpu.memory_space<vmem>>
      %dma_start3A_1023 = tpu.memref_squeeze %dma_start3A_1022 : memref<1x50x128xf32, #tpu.memory_space<vmem>> -> memref<50x128xf32, #tpu.memory_space<vmem>>
      tpu.enqueue_dma source(%dma_start3A_1023 : memref<50x128xf32, #tpu.memory_space<vmem>>) target(%dma_start3A_1019 : memref<50x128xf32, #tpu.memory_space<hbm>>) target_semaphore(%arg16 : memref<!tpu.dma_semaphore, #tpu.memory_space<semaphore_mem>>)
      %add3A_1024 = arith.constant 3 : i32
      %add3A_1025 = arith.addi %select_n3A_966, %add3A_1024 : i32
      %dma_start3A_1026 = arith.constant 3 : i32
      %dma_start3A_1027 = arith.constant 150 : i32
      %dma_start3A_1028 = arith.constant 0 : i32
      %dma_start3A_1029 = tpu.memref_slice %arg7[%dma_start3A_1026, %dma_start3A_1027, %dma_start3A_1028] : memref<4x200x128xf32, #tpu.memory_space<vmem>> -> memref<1x50x128xf32, #tpu.memory_space<vmem>>
      %dma_start3A_1030 = tpu.memref_squeeze %dma_start3A_1029 : memref<1x50x128xf32, #tpu.memory_space<vmem>> -> memref<50x128xf32, #tpu.memory_space<vmem>>
      %dma_start3A_1031 = arith.constant 0 : i32
      %dma_start3A_1032 = arith.constant 0 : i32
      %dma_start3A_1033 = tpu.memref_slice %arg5[%add3A_1025, %dma_start3A_1031, %dma_start3A_1032] : memref<4096x50x128xf32, #tpu.memory_space<hbm>> -> memref<1x50x128xf32, #tpu.memory_space<hbm>>
      %dma_start3A_1034 = tpu.memref_squeeze %dma_start3A_1033 : memref<1x50x128xf32, #tpu.memory_space<hbm>> -> memref<50x128xf32, #tpu.memory_space<hbm>>
      %dma_start3A_1035 = arith.constant 0 : i32
      %dma_start3A_1036 = arith.constant 0 : i32
      %dma_start3A_1037 = tpu.memref_slice %arg5[%add3A_1025, %dma_start3A_1035, %dma_start3A_1036] : memref<4096x50x128xf32, #tpu.memory_space<hbm>> -> memref<1x50x128xf32, #tpu.memory_space<hbm>>
      %dma_start3A_1038 = tpu.memref_squeeze %dma_start3A_1037 : memref<1x50x128xf32, #tpu.memory_space<hbm>> -> memref<50x128xf32, #tpu.memory_space<hbm>>
      %dma_start3A_1039 = arith.constant 150 : i32
      %dma_start3A_1040 = arith.constant 0 : i32
      %dma_start3A_1041 = tpu.memref_slice %arg7[%dma_start3A_1026, %dma_start3A_1039, %dma_start3A_1040] : memref<4x200x128xf32, #tpu.memory_space<vmem>> -> memref<1x50x128xf32, #tpu.memory_space<vmem>>
      %dma_start3A_1042 = tpu.memref_squeeze %dma_start3A_1041 : memref<1x50x128xf32, #tpu.memory_space<vmem>> -> memref<50x128xf32, #tpu.memory_space<vmem>>
      tpu.enqueue_dma source(%dma_start3A_1042 : memref<50x128xf32, #tpu.memory_space<vmem>>) target(%dma_start3A_1038 : memref<50x128xf32, #tpu.memory_space<hbm>>) target_semaphore(%arg16 : memref<!tpu.dma_semaphore, #tpu.memory_space<semaphore_mem>>)
    }
    %scan3A_49 = arith.constant 8 : i32
    %add3A_50 = arith.constant 5600 : i32
    %add3A_51 = arith.addi %mul3A_2, %add3A_50 : i32
    %jit3A = arith.constant 50 : i32
    %div3A = arith.divsi %add3A_51, %jit3A : i32
    %sign3A = arith.constant 0 : i32
    %sign3A_52 = arith.cmpi sgt, %add3A_51, %sign3A : i32
    %sign3A_53 = arith.extui %sign3A_52 : i1 to i32
    %sign3A_54 = arith.constant 0 : i32
    %sign3A_55 = arith.cmpi slt, %add3A_51, %sign3A_54 : i32
    %sign3A_56 = arith.extui %sign3A_55 : i1 to i32
    %sign3A_57 = arith.subi %sign3A_53, %sign3A_56 : i32
    %sign3A_58 = arith.constant 0 : i32
    %sign3A_59 = arith.cmpi sgt, %jit3A, %sign3A_58 : i32
    %sign3A_60 = arith.extui %sign3A_59 : i1 to i32
    %sign3A_61 = arith.constant 0 : i32
    %sign3A_62 = arith.cmpi slt, %jit3A, %sign3A_61 : i32
    %sign3A_63 = arith.extui %sign3A_62 : i1 to i32
    %sign3A_64 = arith.subi %sign3A_60, %sign3A_63 : i32
    %ne3A = arith.cmpi ne, %sign3A_57, %sign3A_64 : i32
    %rem3A = arith.remsi %add3A_51, %jit3A : i32
    %ne3A_65 = arith.constant 0 : i32
    %ne3A_66 = arith.cmpi ne, %rem3A, %ne3A_65 : i32
    %and3A = arith.andi %ne3A, %ne3A_66 : i1
    %sub3A = arith.constant 1 : i32
    %sub3A_67 = arith.subi %div3A, %sub3A : i32
    %select_n3A = arith.select %and3A, %sub3A_67, %div3A : i32
    %add3A_68 = arith.constant 0 : i32
    %add3A_69 = arith.addi %select_n3A, %add3A_68 : i32
    %dma_wait3A = arith.constant 0 : i32
    %dma_wait3A_70 = arith.constant 0 : i32
    %dma_wait3A_71 = arith.constant 0 : i32
    %dma_wait3A_72 = tpu.memref_slice %arg7[%dma_wait3A, %dma_wait3A_70, %dma_wait3A_71] : memref<4x200x128xf32, #tpu.memory_space<vmem>> -> memref<1x50x128xf32, #tpu.memory_space<vmem>>
    %dma_wait3A_73 = tpu.memref_squeeze %dma_wait3A_72 : memref<1x50x128xf32, #tpu.memory_space<vmem>> -> memref<50x128xf32, #tpu.memory_space<vmem>>
    %dma_wait3A_74 = arith.constant 0 : i32
    %dma_wait3A_75 = arith.constant 0 : i32
    %dma_wait3A_76 = tpu.memref_slice %arg5[%add3A_69, %dma_wait3A_74, %dma_wait3A_75] : memref<4096x50x128xf32, #tpu.memory_space<hbm>> -> memref<1x50x128xf32, #tpu.memory_space<hbm>>
    %dma_wait3A_77 = tpu.memref_squeeze %dma_wait3A_76 : memref<1x50x128xf32, #tpu.memory_space<hbm>> -> memref<50x128xf32, #tpu.memory_space<hbm>>
    %dma_wait3A_78 = arith.constant 0 : i32
    %dma_wait3A_79 = arith.constant 0 : i32
    %dma_wait3A_80 = tpu.memref_slice %arg5[%add3A_69, %dma_wait3A_78, %dma_wait3A_79] : memref<4096x50x128xf32, #tpu.memory_space<hbm>> -> memref<1x50x128xf32, #tpu.memory_space<hbm>>
    %dma_wait3A_81 = tpu.memref_squeeze %dma_wait3A_80 : memref<1x50x128xf32, #tpu.memory_space<hbm>> -> memref<50x128xf32, #tpu.memory_space<hbm>>
    %dma_wait3A_82 = arith.constant 0 : i32
    %dma_wait3A_83 = arith.constant 0 : i32
    %dma_wait3A_84 = tpu.memref_slice %arg7[%dma_wait3A, %dma_wait3A_82, %dma_wait3A_83] : memref<4x200x128xf32, #tpu.memory_space<vmem>> -> memref<1x50x128xf32, #tpu.memory_space<vmem>>
    %dma_wait3A_85 = tpu.memref_squeeze %dma_wait3A_84 : memref<1x50x128xf32, #tpu.memory_space<vmem>> -> memref<50x128xf32, #tpu.memory_space<vmem>>
    tpu.wait_dma2 semaphore(%arg13 : memref<!tpu.dma_semaphore, #tpu.memory_space<semaphore_mem>>) src(%dma_wait3A_85 : memref<50x128xf32, #tpu.memory_space<vmem>>) dst(%dma_wait3A_81 : memref<50x128xf32, #tpu.memory_space<hbm>>)
    %add3A_86 = arith.constant 1 : i32
    %add3A_87 = arith.addi %select_n3A, %add3A_86 : i32
    %dma_wait3A_88 = arith.constant 0 : i32
    %dma_wait3A_89 = arith.constant 50 : i32
    %dma_wait3A_90 = arith.constant 0 : i32
    %dma_wait3A_91 = tpu.memref_slice %arg7[%dma_wait3A_88, %dma_wait3A_89, %dma_wait3A_90] : memref<4x200x128xf32, #tpu.memory_space<vmem>> -> memref<1x50x128xf32, #tpu.memory_space<vmem>>
    %dma_wait3A_92 = tpu.memref_squeeze %dma_wait3A_91 : memref<1x50x128xf32, #tpu.memory_space<vmem>> -> memref<50x128xf32, #tpu.memory_space<vmem>>
    %dma_wait3A_93 = arith.constant 0 : i32
    %dma_wait3A_94 = arith.constant 0 : i32
    %dma_wait3A_95 = tpu.memref_slice %arg5[%add3A_87, %dma_wait3A_93, %dma_wait3A_94] : memref<4096x50x128xf32, #tpu.memory_space<hbm>> -> memref<1x50x128xf32, #tpu.memory_space<hbm>>
    %dma_wait3A_96 = tpu.memref_squeeze %dma_wait3A_95 : memref<1x50x128xf32, #tpu.memory_space<hbm>> -> memref<50x128xf32, #tpu.memory_space<hbm>>
    %dma_wait3A_97 = arith.constant 0 : i32
    %dma_wait3A_98 = arith.constant 0 : i32
    %dma_wait3A_99 = tpu.memref_slice %arg5[%add3A_87, %dma_wait3A_97, %dma_wait3A_98] : memref<4096x50x128xf32, #tpu.memory_space<hbm>> -> memref<1x50x128xf32, #tpu.memory_space<hbm>>
    %dma_wait3A_100 = tpu.memref_squeeze %dma_wait3A_99 : memref<1x50x128xf32, #tpu.memory_space<hbm>> -> memref<50x128xf32, #tpu.memory_space<hbm>>
    %dma_wait3A_101 = arith.constant 50 : i32
    %dma_wait3A_102 = arith.constant 0 : i32
    %dma_wait3A_103 = tpu.memref_slice %arg7[%dma_wait3A_88, %dma_wait3A_101, %dma_wait3A_102] : memref<4x200x128xf32, #tpu.memory_space<vmem>> -> memref<1x50x128xf32, #tpu.memory_space<vmem>>
    %dma_wait3A_104 = tpu.memref_squeeze %dma_wait3A_103 : memref<1x50x128xf32, #tpu.memory_space<vmem>> -> memref<50x128xf32, #tpu.memory_space<vmem>>
    tpu.wait_dma2 semaphore(%arg13 : memref<!tpu.dma_semaphore, #tpu.memory_space<semaphore_mem>>) src(%dma_wait3A_104 : memref<50x128xf32, #tpu.memory_space<vmem>>) dst(%dma_wait3A_100 : memref<50x128xf32, #tpu.memory_space<hbm>>)
    %add3A_105 = arith.constant 2 : i32
    %add3A_106 = arith.addi %select_n3A, %add3A_105 : i32
    %dma_wait3A_107 = arith.constant 0 : i32
    %dma_wait3A_108 = arith.constant 100 : i32
    %dma_wait3A_109 = arith.constant 0 : i32
    %dma_wait3A_110 = tpu.memref_slice %arg7[%dma_wait3A_107, %dma_wait3A_108, %dma_wait3A_109] : memref<4x200x128xf32, #tpu.memory_space<vmem>> -> memref<1x50x128xf32, #tpu.memory_space<vmem>>
    %dma_wait3A_111 = tpu.memref_squeeze %dma_wait3A_110 : memref<1x50x128xf32, #tpu.memory_space<vmem>> -> memref<50x128xf32, #tpu.memory_space<vmem>>
    %dma_wait3A_112 = arith.constant 0 : i32
    %dma_wait3A_113 = arith.constant 0 : i32
    %dma_wait3A_114 = tpu.memref_slice %arg5[%add3A_106, %dma_wait3A_112, %dma_wait3A_113] : memref<4096x50x128xf32, #tpu.memory_space<hbm>> -> memref<1x50x128xf32, #tpu.memory_space<hbm>>
    %dma_wait3A_115 = tpu.memref_squeeze %dma_wait3A_114 : memref<1x50x128xf32, #tpu.memory_space<hbm>> -> memref<50x128xf32, #tpu.memory_space<hbm>>
    %dma_wait3A_116 = arith.constant 0 : i32
    %dma_wait3A_117 = arith.constant 0 : i32
    %dma_wait3A_118 = tpu.memref_slice %arg5[%add3A_106, %dma_wait3A_116, %dma_wait3A_117] : memref<4096x50x128xf32, #tpu.memory_space<hbm>> -> memref<1x50x128xf32, #tpu.memory_space<hbm>>
    %dma_wait3A_119 = tpu.memref_squeeze %dma_wait3A_118 : memref<1x50x128xf32, #tpu.memory_space<hbm>> -> memref<50x128xf32, #tpu.memory_space<hbm>>
    %dma_wait3A_120 = arith.constant 100 : i32
    %dma_wait3A_121 = arith.constant 0 : i32
    %dma_wait3A_122 = tpu.memref_slice %arg7[%dma_wait3A_107, %dma_wait3A_120, %dma_wait3A_121] : memref<4x200x128xf32, #tpu.memory_space<vmem>> -> memref<1x50x128xf32, #tpu.memory_space<vmem>>
    %dma_wait3A_123 = tpu.memref_squeeze %dma_wait3A_122 : memref<1x50x128xf32, #tpu.memory_space<vmem>> -> memref<50x128xf32, #tpu.memory_space<vmem>>
    tpu.wait_dma2 semaphore(%arg13 : memref<!tpu.dma_semaphore, #tpu.memory_space<semaphore_mem>>) src(%dma_wait3A_123 : memref<50x128xf32, #tpu.memory_space<vmem>>) dst(%dma_wait3A_119 : memref<50x128xf32, #tpu.memory_space<hbm>>)
    %add3A_124 = arith.constant 3 : i32
    %add3A_125 = arith.addi %select_n3A, %add3A_124 : i32
    %dma_wait3A_126 = arith.constant 0 : i32
    %dma_wait3A_127 = arith.constant 150 : i32
    %dma_wait3A_128 = arith.constant 0 : i32
    %dma_wait3A_129 = tpu.memref_slice %arg7[%dma_wait3A_126, %dma_wait3A_127, %dma_wait3A_128] : memref<4x200x128xf32, #tpu.memory_space<vmem>> -> memref<1x50x128xf32, #tpu.memory_space<vmem>>
    %dma_wait3A_130 = tpu.memref_squeeze %dma_wait3A_129 : memref<1x50x128xf32, #tpu.memory_space<vmem>> -> memref<50x128xf32, #tpu.memory_space<vmem>>
    %dma_wait3A_131 = arith.constant 0 : i32
    %dma_wait3A_132 = arith.constant 0 : i32
    %dma_wait3A_133 = tpu.memref_slice %arg5[%add3A_125, %dma_wait3A_131, %dma_wait3A_132] : memref<4096x50x128xf32, #tpu.memory_space<hbm>> -> memref<1x50x128xf32, #tpu.memory_space<hbm>>
    %dma_wait3A_134 = tpu.memref_squeeze %dma_wait3A_133 : memref<1x50x128xf32, #tpu.memory_space<hbm>> -> memref<50x128xf32, #tpu.memory_space<hbm>>
    %dma_wait3A_135 = arith.constant 0 : i32
    %dma_wait3A_136 = arith.constant 0 : i32
    %dma_wait3A_137 = tpu.memref_slice %arg5[%add3A_125, %dma_wait3A_135, %dma_wait3A_136] : memref<4096x50x128xf32, #tpu.memory_space<hbm>> -> memref<1x50x128xf32, #tpu.memory_space<hbm>>
    %dma_wait3A_138 = tpu.memref_squeeze %dma_wait3A_137 : memref<1x50x128xf32, #tpu.memory_space<hbm>> -> memref<50x128xf32, #tpu.memory_space<hbm>>
    %dma_wait3A_139 = arith.constant 150 : i32
    %dma_wait3A_140 = arith.constant 0 : i32
    %dma_wait3A_141 = tpu.memref_slice %arg7[%dma_wait3A_126, %dma_wait3A_139, %dma_wait3A_140] : memref<4x200x128xf32, #tpu.memory_space<vmem>> -> memref<1x50x128xf32, #tpu.memory_space<vmem>>
    %dma_wait3A_142 = tpu.memref_squeeze %dma_wait3A_141 : memref<1x50x128xf32, #tpu.memory_space<vmem>> -> memref<50x128xf32, #tpu.memory_space<vmem>>
    tpu.wait_dma2 semaphore(%arg13 : memref<!tpu.dma_semaphore, #tpu.memory_space<semaphore_mem>>) src(%dma_wait3A_142 : memref<50x128xf32, #tpu.memory_space<vmem>>) dst(%dma_wait3A_138 : memref<50x128xf32, #tpu.memory_space<hbm>>)
    %add3A_143 = arith.constant 5800 : i32
    %add3A_144 = arith.addi %mul3A_2, %add3A_143 : i32
    %jit3A_145 = arith.constant 50 : i32
    %div3A_146 = arith.divsi %add3A_144, %jit3A_145 : i32
    %sign3A_147 = arith.constant 0 : i32
    %sign3A_148 = arith.cmpi sgt, %add3A_144, %sign3A_147 : i32
    %sign3A_149 = arith.extui %sign3A_148 : i1 to i32
    %sign3A_150 = arith.constant 0 : i32
    %sign3A_151 = arith.cmpi slt, %add3A_144, %sign3A_150 : i32
    %sign3A_152 = arith.extui %sign3A_151 : i1 to i32
    %sign3A_153 = arith.subi %sign3A_149, %sign3A_152 : i32
    %sign3A_154 = arith.constant 0 : i32
    %sign3A_155 = arith.cmpi sgt, %jit3A_145, %sign3A_154 : i32
    %sign3A_156 = arith.extui %sign3A_155 : i1 to i32
    %sign3A_157 = arith.constant 0 : i32
    %sign3A_158 = arith.cmpi slt, %jit3A_145, %sign3A_157 : i32
    %sign3A_159 = arith.extui %sign3A_158 : i1 to i32
    %sign3A_160 = arith.subi %sign3A_156, %sign3A_159 : i32
    %ne3A_161 = arith.cmpi ne, %sign3A_153, %sign3A_160 : i32
    %rem3A_162 = arith.remsi %add3A_144, %jit3A_145 : i32
    %ne3A_163 = arith.constant 0 : i32
    %ne3A_164 = arith.cmpi ne, %rem3A_162, %ne3A_163 : i32
    %and3A_165 = arith.andi %ne3A_161, %ne3A_164 : i1
    %sub3A_166 = arith.constant 1 : i32
    %sub3A_167 = arith.subi %div3A_146, %sub3A_166 : i32
    %select_n3A_168 = arith.select %and3A_165, %sub3A_167, %div3A_146 : i32
    %add3A_169 = arith.constant 0 : i32
    %add3A_170 = arith.addi %select_n3A_168, %add3A_169 : i32
    %dma_wait3A_171 = arith.constant 1 : i32
    %dma_wait3A_172 = arith.constant 0 : i32
    %dma_wait3A_173 = arith.constant 0 : i32
    %dma_wait3A_174 = tpu.memref_slice %arg7[%dma_wait3A_171, %dma_wait3A_172, %dma_wait3A_173] : memref<4x200x128xf32, #tpu.memory_space<vmem>> -> memref<1x50x128xf32, #tpu.memory_space<vmem>>
    %dma_wait3A_175 = tpu.memref_squeeze %dma_wait3A_174 : memref<1x50x128xf32, #tpu.memory_space<vmem>> -> memref<50x128xf32, #tpu.memory_space<vmem>>
    %dma_wait3A_176 = arith.constant 0 : i32
    %dma_wait3A_177 = arith.constant 0 : i32
    %dma_wait3A_178 = tpu.memref_slice %arg5[%add3A_170, %dma_wait3A_176, %dma_wait3A_177] : memref<4096x50x128xf32, #tpu.memory_space<hbm>> -> memref<1x50x128xf32, #tpu.memory_space<hbm>>
    %dma_wait3A_179 = tpu.memref_squeeze %dma_wait3A_178 : memref<1x50x128xf32, #tpu.memory_space<hbm>> -> memref<50x128xf32, #tpu.memory_space<hbm>>
    %dma_wait3A_180 = arith.constant 0 : i32
    %dma_wait3A_181 = arith.constant 0 : i32
    %dma_wait3A_182 = tpu.memref_slice %arg5[%add3A_170, %dma_wait3A_180, %dma_wait3A_181] : memref<4096x50x128xf32, #tpu.memory_space<hbm>> -> memref<1x50x128xf32, #tpu.memory_space<hbm>>
    %dma_wait3A_183 = tpu.memref_squeeze %dma_wait3A_182 : memref<1x50x128xf32, #tpu.memory_space<hbm>> -> memref<50x128xf32, #tpu.memory_space<hbm>>
    %dma_wait3A_184 = arith.constant 0 : i32
    %dma_wait3A_185 = arith.constant 0 : i32
    %dma_wait3A_186 = tpu.memref_slice %arg7[%dma_wait3A_171, %dma_wait3A_184, %dma_wait3A_185] : memref<4x200x128xf32, #tpu.memory_space<vmem>> -> memref<1x50x128xf32, #tpu.memory_space<vmem>>
    %dma_wait3A_187 = tpu.memref_squeeze %dma_wait3A_186 : memref<1x50x128xf32, #tpu.memory_space<vmem>> -> memref<50x128xf32, #tpu.memory_space<vmem>>
    tpu.wait_dma2 semaphore(%arg14 : memref<!tpu.dma_semaphore, #tpu.memory_space<semaphore_mem>>) src(%dma_wait3A_187 : memref<50x128xf32, #tpu.memory_space<vmem>>) dst(%dma_wait3A_183 : memref<50x128xf32, #tpu.memory_space<hbm>>)
    %add3A_188 = arith.constant 1 : i32
    %add3A_189 = arith.addi %select_n3A_168, %add3A_188 : i32
    %dma_wait3A_190 = arith.constant 1 : i32
    %dma_wait3A_191 = arith.constant 50 : i32
    %dma_wait3A_192 = arith.constant 0 : i32
    %dma_wait3A_193 = tpu.memref_slice %arg7[%dma_wait3A_190, %dma_wait3A_191, %dma_wait3A_192] : memref<4x200x128xf32, #tpu.memory_space<vmem>> -> memref<1x50x128xf32, #tpu.memory_space<vmem>>
    %dma_wait3A_194 = tpu.memref_squeeze %dma_wait3A_193 : memref<1x50x128xf32, #tpu.memory_space<vmem>> -> memref<50x128xf32, #tpu.memory_space<vmem>>
    %dma_wait3A_195 = arith.constant 0 : i32
    %dma_wait3A_196 = arith.constant 0 : i32
    %dma_wait3A_197 = tpu.memref_slice %arg5[%add3A_189, %dma_wait3A_195, %dma_wait3A_196] : memref<4096x50x128xf32, #tpu.memory_space<hbm>> -> memref<1x50x128xf32, #tpu.memory_space<hbm>>
    %dma_wait3A_198 = tpu.memref_squeeze %dma_wait3A_197 : memref<1x50x128xf32, #tpu.memory_space<hbm>> -> memref<50x128xf32, #tpu.memory_space<hbm>>
    %dma_wait3A_199 = arith.constant 0 : i32
    %dma_wait3A_200 = arith.constant 0 : i32
    %dma_wait3A_201 = tpu.memref_slice %arg5[%add3A_189, %dma_wait3A_199, %dma_wait3A_200] : memref<4096x50x128xf32, #tpu.memory_space<hbm>> -> memref<1x50x128xf32, #tpu.memory_space<hbm>>
    %dma_wait3A_202 = tpu.memref_squeeze %dma_wait3A_201 : memref<1x50x128xf32, #tpu.memory_space<hbm>> -> memref<50x128xf32, #tpu.memory_space<hbm>>
    %dma_wait3A_203 = arith.constant 50 : i32
    %dma_wait3A_204 = arith.constant 0 : i32
    %dma_wait3A_205 = tpu.memref_slice %arg7[%dma_wait3A_190, %dma_wait3A_203, %dma_wait3A_204] : memref<4x200x128xf32, #tpu.memory_space<vmem>> -> memref<1x50x128xf32, #tpu.memory_space<vmem>>
    %dma_wait3A_206 = tpu.memref_squeeze %dma_wait3A_205 : memref<1x50x128xf32, #tpu.memory_space<vmem>> -> memref<50x128xf32, #tpu.memory_space<vmem>>
    tpu.wait_dma2 semaphore(%arg14 : memref<!tpu.dma_semaphore, #tpu.memory_space<semaphore_mem>>) src(%dma_wait3A_206 : memref<50x128xf32, #tpu.memory_space<vmem>>) dst(%dma_wait3A_202 : memref<50x128xf32, #tpu.memory_space<hbm>>)
    %add3A_207 = arith.constant 2 : i32
    %add3A_208 = arith.addi %select_n3A_168, %add3A_207 : i32
    %dma_wait3A_209 = arith.constant 1 : i32
    %dma_wait3A_210 = arith.constant 100 : i32
    %dma_wait3A_211 = arith.constant 0 : i32
    %dma_wait3A_212 = tpu.memref_slice %arg7[%dma_wait3A_209, %dma_wait3A_210, %dma_wait3A_211] : memref<4x200x128xf32, #tpu.memory_space<vmem>> -> memref<1x50x128xf32, #tpu.memory_space<vmem>>
    %dma_wait3A_213 = tpu.memref_squeeze %dma_wait3A_212 : memref<1x50x128xf32, #tpu.memory_space<vmem>> -> memref<50x128xf32, #tpu.memory_space<vmem>>
    %dma_wait3A_214 = arith.constant 0 : i32
    %dma_wait3A_215 = arith.constant 0 : i32
    %dma_wait3A_216 = tpu.memref_slice %arg5[%add3A_208, %dma_wait3A_214, %dma_wait3A_215] : memref<4096x50x128xf32, #tpu.memory_space<hbm>> -> memref<1x50x128xf32, #tpu.memory_space<hbm>>
    %dma_wait3A_217 = tpu.memref_squeeze %dma_wait3A_216 : memref<1x50x128xf32, #tpu.memory_space<hbm>> -> memref<50x128xf32, #tpu.memory_space<hbm>>
    %dma_wait3A_218 = arith.constant 0 : i32
    %dma_wait3A_219 = arith.constant 0 : i32
    %dma_wait3A_220 = tpu.memref_slice %arg5[%add3A_208, %dma_wait3A_218, %dma_wait3A_219] : memref<4096x50x128xf32, #tpu.memory_space<hbm>> -> memref<1x50x128xf32, #tpu.memory_space<hbm>>
    %dma_wait3A_221 = tpu.memref_squeeze %dma_wait3A_220 : memref<1x50x128xf32, #tpu.memory_space<hbm>> -> memref<50x128xf32, #tpu.memory_space<hbm>>
    %dma_wait3A_222 = arith.constant 100 : i32
    %dma_wait3A_223 = arith.constant 0 : i32
    %dma_wait3A_224 = tpu.memref_slice %arg7[%dma_wait3A_209, %dma_wait3A_222, %dma_wait3A_223] : memref<4x200x128xf32, #tpu.memory_space<vmem>> -> memref<1x50x128xf32, #tpu.memory_space<vmem>>
    %dma_wait3A_225 = tpu.memref_squeeze %dma_wait3A_224 : memref<1x50x128xf32, #tpu.memory_space<vmem>> -> memref<50x128xf32, #tpu.memory_space<vmem>>
    tpu.wait_dma2 semaphore(%arg14 : memref<!tpu.dma_semaphore, #tpu.memory_space<semaphore_mem>>) src(%dma_wait3A_225 : memref<50x128xf32, #tpu.memory_space<vmem>>) dst(%dma_wait3A_221 : memref<50x128xf32, #tpu.memory_space<hbm>>)
    %add3A_226 = arith.constant 3 : i32
    %add3A_227 = arith.addi %select_n3A_168, %add3A_226 : i32
    %dma_wait3A_228 = arith.constant 1 : i32
    %dma_wait3A_229 = arith.constant 150 : i32
    %dma_wait3A_230 = arith.constant 0 : i32
    %dma_wait3A_231 = tpu.memref_slice %arg7[%dma_wait3A_228, %dma_wait3A_229, %dma_wait3A_230] : memref<4x200x128xf32, #tpu.memory_space<vmem>> -> memref<1x50x128xf32, #tpu.memory_space<vmem>>
    %dma_wait3A_232 = tpu.memref_squeeze %dma_wait3A_231 : memref<1x50x128xf32, #tpu.memory_space<vmem>> -> memref<50x128xf32, #tpu.memory_space<vmem>>
    %dma_wait3A_233 = arith.constant 0 : i32
    %dma_wait3A_234 = arith.constant 0 : i32
    %dma_wait3A_235 = tpu.memref_slice %arg5[%add3A_227, %dma_wait3A_233, %dma_wait3A_234] : memref<4096x50x128xf32, #tpu.memory_space<hbm>> -> memref<1x50x128xf32, #tpu.memory_space<hbm>>
    %dma_wait3A_236 = tpu.memref_squeeze %dma_wait3A_235 : memref<1x50x128xf32, #tpu.memory_space<hbm>> -> memref<50x128xf32, #tpu.memory_space<hbm>>
    %dma_wait3A_237 = arith.constant 0 : i32
    %dma_wait3A_238 = arith.constant 0 : i32
    %dma_wait3A_239 = tpu.memref_slice %arg5[%add3A_227, %dma_wait3A_237, %dma_wait3A_238] : memref<4096x50x128xf32, #tpu.memory_space<hbm>> -> memref<1x50x128xf32, #tpu.memory_space<hbm>>
    %dma_wait3A_240 = tpu.memref_squeeze %dma_wait3A_239 : memref<1x50x128xf32, #tpu.memory_space<hbm>> -> memref<50x128xf32, #tpu.memory_space<hbm>>
    %dma_wait3A_241 = arith.constant 150 : i32
    %dma_wait3A_242 = arith.constant 0 : i32
    %dma_wait3A_243 = tpu.memref_slice %arg7[%dma_wait3A_228, %dma_wait3A_241, %dma_wait3A_242] : memref<4x200x128xf32, #tpu.memory_space<vmem>> -> memref<1x50x128xf32, #tpu.memory_space<vmem>>
    %dma_wait3A_244 = tpu.memref_squeeze %dma_wait3A_243 : memref<1x50x128xf32, #tpu.memory_space<vmem>> -> memref<50x128xf32, #tpu.memory_space<vmem>>
    tpu.wait_dma2 semaphore(%arg14 : memref<!tpu.dma_semaphore, #tpu.memory_space<semaphore_mem>>) src(%dma_wait3A_244 : memref<50x128xf32, #tpu.memory_space<vmem>>) dst(%dma_wait3A_240 : memref<50x128xf32, #tpu.memory_space<hbm>>)
    %add3A_245 = arith.constant 6000 : i32
    %add3A_246 = arith.addi %mul3A_2, %add3A_245 : i32
    %jit3A_247 = arith.constant 50 : i32
    %div3A_248 = arith.divsi %add3A_246, %jit3A_247 : i32
    %sign3A_249 = arith.constant 0 : i32
    %sign3A_250 = arith.cmpi sgt, %add3A_246, %sign3A_249 : i32
    %sign3A_251 = arith.extui %sign3A_250 : i1 to i32
    %sign3A_252 = arith.constant 0 : i32
    %sign3A_253 = arith.cmpi slt, %add3A_246, %sign3A_252 : i32
    %sign3A_254 = arith.extui %sign3A_253 : i1 to i32
    %sign3A_255 = arith.subi %sign3A_251, %sign3A_254 : i32
    %sign3A_256 = arith.constant 0 : i32
    %sign3A_257 = arith.cmpi sgt, %jit3A_247, %sign3A_256 : i32
    %sign3A_258 = arith.extui %sign3A_257 : i1 to i32
    %sign3A_259 = arith.constant 0 : i32
    %sign3A_260 = arith.cmpi slt, %jit3A_247, %sign3A_259 : i32
    %sign3A_261 = arith.extui %sign3A_260 : i1 to i32
    %sign3A_262 = arith.subi %sign3A_258, %sign3A_261 : i32
    %ne3A_263 = arith.cmpi ne, %sign3A_255, %sign3A_262 : i32
    %rem3A_264 = arith.remsi %add3A_246, %jit3A_247 : i32
    %ne3A_265 = arith.constant 0 : i32
    %ne3A_266 = arith.cmpi ne, %rem3A_264, %ne3A_265 : i32
    %and3A_267 = arith.andi %ne3A_263, %ne3A_266 : i1
    %sub3A_268 = arith.constant 1 : i32
    %sub3A_269 = arith.subi %div3A_248, %sub3A_268 : i32
    %select_n3A_270 = arith.select %and3A_267, %sub3A_269, %div3A_248 : i32
    %add3A_271 = arith.constant 0 : i32
    %add3A_272 = arith.addi %select_n3A_270, %add3A_271 : i32
    %dma_wait3A_273 = arith.constant 2 : i32
    %dma_wait3A_274 = arith.constant 0 : i32
    %dma_wait3A_275 = arith.constant 0 : i32
    %dma_wait3A_276 = tpu.memref_slice %arg7[%dma_wait3A_273, %dma_wait3A_274, %dma_wait3A_275] : memref<4x200x128xf32, #tpu.memory_space<vmem>> -> memref<1x50x128xf32, #tpu.memory_space<vmem>>
    %dma_wait3A_277 = tpu.memref_squeeze %dma_wait3A_276 : memref<1x50x128xf32, #tpu.memory_space<vmem>> -> memref<50x128xf32, #tpu.memory_space<vmem>>
    %dma_wait3A_278 = arith.constant 0 : i32
    %dma_wait3A_279 = arith.constant 0 : i32
    %dma_wait3A_280 = tpu.memref_slice %arg5[%add3A_272, %dma_wait3A_278, %dma_wait3A_279] : memref<4096x50x128xf32, #tpu.memory_space<hbm>> -> memref<1x50x128xf32, #tpu.memory_space<hbm>>
    %dma_wait3A_281 = tpu.memref_squeeze %dma_wait3A_280 : memref<1x50x128xf32, #tpu.memory_space<hbm>> -> memref<50x128xf32, #tpu.memory_space<hbm>>
    %dma_wait3A_282 = arith.constant 0 : i32
    %dma_wait3A_283 = arith.constant 0 : i32
    %dma_wait3A_284 = tpu.memref_slice %arg5[%add3A_272, %dma_wait3A_282, %dma_wait3A_283] : memref<4096x50x128xf32, #tpu.memory_space<hbm>> -> memref<1x50x128xf32, #tpu.memory_space<hbm>>
    %dma_wait3A_285 = tpu.memref_squeeze %dma_wait3A_284 : memref<1x50x128xf32, #tpu.memory_space<hbm>> -> memref<50x128xf32, #tpu.memory_space<hbm>>
    %dma_wait3A_286 = arith.constant 0 : i32
    %dma_wait3A_287 = arith.constant 0 : i32
    %dma_wait3A_288 = tpu.memref_slice %arg7[%dma_wait3A_273, %dma_wait3A_286, %dma_wait3A_287] : memref<4x200x128xf32, #tpu.memory_space<vmem>> -> memref<1x50x128xf32, #tpu.memory_space<vmem>>
    %dma_wait3A_289 = tpu.memref_squeeze %dma_wait3A_288 : memref<1x50x128xf32, #tpu.memory_space<vmem>> -> memref<50x128xf32, #tpu.memory_space<vmem>>
    tpu.wait_dma2 semaphore(%arg15 : memref<!tpu.dma_semaphore, #tpu.memory_space<semaphore_mem>>) src(%dma_wait3A_289 : memref<50x128xf32, #tpu.memory_space<vmem>>) dst(%dma_wait3A_285 : memref<50x128xf32, #tpu.memory_space<hbm>>)
    %add3A_290 = arith.constant 1 : i32
    %add3A_291 = arith.addi %select_n3A_270, %add3A_290 : i32
    %dma_wait3A_292 = arith.constant 2 : i32
    %dma_wait3A_293 = arith.constant 50 : i32
    %dma_wait3A_294 = arith.constant 0 : i32
    %dma_wait3A_295 = tpu.memref_slice %arg7[%dma_wait3A_292, %dma_wait3A_293, %dma_wait3A_294] : memref<4x200x128xf32, #tpu.memory_space<vmem>> -> memref<1x50x128xf32, #tpu.memory_space<vmem>>
    %dma_wait3A_296 = tpu.memref_squeeze %dma_wait3A_295 : memref<1x50x128xf32, #tpu.memory_space<vmem>> -> memref<50x128xf32, #tpu.memory_space<vmem>>
    %dma_wait3A_297 = arith.constant 0 : i32
    %dma_wait3A_298 = arith.constant 0 : i32
    %dma_wait3A_299 = tpu.memref_slice %arg5[%add3A_291, %dma_wait3A_297, %dma_wait3A_298] : memref<4096x50x128xf32, #tpu.memory_space<hbm>> -> memref<1x50x128xf32, #tpu.memory_space<hbm>>
    %dma_wait3A_300 = tpu.memref_squeeze %dma_wait3A_299 : memref<1x50x128xf32, #tpu.memory_space<hbm>> -> memref<50x128xf32, #tpu.memory_space<hbm>>
    %dma_wait3A_301 = arith.constant 0 : i32
    %dma_wait3A_302 = arith.constant 0 : i32
    %dma_wait3A_303 = tpu.memref_slice %arg5[%add3A_291, %dma_wait3A_301, %dma_wait3A_302] : memref<4096x50x128xf32, #tpu.memory_space<hbm>> -> memref<1x50x128xf32, #tpu.memory_space<hbm>>
    %dma_wait3A_304 = tpu.memref_squeeze %dma_wait3A_303 : memref<1x50x128xf32, #tpu.memory_space<hbm>> -> memref<50x128xf32, #tpu.memory_space<hbm>>
    %dma_wait3A_305 = arith.constant 50 : i32
    %dma_wait3A_306 = arith.constant 0 : i32
    %dma_wait3A_307 = tpu.memref_slice %arg7[%dma_wait3A_292, %dma_wait3A_305, %dma_wait3A_306] : memref<4x200x128xf32, #tpu.memory_space<vmem>> -> memref<1x50x128xf32, #tpu.memory_space<vmem>>
    %dma_wait3A_308 = tpu.memref_squeeze %dma_wait3A_307 : memref<1x50x128xf32, #tpu.memory_space<vmem>> -> memref<50x128xf32, #tpu.memory_space<vmem>>
    tpu.wait_dma2 semaphore(%arg15 : memref<!tpu.dma_semaphore, #tpu.memory_space<semaphore_mem>>) src(%dma_wait3A_308 : memref<50x128xf32, #tpu.memory_space<vmem>>) dst(%dma_wait3A_304 : memref<50x128xf32, #tpu.memory_space<hbm>>)
    %add3A_309 = arith.constant 2 : i32
    %add3A_310 = arith.addi %select_n3A_270, %add3A_309 : i32
    %dma_wait3A_311 = arith.constant 2 : i32
    %dma_wait3A_312 = arith.constant 100 : i32
    %dma_wait3A_313 = arith.constant 0 : i32
    %dma_wait3A_314 = tpu.memref_slice %arg7[%dma_wait3A_311, %dma_wait3A_312, %dma_wait3A_313] : memref<4x200x128xf32, #tpu.memory_space<vmem>> -> memref<1x50x128xf32, #tpu.memory_space<vmem>>
    %dma_wait3A_315 = tpu.memref_squeeze %dma_wait3A_314 : memref<1x50x128xf32, #tpu.memory_space<vmem>> -> memref<50x128xf32, #tpu.memory_space<vmem>>
    %dma_wait3A_316 = arith.constant 0 : i32
    %dma_wait3A_317 = arith.constant 0 : i32
    %dma_wait3A_318 = tpu.memref_slice %arg5[%add3A_310, %dma_wait3A_316, %dma_wait3A_317] : memref<4096x50x128xf32, #tpu.memory_space<hbm>> -> memref<1x50x128xf32, #tpu.memory_space<hbm>>
    %dma_wait3A_319 = tpu.memref_squeeze %dma_wait3A_318 : memref<1x50x128xf32, #tpu.memory_space<hbm>> -> memref<50x128xf32, #tpu.memory_space<hbm>>
    %dma_wait3A_320 = arith.constant 0 : i32
    %dma_wait3A_321 = arith.constant 0 : i32
    %dma_wait3A_322 = tpu.memref_slice %arg5[%add3A_310, %dma_wait3A_320, %dma_wait3A_321] : memref<4096x50x128xf32, #tpu.memory_space<hbm>> -> memref<1x50x128xf32, #tpu.memory_space<hbm>>
    %dma_wait3A_323 = tpu.memref_squeeze %dma_wait3A_322 : memref<1x50x128xf32, #tpu.memory_space<hbm>> -> memref<50x128xf32, #tpu.memory_space<hbm>>
    %dma_wait3A_324 = arith.constant 100 : i32
    %dma_wait3A_325 = arith.constant 0 : i32
    %dma_wait3A_326 = tpu.memref_slice %arg7[%dma_wait3A_311, %dma_wait3A_324, %dma_wait3A_325] : memref<4x200x128xf32, #tpu.memory_space<vmem>> -> memref<1x50x128xf32, #tpu.memory_space<vmem>>
    %dma_wait3A_327 = tpu.memref_squeeze %dma_wait3A_326 : memref<1x50x128xf32, #tpu.memory_space<vmem>> -> memref<50x128xf32, #tpu.memory_space<vmem>>
    tpu.wait_dma2 semaphore(%arg15 : memref<!tpu.dma_semaphore, #tpu.memory_space<semaphore_mem>>) src(%dma_wait3A_327 : memref<50x128xf32, #tpu.memory_space<vmem>>) dst(%dma_wait3A_323 : memref<50x128xf32, #tpu.memory_space<hbm>>)
    %add3A_328 = arith.constant 3 : i32
    %add3A_329 = arith.addi %select_n3A_270, %add3A_328 : i32
    %dma_wait3A_330 = arith.constant 2 : i32
    %dma_wait3A_331 = arith.constant 150 : i32
    %dma_wait3A_332 = arith.constant 0 : i32
    %dma_wait3A_333 = tpu.memref_slice %arg7[%dma_wait3A_330, %dma_wait3A_331, %dma_wait3A_332] : memref<4x200x128xf32, #tpu.memory_space<vmem>> -> memref<1x50x128xf32, #tpu.memory_space<vmem>>
    %dma_wait3A_334 = tpu.memref_squeeze %dma_wait3A_333 : memref<1x50x128xf32, #tpu.memory_space<vmem>> -> memref<50x128xf32, #tpu.memory_space<vmem>>
    %dma_wait3A_335 = arith.constant 0 : i32
    %dma_wait3A_336 = arith.constant 0 : i32
    %dma_wait3A_337 = tpu.memref_slice %arg5[%add3A_329, %dma_wait3A_335, %dma_wait3A_336] : memref<4096x50x128xf32, #tpu.memory_space<hbm>> -> memref<1x50x128xf32, #tpu.memory_space<hbm>>
    %dma_wait3A_338 = tpu.memref_squeeze %dma_wait3A_337 : memref<1x50x128xf32, #tpu.memory_space<hbm>> -> memref<50x128xf32, #tpu.memory_space<hbm>>
    %dma_wait3A_339 = arith.constant 0 : i32
    %dma_wait3A_340 = arith.constant 0 : i32
    %dma_wait3A_341 = tpu.memref_slice %arg5[%add3A_329, %dma_wait3A_339, %dma_wait3A_340] : memref<4096x50x128xf32, #tpu.memory_space<hbm>> -> memref<1x50x128xf32, #tpu.memory_space<hbm>>
    %dma_wait3A_342 = tpu.memref_squeeze %dma_wait3A_341 : memref<1x50x128xf32, #tpu.memory_space<hbm>> -> memref<50x128xf32, #tpu.memory_space<hbm>>
    %dma_wait3A_343 = arith.constant 150 : i32
    %dma_wait3A_344 = arith.constant 0 : i32
    %dma_wait3A_345 = tpu.memref_slice %arg7[%dma_wait3A_330, %dma_wait3A_343, %dma_wait3A_344] : memref<4x200x128xf32, #tpu.memory_space<vmem>> -> memref<1x50x128xf32, #tpu.memory_space<vmem>>
    %dma_wait3A_346 = tpu.memref_squeeze %dma_wait3A_345 : memref<1x50x128xf32, #tpu.memory_space<vmem>> -> memref<50x128xf32, #tpu.memory_space<vmem>>
    tpu.wait_dma2 semaphore(%arg15 : memref<!tpu.dma_semaphore, #tpu.memory_space<semaphore_mem>>) src(%dma_wait3A_346 : memref<50x128xf32, #tpu.memory_space<vmem>>) dst(%dma_wait3A_342 : memref<50x128xf32, #tpu.memory_space<hbm>>)
    %add3A_347 = arith.constant 6200 : i32
    %add3A_348 = arith.addi %mul3A_2, %add3A_347 : i32
    %jit3A_349 = arith.constant 50 : i32
    %div3A_350 = arith.divsi %add3A_348, %jit3A_349 : i32
    %sign3A_351 = arith.constant 0 : i32
    %sign3A_352 = arith.cmpi sgt, %add3A_348, %sign3A_351 : i32
    %sign3A_353 = arith.extui %sign3A_352 : i1 to i32
    %sign3A_354 = arith.constant 0 : i32
    %sign3A_355 = arith.cmpi slt, %add3A_348, %sign3A_354 : i32
    %sign3A_356 = arith.extui %sign3A_355 : i1 to i32
    %sign3A_357 = arith.subi %sign3A_353, %sign3A_356 : i32
    %sign3A_358 = arith.constant 0 : i32
    %sign3A_359 = arith.cmpi sgt, %jit3A_349, %sign3A_358 : i32
    %sign3A_360 = arith.extui %sign3A_359 : i1 to i32
    %sign3A_361 = arith.constant 0 : i32
    %sign3A_362 = arith.cmpi slt, %jit3A_349, %sign3A_361 : i32
    %sign3A_363 = arith.extui %sign3A_362 : i1 to i32
    %sign3A_364 = arith.subi %sign3A_360, %sign3A_363 : i32
    %ne3A_365 = arith.cmpi ne, %sign3A_357, %sign3A_364 : i32
    %rem3A_366 = arith.remsi %add3A_348, %jit3A_349 : i32
    %ne3A_367 = arith.constant 0 : i32
    %ne3A_368 = arith.cmpi ne, %rem3A_366, %ne3A_367 : i32
    %and3A_369 = arith.andi %ne3A_365, %ne3A_368 : i1
    %sub3A_370 = arith.constant 1 : i32
    %sub3A_371 = arith.subi %div3A_350, %sub3A_370 : i32
    %select_n3A_372 = arith.select %and3A_369, %sub3A_371, %div3A_350 : i32
    %add3A_373 = arith.constant 0 : i32
    %add3A_374 = arith.addi %select_n3A_372, %add3A_373 : i32
    %dma_wait3A_375 = arith.constant 3 : i32
    %dma_wait3A_376 = arith.constant 0 : i32
    %dma_wait3A_377 = arith.constant 0 : i32
    %dma_wait3A_378 = tpu.memref_slice %arg7[%dma_wait3A_375, %dma_wait3A_376, %dma_wait3A_377] : memref<4x200x128xf32, #tpu.memory_space<vmem>> -> memref<1x50x128xf32, #tpu.memory_space<vmem>>
    %dma_wait3A_379 = tpu.memref_squeeze %dma_wait3A_378 : memref<1x50x128xf32, #tpu.memory_space<vmem>> -> memref<50x128xf32, #tpu.memory_space<vmem>>
    %dma_wait3A_380 = arith.constant 0 : i32
    %dma_wait3A_381 = arith.constant 0 : i32
    %dma_wait3A_382 = tpu.memref_slice %arg5[%add3A_374, %dma_wait3A_380, %dma_wait3A_381] : memref<4096x50x128xf32, #tpu.memory_space<hbm>> -> memref<1x50x128xf32, #tpu.memory_space<hbm>>
    %dma_wait3A_383 = tpu.memref_squeeze %dma_wait3A_382 : memref<1x50x128xf32, #tpu.memory_space<hbm>> -> memref<50x128xf32, #tpu.memory_space<hbm>>
    %dma_wait3A_384 = arith.constant 0 : i32
    %dma_wait3A_385 = arith.constant 0 : i32
    %dma_wait3A_386 = tpu.memref_slice %arg5[%add3A_374, %dma_wait3A_384, %dma_wait3A_385] : memref<4096x50x128xf32, #tpu.memory_space<hbm>> -> memref<1x50x128xf32, #tpu.memory_space<hbm>>
    %dma_wait3A_387 = tpu.memref_squeeze %dma_wait3A_386 : memref<1x50x128xf32, #tpu.memory_space<hbm>> -> memref<50x128xf32, #tpu.memory_space<hbm>>
    %dma_wait3A_388 = arith.constant 0 : i32
    %dma_wait3A_389 = arith.constant 0 : i32
    %dma_wait3A_390 = tpu.memref_slice %arg7[%dma_wait3A_375, %dma_wait3A_388, %dma_wait3A_389] : memref<4x200x128xf32, #tpu.memory_space<vmem>> -> memref<1x50x128xf32, #tpu.memory_space<vmem>>
    %dma_wait3A_391 = tpu.memref_squeeze %dma_wait3A_390 : memref<1x50x128xf32, #tpu.memory_space<vmem>> -> memref<50x128xf32, #tpu.memory_space<vmem>>
    tpu.wait_dma2 semaphore(%arg16 : memref<!tpu.dma_semaphore, #tpu.memory_space<semaphore_mem>>) src(%dma_wait3A_391 : memref<50x128xf32, #tpu.memory_space<vmem>>) dst(%dma_wait3A_387 : memref<50x128xf32, #tpu.memory_space<hbm>>)
    %add3A_392 = arith.constant 1 : i32
    %add3A_393 = arith.addi %select_n3A_372, %add3A_392 : i32
    %dma_wait3A_394 = arith.constant 3 : i32
    %dma_wait3A_395 = arith.constant 50 : i32
    %dma_wait3A_396 = arith.constant 0 : i32
    %dma_wait3A_397 = tpu.memref_slice %arg7[%dma_wait3A_394, %dma_wait3A_395, %dma_wait3A_396] : memref<4x200x128xf32, #tpu.memory_space<vmem>> -> memref<1x50x128xf32, #tpu.memory_space<vmem>>
    %dma_wait3A_398 = tpu.memref_squeeze %dma_wait3A_397 : memref<1x50x128xf32, #tpu.memory_space<vmem>> -> memref<50x128xf32, #tpu.memory_space<vmem>>
    %dma_wait3A_399 = arith.constant 0 : i32
    %dma_wait3A_400 = arith.constant 0 : i32
    %dma_wait3A_401 = tpu.memref_slice %arg5[%add3A_393, %dma_wait3A_399, %dma_wait3A_400] : memref<4096x50x128xf32, #tpu.memory_space<hbm>> -> memref<1x50x128xf32, #tpu.memory_space<hbm>>
    %dma_wait3A_402 = tpu.memref_squeeze %dma_wait3A_401 : memref<1x50x128xf32, #tpu.memory_space<hbm>> -> memref<50x128xf32, #tpu.memory_space<hbm>>
    %dma_wait3A_403 = arith.constant 0 : i32
    %dma_wait3A_404 = arith.constant 0 : i32
    %dma_wait3A_405 = tpu.memref_slice %arg5[%add3A_393, %dma_wait3A_403, %dma_wait3A_404] : memref<4096x50x128xf32, #tpu.memory_space<hbm>> -> memref<1x50x128xf32, #tpu.memory_space<hbm>>
    %dma_wait3A_406 = tpu.memref_squeeze %dma_wait3A_405 : memref<1x50x128xf32, #tpu.memory_space<hbm>> -> memref<50x128xf32, #tpu.memory_space<hbm>>
    %dma_wait3A_407 = arith.constant 50 : i32
    %dma_wait3A_408 = arith.constant 0 : i32
    %dma_wait3A_409 = tpu.memref_slice %arg7[%dma_wait3A_394, %dma_wait3A_407, %dma_wait3A_408] : memref<4x200x128xf32, #tpu.memory_space<vmem>> -> memref<1x50x128xf32, #tpu.memory_space<vmem>>
    %dma_wait3A_410 = tpu.memref_squeeze %dma_wait3A_409 : memref<1x50x128xf32, #tpu.memory_space<vmem>> -> memref<50x128xf32, #tpu.memory_space<vmem>>
    tpu.wait_dma2 semaphore(%arg16 : memref<!tpu.dma_semaphore, #tpu.memory_space<semaphore_mem>>) src(%dma_wait3A_410 : memref<50x128xf32, #tpu.memory_space<vmem>>) dst(%dma_wait3A_406 : memref<50x128xf32, #tpu.memory_space<hbm>>)
    %add3A_411 = arith.constant 2 : i32
    %add3A_412 = arith.addi %select_n3A_372, %add3A_411 : i32
    %dma_wait3A_413 = arith.constant 3 : i32
    %dma_wait3A_414 = arith.constant 100 : i32
    %dma_wait3A_415 = arith.constant 0 : i32
    %dma_wait3A_416 = tpu.memref_slice %arg7[%dma_wait3A_413, %dma_wait3A_414, %dma_wait3A_415] : memref<4x200x128xf32, #tpu.memory_space<vmem>> -> memref<1x50x128xf32, #tpu.memory_space<vmem>>
    %dma_wait3A_417 = tpu.memref_squeeze %dma_wait3A_416 : memref<1x50x128xf32, #tpu.memory_space<vmem>> -> memref<50x128xf32, #tpu.memory_space<vmem>>
    %dma_wait3A_418 = arith.constant 0 : i32
    %dma_wait3A_419 = arith.constant 0 : i32
    %dma_wait3A_420 = tpu.memref_slice %arg5[%add3A_412, %dma_wait3A_418, %dma_wait3A_419] : memref<4096x50x128xf32, #tpu.memory_space<hbm>> -> memref<1x50x128xf32, #tpu.memory_space<hbm>>
    %dma_wait3A_421 = tpu.memref_squeeze %dma_wait3A_420 : memref<1x50x128xf32, #tpu.memory_space<hbm>> -> memref<50x128xf32, #tpu.memory_space<hbm>>
    %dma_wait3A_422 = arith.constant 0 : i32
    %dma_wait3A_423 = arith.constant 0 : i32
    %dma_wait3A_424 = tpu.memref_slice %arg5[%add3A_412, %dma_wait3A_422, %dma_wait3A_423] : memref<4096x50x128xf32, #tpu.memory_space<hbm>> -> memref<1x50x128xf32, #tpu.memory_space<hbm>>
    %dma_wait3A_425 = tpu.memref_squeeze %dma_wait3A_424 : memref<1x50x128xf32, #tpu.memory_space<hbm>> -> memref<50x128xf32, #tpu.memory_space<hbm>>
    %dma_wait3A_426 = arith.constant 100 : i32
    %dma_wait3A_427 = arith.constant 0 : i32
    %dma_wait3A_428 = tpu.memref_slice %arg7[%dma_wait3A_413, %dma_wait3A_426, %dma_wait3A_427] : memref<4x200x128xf32, #tpu.memory_space<vmem>> -> memref<1x50x128xf32, #tpu.memory_space<vmem>>
    %dma_wait3A_429 = tpu.memref_squeeze %dma_wait3A_428 : memref<1x50x128xf32, #tpu.memory_space<vmem>> -> memref<50x128xf32, #tpu.memory_space<vmem>>
    tpu.wait_dma2 semaphore(%arg16 : memref<!tpu.dma_semaphore, #tpu.memory_space<semaphore_mem>>) src(%dma_wait3A_429 : memref<50x128xf32, #tpu.memory_space<vmem>>) dst(%dma_wait3A_425 : memref<50x128xf32, #tpu.memory_space<hbm>>)
    %add3A_430 = arith.constant 3 : i32
    %add3A_431 = arith.addi %select_n3A_372, %add3A_430 : i32
    %dma_wait3A_432 = arith.constant 3 : i32
    %dma_wait3A_433 = arith.constant 150 : i32
    %dma_wait3A_434 = arith.constant 0 : i32
    %dma_wait3A_435 = tpu.memref_slice %arg7[%dma_wait3A_432, %dma_wait3A_433, %dma_wait3A_434] : memref<4x200x128xf32, #tpu.memory_space<vmem>> -> memref<1x50x128xf32, #tpu.memory_space<vmem>>
    %dma_wait3A_436 = tpu.memref_squeeze %dma_wait3A_435 : memref<1x50x128xf32, #tpu.memory_space<vmem>> -> memref<50x128xf32, #tpu.memory_space<vmem>>
    %dma_wait3A_437 = arith.constant 0 : i32
    %dma_wait3A_438 = arith.constant 0 : i32
    %dma_wait3A_439 = tpu.memref_slice %arg5[%add3A_431, %dma_wait3A_437, %dma_wait3A_438] : memref<4096x50x128xf32, #tpu.memory_space<hbm>> -> memref<1x50x128xf32, #tpu.memory_space<hbm>>
    %dma_wait3A_440 = tpu.memref_squeeze %dma_wait3A_439 : memref<1x50x128xf32, #tpu.memory_space<hbm>> -> memref<50x128xf32, #tpu.memory_space<hbm>>
    %dma_wait3A_441 = arith.constant 0 : i32
    %dma_wait3A_442 = arith.constant 0 : i32
    %dma_wait3A_443 = tpu.memref_slice %arg5[%add3A_431, %dma_wait3A_441, %dma_wait3A_442] : memref<4096x50x128xf32, #tpu.memory_space<hbm>> -> memref<1x50x128xf32, #tpu.memory_space<hbm>>
    %dma_wait3A_444 = tpu.memref_squeeze %dma_wait3A_443 : memref<1x50x128xf32, #tpu.memory_space<hbm>> -> memref<50x128xf32, #tpu.memory_space<hbm>>
    %dma_wait3A_445 = arith.constant 150 : i32
    %dma_wait3A_446 = arith.constant 0 : i32
    %dma_wait3A_447 = tpu.memref_slice %arg7[%dma_wait3A_432, %dma_wait3A_445, %dma_wait3A_446] : memref<4x200x128xf32, #tpu.memory_space<vmem>> -> memref<1x50x128xf32, #tpu.memory_space<vmem>>
    %dma_wait3A_448 = tpu.memref_squeeze %dma_wait3A_447 : memref<1x50x128xf32, #tpu.memory_space<vmem>> -> memref<50x128xf32, #tpu.memory_space<vmem>>
    tpu.wait_dma2 semaphore(%arg16 : memref<!tpu.dma_semaphore, #tpu.memory_space<semaphore_mem>>) src(%dma_wait3A_448 : memref<50x128xf32, #tpu.memory_space<vmem>>) dst(%dma_wait3A_444 : memref<50x128xf32, #tpu.memory_space<hbm>>)
    return
  }
}

</mosaic_0001>

<sc_bundles>
// kernel: kernel.3.cloned.1.call-start
scs
__scs_entry_jumppad:
0x0: {  	(pc) =	sbr.rel $0x88, $3  }
0x1: {  	(tag) =	ssettag $0x0;
	lr =	simm.s32 $0x1  }
0x2: {  	[smem:$0x3F9E] =	sst lr;
	_ =	strace $0xD0000000  }
0x3: {  	_ = 	snop  }
0x4: {  	_ = 	snop  }
0x5: {  	_ = 	snop  }
0x6: {  	_ = 	snop  }
0x7: {  	_ = 	snop  }
__scs_overlays_trampoline_lowered:
0x8: {  	[smem:$0x3FAD] =	sst s0  }
0x9: {  	[smem:$0x3FAE] =	sst s1  }
0xa: {  	[smem:$0x3FAF] =	sst s2  }
0xb: {  	[smem:$0x3FB0] =	sst s3  }
0xc: {  	[smem:$0x3FB1] =	sst s4  }
0xd: {  	[smem:$0x3FB2] =	sst s5  }
0xe: {  	[smem:$0x3FB3] =	sst s6  }
0xf: {  	[smem:$0x3FB4] =	sst s7  }
0x10: {  	[smem:$0x3FB5] =	sst s8  }
0x11: {  	[smem:$0x3FB6] =	sst s9;
	s0 =	simm.s32 @!p0 $0x0  }
0x12: {  	s1 =	sld [smem:$0x3F9C];
	s0 =	simm.s32 @p0 $0x1  }
0x13: {  	[smem:$0x3FB7] =	sst s0;
	s0 =	simm.s32 @!p1 $0x0  }
0x14: {  	s2 =	sld [smem:$0x3F9B];
	s0 =	simm.s32 @p1 $0x1  }
0x15: {  	[smem:$0x3FB8] =	sst s0;
	s0 =	simm.s32 @!p2 $0x0  }
0x16: {  	s3 =	sld [smem:$0x3FDB];
	s0 =	simm.s32 @p2 $0x1  }
0x17: {  	s4 =	simm.s32 $0x1BF5;
	[smem:$0x3FBA] =	sst s0  }
0x18: {  	s0 =	sld [smem:$0x3F9D];
	_ =	swait.ge [sflag:s4], $0x0  }
0x19: {  	s7 =	sld [smem:$0x3F9E]  }
0x1a: {  	s8 =	sadd.s32 $0xFFFFE003, lr  }
0x1b: {  	s9 =	sadd.s32 $0xFFFFFEF7, lr;
	s5 =	simm.s32 $0xFFFFFFFF;
	p2 =	slt.u32 s8, $0xFFFFF086  }
0x1c: {  	p1 =	slt.u32 s9, $0xF7A;
	s5 =	simm.s32 @!p2 $0x0  }
0x1d: {  	s5 =	simm.s32 @p1 $0x1;
	p0 =	seq.s32 s7, s2  }
0x1e: {  	s7 =	smul.u32 @!p0 $0xF7A, s2;
	p2 =	seq.s32 @!p0 s5, $0x0  }
0x1f: {  	s9 =	smul.u32 $0xF7A, s1;
	s8 =	simm.s32 @!p0 $0x1BF5;
	p2 =	por !p2, p0  }
0x20: {  	[sflag:s8] =	ssyncset.s32 @!p0 $0xFFFFF086;
	s6 =	sadd.s32 @!p0 s3, s7;
	s7 =	simm.s32 @!p0 $0x108  }
0x21: {  	s3 =	sadd.s32 s3, s9;
	s6 =	sadd.s32 @!p0 $0x88, s6;
	s7 =	simm.s32 @p2 $0x1082  }
0x22: {  	[simem:s7], [sflag:s8] =	dma.local @!p0 [hbm:s6], $0xF7A  }
0x23: {  	s9 =	sor.u32 $0xD0000000, s2;
	s6 =	simm.s32 $0x108;
	_ =	swait.ge @!p0 [sflag:s8], $0x0  }
0x24: {  	s3 =	sadd.s32 $0x88, s3;
	s6 =	simm.s32 @!p1 $0x1082;
	[sflag:s4] =	ssyncset.s32 $0xFFFFF086  }
0x25: {  	[simem:s6], [sflag:s4] =	dma.local [hbm:s3], $0xF7A  }
0x26: {  	[smem:$0x3F9E] =	sst s1;
	(tag) =	ssettag s2;
	_ =	strace s9  }
0x27: {  	s1 =	sld [smem:$0x3FAE]  }
0x28: {  	s2 =	sld [smem:$0x3FAF]  }
0x29: {  	s4 =	sld [smem:$0x3FB1]  }
0x2a: {  	p0 =	seq.s32 s5, $0x0;
	s5 =	sld [smem:$0x3FB2]  }
0x2b: {  	s6 =	sld [smem:$0x3FB3]  }
0x2c: {  	s7 =	sld [smem:$0x3FB4]  }
0x2d: {  	s3 =	simm.s32 $0x108;
	s8 =	sld [smem:$0x3FB5]  }
0x2e: {  	s3 =	simm.s32 @!p0 $0x1082;
	s9 =	sld [smem:$0x3FB6]  }
0x2f: {  	lr =	sadd.s32 s0, s3;
	s0 =	sld [smem:$0x3FAD]  }
0x30: {  	s3 =	sld [smem:$0x3FB0]  }
0x31: {  	[smem:$0x3FB9] =	sst s10  }
0x32: {  	s10 =	sld [smem:$0x3FB7];
	_ =	sdelay $0x3  }
0x33: {  	p0 =	seq.s32 s10, $0x1;
	s10 =	sld [smem:$0x3FB9];
	_ =	sdelay $0x3  }
0x34: {  	[smem:$0x3FB9] =	sst s10  }
0x35: {  	s10 =	sld [smem:$0x3FB8];
	_ =	sdelay $0x3  }
0x36: {  	p1 =	seq.s32 s10, $0x1;
	s10 =	sld [smem:$0x3FB9];
	_ =	sdelay $0x3  }
0x37: {  	[smem:$0x3FB9] =	sst s10  }
0x38: {  	s10 =	sld [smem:$0x3FBA]  }
0x39: {  	_ = 	snop;
	(pc) =	sbr.ind lr, $3  }
0x3a: {  	_ = 	snop  }
0x3b: {  	_ = 	snop  }
0x3c: {  	p2 =	seq.s32 s10, $0x1;
	s10 =	sld [smem:$0x3FB9]  }
0x3d: {  	_ =	shalt  }
0x3e: {  	_ =	shalt  }
0x3f: {  	_ =	shalt  }
0x40: {  	_ =	shalt  }
0x41: {  	_ =	shalt  }
0x42: {  	_ =	shalt  }
0x43: {  	_ =	shalt  }
0x44: {  	_ =	shalt  }
0x45: {  	_ =	shalt  }
0x46: {  	_ =	shalt  }
0x47: {  	_ =	shalt  }
0x48: {  	_ =	shalt  }
0x49: {  	_ =	shalt  }
0x4a: {  	_ =	shalt  }
0x4b: {  	_ =	shalt  }
0x4c: {  	_ =	shalt  }
0x4d: {  	_ =	shalt  }
0x4e: {  	_ =	shalt  }
0x4f: {  	_ =	shalt  }
0x50: {  	_ =	shalt  }
0x51: {  	_ =	shalt  }
0x52: {  	_ =	shalt  }
0x53: {  	_ =	shalt  }
0x54: {  	_ =	shalt  }
0x55: {  	_ =	shalt  }
0x56: {  	_ =	shalt  }
0x57: {  	_ =	shalt  }
0x58: {  	_ =	shalt  }
0x59: {  	_ =	shalt  }
0x5a: {  	_ =	shalt  }
0x5b: {  	_ =	shalt  }
0x5c: {  	_ =	shalt  }
0x5d: {  	_ =	shalt  }
0x5e: {  	_ =	shalt  }
0x5f: {  	_ =	shalt  }
0x60: {  	_ =	shalt  }
0x61: {  	_ =	shalt  }
0x62: {  	_ =	shalt  }
0x63: {  	_ =	shalt  }
0x64: {  	_ =	shalt  }
0x65: {  	_ =	shalt  }
0x66: {  	_ =	shalt  }
0x67: {  	_ =	shalt  }
0x68: {  	_ =	shalt  }
0x69: {  	_ =	shalt  }
0x6a: {  	_ =	shalt  }
0x6b: {  	_ =	shalt  }
0x6c: {  	_ =	shalt  }
0x6d: {  	_ =	shalt  }
0x6e: {  	_ =	shalt  }
0x6f: {  	_ =	shalt  }
0x70: {  	_ =	shalt  }
0x71: {  	_ =	shalt  }
0x72: {  	_ =	shalt  }
0x73: {  	_ =	shalt  }
0x74: {  	_ =	shalt  }
0x75: {  	_ =	shalt  }
0x76: {  	_ =	shalt  }
0x77: {  	_ =	shalt  }
0x78: {  	_ =	shalt  }
0x79: {  	_ =	shalt  }
0x7a: {  	_ =	shalt  }
0x7b: {  	_ =	shalt  }
0x7c: {  	_ =	shalt  }
0x7d: {  	_ =	shalt  }
0x7e: {  	_ =	shalt  }
0x7f: {  	_ =	shalt  }
0x80: {  	_ =	shalt  }
0x81: {  	_ =	shalt  }
0x82: {  	_ =	shalt  }
0x83: {  	_ =	shalt  }
0x84: {  	_ =	shalt  }
0x85: {  	_ =	shalt  }
0x86: {  	_ =	shalt  }
0x87: {  	_ =	shalt  }
.Lfunc_end0:
.L_simem_size_0:
called_computation_lowered:
.L_overlay_start_0:
0x88: {  	s2 =	sld [smem:$0x3FD9]  }
0x89: {  	s3 =	sld [smem:$0x3FFE];
	_ =	sdelay $0x1  }
0x8a: {  	s1 =	srdreg.scid  }
0x8b: {  	s0 =	sand.u32 $0x1, s1  }
0x8c: {  	s17 =	sshll.u32 s0, $0xA;
	s2 =	sadd.s32 s3, s2  }
0x8d: {  	s2 =	sadd.s32 s2, s17  }
0x8e: {  	[smem:$0x3FC5] =	sst s2  }
0x8f: {  	_ = 	snop  }
0x90: {  	s2 =	sld [smem:$0x3FC8]  }
0x91: {  	s18 =	sld [smem:$0x3FC7]  }
0x92: {  	s4 =	sld [smem:$0x3FD0];
	(tm) =	ssettm $0x1  }
0x93: {  	s5 =	sld [smem:$0x3FFB];
	_ =	sdelay $0x3  }
0x94: {  	_ =	strace s5  }
0x95: {  	s5 =	sld [smem:$0x3FFC];
	_ =	sdelay $0x3  }
0x96: {  	_ =	strace s5  }
0x97: {  	s5 =	sld [smem:$0x3FFD];
	_ =	sdelay $0x3  }
0x98: {  	_ =	strace s5  }
0x99: {  	_ =	strace $0x8FFFFFFF  }
0x9a: {  	s19 =	sld [smem:$0x3FDB];
	_ =	sdelay $0x1  }
0x9b: {  	s6 =	simm.s32 $_scs_section_size  }
0x9c: {  	s7 =	simm.s32 $_size__tile_overlayer_lowered;
	s8 =	simm.s32 $_tile_overlayer_lowered  }
0x9d: {  	s22 =	simm.s32 $0x1BFF;
	s21 =	sshll.u32 s8, $0x1;
	s5 =	sadd.s32 s6, s19  }
0x9e: {  	s9 =	simm.s32 $0x0;
	s20 =	sshll.u32 s7, $0x1;
	s7 =	sadd.s32 s21, s5  }
0x9f: {  	[timem:s9], [sflag:s22] =	dma.local [hbm:s7], s20  }
0xa0: {  	_ =	swait.ge [sflag:s22], s20  }
0xa1: {  	s6 =	ssub.s32 $0x0, s20;
	[sflag:s22] =	ssyncset.done $0x0  }
0xa2: {  	[sflag:s22] =	ssyncadd.s32 s6;
	_ =	sdelay $0x1  }
0xa3: {  	s23 =	simm.s32 $0x1B8B  }
0xa4: {  	_ =	swait.ge [sflag:s23], $0x1  }
0xa5: {  	[sflag:s23] =	ssyncset.done $0x0  }
0xa6: {  	s25 =	simm.s32 $0x1B8E;
	s24 =	sld [smem:$0x3FFE];
	[sflag:s23] =	ssyncadd.s32 $0xFFFFFFFF  }
0xa7: {  	s26 =	simm.s32 $execute0_lowered;
	[smem:$0x3FD2] =	sst s25  }
0xa8: {  	s7 =	sshll.u32 s26, $0x1;
	_ =	strace $0x80000046;
	[dreg:$0x1] =	wrdreg $0xFFFFFFFF  }
0xa9: {  	s28 =	simm.s32 $_size_execute0_lowered;
	s5 =	sadd.s32 s5, s7;
	[dreg:$0x0] =	wrdreg $0x0  }
0xaa: {  	s7 =	sshll.u32 s28, $0x1;
	[dreg:$0x2] =	wrdreg s5  }
0xab: {  	[dreg:$0x3] =	wrdreg s7  }
0xac: {  	[dreg:$0x4] =	wrdreg $0xC0  }
0xad: {  	_ =	task [dreg:s9], $0x5FFFF  }
0xae: {  	[dreg:$0x1] =	wrdreg $0xFFFFFFFF  }
0xaf: {  	[dreg:$0x0] =	wrdreg $0x60  }
0xb0: {  	[dreg:$0x2] =	wrdreg s4  }
0xb1: {  	[dreg:$0x3] =	wrdreg s2  }
0xb2: {  	[dreg:$0x4] =	wrdreg s18  }
0xb3: {  	[dreg:$0x5] =	wrdreg s24  }
0xb4: {  	[dreg:$0x6] =	wrdreg $0x9  }
0xb5: {  	_ =	task.clear_ibuf [dreg:s9], $0x7FFFF;
	_ =	strace $0x90000046  }
0xb6: {  	s29 =	simm.s32 $0x9;
	_ =	strace $0x80000048  }
0xb7: {  	_ =	swait.ge [sflag:s29], $0x1  }
0xb8: {  	[sflag:s29] =	ssyncadd.s32 $0xFFFFFFFF  }
0xb9: {  	_ =	strace $0x90000048  }
0xba: {  	_ =	sfence  }
0xbb: {  	s30 =	sld [smem:$0x0];
	_ =	sdelay $0x2  }
0xbc: {  	s31 =	sshll.u32 s1, $0xD;
	s1 =	sshrl.u32 s1, $0x2  }
0xbd: {  	s3 =	sand.u32 $0x4000, s31;
	s1 =	sadd.s32 s1, s30  }
0xbe: {  	s0 =	sor.u32 s3, s0;
	s1 =	sshll.u32 s1, $0x11  }
0xbf: {  	s0 =	sor.u32 s1, s0  }
0xc0: {  	s0 =	sadd.s32 $0x8F2B, s0  }
0xc1: {  	[sflag:s0] =	ssyncadd.remote.s32 $0x1  }
0xc2: {  	_ =	sfence.sel $0xFFFF  }
0xc3: {  	[dreg:$0x0] =	wrdreg $0xFFFFFFFF;
	(pc) =	sbr.abs _section_cstart, $3  }
0xc4: {  	[dreg:$0x1] =	wrdreg $0xFFFFFFFF  }
0xc5: {  	_ =	task.clear_ibuf [dreg:s9], $0x2FFFF;
	_ =	strace $0x9FFFFFFF  }
0xc6: {  	(tm) =	ssettm $0x7FFFFFFF  }
0xc7: {  	_ =	shalt  }
tec
execute0_lowered:
.L_overlay_start_1:
0x0: {  	(tag) =	ssettag $0x1  }
0x1: {  	s0 =	rddreg [dreg:$0x0]  }
0x2: {  	s1 =	rddreg [dreg:$0x1];
	s2 =	srdreg.scid  }
0x3: {  	s4 =	stileid.u32;
	s3 =	rddreg [dreg:$0x3];
	s12 =	simm.s32 $0x68  }
0x4: {  	s13 =	simm.s32 $0x1900;
	s14 =	simm.s32 $0x60;
	s17 =	simm.s32 $0x7D00  }
0x5: {  	s20 =	simm.s32 $0xE100;
	s22 =	simm.s32 $0x1;
	s29 =	simm.s32 $0x2  }
0x6: {  	s30 =	simm.s32 $0x9600;
	s31 =	simm.s32 $0xAF00;
	s10 =	simm.s32 $0x11300  }
0x7: {  	s15 =	simm.s32 $0x12C00;
	s16 =	simm.s32 $0x4;
	s18 =	simm.s32 $0x15E00  }
0x8: {  	s19 =	simm.s32 $0x17700;
	s21 =	simm.s32 $0x0;
	s2 =	sand.u32 $0x1, s2  }
0x9: {  	s5 =	sshll.u32 s4, $0x1;
	s4 =	simm.s32 $0x0;
	s6 =	sadd.s32 $0x400, s3  }
0xa: {  	s3 =	simm.s32 $0xFA00;
	s5 =	sor.u32 s2, s5;
	s2 =	ssub.s32 $0x2, s2  }
0xb: {  	[smem:$0x7FF] =	sst s4;
	s5 =	smul.u32 $0x1900, s5;
	s26 =	sshrl.u32 s2, $0x1  }
0xc: {  	_ =	strace $0x80000047;
	s2 =	ssub.s32 s2, s26;
	s26 =	simm.s32 $0x14500  }
0xd: {  	s7 =	sshrl.u32 s5, $0x3;
	s8 =	sor.u32 $0xC8, s5;
	s28 =	smax.u32 s2, $0x1  }
0xe: {  	s2 =	simm.s32 $0xC800;
	s0 =	sadd.s32 s0, s7;
	[dreg:$0x6] =	wrdreg s28  }
0xf: {  	s7 =	simm.s32 $0x19000;
	[dreg:$0x5] =	wrdreg s0;
	s0 =	simm.s32 $0x3  }
.LBB2_1:
0x10: {  	[dreg:$0x7] =	wrdreg s21  }
0x11: {  	s9 =	rddreg [dreg:$0x2];
	s11 =	simm.s32 $0x1A900;
	s28 =	simm.s32 $0x9  }
0x12: {  	[tilespmem:s11], [sflag:$0x9] =	stream.linear.gather [hbm4b:s9+s4], $0x1900, $0x38;
	[tilespmem:$0x1C200] =	vst v63  }
0x13: {  	_ =	swait.ge [sflag:s28], $0x1900  }
0x14: {  	[sflag:s28] =	ssyncset.done $0x0  }
0x15: {  	s21 =	rddreg [dreg:$0x5];
	[sflag:s28] =	ssyncadd.s32 $0xFFFFE700  }
0x16: {  	[tilespmem:s4], [sflag:$0x9] =	stream.linear.gather [hbm4b:s21+s4], $0x1900, $0x38;
	[tilespmem:$0x1C200] =	vst v63  }
0x17: {  	_ =	swait.ge [sflag:s28], $0x1900  }
0x18: {  	[sflag:s28] =	ssyncset.done $0x0  }
0x19: {  	[sflag:s28] =	ssyncadd.s32 $0xFFFFE700  }
0x1a: {  	[tilespmem:s13], [sflag:$0x1] =	stream.indirect.gather [hbm4b:s1+s12], $0x80, s4, s12, $0xb8;
	[tilespmem:$0x1C200] =	vst v63  }
0x1b: {  	s23 =	simm.s32 $0x4D00  }
0x1c: {  	[tilespmem:s23], [sflag:$0x1] =	stream.indirect.gather [hbm4b:s1+s14], $0x80, s12, s14, $0xb8;
	[tilespmem:$0x1C200] =	vst v63  }
0x1d: {  	s24 =	simm.s32 $0xC8  }
0x1e: {  	[tilespmem:s17], [sflag:$0x2] =	stream.indirect.gather [hbm4b:s1+s12], $0x80, s24, s12, $0xb8;
	[tilespmem:$0x1C200] =	vst v63  }
0x1f: {  	s25 =	simm.s32 $0x130;
	s11 =	simm.s32 $0x0;
	s28 =	simm.s32 $0xB100  }
0x20: {  	[tilespmem:s28], [sflag:$0x2] =	stream.indirect.gather [hbm4b:s1+s14], $0x80, s25, s14, $0xb8;
	[tilespmem:$0x1C200] =	vst v63  }
.LBB2_2:
0x21: {  	p0 =	seq.s32 s11, $0x0  }
0x22: {  	s21 =	simm.s32 @!p0 $0x7  }
0x23: {  	_ =	swait.ge @!p0 [sflag:s21], $0x1900  }
0x24: {  	[sflag:s21] =	ssyncset.done @!p0 $0x0  }
0x25: {  	[sflag:s21] =	ssyncadd.s32 @!p0 $0xFFFFE700  }
0x26: {  	_ =	swait.ge @!p0 [sflag:s21], $0x1900  }
0x27: {  	[sflag:s21] =	ssyncset.done @!p0 $0x0  }
0x28: {  	[sflag:s21] =	ssyncadd.s32 @!p0 $0xFFFFE700  }
0x29: {  	_ =	swait.ge @!p0 [sflag:s21], $0x1900  }
0x2a: {  	[sflag:s21] =	ssyncset.done @!p0 $0x0  }
0x2b: {  	[sflag:s21] =	ssyncadd.s32 @!p0 $0xFFFFE700  }
0x2c: {  	s9 =	smul.u32 $0x320, s11;
	_ =	swait.ge @!p0 [sflag:s21], $0x1900  }
0x2d: {  	[sflag:s21] =	ssyncset.done @!p0 $0x0  }
0x2e: {  	s23 =	sadd.s32 $0x190, s9;
	[sflag:s21] =	ssyncadd.s32 @!p0 $0xFFFFE700  }
0x2f: {  	[tilespmem:s20], [sflag:$0x3] =	stream.indirect.gather [hbm4b:s1+s12], $0x80, s23, s12, $0xb8;
	[tilespmem:$0x1C200] =	vst v63  }
0x30: {  	s24 =	simm.s32 $0x11500;
	s28 =	sadd.s32 $0x1F8, s9  }
0x31: {  	[tilespmem:s24], [sflag:$0x3] =	stream.indirect.gather [hbm4b:s1+s14], $0x80, s28, s14, $0xb8;
	[tilespmem:$0x1C200] =	vst v63  }
0x32: {  	_ =	swait.ge [sflag:s22], $0x3400  }
0x33: {  	[sflag:s22] =	ssyncset.done $0x0  }
0x34: {  	[sflag:s22] =	ssyncadd.s32 $0xFFFFCC00  }
0x35: {  	_ =	swait.ge [sflag:s22], $0x3000  }
0x36: {  	[sflag:s22] =	ssyncset.done $0x0  }
0x37: {  	s21 =	simm.s32 $0x0;
	s24 =	simm.s32 $0x200;
	[sflag:s22] =	ssyncadd.s32 $0xFFFFD000  }
.LBB2_3:
0x38: {  	p1 =	sne.s32 s24, $0x6200;
	v0 =	vld [tilespmem:s21+$0x1A970]  }
0x39: {  	v1 =	vld [tilespmem:s21+$0x1A900]  }
0x3a: {  	v2 =	vld [tilespmem:s21+$0x1A910]  }
0x3b: {  	v3 =	vld [tilespmem:s21+$0x1A920]  }
0x3c: {  	v4 =	vld [tilespmem:s21+$0x1A930]  }
0x3d: {  	[tilespmem:s21+$0x6470] =	vst.add.f32.msk $0xffff, v0  }
0x3e: {  	v5 =	vld [tilespmem:s21+$0x1A940]  }
0x3f: {  	v6 =	vld [tilespmem:s21+$0x1A950]  }
0x40: {  	v7 =	vld [tilespmem:s21+$0x1A960]  }
0x41: {  	[tilespmem:s21+$0x1900] =	vst.add.f32.msk $0xffff, v1  }
0x42: {  	[tilespmem:s21+$0x1910] =	vst.add.f32.msk $0xffff, v2  }
0x43: {  	[tilespmem:s21+$0x1920] =	vst.add.f32.msk $0xffff, v3  }
0x44: {  	[tilespmem:s21+$0x1930] =	vst.add.f32.msk $0xffff, v4  }
0x45: {  	[tilespmem:s21+$0x1940] =	vst.add.f32.msk $0xffff, v5  }
0x46: {  	[tilespmem:s21+$0x1950] =	vst.add.f32.msk $0xffff, v6  }
0x47: {  	[tilespmem:s21+$0x1960] =	vst.add.f32.msk $0xffff, v7  }
0x48: {  	[tilespmem:s21+$0x1970] =	vst.add.f32.msk $0xffff, v0  }
0x49: {  	[tilespmem:s21+$0x3200] =	vst.add.f32.msk $0xffff, v1  }
0x4a: {  	[tilespmem:s21+$0x3210] =	vst.add.f32.msk $0xffff, v2  }
0x4b: {  	[tilespmem:s21+$0x3220] =	vst.add.f32.msk $0xffff, v3  }
0x4c: {  	[tilespmem:s21+$0x3230] =	vst.add.f32.msk $0xffff, v4  }
0x4d: {  	[tilespmem:s21+$0x3240] =	vst.add.f32.msk $0xffff, v5  }
0x4e: {  	[tilespmem:s21+$0x3250] =	vst.add.f32.msk $0xffff, v6  }
0x4f: {  	[tilespmem:s21+$0x3260] =	vst.add.f32.msk $0xffff, v7  }
0x50: {  	[tilespmem:s21+$0x3270] =	vst.add.f32.msk $0xffff, v0  }
0x51: {  	[tilespmem:s21+$0x4B00] =	vst.add.f32.msk $0xffff, v1  }
0x52: {  	[tilespmem:s21+$0x4B10] =	vst.add.f32.msk $0xffff, v2  }
0x53: {  	[tilespmem:s21+$0x4B20] =	vst.add.f32.msk $0xffff, v3  }
0x54: {  	[tilespmem:s21+$0x4B30] =	vst.add.f32.msk $0xffff, v4  }
0x55: {  	[tilespmem:s21+$0x4B40] =	vst.add.f32.msk $0xffff, v5  }
0x56: {  	[tilespmem:s21+$0x4B50] =	vst.add.f32.msk $0xffff, v6  }
0x57: {  	[tilespmem:s21+$0x4B60] =	vst.add.f32.msk $0xffff, v7  }
0x58: {  	[tilespmem:s21+$0x4B70] =	vst.add.f32.msk $0xffff, v0  }
0x59: {  	[tilespmem:s21+$0x6400] =	vst.add.f32.msk $0xffff, v1  }
0x5a: {  	[tilespmem:s21+$0x6410] =	vst.add.f32.msk $0xffff, v2  }
.Ltmp0:
0x5b: {  	[tilespmem:s21+$0x6420] =	vst.add.f32.msk $0xffff, v3;
	(pc) =	sbr.rel @p1 .LBB2_3-.Ltmp0, $4  }
0x5c: {  	[tilespmem:s21+$0x6430] =	vst.add.f32.msk $0xffff, v4  }
0x5d: {  	[tilespmem:s21+$0x6440] =	vst.add.f32.msk $0xffff, v5  }
0x5e: {  	[tilespmem:s21+$0x6450] =	vst.add.f32.msk $0xffff, v6  }
0x5f: {  	[tilespmem:s21+$0x6460] =	vst.add.f32.msk $0xffff, v7;
	s21 =	sshra.s32 s24, $0x2;
	s24 =	sadd.s32 $0x200, s24  }
0x60: {  	v0 =	vld [tilespmem:s21+$0x1A970]  }
0x61: {  	v1 =	vld [tilespmem:s21+$0x1A900]  }
0x62: {  	v2 =	vld [tilespmem:s21+$0x1A910]  }
0x63: {  	v3 =	vld [tilespmem:s21+$0x1A920]  }
0x64: {  	v4 =	vld [tilespmem:s21+$0x1A930]  }
0x65: {  	v5 =	vld [tilespmem:s21+$0x1A940]  }
0x66: {  	v6 =	vld [tilespmem:s21+$0x1A950]  }
0x67: {  	v7 =	vld [tilespmem:s21+$0x1A960]  }
0x68: {  	[tilespmem:s21+$0x6470] =	vst.add.f32.msk $0xffff, v0  }
0x69: {  	[tilespmem:s21+$0x1900] =	vst.add.f32.msk $0xffff, v1  }
0x6a: {  	[tilespmem:s21+$0x1910] =	vst.add.f32.msk $0xffff, v2  }
0x6b: {  	[tilespmem:s21+$0x1920] =	vst.add.f32.msk $0xffff, v3  }
0x6c: {  	[tilespmem:s21+$0x1930] =	vst.add.f32.msk $0xffff, v4  }
0x6d: {  	[tilespmem:s21+$0x1940] =	vst.add.f32.msk $0xffff, v5  }
0x6e: {  	[tilespmem:s21+$0x1950] =	vst.add.f32.msk $0xffff, v6  }
0x6f: {  	[tilespmem:s21+$0x1960] =	vst.add.f32.msk $0xffff, v7  }
0x70: {  	[tilespmem:s21+$0x1970] =	vst.add.f32.msk $0xffff, v0  }
0x71: {  	[tilespmem:s21+$0x3200] =	vst.add.f32.msk $0xffff, v1  }
0x72: {  	[tilespmem:s21+$0x3210] =	vst.add.f32.msk $0xffff, v2  }
0x73: {  	[tilespmem:s21+$0x3220] =	vst.add.f32.msk $0xffff, v3  }
0x74: {  	[tilespmem:s21+$0x3230] =	vst.add.f32.msk $0xffff, v4  }
0x75: {  	[tilespmem:s21+$0x3240] =	vst.add.f32.msk $0xffff, v5  }
0x76: {  	[tilespmem:s21+$0x3250] =	vst.add.f32.msk $0xffff, v6  }
0x77: {  	[tilespmem:s21+$0x3260] =	vst.add.f32.msk $0xffff, v7  }
0x78: {  	[tilespmem:s21+$0x3270] =	vst.add.f32.msk $0xffff, v0  }
0x79: {  	[tilespmem:s21+$0x4B00] =	vst.add.f32.msk $0xffff, v1  }
0x7a: {  	[tilespmem:s21+$0x4B10] =	vst.add.f32.msk $0xffff, v2  }
0x7b: {  	[tilespmem:s21+$0x4B20] =	vst.add.f32.msk $0xffff, v3  }
0x7c: {  	[tilespmem:s21+$0x4B30] =	vst.add.f32.msk $0xffff, v4  }
0x7d: {  	[tilespmem:s21+$0x4B40] =	vst.add.f32.msk $0xffff, v5  }
0x7e: {  	[tilespmem:s21+$0x4B50] =	vst.add.f32.msk $0xffff, v6  }
0x7f: {  	[tilespmem:s21+$0x4B60] =	vst.add.f32.msk $0xffff, v7  }
0x80: {  	s24 =	sadd.s32 s5, s9;
	[tilespmem:s21+$0x4B70] =	vst.add.f32.msk $0xffff, v0  }
0x81: {  	s24 =	smulhi.u32 $0x51EB851F, s24;
	[tilespmem:s21+$0x6400] =	vst.add.f32.msk $0xffff, v1  }
0x82: {  	[tilespmem:s21+$0x6410] =	vst.add.f32.msk $0xffff, v2  }
0x83: {  	s24 =	sshrl.u32 s24, $0x4;
	[tilespmem:s21+$0x6420] =	vst.add.f32.msk $0xffff, v3  }
0x84: {  	s25 =	smul.u32 $0x380, s24;
	[tilespmem:s21+$0x6430] =	vst.add.f32.msk $0xffff, v4  }
0x85: {  	s24 =	smul.u32 $0x1C00, s24;
	[tilespmem:s21+$0x6440] =	vst.add.f32.msk $0xffff, v5  }
0x86: {  	[tilespmem:s21+$0x6450] =	vst.add.f32.msk $0xffff, v6  }
0x87: {  	[tilespmem:s21+$0x6460] =	vst.add.f32.msk $0xffff, v7;
	s28 =	sadd.s32 s6, s25;
	s24 =	sshrl.u32 s24, $0x3  }
0x88: {  	[hbm4b:s28+s4] =	stream.linear.scatter [tilespmem:s13], [sflag:$0x5], $0x1900, $0x38;
	[tilespmem:$0x1C200] =	vst v63  }
0x89: {  	s21 =	sadd.s32 s6, s24  }
0x8a: {  	s28 =	simm.s32 $0x3200;
	s25 =	sadd.s32 $0x380, s21  }
0x8b: {  	[hbm4b:s25+s4] =	stream.linear.scatter [tilespmem:s28], [sflag:$0x5], $0x1900, $0x38;
	[tilespmem:$0x1C200] =	vst v63  }
0x8c: {  	s25 =	sadd.s32 $0x700, s21;
	s28 =	simm.s32 $0x4B00  }
0x8d: {  	[hbm4b:s25+s4] =	stream.linear.scatter [tilespmem:s28], [sflag:$0x5], $0x1900, $0x38;
	[tilespmem:$0x1C200] =	vst v63  }
0x8e: {  	s21 =	sadd.s32 $0xA80, s21;
	s28 =	simm.s32 $0x6400  }
0x8f: {  	[hbm4b:s21+s4] =	stream.linear.scatter [tilespmem:s28], [sflag:$0x5], $0x1900, $0x38;
	[tilespmem:$0x1C200] =	vst v63  }
0x90: {  	s21 =	simm.s32 @!p0 $0x8  }
0x91: {  	_ =	swait.ge @!p0 [sflag:s21], $0x1900  }
0x92: {  	[sflag:s21] =	ssyncset.done @!p0 $0x0  }
0x93: {  	[sflag:s21] =	ssyncadd.s32 @!p0 $0xFFFFE700  }
0x94: {  	_ =	swait.ge @!p0 [sflag:s21], $0x1900  }
0x95: {  	[sflag:s21] =	ssyncset.done @!p0 $0x0  }
0x96: {  	[sflag:s21] =	ssyncadd.s32 @!p0 $0xFFFFE700  }
0x97: {  	_ =	swait.ge @!p0 [sflag:s21], $0x1900  }
0x98: {  	[sflag:s21] =	ssyncset.done @!p0 $0x0  }
0x99: {  	[sflag:s21] =	ssyncadd.s32 @!p0 $0xFFFFE700  }
0x9a: {  	_ =	swait.ge @!p0 [sflag:s21], $0x1900  }
0x9b: {  	[sflag:s21] =	ssyncset.done @!p0 $0x0  }
0x9c: {  	[sflag:s21] =	ssyncadd.s32 @!p0 $0xFFFFE700;
	s21 =	sadd.s32 $0x258, s9  }
0x9d: {  	[tilespmem:s26], [sflag:$0x4] =	stream.indirect.gather [hbm4b:s1+s12], $0x80, s21, s12, $0xb8;
	[tilespmem:$0x1C200] =	vst v63  }
0x9e: {  	s25 =	sadd.s32 $0x2C0, s9;
	s28 =	simm.s32 $0x17900  }
0x9f: {  	[tilespmem:s28], [sflag:$0x4] =	stream.indirect.gather [hbm4b:s1+s14], $0x80, s25, s14, $0xb8;
	[tilespmem:$0x1C200] =	vst v63  }
0xa0: {  	_ =	swait.ge [sflag:s29], $0x3400  }
0xa1: {  	[sflag:s29] =	ssyncset.done $0x0  }
0xa2: {  	[sflag:s29] =	ssyncadd.s32 $0xFFFFCC00  }
0xa3: {  	_ =	swait.ge [sflag:s29], $0x3000  }
0xa4: {  	[sflag:s29] =	ssyncset.done $0x0  }
0xa5: {  	s24 =	simm.s32 $0x0;
	s25 =	simm.s32 $0x200;
	[sflag:s29] =	ssyncadd.s32 $0xFFFFD000  }
.LBB2_5:
0xa6: {  	p0 =	sne.s32 s25, $0x6200;
	v0 =	vld [tilespmem:s24+$0x1A970]  }
0xa7: {  	v1 =	vld [tilespmem:s24+$0x1A900]  }
0xa8: {  	v2 =	vld [tilespmem:s24+$0x1A910]  }
0xa9: {  	v3 =	vld [tilespmem:s24+$0x1A920]  }
0xaa: {  	v4 =	vld [tilespmem:s24+$0x1A930]  }
0xab: {  	[tilespmem:s24+$0xC870] =	vst.add.f32.msk $0xffff, v0  }
0xac: {  	v5 =	vld [tilespmem:s24+$0x1A940]  }
0xad: {  	v6 =	vld [tilespmem:s24+$0x1A950]  }
0xae: {  	v7 =	vld [tilespmem:s24+$0x1A960]  }
0xaf: {  	[tilespmem:s24+$0x7D00] =	vst.add.f32.msk $0xffff, v1  }
0xb0: {  	[tilespmem:s24+$0x7D10] =	vst.add.f32.msk $0xffff, v2  }
0xb1: {  	[tilespmem:s24+$0x7D20] =	vst.add.f32.msk $0xffff, v3  }
0xb2: {  	[tilespmem:s24+$0x7D30] =	vst.add.f32.msk $0xffff, v4  }
0xb3: {  	[tilespmem:s24+$0x7D40] =	vst.add.f32.msk $0xffff, v5  }
0xb4: {  	[tilespmem:s24+$0x7D50] =	vst.add.f32.msk $0xffff, v6  }
0xb5: {  	[tilespmem:s24+$0x7D60] =	vst.add.f32.msk $0xffff, v7  }
0xb6: {  	[tilespmem:s24+$0x7D70] =	vst.add.f32.msk $0xffff, v0  }
0xb7: {  	[tilespmem:s24+$0x9600] =	vst.add.f32.msk $0xffff, v1  }
0xb8: {  	[tilespmem:s24+$0x9610] =	vst.add.f32.msk $0xffff, v2  }
0xb9: {  	[tilespmem:s24+$0x9620] =	vst.add.f32.msk $0xffff, v3  }
0xba: {  	[tilespmem:s24+$0x9630] =	vst.add.f32.msk $0xffff, v4  }
0xbb: {  	[tilespmem:s24+$0x9640] =	vst.add.f32.msk $0xffff, v5  }
0xbc: {  	[tilespmem:s24+$0x9650] =	vst.add.f32.msk $0xffff, v6  }
0xbd: {  	[tilespmem:s24+$0x9660] =	vst.add.f32.msk $0xffff, v7  }
0xbe: {  	[tilespmem:s24+$0x9670] =	vst.add.f32.msk $0xffff, v0  }
0xbf: {  	[tilespmem:s24+$0xAF00] =	vst.add.f32.msk $0xffff, v1  }
0xc0: {  	[tilespmem:s24+$0xAF10] =	vst.add.f32.msk $0xffff, v2  }
0xc1: {  	[tilespmem:s24+$0xAF20] =	vst.add.f32.msk $0xffff, v3  }
0xc2: {  	[tilespmem:s24+$0xAF30] =	vst.add.f32.msk $0xffff, v4  }
0xc3: {  	[tilespmem:s24+$0xAF40] =	vst.add.f32.msk $0xffff, v5  }
0xc4: {  	[tilespmem:s24+$0xAF50] =	vst.add.f32.msk $0xffff, v6  }
0xc5: {  	[tilespmem:s24+$0xAF60] =	vst.add.f32.msk $0xffff, v7  }
0xc6: {  	[tilespmem:s24+$0xAF70] =	vst.add.f32.msk $0xffff, v0  }
0xc7: {  	[tilespmem:s24+$0xC800] =	vst.add.f32.msk $0xffff, v1  }
0xc8: {  	[tilespmem:s24+$0xC810] =	vst.add.f32.msk $0xffff, v2  }
.Ltmp1:
0xc9: {  	[tilespmem:s24+$0xC820] =	vst.add.f32.msk $0xffff, v3;
	(pc) =	sbr.rel @p0 .LBB2_5-.Ltmp1, $4  }
0xca: {  	[tilespmem:s24+$0xC830] =	vst.add.f32.msk $0xffff, v4  }
0xcb: {  	[tilespmem:s24+$0xC840] =	vst.add.f32.msk $0xffff, v5  }
0xcc: {  	[tilespmem:s24+$0xC850] =	vst.add.f32.msk $0xffff, v6  }
0xcd: {  	[tilespmem:s24+$0xC860] =	vst.add.f32.msk $0xffff, v7;
	s24 =	sshra.s32 s25, $0x2;
	s25 =	sadd.s32 $0x200, s25  }
0xce: {  	v0 =	vld [tilespmem:s24+$0x1A970]  }
0xcf: {  	v1 =	vld [tilespmem:s24+$0x1A900]  }
0xd0: {  	v2 =	vld [tilespmem:s24+$0x1A910]  }
0xd1: {  	v3 =	vld [tilespmem:s24+$0x1A920]  }
0xd2: {  	v4 =	vld [tilespmem:s24+$0x1A930]  }
0xd3: {  	v5 =	vld [tilespmem:s24+$0x1A940]  }
0xd4: {  	v6 =	vld [tilespmem:s24+$0x1A950]  }
0xd5: {  	v7 =	vld [tilespmem:s24+$0x1A960]  }
0xd6: {  	[tilespmem:s24+$0xC870] =	vst.add.f32.msk $0xffff, v0  }
0xd7: {  	[tilespmem:s24+$0x7D00] =	vst.add.f32.msk $0xffff, v1  }
0xd8: {  	[tilespmem:s24+$0x7D10] =	vst.add.f32.msk $0xffff, v2  }
0xd9: {  	[tilespmem:s24+$0x7D20] =	vst.add.f32.msk $0xffff, v3  }
0xda: {  	[tilespmem:s24+$0x7D30] =	vst.add.f32.msk $0xffff, v4  }
0xdb: {  	[tilespmem:s24+$0x7D40] =	vst.add.f32.msk $0xffff, v5  }
0xdc: {  	[tilespmem:s24+$0x7D50] =	vst.add.f32.msk $0xffff, v6  }
0xdd: {  	[tilespmem:s24+$0x7D60] =	vst.add.f32.msk $0xffff, v7  }
0xde: {  	[tilespmem:s24+$0x7D70] =	vst.add.f32.msk $0xffff, v0  }
0xdf: {  	[tilespmem:s24+$0x9600] =	vst.add.f32.msk $0xffff, v1  }
0xe0: {  	[tilespmem:s24+$0x9610] =	vst.add.f32.msk $0xffff, v2  }
0xe1: {  	[tilespmem:s24+$0x9620] =	vst.add.f32.msk $0xffff, v3  }
0xe2: {  	[tilespmem:s24+$0x9630] =	vst.add.f32.msk $0xffff, v4  }
0xe3: {  	[tilespmem:s24+$0x9640] =	vst.add.f32.msk $0xffff, v5  }
0xe4: {  	[tilespmem:s24+$0x9650] =	vst.add.f32.msk $0xffff, v6  }
0xe5: {  	[tilespmem:s24+$0x9660] =	vst.add.f32.msk $0xffff, v7  }
0xe6: {  	[tilespmem:s24+$0x9670] =	vst.add.f32.msk $0xffff, v0  }
0xe7: {  	[tilespmem:s24+$0xAF00] =	vst.add.f32.msk $0xffff, v1  }
0xe8: {  	[tilespmem:s24+$0xAF10] =	vst.add.f32.msk $0xffff, v2  }
0xe9: {  	[tilespmem:s24+$0xAF20] =	vst.add.f32.msk $0xffff, v3  }
0xea: {  	[tilespmem:s24+$0xAF30] =	vst.add.f32.msk $0xffff, v4  }
0xeb: {  	[tilespmem:s24+$0xAF40] =	vst.add.f32.msk $0xffff, v5  }
0xec: {  	[tilespmem:s24+$0xAF50] =	vst.add.f32.msk $0xffff, v6  }
0xed: {  	[tilespmem:s24+$0xAF60] =	vst.add.f32.msk $0xffff, v7  }
0xee: {  	s25 =	sadd.s32 s9, s8;
	[tilespmem:s24+$0xAF70] =	vst.add.f32.msk $0xffff, v0  }
0xef: {  	s25 =	smulhi.u32 $0x51EB851F, s25;
	[tilespmem:s24+$0xC800] =	vst.add.f32.msk $0xffff, v1  }
0xf0: {  	[tilespmem:s24+$0xC810] =	vst.add.f32.msk $0xffff, v2  }
0xf1: {  	s25 =	sshrl.u32 s25, $0x4;
	[tilespmem:s24+$0xC820] =	vst.add.f32.msk $0xffff, v3  }
0xf2: {  	s28 =	smul.u32 $0x380, s25;
	[tilespmem:s24+$0xC830] =	vst.add.f32.msk $0xffff, v4  }
0xf3: {  	s25 =	smul.u32 $0x1C00, s25;
	[tilespmem:s24+$0xC840] =	vst.add.f32.msk $0xffff, v5  }
0xf4: {  	[tilespmem:s24+$0xC850] =	vst.add.f32.msk $0xffff, v6  }
0xf5: {  	[tilespmem:s24+$0xC860] =	vst.add.f32.msk $0xffff, v7;
	s28 =	sadd.s32 s6, s28;
	s25 =	sshrl.u32 s25, $0x3  }
0xf6: {  	[hbm4b:s28+s4] =	stream.linear.scatter [tilespmem:s17], [sflag:$0x6], $0x1900, $0x38;
	[tilespmem:$0x1C200] =	vst v63  }
0xf7: {  	s24 =	sadd.s32 s6, s25  }
0xf8: {  	s28 =	sadd.s32 $0x380, s24  }
0xf9: {  	[hbm4b:s28+s4] =	stream.linear.scatter [tilespmem:s30], [sflag:$0x6], $0x1900, $0x38;
	[tilespmem:$0x1C200] =	vst v63  }
0xfa: {  	s28 =	sadd.s32 $0x700, s24  }
0xfb: {  	[hbm4b:s28+s4] =	stream.linear.scatter [tilespmem:s31], [sflag:$0x6], $0x1900, $0x38;
	[tilespmem:$0x1C200] =	vst v63  }
0xfc: {  	p0 =	seq.s32 s11, $0x7;
	s24 =	sadd.s32 $0xA80, s24  }
0xfd: {  	[hbm4b:s24+s4] =	stream.linear.scatter [tilespmem:s2], [sflag:$0x6], $0x1900, $0x38;
	[tilespmem:$0x1C200] =	vst v63  }
0xfe: {  	s24 =	simm.s32 @!p0 $0x5  }
0xff: {  	_ =	swait.ge @!p0 [sflag:s24], $0x1900  }
0x100: {  	[sflag:s24] =	ssyncset.done @!p0 $0x0  }
0x101: {  	[sflag:s24] =	ssyncadd.s32 @!p0 $0xFFFFE700  }
0x102: {  	_ =	swait.ge @!p0 [sflag:s24], $0x1900  }
0x103: {  	[sflag:s24] =	ssyncset.done @!p0 $0x0  }
0x104: {  	[sflag:s24] =	ssyncadd.s32 @!p0 $0xFFFFE700  }
0x105: {  	_ =	swait.ge @!p0 [sflag:s24], $0x1900  }
0x106: {  	[sflag:s24] =	ssyncset.done @!p0 $0x0  }
0x107: {  	[sflag:s24] =	ssyncadd.s32 @!p0 $0xFFFFE700  }
0x108: {  	_ =	swait.ge @!p0 [sflag:s24], $0x1900  }
0x109: {  	s25 =	simm.s32 @!p0 $0x68;
	[sflag:s24] =	ssyncset.done @!p0 $0x0  }
0x10a: {  	s28 =	simm.s32 @!p0 $0x1900;
	[sflag:s24] =	ssyncadd.s32 @!p0 $0xFFFFE700;
	s24 =	sadd.s32 @!p0 $0x320, s9  }
0x10b: {  	[tilespmem:s28], [sflag:$0x1] =	stream.indirect.gather @!p0 [hbm4b:s1+s25], $0x80, s24, s25, $0xb8;
	[tilespmem:$0x1C200] =	vst v63  }
0x10c: {  	s24 =	sadd.s32 @!p0 $0x388, s9;
	s25 =	simm.s32 @!p0 $0x60;
	s28 =	simm.s32 @!p0 $0x4D00  }
0x10d: {  	[tilespmem:s28], [sflag:$0x1] =	stream.indirect.gather @!p0 [hbm4b:s1+s25], $0x80, s24, s25, $0xb8;
	[tilespmem:$0x1C200] =	vst v63  }
0x10e: {  	_ =	swait.ge [sflag:s0], $0x3400  }
0x10f: {  	[sflag:s0] =	ssyncset.done $0x0  }
0x110: {  	[sflag:s0] =	ssyncadd.s32 $0xFFFFCC00  }
0x111: {  	_ =	swait.ge [sflag:s0], $0x3000  }
0x112: {  	[sflag:s0] =	ssyncset.done $0x0  }
0x113: {  	s24 =	simm.s32 $0x0;
	s25 =	simm.s32 $0x200;
	[sflag:s0] =	ssyncadd.s32 $0xFFFFD000  }
.LBB2_7:
0x114: {  	p1 =	sne.s32 s25, $0x6200;
	v0 =	vld [tilespmem:s24+$0x1A970]  }
0x115: {  	v1 =	vld [tilespmem:s24+$0x1A900]  }
0x116: {  	v2 =	vld [tilespmem:s24+$0x1A910]  }
0x117: {  	v3 =	vld [tilespmem:s24+$0x1A920]  }
0x118: {  	v4 =	vld [tilespmem:s24+$0x1A930]  }
0x119: {  	[tilespmem:s24+$0x12C70] =	vst.add.f32.msk $0xffff, v0  }
0x11a: {  	v5 =	vld [tilespmem:s24+$0x1A940]  }
0x11b: {  	v6 =	vld [tilespmem:s24+$0x1A950]  }
0x11c: {  	v7 =	vld [tilespmem:s24+$0x1A960]  }
0x11d: {  	[tilespmem:s24+$0xE100] =	vst.add.f32.msk $0xffff, v1  }
0x11e: {  	[tilespmem:s24+$0xE110] =	vst.add.f32.msk $0xffff, v2  }
0x11f: {  	[tilespmem:s24+$0xE120] =	vst.add.f32.msk $0xffff, v3  }
0x120: {  	[tilespmem:s24+$0xE130] =	vst.add.f32.msk $0xffff, v4  }
0x121: {  	[tilespmem:s24+$0xE140] =	vst.add.f32.msk $0xffff, v5  }
0x122: {  	[tilespmem:s24+$0xE150] =	vst.add.f32.msk $0xffff, v6  }
0x123: {  	[tilespmem:s24+$0xE160] =	vst.add.f32.msk $0xffff, v7  }
0x124: {  	[tilespmem:s24+$0xE170] =	vst.add.f32.msk $0xffff, v0  }
0x125: {  	[tilespmem:s24+$0xFA00] =	vst.add.f32.msk $0xffff, v1  }
0x126: {  	[tilespmem:s24+$0xFA10] =	vst.add.f32.msk $0xffff, v2  }
0x127: {  	[tilespmem:s24+$0xFA20] =	vst.add.f32.msk $0xffff, v3  }
0x128: {  	[tilespmem:s24+$0xFA30] =	vst.add.f32.msk $0xffff, v4  }
0x129: {  	[tilespmem:s24+$0xFA40] =	vst.add.f32.msk $0xffff, v5  }
0x12a: {  	[tilespmem:s24+$0xFA50] =	vst.add.f32.msk $0xffff, v6  }
0x12b: {  	[tilespmem:s24+$0xFA60] =	vst.add.f32.msk $0xffff, v7  }
0x12c: {  	[tilespmem:s24+$0xFA70] =	vst.add.f32.msk $0xffff, v0  }
0x12d: {  	[tilespmem:s24+$0x11300] =	vst.add.f32.msk $0xffff, v1  }
0x12e: {  	[tilespmem:s24+$0x11310] =	vst.add.f32.msk $0xffff, v2  }
0x12f: {  	[tilespmem:s24+$0x11320] =	vst.add.f32.msk $0xffff, v3  }
0x130: {  	[tilespmem:s24+$0x11330] =	vst.add.f32.msk $0xffff, v4  }
0x131: {  	[tilespmem:s24+$0x11340] =	vst.add.f32.msk $0xffff, v5  }
0x132: {  	[tilespmem:s24+$0x11350] =	vst.add.f32.msk $0xffff, v6  }
0x133: {  	[tilespmem:s24+$0x11360] =	vst.add.f32.msk $0xffff, v7  }
0x134: {  	[tilespmem:s24+$0x11370] =	vst.add.f32.msk $0xffff, v0  }
0x135: {  	[tilespmem:s24+$0x12C00] =	vst.add.f32.msk $0xffff, v1  }
0x136: {  	[tilespmem:s24+$0x12C10] =	vst.add.f32.msk $0xffff, v2  }
.Ltmp2:
0x137: {  	[tilespmem:s24+$0x12C20] =	vst.add.f32.msk $0xffff, v3;
	(pc) =	sbr.rel @p1 .LBB2_7-.Ltmp2, $4  }
0x138: {  	[tilespmem:s24+$0x12C30] =	vst.add.f32.msk $0xffff, v4  }
0x139: {  	[tilespmem:s24+$0x12C40] =	vst.add.f32.msk $0xffff, v5  }
0x13a: {  	[tilespmem:s24+$0x12C50] =	vst.add.f32.msk $0xffff, v6  }
0x13b: {  	[tilespmem:s24+$0x12C60] =	vst.add.f32.msk $0xffff, v7;
	s24 =	sshra.s32 s25, $0x2;
	s25 =	sadd.s32 $0x200, s25  }
0x13c: {  	v0 =	vld [tilespmem:s24+$0x1A970]  }
0x13d: {  	v1 =	vld [tilespmem:s24+$0x1A900]  }
0x13e: {  	v2 =	vld [tilespmem:s24+$0x1A910]  }
0x13f: {  	v3 =	vld [tilespmem:s24+$0x1A920]  }
0x140: {  	v4 =	vld [tilespmem:s24+$0x1A930]  }
0x141: {  	v5 =	vld [tilespmem:s24+$0x1A940]  }
0x142: {  	v6 =	vld [tilespmem:s24+$0x1A950]  }
0x143: {  	v7 =	vld [tilespmem:s24+$0x1A960]  }
0x144: {  	[tilespmem:s24+$0x12C70] =	vst.add.f32.msk $0xffff, v0  }
0x145: {  	[tilespmem:s24+$0xE100] =	vst.add.f32.msk $0xffff, v1  }
0x146: {  	[tilespmem:s24+$0xE110] =	vst.add.f32.msk $0xffff, v2  }
0x147: {  	[tilespmem:s24+$0xE120] =	vst.add.f32.msk $0xffff, v3  }
0x148: {  	[tilespmem:s24+$0xE130] =	vst.add.f32.msk $0xffff, v4  }
0x149: {  	[tilespmem:s24+$0xE140] =	vst.add.f32.msk $0xffff, v5  }
0x14a: {  	[tilespmem:s24+$0xE150] =	vst.add.f32.msk $0xffff, v6  }
0x14b: {  	[tilespmem:s24+$0xE160] =	vst.add.f32.msk $0xffff, v7  }
0x14c: {  	[tilespmem:s24+$0xE170] =	vst.add.f32.msk $0xffff, v0  }
0x14d: {  	[tilespmem:s24+$0xFA00] =	vst.add.f32.msk $0xffff, v1  }
0x14e: {  	[tilespmem:s24+$0xFA10] =	vst.add.f32.msk $0xffff, v2  }
0x14f: {  	[tilespmem:s24+$0xFA20] =	vst.add.f32.msk $0xffff, v3  }
0x150: {  	[tilespmem:s24+$0xFA30] =	vst.add.f32.msk $0xffff, v4  }
0x151: {  	[tilespmem:s24+$0xFA40] =	vst.add.f32.msk $0xffff, v5  }
0x152: {  	[tilespmem:s24+$0xFA50] =	vst.add.f32.msk $0xffff, v6  }
0x153: {  	[tilespmem:s24+$0xFA60] =	vst.add.f32.msk $0xffff, v7  }
0x154: {  	[tilespmem:s24+$0xFA70] =	vst.add.f32.msk $0xffff, v0  }
0x155: {  	[tilespmem:s24+$0x11300] =	vst.add.f32.msk $0xffff, v1  }
0x156: {  	[tilespmem:s24+$0x11310] =	vst.add.f32.msk $0xffff, v2  }
0x157: {  	[tilespmem:s24+$0x11320] =	vst.add.f32.msk $0xffff, v3  }
0x158: {  	[tilespmem:s24+$0x11330] =	vst.add.f32.msk $0xffff, v4  }
0x159: {  	[tilespmem:s24+$0x11340] =	vst.add.f32.msk $0xffff, v5  }
0x15a: {  	[tilespmem:s24+$0x11350] =	vst.add.f32.msk $0xffff, v6  }
0x15b: {  	[tilespmem:s24+$0x11360] =	vst.add.f32.msk $0xffff, v7  }
0x15c: {  	s23 =	sadd.s32 s5, s23;
	[tilespmem:s24+$0x11370] =	vst.add.f32.msk $0xffff, v0  }
0x15d: {  	s23 =	smulhi.u32 $0x51EB851F, s23;
	[tilespmem:s24+$0x12C00] =	vst.add.f32.msk $0xffff, v1  }
0x15e: {  	[tilespmem:s24+$0x12C10] =	vst.add.f32.msk $0xffff, v2  }
0x15f: {  	s23 =	sshrl.u32 s23, $0x4;
	[tilespmem:s24+$0x12C20] =	vst.add.f32.msk $0xffff, v3  }
0x160: {  	s25 =	smul.u32 $0x380, s23;
	[tilespmem:s24+$0x12C30] =	vst.add.f32.msk $0xffff, v4  }
0x161: {  	s23 =	smul.u32 $0x1C00, s23;
	[tilespmem:s24+$0x12C40] =	vst.add.f32.msk $0xffff, v5  }
0x162: {  	[tilespmem:s24+$0x12C50] =	vst.add.f32.msk $0xffff, v6  }
0x163: {  	[tilespmem:s24+$0x12C60] =	vst.add.f32.msk $0xffff, v7;
	s28 =	sadd.s32 s6, s25;
	s23 =	sshrl.u32 s23, $0x3  }
0x164: {  	[hbm4b:s28+s4] =	stream.linear.scatter [tilespmem:s20], [sflag:$0x7], $0x1900, $0x38;
	[tilespmem:$0x1C200] =	vst v63  }
0x165: {  	s23 =	sadd.s32 s6, s23  }
0x166: {  	s25 =	sadd.s32 $0x380, s23  }
0x167: {  	[hbm4b:s25+s4] =	stream.linear.scatter [tilespmem:s3], [sflag:$0x7], $0x1900, $0x38;
	[tilespmem:$0x1C200] =	vst v63  }
0x168: {  	s28 =	sadd.s32 $0x700, s23  }
0x169: {  	[hbm4b:s28+s4] =	stream.linear.scatter [tilespmem:s10], [sflag:$0x7], $0x1900, $0x38;
	[tilespmem:$0x1C200] =	vst v63  }
0x16a: {  	s23 =	sadd.s32 $0xA80, s23  }
0x16b: {  	[hbm4b:s23+s4] =	stream.linear.scatter [tilespmem:s15], [sflag:$0x7], $0x1900, $0x38;
	[tilespmem:$0x1C200] =	vst v63  }
0x16c: {  	s23 =	simm.s32 @!p0 $0x6  }
0x16d: {  	_ =	swait.ge @!p0 [sflag:s23], $0x1900  }
0x16e: {  	[sflag:s23] =	ssyncset.done @!p0 $0x0  }
0x16f: {  	[sflag:s23] =	ssyncadd.s32 @!p0 $0xFFFFE700  }
0x170: {  	_ =	swait.ge @!p0 [sflag:s23], $0x1900  }
0x171: {  	[sflag:s23] =	ssyncset.done @!p0 $0x0  }
0x172: {  	[sflag:s23] =	ssyncadd.s32 @!p0 $0xFFFFE700  }
0x173: {  	_ =	swait.ge @!p0 [sflag:s23], $0x1900  }
0x174: {  	[sflag:s23] =	ssyncset.done @!p0 $0x0  }
0x175: {  	[sflag:s23] =	ssyncadd.s32 @!p0 $0xFFFFE700  }
0x176: {  	_ =	swait.ge @!p0 [sflag:s23], $0x1900  }
0x177: {  	s24 =	simm.s32 @!p0 $0x68;
	[sflag:s23] =	ssyncset.done @!p0 $0x0  }
0x178: {  	s25 =	simm.s32 @!p0 $0x7D00;
	[sflag:s23] =	ssyncadd.s32 @!p0 $0xFFFFE700;
	s23 =	sadd.s32 @!p0 $0x3E8, s9  }
0x179: {  	[tilespmem:s25], [sflag:$0x2] =	stream.indirect.gather @!p0 [hbm4b:s1+s24], $0x80, s23, s24, $0xb8;
	[tilespmem:$0x1C200] =	vst v63  }
0x17a: {  	s9 =	sadd.s32 @!p0 $0x450, s9;
	s23 =	simm.s32 @!p0 $0x60;
	s24 =	simm.s32 @!p0 $0xB100  }
0x17b: {  	[tilespmem:s24], [sflag:$0x2] =	stream.indirect.gather @!p0 [hbm4b:s1+s23], $0x80, s9, s23, $0xb8;
	[tilespmem:$0x1C200] =	vst v63  }
0x17c: {  	_ =	swait.ge [sflag:s16], $0x3400  }
0x17d: {  	[sflag:s16] =	ssyncset.done $0x0  }
0x17e: {  	[sflag:s16] =	ssyncadd.s32 $0xFFFFCC00  }
0x17f: {  	_ =	swait.ge [sflag:s16], $0x3000  }
0x180: {  	[sflag:s16] =	ssyncset.done $0x0  }
0x181: {  	s9 =	simm.s32 $0x0;
	s23 =	simm.s32 $0x200;
	[sflag:s16] =	ssyncadd.s32 $0xFFFFD000  }
.LBB2_9:
0x182: {  	p0 =	sne.s32 s23, $0x6200;
	v0 =	vld [tilespmem:s9+$0x1A970]  }
0x183: {  	v1 =	vld [tilespmem:s9+$0x1A900]  }
0x184: {  	v2 =	vld [tilespmem:s9+$0x1A910]  }
0x185: {  	v3 =	vld [tilespmem:s9+$0x1A920]  }
0x186: {  	v4 =	vld [tilespmem:s9+$0x1A930]  }
0x187: {  	[tilespmem:s9+$0x19070] =	vst.add.f32.msk $0xffff, v0  }
0x188: {  	v5 =	vld [tilespmem:s9+$0x1A940]  }
0x189: {  	v6 =	vld [tilespmem:s9+$0x1A950]  }
0x18a: {  	v7 =	vld [tilespmem:s9+$0x1A960]  }
0x18b: {  	[tilespmem:s9+$0x14500] =	vst.add.f32.msk $0xffff, v1  }
0x18c: {  	[tilespmem:s9+$0x14510] =	vst.add.f32.msk $0xffff, v2  }
0x18d: {  	[tilespmem:s9+$0x14520] =	vst.add.f32.msk $0xffff, v3  }
0x18e: {  	[tilespmem:s9+$0x14530] =	vst.add.f32.msk $0xffff, v4  }
0x18f: {  	[tilespmem:s9+$0x14540] =	vst.add.f32.msk $0xffff, v5  }
0x190: {  	[tilespmem:s9+$0x14550] =	vst.add.f32.msk $0xffff, v6  }
0x191: {  	[tilespmem:s9+$0x14560] =	vst.add.f32.msk $0xffff, v7  }
0x192: {  	[tilespmem:s9+$0x14570] =	vst.add.f32.msk $0xffff, v0  }
0x193: {  	[tilespmem:s9+$0x15E00] =	vst.add.f32.msk $0xffff, v1  }
0x194: {  	[tilespmem:s9+$0x15E10] =	vst.add.f32.msk $0xffff, v2  }
0x195: {  	[tilespmem:s9+$0x15E20] =	vst.add.f32.msk $0xffff, v3  }
0x196: {  	[tilespmem:s9+$0x15E30] =	vst.add.f32.msk $0xffff, v4  }
0x197: {  	[tilespmem:s9+$0x15E40] =	vst.add.f32.msk $0xffff, v5  }
0x198: {  	[tilespmem:s9+$0x15E50] =	vst.add.f32.msk $0xffff, v6  }
0x199: {  	[tilespmem:s9+$0x15E60] =	vst.add.f32.msk $0xffff, v7  }
0x19a: {  	[tilespmem:s9+$0x15E70] =	vst.add.f32.msk $0xffff, v0  }
0x19b: {  	[tilespmem:s9+$0x17700] =	vst.add.f32.msk $0xffff, v1  }
0x19c: {  	[tilespmem:s9+$0x17710] =	vst.add.f32.msk $0xffff, v2  }
0x19d: {  	[tilespmem:s9+$0x17720] =	vst.add.f32.msk $0xffff, v3  }
0x19e: {  	[tilespmem:s9+$0x17730] =	vst.add.f32.msk $0xffff, v4  }
0x19f: {  	[tilespmem:s9+$0x17740] =	vst.add.f32.msk $0xffff, v5  }
0x1a0: {  	[tilespmem:s9+$0x17750] =	vst.add.f32.msk $0xffff, v6  }
0x1a1: {  	[tilespmem:s9+$0x17760] =	vst.add.f32.msk $0xffff, v7  }
0x1a2: {  	[tilespmem:s9+$0x17770] =	vst.add.f32.msk $0xffff, v0  }
0x1a3: {  	[tilespmem:s9+$0x19000] =	vst.add.f32.msk $0xffff, v1  }
0x1a4: {  	[tilespmem:s9+$0x19010] =	vst.add.f32.msk $0xffff, v2  }
.Ltmp3:
0x1a5: {  	[tilespmem:s9+$0x19020] =	vst.add.f32.msk $0xffff, v3;
	(pc) =	sbr.rel @p0 .LBB2_9-.Ltmp3, $4  }
0x1a6: {  	[tilespmem:s9+$0x19030] =	vst.add.f32.msk $0xffff, v4  }
0x1a7: {  	[tilespmem:s9+$0x19040] =	vst.add.f32.msk $0xffff, v5  }
0x1a8: {  	[tilespmem:s9+$0x19050] =	vst.add.f32.msk $0xffff, v6  }
0x1a9: {  	[tilespmem:s9+$0x19060] =	vst.add.f32.msk $0xffff, v7;
	s9 =	sshra.s32 s23, $0x2;
	s23 =	sadd.s32 $0x200, s23  }
0x1aa: {  	v0 =	vld [tilespmem:s9+$0x1A970]  }
0x1ab: {  	v1 =	vld [tilespmem:s9+$0x1A900]  }
0x1ac: {  	v2 =	vld [tilespmem:s9+$0x1A910]  }
0x1ad: {  	v3 =	vld [tilespmem:s9+$0x1A920]  }
0x1ae: {  	v4 =	vld [tilespmem:s9+$0x1A930]  }
0x1af: {  	v5 =	vld [tilespmem:s9+$0x1A940]  }
0x1b0: {  	v6 =	vld [tilespmem:s9+$0x1A950]  }
0x1b1: {  	v7 =	vld [tilespmem:s9+$0x1A960]  }
0x1b2: {  	[tilespmem:s9+$0x19070] =	vst.add.f32.msk $0xffff, v0  }
0x1b3: {  	[tilespmem:s9+$0x14500] =	vst.add.f32.msk $0xffff, v1  }
0x1b4: {  	[tilespmem:s9+$0x14510] =	vst.add.f32.msk $0xffff, v2  }
0x1b5: {  	[tilespmem:s9+$0x14520] =	vst.add.f32.msk $0xffff, v3  }
0x1b6: {  	[tilespmem:s9+$0x14530] =	vst.add.f32.msk $0xffff, v4  }
0x1b7: {  	[tilespmem:s9+$0x14540] =	vst.add.f32.msk $0xffff, v5  }
0x1b8: {  	[tilespmem:s9+$0x14550] =	vst.add.f32.msk $0xffff, v6  }
0x1b9: {  	[tilespmem:s9+$0x14560] =	vst.add.f32.msk $0xffff, v7  }
0x1ba: {  	[tilespmem:s9+$0x14570] =	vst.add.f32.msk $0xffff, v0  }
0x1bb: {  	[tilespmem:s9+$0x15E00] =	vst.add.f32.msk $0xffff, v1  }
0x1bc: {  	[tilespmem:s9+$0x15E10] =	vst.add.f32.msk $0xffff, v2  }
0x1bd: {  	[tilespmem:s9+$0x15E20] =	vst.add.f32.msk $0xffff, v3  }
0x1be: {  	[tilespmem:s9+$0x15E30] =	vst.add.f32.msk $0xffff, v4  }
0x1bf: {  	[tilespmem:s9+$0x15E40] =	vst.add.f32.msk $0xffff, v5  }
0x1c0: {  	[tilespmem:s9+$0x15E50] =	vst.add.f32.msk $0xffff, v6  }
0x1c1: {  	[tilespmem:s9+$0x15E60] =	vst.add.f32.msk $0xffff, v7  }
0x1c2: {  	[tilespmem:s9+$0x15E70] =	vst.add.f32.msk $0xffff, v0  }
0x1c3: {  	[tilespmem:s9+$0x17700] =	vst.add.f32.msk $0xffff, v1  }
0x1c4: {  	[tilespmem:s9+$0x17710] =	vst.add.f32.msk $0xffff, v2  }
0x1c5: {  	[tilespmem:s9+$0x17720] =	vst.add.f32.msk $0xffff, v3  }
0x1c6: {  	[tilespmem:s9+$0x17730] =	vst.add.f32.msk $0xffff, v4  }
0x1c7: {  	[tilespmem:s9+$0x17740] =	vst.add.f32.msk $0xffff, v5  }
0x1c8: {  	[tilespmem:s9+$0x17750] =	vst.add.f32.msk $0xffff, v6  }
0x1c9: {  	[tilespmem:s9+$0x17760] =	vst.add.f32.msk $0xffff, v7  }
0x1ca: {  	s21 =	sadd.s32 s5, s21;
	[tilespmem:s9+$0x17770] =	vst.add.f32.msk $0xffff, v0  }
0x1cb: {  	s21 =	smulhi.u32 $0x51EB851F, s21;
	[tilespmem:s9+$0x19000] =	vst.add.f32.msk $0xffff, v1  }
0x1cc: {  	[tilespmem:s9+$0x19010] =	vst.add.f32.msk $0xffff, v2  }
0x1cd: {  	s21 =	sshrl.u32 s21, $0x4;
	[tilespmem:s9+$0x19020] =	vst.add.f32.msk $0xffff, v3  }
0x1ce: {  	s23 =	smul.u32 $0x380, s21;
	[tilespmem:s9+$0x19030] =	vst.add.f32.msk $0xffff, v4  }
0x1cf: {  	s21 =	smul.u32 $0x1C00, s21;
	[tilespmem:s9+$0x19040] =	vst.add.f32.msk $0xffff, v5  }
0x1d0: {  	[tilespmem:s9+$0x19050] =	vst.add.f32.msk $0xffff, v6  }
0x1d1: {  	[tilespmem:s9+$0x19060] =	vst.add.f32.msk $0xffff, v7;
	s23 =	sadd.s32 s6, s23;
	s24 =	sshrl.u32 s21, $0x3  }
0x1d2: {  	[hbm4b:s23+s4] =	stream.linear.scatter [tilespmem:s26], [sflag:$0x8], $0x1900, $0x38;
	[tilespmem:$0x1C200] =	vst v63  }
0x1d3: {  	s11 =	sadd.s32 $0x1, s11;
	s9 =	sadd.s32 s6, s24  }
0x1d4: {  	p0 =	sne.s32 s11, $0x8;
	s25 =	sadd.s32 $0x380, s9  }
0x1d5: {  	[hbm4b:s25+s4] =	stream.linear.scatter [tilespmem:s18], [sflag:$0x8], $0x1900, $0x38;
	[tilespmem:$0x1C200] =	vst v63  }
.Ltmp4:
0x1d6: {  	_ = 	snop;
	(pc) =	sbr.rel @p0 .LBB2_2-.Ltmp4, $4  }
0x1d7: {  	s28 =	sadd.s32 $0x700, s9  }
0x1d8: {  	[hbm4b:s28+s4] =	stream.linear.scatter [tilespmem:s19], [sflag:$0x8], $0x1900, $0x38;
	[tilespmem:$0x1C200] =	vst v63  }
0x1d9: {  	s9 =	sadd.s32 $0xA80, s9  }
0x1da: {  	[hbm4b:s9+s4] =	stream.linear.scatter [tilespmem:s7], [sflag:$0x8], $0x1900, $0x38;
	[tilespmem:$0x1C200] =	vst v63  }
0x1db: {  	s9 =	simm.s32 $0x5  }
0x1dc: {  	_ =	swait.ge [sflag:s9], $0x1900  }
0x1dd: {  	[sflag:s9] =	ssyncset.done $0x0  }
0x1de: {  	[sflag:s9] =	ssyncadd.s32 $0xFFFFE700  }
0x1df: {  	_ =	swait.ge [sflag:s9], $0x1900  }
0x1e0: {  	[sflag:s9] =	ssyncset.done $0x0  }
0x1e1: {  	[sflag:s9] =	ssyncadd.s32 $0xFFFFE700  }
0x1e2: {  	_ =	swait.ge [sflag:s9], $0x1900  }
0x1e3: {  	[sflag:s9] =	ssyncset.done $0x0  }
0x1e4: {  	[sflag:s9] =	ssyncadd.s32 $0xFFFFE700  }
0x1e5: {  	_ =	swait.ge [sflag:s9], $0x1900  }
0x1e6: {  	[sflag:s9] =	ssyncset.done $0x0  }
0x1e7: {  	s24 =	simm.s32 $0x6;
	[sflag:s9] =	ssyncadd.s32 $0xFFFFE700  }
0x1e8: {  	_ =	swait.ge [sflag:s24], $0x1900  }
0x1e9: {  	[sflag:s24] =	ssyncset.done $0x0  }
0x1ea: {  	[sflag:s24] =	ssyncadd.s32 $0xFFFFE700  }
0x1eb: {  	_ =	swait.ge [sflag:s24], $0x1900  }
0x1ec: {  	[sflag:s24] =	ssyncset.done $0x0  }
0x1ed: {  	[sflag:s24] =	ssyncadd.s32 $0xFFFFE700  }
0x1ee: {  	_ =	swait.ge [sflag:s24], $0x1900  }
0x1ef: {  	[sflag:s24] =	ssyncset.done $0x0  }
0x1f0: {  	[sflag:s24] =	ssyncadd.s32 $0xFFFFE700  }
0x1f1: {  	_ =	swait.ge [sflag:s24], $0x1900  }
0x1f2: {  	[sflag:s24] =	ssyncset.done $0x0  }
0x1f3: {  	s25 =	simm.s32 $0x7;
	[sflag:s24] =	ssyncadd.s32 $0xFFFFE700  }
0x1f4: {  	_ =	swait.ge [sflag:s25], $0x1900  }
0x1f5: {  	[sflag:s25] =	ssyncset.done $0x0  }
0x1f6: {  	[sflag:s25] =	ssyncadd.s32 $0xFFFFE700  }
0x1f7: {  	_ =	swait.ge [sflag:s25], $0x1900  }
0x1f8: {  	[sflag:s25] =	ssyncset.done $0x0  }
0x1f9: {  	[sflag:s25] =	ssyncadd.s32 $0xFFFFE700  }
0x1fa: {  	_ =	swait.ge [sflag:s25], $0x1900  }
0x1fb: {  	[sflag:s25] =	ssyncset.done $0x0  }
0x1fc: {  	[sflag:s25] =	ssyncadd.s32 $0xFFFFE700  }
0x1fd: {  	_ =	swait.ge [sflag:s25], $0x1900  }
0x1fe: {  	[sflag:s25] =	ssyncset.done $0x0  }
0x1ff: {  	s11 =	simm.s32 $0x8;
	[sflag:s25] =	ssyncadd.s32 $0xFFFFE700  }
0x200: {  	_ =	swait.ge [sflag:s11], $0x1900  }
0x201: {  	[sflag:s11] =	ssyncset.done $0x0  }
0x202: {  	[sflag:s11] =	ssyncadd.s32 $0xFFFFE700  }
0x203: {  	_ =	swait.ge [sflag:s11], $0x1900  }
0x204: {  	[sflag:s11] =	ssyncset.done $0x0  }
0x205: {  	[sflag:s11] =	ssyncadd.s32 $0xFFFFE700  }
0x206: {  	_ =	swait.ge [sflag:s11], $0x1900  }
0x207: {  	[sflag:s11] =	ssyncset.done $0x0  }
0x208: {  	[sflag:s11] =	ssyncadd.s32 $0xFFFFE700  }
0x209: {  	_ =	swait.ge [sflag:s11], $0x1900  }
0x20a: {  	s21 =	rddreg [dreg:$0x7]  }
0x20b: {  	s28 =	rddreg [dreg:$0x6];
	s21 =	sadd.s32 $0x1, s21  }
0x20c: {  	p0 =	sne.s32 s21, s28  }
.Ltmp5:
0x20d: {  	_ = 	snop;
	(pc) =	sbr.rel @p0 .LBB2_1-.Ltmp5, $3  }
0x20e: {  	_ =	sdelay $0x1  }
0x20f: {  	[sflag:s11] =	ssyncset.done $0x0  }
0x210: {  	[sflag:s11] =	ssyncadd.s32 $0xFFFFE700  }
0x211: {  	_ =	sfence.sel $0x180000  }
0x212: {  	[bflag:$0x0] =	sbarrier.arrive $0xFFFF  }
0x213: {  	_ =	strace $0x90000047  }
0x214: {  	s0 =	stileid.u32;
	[bflag:$0x2] =	sbarrier.arrive $0xFFFF  }
0x215: {  	p0 =	sne.s32 s0, $0x0;
	s0 =	rddreg [dreg:$0x4]  }
0x216: {  	s0 =	sadd.s32 @!p0 $0x100000, s0  }
0x217: {  	[sflag:s0] =	ssyncadd.tile.s32 @!p0 $0x1;
	_ =	shalt  }
.Lfunc_end2:
_tile_overlayer_lowered:
.L_overlay_start_2:
0x218: {  	(tag) =	ssettag $0x2  }
0x219: {  	s0 =	rddreg [dreg:$0x0];
	s2 =	stileid.u32  }
0x21a: {  	s1 =	rddreg [dreg:$0x1];
	p0 =	sne.s32 s2, $0x0  }
0x21b: {  	s3 =	rddreg [dreg:$0x2];
	[bflag:$0x3] =	sbarrier.arrive $0xFFFF;
	s2 =	simm.s32 @!p0 $0x1C09  }
0x21c: {  	[timem:s3], [sflag:s2] =	dma.local @!p0 [hbm:s0], s1  }
0x21d: {  	s0 =	simm.s32 @!p0 $0x9  }
0x21e: {  	_ =	swait.ge @!p0 [sflag:s0], s1  }
0x21f: {  	s1 =	ssub.s32 @!p0 $0x0, s1;
	[sflag:s0] =	ssyncset.done @!p0 $0x0  }
0x220: {  	[sflag:s0] =	ssyncadd.s32 @!p0 s1  }
0x221: {  	[bflag:$0x3] =	sbarrier.arrive $0xFFFF  }
0x222: {  	_ =	shalt  }

</sc_bundles>
